<compile_context>
chip_gen: v7x
topology: tpu7x:2x2x1
jax: 0.10.2.dev20260603
libtpu: 0.0.44.dev20260713+nightly
codegen_flags: <defaults>
</compile_context>

<pallas_src>
import functools

import jax
import jax.numpy as jnp
from jax import lax
from jax.experimental import pallas as pl
from jax.experimental.pallas import tpu as pltpu
from jax.experimental.pallas import tpu_sc as plsc

VOCAB = 1000000
EMBED = 64
MAXSEQ = 200
BATCH = 4096
SEQ = 200

TOTAL_ROWS = BATCH * SEQ
LANES = 16
VPR = EMBED // LANES
WIDE = 128

_INFO = plsc.get_sparse_core_info()
NC = _INFO.num_cores
NS = _INFO.num_subcores
NW = NC * NS
ROWS_PER_W = TOTAL_ROWS // NW
CHUNK = 128
NCHUNK = ROWS_PER_W // CHUNK

BLK = 128
FULL_BLKS = VOCAB // BLK
BLKS_PER_W = FULL_BLKS // NW
EXTRA_BLKS = FULL_BLKS - NW * BLKS_PER_W
TAIL = VOCAB - FULL_BLKS * BLK
PITCH = 137


def _rsqrt(x):
    i = lax.bitcast_convert_type(x, jnp.int32)
    i = jnp.int32(0x5F3759DF) - lax.shift_right_logical(i, 1)
    y = lax.bitcast_convert_type(i, jnp.float32)
    for _ in range(3):
        y = y * (jnp.float32(1.5) - jnp.float32(0.5) * x * y * y)
    return y


def _make_repack():
    mesh = plsc.VectorSubcoreMesh(core_axis_name="c", subcore_axis_name="s")

    @functools.partial(
        pl.kernel,
        mesh=mesh,
        compiler_params=pltpu.CompilerParams(
            needs_layout_passes=False, use_tc_tiling_on_sc=True),
        out_type=jax.ShapeDtypeStruct((VOCAB, WIDE), jnp.float32),
        scratch_types=[
            pltpu.VMEM((2, EMBED, BLK), jnp.float32),
            pltpu.VMEM((BLK * PITCH,), jnp.float32),
            pltpu.VMEM((2, BLK, WIDE), jnp.float32),
            pltpu.SemaphoreType.DMA,
            pltpu.SemaphoreType.DMA,
            pltpu.SemaphoreType.DMA,
            pltpu.SemaphoreType.DMA,
        ],
    )
    def repack(tbl_t_hbm, tail_hbm, out_hbm, in2, scr, ost2,
               isem0, isem1, osem0, osem1):
        wid = lax.axis_index("s") * NC + lax.axis_index("c")
        isems = (isem0, isem1)
        osems = (osem0, osem1)
        zeros = jnp.zeros((LANES,), jnp.float32)
        iv = lax.iota(jnp.int32, LANES) * PITCH

        @plsc.parallel_loop(0, 2 * BLK * VPR, unroll=8)
        def _z(i):
            sl = lax.shift_right_logical(i, 9)
            t = lax.shift_right_logical(i, 2) & 127
            k = i & 3
            ost2[sl, t, pl.ds(EMBED + k * LANES, LANES)] = zeros

        def fire_in(blk, b):
            pltpu.async_copy(tbl_t_hbm.at[:, pl.ds(blk * BLK, BLK)],
                             in2.at[b], isems[b])

        def wait_in(blk, b):
            pltpu.make_async_copy(tbl_t_hbm.at[:, pl.ds(blk * BLK, BLK)],
                                  in2.at[b], isems[b]).wait()

        def fire_out(blk, b):
            pltpu.async_copy(ost2.at[b], out_hbm.at[pl.ds(blk * BLK, BLK)],
                             osems[b])

        def wait_out(blk, b):
            pltpu.make_async_copy(ost2.at[b],
                                  out_hbm.at[pl.ds(blk * BLK, BLK)],
                                  osems[b]).wait()

        def transpose_block(b, ntok):
            @plsc.parallel_loop(0, EMBED * (ntok // LANES), unroll=4)
            def _sc(i):
                e = lax.shift_right_logical(i, 3) if ntok == BLK else \
                    lax.shift_right_logical(i, 2)
                j = (i & 7) if ntok == BLK else (i & 3)
                v = in2[b, e, pl.ds(j * LANES, LANES)]
                idx = iv + (j * (LANES * PITCH) + e)
                plsc.store_scatter(scr, [idx], v)

            @plsc.parallel_loop(0, ntok * VPR, unroll=8)
            def _cp(i):
                t = lax.shift_right_logical(i, 2)
                k = i & 3
                ost2[b, t, pl.ds(k * LANES, LANES)] = \
                    scr[pl.ds(t * PITCH + k * LANES, LANES)]

        def process(blk, b):
            wait_in(blk, b)

            @pl.when(blk >= wid * BLKS_PER_W + 2)
            def _():
                wait_out(blk - 2, b)

            transpose_block(b, BLK)
            fire_out(blk, b)

            @pl.when(blk + 2 < wid * BLKS_PER_W + BLKS_PER_W)
            def _():
                fire_in(blk + 2, b)

        b0 = wid * BLKS_PER_W
        fire_in(b0, 0)
        fire_in(b0 + 1, 1)

        def outer(g, _):
            process(b0 + 2 * g, 0)
            process(b0 + 2 * g + 1, 1)
            return 0

        lax.fori_loop(0, BLKS_PER_W // 2, outer, 0)
        wait_out(b0 + BLKS_PER_W - 2, 0)
        wait_out(b0 + BLKS_PER_W - 1, 1)

        @pl.when(wid < EXTRA_BLKS)
        def _():
            blk = FULL_BLKS - EXTRA_BLKS + wid
            pltpu.sync_copy(tbl_t_hbm.at[:, pl.ds(blk * BLK, BLK)], in2.at[0])
            transpose_block(0, BLK)
            pltpu.sync_copy(ost2.at[0], out_hbm.at[pl.ds(blk * BLK, BLK)])

        @pl.when(wid == EXTRA_BLKS)
        def _():
            c0 = FULL_BLKS * BLK
            pltpu.sync_copy(tail_hbm, ost2.at[1].at[pl.ds(0, TAIL)])
            pltpu.sync_copy(ost2.at[1].at[pl.ds(0, TAIL)],
                            out_hbm.at[pl.ds(c0, TAIL)])

    return repack


def _make_lookup():
    mesh = plsc.VectorSubcoreMesh(core_axis_name="c", subcore_axis_name="s")

    @functools.partial(
        pl.kernel,
        mesh=mesh,
        compiler_params=pltpu.CompilerParams(
            needs_layout_passes=False, use_tc_tiling_on_sc=True),
        out_type=jax.ShapeDtypeStruct((TOTAL_ROWS, EMBED), jnp.float32),
        scratch_types=[
            pltpu.VMEM((NCHUNK, CHUNK), jnp.int32),
            pltpu.VMEM((2, CHUNK, WIDE), jnp.float32),
            pltpu.VMEM((2, CHUNK, EMBED), jnp.float32),
            pltpu.VMEM((MAXSEQ * EMBED,), jnp.float32),
            pltpu.VMEM((2 * EMBED,), jnp.float32),
            pltpu.SemaphoreType.DMA,
            pltpu.SemaphoreType.DMA,
            pltpu.SemaphoreType.DMA,
            pltpu.SemaphoreType.DMA,
        ],
    )
    def sc_embed(ids_hbm, tblw_hbm, pos_hbm, gb_hbm, out_hbm,
                 idx_all, rows2, ost2, pos_v, gb_v,
                 gsem0, gsem1, osem0, osem1):
        wid = lax.axis_index("s") * NC + lax.axis_index("c")
        wstart = wid * ROWS_PER_W
        gsems = (gsem0, gsem1)
        osems = (osem0, osem1)

        pltpu.sync_copy(ids_hbm.at[wid], idx_all)
        pltpu.sync_copy(pos_hbm, pos_v)
        pltpu.sync_copy(gb_hbm, gb_v)

        inv_n = jnp.float32(1.0 / EMBED)
        eps = jnp.float32(1e-5)

        def fire_gather(c, b):
            pltpu.async_copy(tblw_hbm.at[idx_all.at[c]], rows2.at[b],
                             gsems[b])

        def wait_gather(c, b):
            pltpu.make_async_copy(tblw_hbm.at[idx_all.at[c]], rows2.at[b],
                                  gsems[b]).wait()

        def fire_out(base, b):
            pltpu.async_copy(ost2.at[b], out_hbm.at[pl.ds(base, CHUNK)],
                             osems[b])

        def wait_out(base, b):
            pltpu.make_async_copy(ost2.at[b], out_hbm.at[pl.ds(base, CHUNK)],
                                  osems[b]).wait()

        def process(c, b):
            base = wstart + c * CHUNK
            wait_gather(c, b)

            @pl.when(c >= 2)
            def _():
                wait_out(base, b)

            @plsc.parallel_loop(0, CHUNK, unroll=4)
            def _row(r):
                poff = lax.rem(base + r, MAXSEQ) * EMBED
                xs = []
                for k in range(VPR):
                    t = rows2[b, r, pl.ds(k * LANES, LANES)]
                    q = pos_v[pl.ds(poff + k * LANES, LANES)]
                    xs.append(t + q)
                s = (xs[0] + xs[1]) + (xs[2] + xs[3])
                ssq = (xs[0] * xs[0] + xs[1] * xs[1]) + \
                      (xs[2] * xs[2] + xs[3] * xs[3])
                mean = jnp.sum(s) * inv_n
                var = jnp.sum(ssq) * inv_n - mean * mean
                rstd = _rsqrt(var + eps)
                scale = jnp.broadcast_to(rstd, (LANES,))
                mean_v = jnp.broadcast_to(mean, (LANES,))
                for k in range(VPR):
                    g = gb_v[pl.ds(k * LANES, LANES)]
                    bb = gb_v[pl.ds(EMBED + k * LANES, LANES)]
                    xh = (xs[k] - mean_v) * scale
                    ost2[b, r, pl.ds(k * LANES, LANES)] = xh * g + bb

            fire_out(base, b)

            @pl.when(c + 2 < NCHUNK)
            def _():
                fire_gather(c + 2, b)

        fire_gather(0, 0)
        fire_gather(1, 1)

        def outer(g, _):
            process(2 * g, 0)
            process(2 * g + 1, 1)
            return 0

        lax.fori_loop(0, NCHUNK // 2, outer, 0)
        wait_out(wstart + (NCHUNK - 2) * CHUNK, 0)
        wait_out(wstart + (NCHUNK - 1) * CHUNK, 1)

    return sc_embed


_repack = _make_repack()
_lookup = _make_lookup()


@jax.jit
def _run(ids3, tbl_t, tail_w, pos1, gb):
    tblw = _repack(tbl_t, tail_w)
    return _lookup(ids3, tblw, pos1, gb)


def kernel(input_ids, token_table, pos_table, gamma, beta):
    ids3 = input_ids.reshape(NW, NCHUNK, CHUNK).astype(jnp.int32)
    tail_w = jnp.concatenate(
        [token_table[FULL_BLKS * BLK:],
         jnp.zeros((TAIL, EMBED), jnp.float32)], axis=1)
    pos1 = pos_table.reshape(MAXSEQ * EMBED)
    gb = jnp.concatenate([gamma, beta])
    out = _run(ids3, token_table.T, tail_w, pos1, gb)
    return out.reshape(BATCH, SEQ, EMBED)

# --- scband reference (transcript-rebuilt; emitter-appended) ---
"""Pipeline reference for scband-embedding-layer-84791244358144 (READ-ONLY COPY).

The authoritative reference and input builder live on the scoring server;
editing this copy changes nothing except your own understanding.
"""

import jax, jax.numpy as jnp
import numpy as np

VOCAB = 1000000
EMBED = 64
MAXSEQ = 200
BATCH = 4096
SEQ = 200

def setup_inputs(seed: int = 0) -> dict:
    key = jax.random.key(seed)
    k1, k2, k3 = jax.random.split(key, 3)
    input_ids = jax.random.randint(k1, (BATCH, SEQ), 0, VOCAB, dtype=jnp.int64 if jax.config.jax_enable_x64 else jnp.int32)
    token_table = jax.random.normal(k2, (VOCAB, EMBED), dtype=jnp.float32) * 0.02
    pos_table = jax.random.normal(k3, (MAXSEQ, EMBED), dtype=jnp.float32) * 0.02
    gamma = jnp.ones((EMBED,), dtype=jnp.float32)
    beta = jnp.zeros((EMBED,), dtype=jnp.float32)
    return {"input_ids": input_ids, "token_table": token_table, "pos_table": pos_table, "gamma": gamma, "beta": beta}

def _layer_norm(x, gamma, beta, eps=1e-5):
    mean = jnp.mean(x, axis=-1, keepdims=True)
    var = jnp.var(x, axis=-1, keepdims=True)
    return (x - mean) / jnp.sqrt(var + eps) * gamma + beta

def reference(input_ids, token_table, pos_table, gamma, beta):
    seq_len = input_ids.shape[1]
    position_ids = jnp.arange(seq_len)[None, :]
    token_embeds = jnp.take(token_table, input_ids, axis=0)
    position_embeds = jnp.take(pos_table, position_ids, axis=0)
    return _layer_norm(token_embeds + position_embeds, gamma, beta)

if __name__ == "__main__":
    import jax
    _d = setup_inputs()
    print(jax.jit(kernel)(*tuple(_d.values())))

</pallas_src>

<mosaic_0001>
#map = affine_map<(d0, d1) -> (0, 0, 0)>
#map1 = affine_map<(d0, d1) -> (0, 0)>
#map2 = affine_map<(d0, d1) -> (0)>
module attributes {stable_mosaic.version = 14 : i64} {
  func.func @sc_embed(%arg0: i32, %arg1: i32, %arg2: memref<32x200x128xi32, #tpu.memory_space<hbm>>, %arg3: memref<1000000x128xf32, #tpu.memory_space<hbm>>, %arg4: memref<12800xf32, #tpu.memory_space<hbm>>, %arg5: memref<128xf32, #tpu.memory_space<hbm>>, %arg6: memref<819200x64xf32, #tpu.memory_space<hbm>>, %arg7: memref<200x128xi32, #tpu.memory_space<vmem>>, %arg8: memref<2x128x128xf32, #tpu.memory_space<vmem>>, %arg9: memref<2x128x64xf32, #tpu.memory_space<vmem>>, %arg10: memref<12800xf32, #tpu.memory_space<vmem>>, %arg11: memref<128xf32, #tpu.memory_space<vmem>>, %arg12: memref<!tpu.dma_semaphore, #tpu.memory_space<semaphore_mem>>, %arg13: memref<!tpu.dma_semaphore, #tpu.memory_space<semaphore_mem>>, %arg14: memref<!tpu.dma_semaphore, #tpu.memory_space<semaphore_mem>>, %arg15: memref<!tpu.dma_semaphore, #tpu.memory_space<semaphore_mem>>) attributes {dimension_semantics = [#tpu.dimension_semantics<core_parallel>, #tpu.dimension_semantics<subcore_parallel>], iteration_bounds = array<i64: 2, 16>, scalar_prefetch = 0 : i64, scratch_operands = 9 : i64, tpu.core_type = #tpu.core_type<sc_vector_subcore>, window_params = [{transform_indices = #map}, {transform_indices = #map1}, {transform_indices = #map2}, {transform_indices = #map2}, {transform_indices = #map1}]} {
    %mul3A = arith.constant 2 : i32
    %mul3A_0 = arith.muli %arg1, %mul3A : i32
    %add3A = arith.addi %mul3A_0, %arg0 : i32
    %mul3A_1 = arith.constant 25600 : i32
    %mul3A_2 = arith.muli %add3A, %mul3A_1 : i32
    "tpu.region"() ({
      %run_scoped3A = tpu.sem_alloc : memref<!tpu.dma_semaphore, #tpu.memory_space<semaphore_mem>>
      %dma_start3A_63 = arith.constant 0 : i32
      %dma_start3A_64 = arith.constant 0 : i32
      %dma_start3A_65 = tpu.memref_slice %arg2[%add3A, %dma_start3A_63, %dma_start3A_64] : memref<32x200x128xi32, #tpu.memory_space<hbm>> -> memref<1x200x128xi32, #tpu.memory_space<hbm>>
      %dma_start3A_66 = tpu.memref_squeeze %dma_start3A_65 : memref<1x200x128xi32, #tpu.memory_space<hbm>> -> memref<200x128xi32, #tpu.memory_space<hbm>>
      %dma_start3A_67 = arith.constant 0 : i32
      %dma_start3A_68 = arith.constant 0 : i32
      %dma_start3A_69 = tpu.memref_slice %arg2[%add3A, %dma_start3A_67, %dma_start3A_68] : memref<32x200x128xi32, #tpu.memory_space<hbm>> -> memref<1x200x128xi32, #tpu.memory_space<hbm>>
      %dma_start3A_70 = tpu.memref_squeeze %dma_start3A_69 : memref<1x200x128xi32, #tpu.memory_space<hbm>> -> memref<200x128xi32, #tpu.memory_space<hbm>>
      tpu.enqueue_dma source(%dma_start3A_70 : memref<200x128xi32, #tpu.memory_space<hbm>>) target(%arg7 : memref<200x128xi32, #tpu.memory_space<vmem>>) target_semaphore(%run_scoped3A : memref<!tpu.dma_semaphore, #tpu.memory_space<semaphore_mem>>)
      %dma_wait3A_71 = arith.constant 0 : i32
      %dma_wait3A_72 = arith.constant 0 : i32
      %dma_wait3A_73 = tpu.memref_slice %arg2[%add3A, %dma_wait3A_71, %dma_wait3A_72] : memref<32x200x128xi32, #tpu.memory_space<hbm>> -> memref<1x200x128xi32, #tpu.memory_space<hbm>>
      %dma_wait3A_74 = tpu.memref_squeeze %dma_wait3A_73 : memref<1x200x128xi32, #tpu.memory_space<hbm>> -> memref<200x128xi32, #tpu.memory_space<hbm>>
      %dma_wait3A_75 = arith.constant 0 : i32
      %dma_wait3A_76 = arith.constant 0 : i32
      %dma_wait3A_77 = tpu.memref_slice %arg2[%add3A, %dma_wait3A_75, %dma_wait3A_76] : memref<32x200x128xi32, #tpu.memory_space<hbm>> -> memref<1x200x128xi32, #tpu.memory_space<hbm>>
      %dma_wait3A_78 = tpu.memref_squeeze %dma_wait3A_77 : memref<1x200x128xi32, #tpu.memory_space<hbm>> -> memref<200x128xi32, #tpu.memory_space<hbm>>
      tpu.wait_dma2 semaphore(%run_scoped3A : memref<!tpu.dma_semaphore, #tpu.memory_space<semaphore_mem>>) src(%dma_wait3A_78 : memref<200x128xi32, #tpu.memory_space<hbm>>) dst(%arg7 : memref<200x128xi32, #tpu.memory_space<vmem>>)
      tpu.yield
    }) : () -> ()
    "tpu.region"() ({
      %run_scoped3A = tpu.sem_alloc : memref<!tpu.dma_semaphore, #tpu.memory_space<semaphore_mem>>
      tpu.enqueue_dma source(%arg4 : memref<12800xf32, #tpu.memory_space<hbm>>) target(%arg10 : memref<12800xf32, #tpu.memory_space<vmem>>) target_semaphore(%run_scoped3A : memref<!tpu.dma_semaphore, #tpu.memory_space<semaphore_mem>>)
      tpu.wait_dma2 semaphore(%run_scoped3A : memref<!tpu.dma_semaphore, #tpu.memory_space<semaphore_mem>>) src(%arg4 : memref<12800xf32, #tpu.memory_space<hbm>>) dst(%arg10 : memref<12800xf32, #tpu.memory_space<vmem>>)
      tpu.yield
    }) : () -> ()
    "tpu.region"() ({
      %run_scoped3A = tpu.sem_alloc : memref<!tpu.dma_semaphore, #tpu.memory_space<semaphore_mem>>
      tpu.enqueue_dma source(%arg5 : memref<128xf32, #tpu.memory_space<hbm>>) target(%arg11 : memref<128xf32, #tpu.memory_space<vmem>>) target_semaphore(%run_scoped3A : memref<!tpu.dma_semaphore, #tpu.memory_space<semaphore_mem>>)
      tpu.wait_dma2 semaphore(%run_scoped3A : memref<!tpu.dma_semaphore, #tpu.memory_space<semaphore_mem>>) src(%arg5 : memref<128xf32, #tpu.memory_space<hbm>>) dst(%arg11 : memref<128xf32, #tpu.memory_space<vmem>>)
      tpu.yield
    }) : () -> ()
    %dma_start3A = arith.constant 0 : i32
    %dma_start3A_3 = arith.constant 0 : i32
    %dma_start3A_4 = arith.constant 0 : i32
    %dma_start3A_5 = arith.constant 0 : i32
    %dma_start3A_6 = tpu.memref_slice %arg8[%dma_start3A_3, %dma_start3A_4, %dma_start3A_5] : memref<2x128x128xf32, #tpu.memory_space<vmem>> -> memref<1x128x128xf32, #tpu.memory_space<vmem>>
    %dma_start3A_7 = tpu.memref_squeeze %dma_start3A_6 : memref<1x128x128xf32, #tpu.memory_space<vmem>> -> memref<128x128xf32, #tpu.memory_space<vmem>>
    %dma_start3A_8 = arith.constant 0 : i32
    %dma_start3A_9 = tpu.memref_slice %arg7[%dma_start3A, %dma_start3A_8] : memref<200x128xi32, #tpu.memory_space<vmem>> -> memref<1x128xi32, #tpu.memory_space<vmem>>
    %dma_start3A_10 = tpu.memref_squeeze %dma_start3A_9 : memref<1x128xi32, #tpu.memory_space<vmem>> -> memref<128xi32, #tpu.memory_space<vmem>>
    %dma_start3A_11 = arith.constant 0 : i32
    %dma_start3A_12 = arith.constant 0 : i32
    %dma_start3A_13 = tpu.memref_slice %arg3[%dma_start3A_11, %dma_start3A_12] : memref<1000000x128xf32, #tpu.memory_space<hbm>> -> memref<1000000x128xf32, #tpu.memory_space<hbm>>
    tpu.enqueue_indirect_dma source(%dma_start3A_13 : memref<1000000x128xf32, #tpu.memory_space<hbm>>) target(%dma_start3A_7 : memref<128x128xf32, #tpu.memory_space<vmem>>) offsets(%dma_start3A_10 : memref<128xi32, #tpu.memory_space<vmem>>) semaphore(%arg12 : memref<!tpu.dma_semaphore, #tpu.memory_space<semaphore_mem>>)
    %dma_start3A_14 = arith.constant 1 : i32
    %dma_start3A_15 = arith.constant 1 : i32
    %dma_start3A_16 = arith.constant 0 : i32
    %dma_start3A_17 = arith.constant 0 : i32
    %dma_start3A_18 = tpu.memref_slice %arg8[%dma_start3A_15, %dma_start3A_16, %dma_start3A_17] : memref<2x128x128xf32, #tpu.memory_space<vmem>> -> memref<1x128x128xf32, #tpu.memory_space<vmem>>
    %dma_start3A_19 = tpu.memref_squeeze %dma_start3A_18 : memref<1x128x128xf32, #tpu.memory_space<vmem>> -> memref<128x128xf32, #tpu.memory_space<vmem>>
    %dma_start3A_20 = arith.constant 0 : i32
    %dma_start3A_21 = tpu.memref_slice %arg7[%dma_start3A_14, %dma_start3A_20] : memref<200x128xi32, #tpu.memory_space<vmem>> -> memref<1x128xi32, #tpu.memory_space<vmem>>
    %dma_start3A_22 = tpu.memref_squeeze %dma_start3A_21 : memref<1x128xi32, #tpu.memory_space<vmem>> -> memref<128xi32, #tpu.memory_space<vmem>>
    %dma_start3A_23 = arith.constant 0 : i32
    %dma_start3A_24 = arith.constant 0 : i32
    %dma_start3A_25 = tpu.memref_slice %arg3[%dma_start3A_23, %dma_start3A_24] : memref<1000000x128xf32, #tpu.memory_space<hbm>> -> memref<1000000x128xf32, #tpu.memory_space<hbm>>
    tpu.enqueue_indirect_dma source(%dma_start3A_25 : memref<1000000x128xf32, #tpu.memory_space<hbm>>) target(%dma_start3A_19 : memref<128x128xf32, #tpu.memory_space<vmem>>) offsets(%dma_start3A_22 : memref<128xi32, #tpu.memory_space<vmem>>) semaphore(%arg13 : memref<!tpu.dma_semaphore, #tpu.memory_space<semaphore_mem>>)
    %scan3A = arith.constant 1.562500e-02 : f32
    %scan3A_26 = arith.constant 9.99999974E-6 : f32
    %scan3A_27 = arith.constant 0 : i32
    %scan3A_28 = arith.constant 0 : i32
    %scan3A_29 = arith.constant 100 : i32
    %scan3A_30 = arith.addi %scan3A_28, %scan3A_29 : i32
    %scan3A_31 = arith.constant 1 : i32
    %scan3A_32 = scf.for %scan3A_63 = %scan3A_28 to %scan3A_30 step %scan3A_31 iter_args(%scan3A_64 = %scan3A_27) -> (i32)  : i32 {
      %mul3A_65 = arith.constant 2 : i32
      %mul3A_66 = arith.muli %mul3A_65, %scan3A_63 : i32
      %mul3A_67 = arith.constant 128 : i32
      %mul3A_68 = arith.muli %mul3A_66, %mul3A_67 : i32
      %add3A_69 = arith.addi %mul3A_2, %mul3A_68 : i32
      %dma_wait3A_70 = arith.constant 0 : i32
      %dma_wait3A_71 = arith.constant 0 : i32
      %dma_wait3A_72 = arith.constant 0 : i32
      %dma_wait3A_73 = tpu.memref_slice %arg8[%dma_wait3A_70, %dma_wait3A_71, %dma_wait3A_72] : memref<2x128x128xf32, #tpu.memory_space<vmem>> -> memref<1x128x128xf32, #tpu.memory_space<vmem>>
      %dma_wait3A_74 = tpu.memref_squeeze %dma_wait3A_73 : memref<1x128x128xf32, #tpu.memory_space<vmem>> -> memref<128x128xf32, #tpu.memory_space<vmem>>
      %dma_wait3A_75 = arith.constant 0 : i32
      %dma_wait3A_76 = tpu.memref_slice %arg7[%mul3A_66, %dma_wait3A_75] : memref<200x128xi32, #tpu.memory_space<vmem>> -> memref<1x128xi32, #tpu.memory_space<vmem>>
      %dma_wait3A_77 = tpu.memref_squeeze %dma_wait3A_76 : memref<1x128xi32, #tpu.memory_space<vmem>> -> memref<128xi32, #tpu.memory_space<vmem>>
      %dma_wait3A_78 = arith.constant 0 : i32
      %dma_wait3A_79 = arith.constant 0 : i32
      %dma_wait3A_80 = tpu.memref_slice %arg3[%dma_wait3A_78, %dma_wait3A_79] : memref<1000000x128xf32, #tpu.memory_space<hbm>> -> memref<1000000x128xf32, #tpu.memory_space<hbm>>
      tpu.wait_indirect_dma semaphore(%arg12 : memref<!tpu.dma_semaphore, #tpu.memory_space<semaphore_mem>>) src(%dma_wait3A_80 : memref<1000000x128xf32, #tpu.memory_space<hbm>>) dst(%dma_wait3A_74 : memref<128x128xf32, #tpu.memory_space<vmem>>)
      %ge3A = arith.constant 2 : i32
      %ge3A_81 = arith.cmpi sge, %mul3A_66, %ge3A : i32
      %convert_element_type3A = arith.extui %ge3A_81 : i1 to i32
      %cond3A = arith.constant 0 : i32
      %cond3A_82 = arith.cmpi ne, %convert_element_type3A, %cond3A : i32
      scf.if %cond3A_82 {
        %dma_wait3A_151 = arith.constant 0 : i32
        %dma_wait3A_152 = arith.constant 0 : i32
        %dma_wait3A_153 = arith.constant 0 : i32
        %dma_wait3A_154 = tpu.memref_slice %arg9[%dma_wait3A_151, %dma_wait3A_152, %dma_wait3A_153] : memref<2x128x64xf32, #tpu.memory_space<vmem>> -> memref<1x128x64xf32, #tpu.memory_space<vmem>>
        %dma_wait3A_155 = tpu.memref_squeeze %dma_wait3A_154 : memref<1x128x64xf32, #tpu.memory_space<vmem>> -> memref<128x64xf32, #tpu.memory_space<vmem>>
        %dma_wait3A_156 = arith.constant 0 : i32
        %dma_wait3A_157 = tpu.memref_slice %arg6[%add3A_69, %dma_wait3A_156] : memref<819200x64xf32, #tpu.memory_space<hbm>> -> memref<128x64xf32, #tpu.memory_space<hbm>>
        %dma_wait3A_158 = arith.constant 0 : i32
        %dma_wait3A_159 = tpu.memref_slice %arg6[%add3A_69, %dma_wait3A_158] : memref<819200x64xf32, #tpu.memory_space<hbm>> -> memref<128x64xf32, #tpu.memory_space<hbm>>
        %dma_wait3A_160 = arith.constant 0 : i32
        %dma_wait3A_161 = arith.constant 0 : i32
        %dma_wait3A_162 = tpu.memref_slice %arg9[%dma_wait3A_151, %dma_wait3A_160, %dma_wait3A_161] : memref<2x128x64xf32, #tpu.memory_space<vmem>> -> memref<1x128x64xf32, #tpu.memory_space<vmem>>
        %dma_wait3A_163 = tpu.memref_squeeze %dma_wait3A_162 : memref<1x128x64xf32, #tpu.memory_space<vmem>> -> memref<128x64xf32, #tpu.memory_space<vmem>>
        tpu.wait_dma2 semaphore(%arg14 : memref<!tpu.dma_semaphore, #tpu.memory_space<semaphore_mem>>) src(%dma_wait3A_163 : memref<128x64xf32, #tpu.memory_space<vmem>>) dst(%dma_wait3A_159 : memref<128x64xf32, #tpu.memory_space<hbm>>)
      } else {
      }
      %parallel_loop3A = arith.constant 0 : i32
      %parallel_loop3A_83 = arith.constant 128 : i32
      %parallel_loop3A_84 = arith.constant 1 : i32
      scf.for %parallel_loop3A_151 = %parallel_loop3A to %parallel_loop3A_83 step %parallel_loop3A_84  : i32 {
        %parallel_loop3A_152 = arith.addi %add3A_69, %parallel_loop3A_151 : i32
        %parallel_loop3A_153 = arith.constant 200 : i32
        %parallel_loop3A_154 = arith.remsi %parallel_loop3A_152, %parallel_loop3A_153 : i32
        %parallel_loop3A_155 = arith.constant 64 : i32
        %parallel_loop3A_156 = arith.muli %parallel_loop3A_154, %parallel_loop3A_155 : i32
        %parallel_loop3A_157 = arith.constant 0 : i32
        %parallel_loop3A_158 = arith.index_cast %parallel_loop3A_157 : i32 to index
        %parallel_loop3A_159 = arith.index_cast %parallel_loop3A_151 : i32 to index
        %parallel_loop3A_160 = arith.constant 0 : index
        %parallel_loop3A_161 = tpu.vector_load %arg8[%parallel_loop3A_158, %parallel_loop3A_159, %parallel_loop3A_160] {strides = array<i32>} : memref<2x128x128xf32, #tpu.memory_space<vmem>>, vector<16xf32>,
        %parallel_loop3A_162 = arith.constant 0 : i32
        %parallel_loop3A_163 = arith.addi %parallel_loop3A_156, %parallel_loop3A_162 : i32
        %parallel_loop3A_164 = arith.index_cast %parallel_loop3A_163 : i32 to index
        %parallel_loop3A_165 = tpu.vector_load %arg10[%parallel_loop3A_164] {strides = array<i32>} : memref<12800xf32, #tpu.memory_space<vmem>>, vector<16xf32>,
        %parallel_loop3A_166 = arith.addf %parallel_loop3A_161, %parallel_loop3A_165 : vector<16xf32>
        %parallel_loop3A_167 = arith.constant 0 : i32
        %parallel_loop3A_168 = arith.index_cast %parallel_loop3A_167 : i32 to index
        %parallel_loop3A_169 = arith.index_cast %parallel_loop3A_151 : i32 to index
        %parallel_loop3A_170 = arith.constant 16 : index
        %parallel_loop3A_171 = tpu.vector_load %arg8[%parallel_loop3A_168, %parallel_loop3A_169, %parallel_loop3A_170] {strides = array<i32>} : memref<2x128x128xf32, #tpu.memory_space<vmem>>, vector<16xf32>,
        %parallel_loop3A_172 = arith.constant 16 : i32
        %parallel_loop3A_173 = arith.addi %parallel_loop3A_156, %parallel_loop3A_172 : i32
        %parallel_loop3A_174 = arith.index_cast %parallel_loop3A_173 : i32 to index
        %parallel_loop3A_175 = tpu.vector_load %arg10[%parallel_loop3A_174] {strides = array<i32>} : memref<12800xf32, #tpu.memory_space<vmem>>, vector<16xf32>,
        %parallel_loop3A_176 = arith.addf %parallel_loop3A_171, %parallel_loop3A_175 : vector<16xf32>
        %parallel_loop3A_177 = arith.constant 0 : i32
        %parallel_loop3A_178 = arith.index_cast %parallel_loop3A_177 : i32 to index
        %parallel_loop3A_179 = arith.index_cast %parallel_loop3A_151 : i32 to index
        %parallel_loop3A_180 = arith.constant 32 : index
        %parallel_loop3A_181 = tpu.vector_load %arg8[%parallel_loop3A_178, %parallel_loop3A_179, %parallel_loop3A_180] {strides = array<i32>} : memref<2x128x128xf32, #tpu.memory_space<vmem>>, vector<16xf32>,
        %parallel_loop3A_182 = arith.constant 32 : i32
        %parallel_loop3A_183 = arith.addi %parallel_loop3A_156, %parallel_loop3A_182 : i32
        %parallel_loop3A_184 = arith.index_cast %parallel_loop3A_183 : i32 to index
        %parallel_loop3A_185 = tpu.vector_load %arg10[%parallel_loop3A_184] {strides = array<i32>} : memref<12800xf32, #tpu.memory_space<vmem>>, vector<16xf32>,
        %parallel_loop3A_186 = arith.addf %parallel_loop3A_181, %parallel_loop3A_185 : vector<16xf32>
        %parallel_loop3A_187 = arith.constant 0 : i32
        %parallel_loop3A_188 = arith.index_cast %parallel_loop3A_187 : i32 to index
        %parallel_loop3A_189 = arith.index_cast %parallel_loop3A_151 : i32 to index
        %parallel_loop3A_190 = arith.constant 48 : index
        %parallel_loop3A_191 = tpu.vector_load %arg8[%parallel_loop3A_188, %parallel_loop3A_189, %parallel_loop3A_190] {strides = array<i32>} : memref<2x128x128xf32, #tpu.memory_space<vmem>>, vector<16xf32>,
        %parallel_loop3A_192 = arith.constant 48 : i32
        %parallel_loop3A_193 = arith.addi %parallel_loop3A_156, %parallel_loop3A_192 : i32
        %parallel_loop3A_194 = arith.index_cast %parallel_loop3A_193 : i32 to index
        %parallel_loop3A_195 = tpu.vector_load %arg10[%parallel_loop3A_194] {strides = array<i32>} : memref<12800xf32, #tpu.memory_space<vmem>>, vector<16xf32>,
        %parallel_loop3A_196 = arith.addf %parallel_loop3A_191, %parallel_loop3A_195 : vector<16xf32>
        %parallel_loop3A_197 = arith.addf %parallel_loop3A_166, %parallel_loop3A_176 : vector<16xf32>
        %parallel_loop3A_198 = arith.addf %parallel_loop3A_186, %parallel_loop3A_196 : vector<16xf32>
        %parallel_loop3A_199 = arith.addf %parallel_loop3A_197, %parallel_loop3A_198 : vector<16xf32>
        %parallel_loop3A_200 = arith.mulf %parallel_loop3A_166, %parallel_loop3A_166 : vector<16xf32>
        %parallel_loop3A_201 = arith.mulf %parallel_loop3A_176, %parallel_loop3A_176 : vector<16xf32>
        %parallel_loop3A_202 = arith.addf %parallel_loop3A_200, %parallel_loop3A_201 : vector<16xf32>
        %parallel_loop3A_203 = arith.mulf %parallel_loop3A_186, %parallel_loop3A_186 : vector<16xf32>
        %parallel_loop3A_204 = arith.mulf %parallel_loop3A_196, %parallel_loop3A_196 : vector<16xf32>
        %parallel_loop3A_205 = arith.addf %parallel_loop3A_203, %parallel_loop3A_204 : vector<16xf32>
        %parallel_loop3A_206 = arith.addf %parallel_loop3A_202, %parallel_loop3A_205 : vector<16xf32>
        %parallel_loop3A_207 = arith.constant true
        %parallel_loop3A_208 = vector.broadcast %parallel_loop3A_207 : i1 to vector<16xi1>
        %parallel_loop3A_209 = tpu.scan <sum>, %parallel_loop3A_199 masked %parallel_loop3A_208 : vector<16xf32>, vector<16xi1> -> vector<16xf32>
        %parallel_loop3A_210 = vector.extract %parallel_loop3A_209[15] : f32 from vector<16xf32>
        %parallel_loop3A_211 = arith.mulf %parallel_loop3A_210, %scan3A : f32
        %parallel_loop3A_212 = arith.constant true
        %parallel_loop3A_213 = vector.broadcast %parallel_loop3A_212 : i1 to vector<16xi1>
        %parallel_loop3A_214 = tpu.scan <sum>, %parallel_loop3A_206 masked %parallel_loop3A_213 : vector<16xf32>, vector<16xi1> -> vector<16xf32>
        %parallel_loop3A_215 = vector.extract %parallel_loop3A_214[15] : f32 from vector<16xf32>
        %parallel_loop3A_216 = arith.mulf %parallel_loop3A_215, %scan3A : f32
        %parallel_loop3A_217 = arith.mulf %parallel_loop3A_211, %parallel_loop3A_211 : f32
        %parallel_loop3A_218 = arith.subf %parallel_loop3A_216, %parallel_loop3A_217 : f32
        %parallel_loop3A_219 = arith.addf %parallel_loop3A_218, %scan3A_26 : f32
        %parallel_loop3A_220 = arith.bitcast %parallel_loop3A_219 : f32 to i32
        %parallel_loop3A_221 = arith.constant 1 : i32
        %parallel_loop3A_222 = arith.shrui %parallel_loop3A_220, %parallel_loop3A_221 : i32
        %parallel_loop3A_223 = arith.constant 1597463007 : i32
        %parallel_loop3A_224 = arith.subi %parallel_loop3A_223, %parallel_loop3A_222 : i32
        %parallel_loop3A_225 = arith.bitcast %parallel_loop3A_224 : i32 to f32
        %parallel_loop3A_226 = arith.constant 5.000000e-01 : f32
        %parallel_loop3A_227 = arith.mulf %parallel_loop3A_226, %parallel_loop3A_219 : f32
        %parallel_loop3A_228 = arith.mulf %parallel_loop3A_227, %parallel_loop3A_225 : f32
        %parallel_loop3A_229 = arith.mulf %parallel_loop3A_228, %parallel_loop3A_225 : f32
        %parallel_loop3A_230 = arith.constant 1.500000e+00 : f32
        %parallel_loop3A_231 = arith.subf %parallel_loop3A_230, %parallel_loop3A_229 : f32
        %parallel_loop3A_232 = arith.mulf %parallel_loop3A_225, %parallel_loop3A_231 : f32
        %parallel_loop3A_233 = arith.constant 5.000000e-01 : f32
        %parallel_loop3A_234 = arith.mulf %parallel_loop3A_233, %parallel_loop3A_219 : f32
        %parallel_loop3A_235 = arith.mulf %parallel_loop3A_234, %parallel_loop3A_232 : f32
        %parallel_loop3A_236 = arith.mulf %parallel_loop3A_235, %parallel_loop3A_232 : f32
        %parallel_loop3A_237 = arith.constant 1.500000e+00 : f32
        %parallel_loop3A_238 = arith.subf %parallel_loop3A_237, %parallel_loop3A_236 : f32
        %parallel_loop3A_239 = arith.mulf %parallel_loop3A_232, %parallel_loop3A_238 : f32
        %parallel_loop3A_240 = arith.constant 5.000000e-01 : f32
        %parallel_loop3A_241 = arith.mulf %parallel_loop3A_240, %parallel_loop3A_219 : f32
        %parallel_loop3A_242 = arith.mulf %parallel_loop3A_241, %parallel_loop3A_239 : f32
        %parallel_loop3A_243 = arith.mulf %parallel_loop3A_242, %parallel_loop3A_239 : f32
        %parallel_loop3A_244 = arith.constant 1.500000e+00 : f32
        %parallel_loop3A_245 = arith.subf %parallel_loop3A_244, %parallel_loop3A_243 : f32
        %parallel_loop3A_246 = arith.mulf %parallel_loop3A_239, %parallel_loop3A_245 : f32
        %parallel_loop3A_247 = vector.broadcast %parallel_loop3A_246 : f32 to vector<16xf32>
        %parallel_loop3A_248 = vector.broadcast %parallel_loop3A_211 : f32 to vector<16xf32>
        %parallel_loop3A_249 = arith.constant 0 : index
        %parallel_loop3A_250 = tpu.vector_load %arg11[%parallel_loop3A_249] {strides = array<i32>} : memref<128xf32, #tpu.memory_space<vmem>>, vector<16xf32>,
        %parallel_loop3A_251 = arith.constant 64 : index
        %parallel_loop3A_252 = tpu.vector_load %arg11[%parallel_loop3A_251] {strides = array<i32>} : memref<128xf32, #tpu.memory_space<vmem>>, vector<16xf32>,
        %parallel_loop3A_253 = arith.subf %parallel_loop3A_166, %parallel_loop3A_248 : vector<16xf32>
        %parallel_loop3A_254 = arith.mulf %parallel_loop3A_253, %parallel_loop3A_247 : vector<16xf32>
        %parallel_loop3A_255 = arith.mulf %parallel_loop3A_254, %parallel_loop3A_250 : vector<16xf32>
        %parallel_loop3A_256 = arith.addf %parallel_loop3A_255, %parallel_loop3A_252 : vector<16xf32>
        %parallel_loop3A_257 = arith.constant 0 : i32
        %parallel_loop3A_258 = arith.index_cast %parallel_loop3A_257 : i32 to index
        %parallel_loop3A_259 = arith.index_cast %parallel_loop3A_151 : i32 to index
        %parallel_loop3A_260 = arith.constant 0 : index
        %parallel_loop3A_261 = tpu.vector_load %arg9[%parallel_loop3A_258, %parallel_loop3A_259, %parallel_loop3A_260] {strides = array<i32>} : memref<2x128x64xf32, #tpu.memory_space<vmem>>, vector<16xf32>,
        tpu.vector_store %arg9[%parallel_loop3A_258, %parallel_loop3A_259, %parallel_loop3A_260], %parallel_loop3A_256 {strides = array<i32>} : memref<2x128x64xf32, #tpu.memory_space<vmem>>, vector<16xf32>,
        %parallel_loop3A_262 = arith.constant 16 : index
        %parallel_loop3A_263 = tpu.vector_load %arg11[%parallel_loop3A_262] {strides = array<i32>} : memref<128xf32, #tpu.memory_space<vmem>>, vector<16xf32>,
        %parallel_loop3A_264 = arith.constant 80 : index
        %parallel_loop3A_265 = tpu.vector_load %arg11[%parallel_loop3A_264] {strides = array<i32>} : memref<128xf32, #tpu.memory_space<vmem>>, vector<16xf32>,
        %parallel_loop3A_266 = arith.subf %parallel_loop3A_176, %parallel_loop3A_248 : vector<16xf32>
        %parallel_loop3A_267 = arith.mulf %parallel_loop3A_266, %parallel_loop3A_247 : vector<16xf32>
        %parallel_loop3A_268 = arith.mulf %parallel_loop3A_267, %parallel_loop3A_263 : vector<16xf32>
        %parallel_loop3A_269 = arith.addf %parallel_loop3A_268, %parallel_loop3A_265 : vector<16xf32>
        %parallel_loop3A_270 = arith.constant 0 : i32
        %parallel_loop3A_271 = arith.index_cast %parallel_loop3A_270 : i32 to index
        %parallel_loop3A_272 = arith.index_cast %parallel_loop3A_151 : i32 to index
        %parallel_loop3A_273 = arith.constant 16 : index
        %parallel_loop3A_274 = tpu.vector_load %arg9[%parallel_loop3A_271, %parallel_loop3A_272, %parallel_loop3A_273] {strides = array<i32>} : memref<2x128x64xf32, #tpu.memory_space<vmem>>, vector<16xf32>,
        tpu.vector_store %arg9[%parallel_loop3A_271, %parallel_loop3A_272, %parallel_loop3A_273], %parallel_loop3A_269 {strides = array<i32>} : memref<2x128x64xf32, #tpu.memory_space<vmem>>, vector<16xf32>,
        %parallel_loop3A_275 = arith.constant 32 : index
        %parallel_loop3A_276 = tpu.vector_load %arg11[%parallel_loop3A_275] {strides = array<i32>} : memref<128xf32, #tpu.memory_space<vmem>>, vector<16xf32>,
        %parallel_loop3A_277 = arith.constant 96 : index
        %parallel_loop3A_278 = tpu.vector_load %arg11[%parallel_loop3A_277] {strides = array<i32>} : memref<128xf32, #tpu.memory_space<vmem>>, vector<16xf32>,
        %parallel_loop3A_279 = arith.subf %parallel_loop3A_186, %parallel_loop3A_248 : vector<16xf32>
        %parallel_loop3A_280 = arith.mulf %parallel_loop3A_279, %parallel_loop3A_247 : vector<16xf32>
        %parallel_loop3A_281 = arith.mulf %parallel_loop3A_280, %parallel_loop3A_276 : vector<16xf32>
        %parallel_loop3A_282 = arith.addf %parallel_loop3A_281, %parallel_loop3A_278 : vector<16xf32>
        %parallel_loop3A_283 = arith.constant 0 : i32
        %parallel_loop3A_284 = arith.index_cast %parallel_loop3A_283 : i32 to index
        %parallel_loop3A_285 = arith.index_cast %parallel_loop3A_151 : i32 to index
        %parallel_loop3A_286 = arith.constant 32 : index
        %parallel_loop3A_287 = tpu.vector_load %arg9[%parallel_loop3A_284, %parallel_loop3A_285, %parallel_loop3A_286] {strides = array<i32>} : memref<2x128x64xf32, #tpu.memory_space<vmem>>, vector<16xf32>,
        tpu.vector_store %arg9[%parallel_loop3A_284, %parallel_loop3A_285, %parallel_loop3A_286], %parallel_loop3A_282 {strides = array<i32>} : memref<2x128x64xf32, #tpu.memory_space<vmem>>, vector<16xf32>,
        %parallel_loop3A_288 = arith.constant 48 : index
        %parallel_loop3A_289 = tpu.vector_load %arg11[%parallel_loop3A_288] {strides = array<i32>} : memref<128xf32, #tpu.memory_space<vmem>>, vector<16xf32>,
        %parallel_loop3A_290 = arith.constant 112 : index
        %parallel_loop3A_291 = tpu.vector_load %arg11[%parallel_loop3A_290] {strides = array<i32>} : memref<128xf32, #tpu.memory_space<vmem>>, vector<16xf32>,
        %parallel_loop3A_292 = arith.subf %parallel_loop3A_196, %parallel_loop3A_248 : vector<16xf32>
        %parallel_loop3A_293 = arith.mulf %parallel_loop3A_292, %parallel_loop3A_247 : vector<16xf32>
        %parallel_loop3A_294 = arith.mulf %parallel_loop3A_293, %parallel_loop3A_289 : vector<16xf32>
        %parallel_loop3A_295 = arith.addf %parallel_loop3A_294, %parallel_loop3A_291 : vector<16xf32>
        %parallel_loop3A_296 = arith.constant 0 : i32
        %parallel_loop3A_297 = arith.index_cast %parallel_loop3A_296 : i32 to index
        %parallel_loop3A_298 = arith.index_cast %parallel_loop3A_151 : i32 to index
        %parallel_loop3A_299 = arith.constant 48 : index
        %parallel_loop3A_300 = tpu.vector_load %arg9[%parallel_loop3A_297, %parallel_loop3A_298, %parallel_loop3A_299] {strides = array<i32>} : memref<2x128x64xf32, #tpu.memory_space<vmem>>, vector<16xf32>,
        tpu.vector_store %arg9[%parallel_loop3A_297, %parallel_loop3A_298, %parallel_loop3A_299], %parallel_loop3A_295 {strides = array<i32>} : memref<2x128x64xf32, #tpu.memory_space<vmem>>, vector<16xf32>,
      } {sc.loop_unroll_factor = 4 : i64, sc.parallel_access}
      %dma_start3A_85 = arith.constant 0 : i32
      %dma_start3A_86 = arith.constant 0 : i32
      %dma_start3A_87 = arith.constant 0 : i32
      %dma_start3A_88 = tpu.memref_slice %arg9[%dma_start3A_85, %dma_start3A_86, %dma_start3A_87] : memref<2x128x64xf32, #tpu.memory_space<vmem>> -> memref<1x128x64xf32, #tpu.memory_space<vmem>>
      %dma_start3A_89 = tpu.memref_squeeze %dma_start3A_88 : memref<1x128x64xf32, #tpu.memory_space<vmem>> -> memref<128x64xf32, #tpu.memory_space<vmem>>
      %dma_start3A_90 = arith.constant 0 : i32
      %dma_start3A_91 = tpu.memref_slice %arg6[%add3A_69, %dma_start3A_90] : memref<819200x64xf32, #tpu.memory_space<hbm>> -> memref<128x64xf32, #tpu.memory_space<hbm>>
      %dma_start3A_92 = arith.constant 0 : i32
      %dma_start3A_93 = tpu.memref_slice %arg6[%add3A_69, %dma_start3A_92] : memref<819200x64xf32, #tpu.memory_space<hbm>> -> memref<128x64xf32, #tpu.memory_space<hbm>>
      %dma_start3A_94 = arith.constant 0 : i32
      %dma_start3A_95 = arith.constant 0 : i32
      %dma_start3A_96 = tpu.memref_slice %arg9[%dma_start3A_85, %dma_start3A_94, %dma_start3A_95] : memref<2x128x64xf32, #tpu.memory_space<vmem>> -> memref<1x128x64xf32, #tpu.memory_space<vmem>>
      %dma_start3A_97 = tpu.memref_squeeze %dma_start3A_96 : memref<1x128x64xf32, #tpu.memory_space<vmem>> -> memref<128x64xf32, #tpu.memory_space<vmem>>
      tpu.enqueue_dma source(%dma_start3A_97 : memref<128x64xf32, #tpu.memory_space<vmem>>) target(%dma_start3A_93 : memref<128x64xf32, #tpu.memory_space<hbm>>) target_semaphore(%arg14 : memref<!tpu.dma_semaphore, #tpu.memory_space<semaphore_mem>>)
      %add3A_98 = arith.constant 2 : i32
      %add3A_99 = arith.addi %mul3A_66, %add3A_98 : i32
      %lt3A = arith.constant 200 : i32
      %lt3A_100 = arith.cmpi slt, %add3A_99, %lt3A : i32
      %convert_element_type3A_101 = arith.extui %lt3A_100 : i1 to i32
      %cond3A_102 = arith.constant 0 : i32
      %cond3A_103 = arith.cmpi ne, %convert_element_type3A_101, %cond3A_102 : i32
      scf.if %cond3A_103 {
        %add3A_151 = arith.constant 2 : i32
        %add3A_152 = arith.addi %mul3A_66, %add3A_151 : i32
        %dma_start3A_153 = arith.constant 0 : i32
        %dma_start3A_154 = arith.constant 0 : i32
        %dma_start3A_155 = arith.constant 0 : i32
        %dma_start3A_156 = tpu.memref_slice %arg8[%dma_start3A_153, %dma_start3A_154, %dma_start3A_155] : memref<2x128x128xf32, #tpu.memory_space<vmem>> -> memref<1x128x128xf32, #tpu.memory_space<vmem>>
        %dma_start3A_157 = tpu.memref_squeeze %dma_start3A_156 : memref<1x128x128xf32, #tpu.memory_space<vmem>> -> memref<128x128xf32, #tpu.memory_space<vmem>>
        %dma_start3A_158 = arith.constant 0 : i32
        %dma_start3A_159 = tpu.memref_slice %arg7[%add3A_152, %dma_start3A_158] : memref<200x128xi32, #tpu.memory_space<vmem>> -> memref<1x128xi32, #tpu.memory_space<vmem>>
        %dma_start3A_160 = tpu.memref_squeeze %dma_start3A_159 : memref<1x128xi32, #tpu.memory_space<vmem>> -> memref<128xi32, #tpu.memory_space<vmem>>
        %dma_start3A_161 = arith.constant 0 : i32
        %dma_start3A_162 = arith.constant 0 : i32
        %dma_start3A_163 = tpu.memref_slice %arg3[%dma_start3A_161, %dma_start3A_162] : memref<1000000x128xf32, #tpu.memory_space<hbm>> -> memref<1000000x128xf32, #tpu.memory_space<hbm>>
        tpu.enqueue_indirect_dma source(%dma_start3A_163 : memref<1000000x128xf32, #tpu.memory_space<hbm>>) target(%dma_start3A_157 : memref<128x128xf32, #tpu.memory_space<vmem>>) offsets(%dma_start3A_160 : memref<128xi32, #tpu.memory_space<vmem>>) semaphore(%arg12 : memref<!tpu.dma_semaphore, #tpu.memory_space<semaphore_mem>>)
      } else {
      }
      %mul3A_104 = arith.constant 2 : i32
      %mul3A_105 = arith.muli %mul3A_104, %scan3A_63 : i32
      %add3A_106 = arith.constant 1 : i32
      %add3A_107 = arith.addi %mul3A_105, %add3A_106 : i32
      %mul3A_108 = arith.constant 128 : i32
      %mul3A_109 = arith.muli %add3A_107, %mul3A_108 : i32
      %add3A_110 = arith.addi %mul3A_2, %mul3A_109 : i32
      %dma_wait3A_111 = arith.constant 1 : i32
      %dma_wait3A_112 = arith.constant 0 : i32
      %dma_wait3A_113 = arith.constant 0 : i32
      %dma_wait3A_114 = tpu.memref_slice %arg8[%dma_wait3A_111, %dma_wait3A_112, %dma_wait3A_113] : memref<2x128x128xf32, #tpu.memory_space<vmem>> -> memref<1x128x128xf32, #tpu.memory_space<vmem>>
      %dma_wait3A_115 = tpu.memref_squeeze %dma_wait3A_114 : memref<1x128x128xf32, #tpu.memory_space<vmem>> -> memref<128x128xf32, #tpu.memory_space<vmem>>
      %dma_wait3A_116 = arith.constant 0 : i32
      %dma_wait3A_117 = tpu.memref_slice %arg7[%add3A_107, %dma_wait3A_116] : memref<200x128xi32, #tpu.memory_space<vmem>> -> memref<1x128xi32, #tpu.memory_space<vmem>>
      %dma_wait3A_118 = tpu.memref_squeeze %dma_wait3A_117 : memref<1x128xi32, #tpu.memory_space<vmem>> -> memref<128xi32, #tpu.memory_space<vmem>>
      %dma_wait3A_119 = arith.constant 0 : i32
      %dma_wait3A_120 = arith.constant 0 : i32
      %dma_wait3A_121 = tpu.memref_slice %arg3[%dma_wait3A_119, %dma_wait3A_120] : memref<1000000x128xf32, #tpu.memory_space<hbm>> -> memref<1000000x128xf32, #tpu.memory_space<hbm>>
      tpu.wait_indirect_dma semaphore(%arg13 : memref<!tpu.dma_semaphore, #tpu.memory_space<semaphore_mem>>) src(%dma_wait3A_121 : memref<1000000x128xf32, #tpu.memory_space<hbm>>) dst(%dma_wait3A_115 : memref<128x128xf32, #tpu.memory_space<vmem>>)
      %ge3A_122 = arith.constant 2 : i32
      %ge3A_123 = arith.cmpi sge, %add3A_107, %ge3A_122 : i32
      %convert_element_type3A_124 = arith.extui %ge3A_123 : i1 to i32
      %cond3A_125 = arith.constant 0 : i32
      %cond3A_126 = arith.cmpi ne, %convert_element_type3A_124, %cond3A_125 : i32
      scf.if %cond3A_126 {
        %dma_wait3A_151 = arith.constant 1 : i32
        %dma_wait3A_152 = arith.constant 0 : i32
        %dma_wait3A_153 = arith.constant 0 : i32
        %dma_wait3A_154 = tpu.memref_slice %arg9[%dma_wait3A_151, %dma_wait3A_152, %dma_wait3A_153] : memref<2x128x64xf32, #tpu.memory_space<vmem>> -> memref<1x128x64xf32, #tpu.memory_space<vmem>>
        %dma_wait3A_155 = tpu.memref_squeeze %dma_wait3A_154 : memref<1x128x64xf32, #tpu.memory_space<vmem>> -> memref<128x64xf32, #tpu.memory_space<vmem>>
        %dma_wait3A_156 = arith.constant 0 : i32
        %dma_wait3A_157 = tpu.memref_slice %arg6[%add3A_110, %dma_wait3A_156] : memref<819200x64xf32, #tpu.memory_space<hbm>> -> memref<128x64xf32, #tpu.memory_space<hbm>>
        %dma_wait3A_158 = arith.constant 0 : i32
        %dma_wait3A_159 = tpu.memref_slice %arg6[%add3A_110, %dma_wait3A_158] : memref<819200x64xf32, #tpu.memory_space<hbm>> -> memref<128x64xf32, #tpu.memory_space<hbm>>
        %dma_wait3A_160 = arith.constant 0 : i32
        %dma_wait3A_161 = arith.constant 0 : i32
        %dma_wait3A_162 = tpu.memref_slice %arg9[%dma_wait3A_151, %dma_wait3A_160, %dma_wait3A_161] : memref<2x128x64xf32, #tpu.memory_space<vmem>> -> memref<1x128x64xf32, #tpu.memory_space<vmem>>
        %dma_wait3A_163 = tpu.memref_squeeze %dma_wait3A_162 : memref<1x128x64xf32, #tpu.memory_space<vmem>> -> memref<128x64xf32, #tpu.memory_space<vmem>>
        tpu.wait_dma2 semaphore(%arg15 : memref<!tpu.dma_semaphore, #tpu.memory_space<semaphore_mem>>) src(%dma_wait3A_163 : memref<128x64xf32, #tpu.memory_space<vmem>>) dst(%dma_wait3A_159 : memref<128x64xf32, #tpu.memory_space<hbm>>)
      } else {
      }
      %parallel_loop3A_127 = arith.constant 0 : i32
      %parallel_loop3A_128 = arith.constant 128 : i32
      %parallel_loop3A_129 = arith.constant 1 : i32
      scf.for %parallel_loop3A_151 = %parallel_loop3A_127 to %parallel_loop3A_128 step %parallel_loop3A_129  : i32 {
        %parallel_loop3A_152 = arith.addi %add3A_110, %parallel_loop3A_151 : i32
        %parallel_loop3A_153 = arith.constant 200 : i32
        %parallel_loop3A_154 = arith.remsi %parallel_loop3A_152, %parallel_loop3A_153 : i32
        %parallel_loop3A_155 = arith.constant 64 : i32
        %parallel_loop3A_156 = arith.muli %parallel_loop3A_154, %parallel_loop3A_155 : i32
        %parallel_loop3A_157 = arith.constant 1 : i32
        %parallel_loop3A_158 = arith.index_cast %parallel_loop3A_157 : i32 to index
        %parallel_loop3A_159 = arith.index_cast %parallel_loop3A_151 : i32 to index
        %parallel_loop3A_160 = arith.constant 0 : index
        %parallel_loop3A_161 = tpu.vector_load %arg8[%parallel_loop3A_158, %parallel_loop3A_159, %parallel_loop3A_160] {strides = array<i32>} : memref<2x128x128xf32, #tpu.memory_space<vmem>>, vector<16xf32>,
        %parallel_loop3A_162 = arith.constant 0 : i32
        %parallel_loop3A_163 = arith.addi %parallel_loop3A_156, %parallel_loop3A_162 : i32
        %parallel_loop3A_164 = arith.index_cast %parallel_loop3A_163 : i32 to index
        %parallel_loop3A_165 = tpu.vector_load %arg10[%parallel_loop3A_164] {strides = array<i32>} : memref<12800xf32, #tpu.memory_space<vmem>>, vector<16xf32>,
        %parallel_loop3A_166 = arith.addf %parallel_loop3A_161, %parallel_loop3A_165 : vector<16xf32>
        %parallel_loop3A_167 = arith.constant 1 : i32
        %parallel_loop3A_168 = arith.index_cast %parallel_loop3A_167 : i32 to index
        %parallel_loop3A_169 = arith.index_cast %parallel_loop3A_151 : i32 to index
        %parallel_loop3A_170 = arith.constant 16 : index
        %parallel_loop3A_171 = tpu.vector_load %arg8[%parallel_loop3A_168, %parallel_loop3A_169, %parallel_loop3A_170] {strides = array<i32>} : memref<2x128x128xf32, #tpu.memory_space<vmem>>, vector<16xf32>,
        %parallel_loop3A_172 = arith.constant 16 : i32
        %parallel_loop3A_173 = arith.addi %parallel_loop3A_156, %parallel_loop3A_172 : i32
        %parallel_loop3A_174 = arith.index_cast %parallel_loop3A_173 : i32 to index
        %parallel_loop3A_175 = tpu.vector_load %arg10[%parallel_loop3A_174] {strides = array<i32>} : memref<12800xf32, #tpu.memory_space<vmem>>, vector<16xf32>,
        %parallel_loop3A_176 = arith.addf %parallel_loop3A_171, %parallel_loop3A_175 : vector<16xf32>
        %parallel_loop3A_177 = arith.constant 1 : i32
        %parallel_loop3A_178 = arith.index_cast %parallel_loop3A_177 : i32 to index
        %parallel_loop3A_179 = arith.index_cast %parallel_loop3A_151 : i32 to index
        %parallel_loop3A_180 = arith.constant 32 : index
        %parallel_loop3A_181 = tpu.vector_load %arg8[%parallel_loop3A_178, %parallel_loop3A_179, %parallel_loop3A_180] {strides = array<i32>} : memref<2x128x128xf32, #tpu.memory_space<vmem>>, vector<16xf32>,
        %parallel_loop3A_182 = arith.constant 32 : i32
        %parallel_loop3A_183 = arith.addi %parallel_loop3A_156, %parallel_loop3A_182 : i32
        %parallel_loop3A_184 = arith.index_cast %parallel_loop3A_183 : i32 to index
        %parallel_loop3A_185 = tpu.vector_load %arg10[%parallel_loop3A_184] {strides = array<i32>} : memref<12800xf32, #tpu.memory_space<vmem>>, vector<16xf32>,
        %parallel_loop3A_186 = arith.addf %parallel_loop3A_181, %parallel_loop3A_185 : vector<16xf32>
        %parallel_loop3A_187 = arith.constant 1 : i32
        %parallel_loop3A_188 = arith.index_cast %parallel_loop3A_187 : i32 to index
        %parallel_loop3A_189 = arith.index_cast %parallel_loop3A_151 : i32 to index
        %parallel_loop3A_190 = arith.constant 48 : index
        %parallel_loop3A_191 = tpu.vector_load %arg8[%parallel_loop3A_188, %parallel_loop3A_189, %parallel_loop3A_190] {strides = array<i32>} : memref<2x128x128xf32, #tpu.memory_space<vmem>>, vector<16xf32>,
        %parallel_loop3A_192 = arith.constant 48 : i32
        %parallel_loop3A_193 = arith.addi %parallel_loop3A_156, %parallel_loop3A_192 : i32
        %parallel_loop3A_194 = arith.index_cast %parallel_loop3A_193 : i32 to index
        %parallel_loop3A_195 = tpu.vector_load %arg10[%parallel_loop3A_194] {strides = array<i32>} : memref<12800xf32, #tpu.memory_space<vmem>>, vector<16xf32>,
        %parallel_loop3A_196 = arith.addf %parallel_loop3A_191, %parallel_loop3A_195 : vector<16xf32>
        %parallel_loop3A_197 = arith.addf %parallel_loop3A_166, %parallel_loop3A_176 : vector<16xf32>
        %parallel_loop3A_198 = arith.addf %parallel_loop3A_186, %parallel_loop3A_196 : vector<16xf32>
        %parallel_loop3A_199 = arith.addf %parallel_loop3A_197, %parallel_loop3A_198 : vector<16xf32>
        %parallel_loop3A_200 = arith.mulf %parallel_loop3A_166, %parallel_loop3A_166 : vector<16xf32>
        %parallel_loop3A_201 = arith.mulf %parallel_loop3A_176, %parallel_loop3A_176 : vector<16xf32>
        %parallel_loop3A_202 = arith.addf %parallel_loop3A_200, %parallel_loop3A_201 : vector<16xf32>
        %parallel_loop3A_203 = arith.mulf %parallel_loop3A_186, %parallel_loop3A_186 : vector<16xf32>
        %parallel_loop3A_204 = arith.mulf %parallel_loop3A_196, %parallel_loop3A_196 : vector<16xf32>
        %parallel_loop3A_205 = arith.addf %parallel_loop3A_203, %parallel_loop3A_204 : vector<16xf32>
        %parallel_loop3A_206 = arith.addf %parallel_loop3A_202, %parallel_loop3A_205 : vector<16xf32>
        %parallel_loop3A_207 = arith.constant true
        %parallel_loop3A_208 = vector.broadcast %parallel_loop3A_207 : i1 to vector<16xi1>
        %parallel_loop3A_209 = tpu.scan <sum>, %parallel_loop3A_199 masked %parallel_loop3A_208 : vector<16xf32>, vector<16xi1> -> vector<16xf32>
        %parallel_loop3A_210 = vector.extract %parallel_loop3A_209[15] : f32 from vector<16xf32>
        %parallel_loop3A_211 = arith.mulf %parallel_loop3A_210, %scan3A : f32
        %parallel_loop3A_212 = arith.constant true
        %parallel_loop3A_213 = vector.broadcast %parallel_loop3A_212 : i1 to vector<16xi1>
        %parallel_loop3A_214 = tpu.scan <sum>, %parallel_loop3A_206 masked %parallel_loop3A_213 : vector<16xf32>, vector<16xi1> -> vector<16xf32>
        %parallel_loop3A_215 = vector.extract %parallel_loop3A_214[15] : f32 from vector<16xf32>
        %parallel_loop3A_216 = arith.mulf %parallel_loop3A_215, %scan3A : f32
        %parallel_loop3A_217 = arith.mulf %parallel_loop3A_211, %parallel_loop3A_211 : f32
        %parallel_loop3A_218 = arith.subf %parallel_loop3A_216, %parallel_loop3A_217 : f32
        %parallel_loop3A_219 = arith.addf %parallel_loop3A_218, %scan3A_26 : f32
        %parallel_loop3A_220 = arith.bitcast %parallel_loop3A_219 : f32 to i32
        %parallel_loop3A_221 = arith.constant 1 : i32
        %parallel_loop3A_222 = arith.shrui %parallel_loop3A_220, %parallel_loop3A_221 : i32
        %parallel_loop3A_223 = arith.constant 1597463007 : i32
        %parallel_loop3A_224 = arith.subi %parallel_loop3A_223, %parallel_loop3A_222 : i32
        %parallel_loop3A_225 = arith.bitcast %parallel_loop3A_224 : i32 to f32
        %parallel_loop3A_226 = arith.constant 5.000000e-01 : f32
        %parallel_loop3A_227 = arith.mulf %parallel_loop3A_226, %parallel_loop3A_219 : f32
        %parallel_loop3A_228 = arith.mulf %parallel_loop3A_227, %parallel_loop3A_225 : f32
        %parallel_loop3A_229 = arith.mulf %parallel_loop3A_228, %parallel_loop3A_225 : f32
        %parallel_loop3A_230 = arith.constant 1.500000e+00 : f32
        %parallel_loop3A_231 = arith.subf %parallel_loop3A_230, %parallel_loop3A_229 : f32
        %parallel_loop3A_232 = arith.mulf %parallel_loop3A_225, %parallel_loop3A_231 : f32
        %parallel_loop3A_233 = arith.constant 5.000000e-01 : f32
        %parallel_loop3A_234 = arith.mulf %parallel_loop3A_233, %parallel_loop3A_219 : f32
        %parallel_loop3A_235 = arith.mulf %parallel_loop3A_234, %parallel_loop3A_232 : f32
        %parallel_loop3A_236 = arith.mulf %parallel_loop3A_235, %parallel_loop3A_232 : f32
        %parallel_loop3A_237 = arith.constant 1.500000e+00 : f32
        %parallel_loop3A_238 = arith.subf %parallel_loop3A_237, %parallel_loop3A_236 : f32
        %parallel_loop3A_239 = arith.mulf %parallel_loop3A_232, %parallel_loop3A_238 : f32
        %parallel_loop3A_240 = arith.constant 5.000000e-01 : f32
        %parallel_loop3A_241 = arith.mulf %parallel_loop3A_240, %parallel_loop3A_219 : f32
        %parallel_loop3A_242 = arith.mulf %parallel_loop3A_241, %parallel_loop3A_239 : f32
        %parallel_loop3A_243 = arith.mulf %parallel_loop3A_242, %parallel_loop3A_239 : f32
        %parallel_loop3A_244 = arith.constant 1.500000e+00 : f32
        %parallel_loop3A_245 = arith.subf %parallel_loop3A_244, %parallel_loop3A_243 : f32
        %parallel_loop3A_246 = arith.mulf %parallel_loop3A_239, %parallel_loop3A_245 : f32
        %parallel_loop3A_247 = vector.broadcast %parallel_loop3A_246 : f32 to vector<16xf32>
        %parallel_loop3A_248 = vector.broadcast %parallel_loop3A_211 : f32 to vector<16xf32>
        %parallel_loop3A_249 = arith.constant 0 : index
        %parallel_loop3A_250 = tpu.vector_load %arg11[%parallel_loop3A_249] {strides = array<i32>} : memref<128xf32, #tpu.memory_space<vmem>>, vector<16xf32>,
        %parallel_loop3A_251 = arith.constant 64 : index
        %parallel_loop3A_252 = tpu.vector_load %arg11[%parallel_loop3A_251] {strides = array<i32>} : memref<128xf32, #tpu.memory_space<vmem>>, vector<16xf32>,
        %parallel_loop3A_253 = arith.subf %parallel_loop3A_166, %parallel_loop3A_248 : vector<16xf32>
        %parallel_loop3A_254 = arith.mulf %parallel_loop3A_253, %parallel_loop3A_247 : vector<16xf32>
        %parallel_loop3A_255 = arith.mulf %parallel_loop3A_254, %parallel_loop3A_250 : vector<16xf32>
        %parallel_loop3A_256 = arith.addf %parallel_loop3A_255, %parallel_loop3A_252 : vector<16xf32>
        %parallel_loop3A_257 = arith.constant 1 : i32
        %parallel_loop3A_258 = arith.index_cast %parallel_loop3A_257 : i32 to index
        %parallel_loop3A_259 = arith.index_cast %parallel_loop3A_151 : i32 to index
        %parallel_loop3A_260 = arith.constant 0 : index
        %parallel_loop3A_261 = tpu.vector_load %arg9[%parallel_loop3A_258, %parallel_loop3A_259, %parallel_loop3A_260] {strides = array<i32>} : memref<2x128x64xf32, #tpu.memory_space<vmem>>, vector<16xf32>,
        tpu.vector_store %arg9[%parallel_loop3A_258, %parallel_loop3A_259, %parallel_loop3A_260], %parallel_loop3A_256 {strides = array<i32>} : memref<2x128x64xf32, #tpu.memory_space<vmem>>, vector<16xf32>,
        %parallel_loop3A_262 = arith.constant 16 : index
        %parallel_loop3A_263 = tpu.vector_load %arg11[%parallel_loop3A_262] {strides = array<i32>} : memref<128xf32, #tpu.memory_space<vmem>>, vector<16xf32>,
        %parallel_loop3A_264 = arith.constant 80 : index
        %parallel_loop3A_265 = tpu.vector_load %arg11[%parallel_loop3A_264] {strides = array<i32>} : memref<128xf32, #tpu.memory_space<vmem>>, vector<16xf32>,
        %parallel_loop3A_266 = arith.subf %parallel_loop3A_176, %parallel_loop3A_248 : vector<16xf32>
        %parallel_loop3A_267 = arith.mulf %parallel_loop3A_266, %parallel_loop3A_247 : vector<16xf32>
        %parallel_loop3A_268 = arith.mulf %parallel_loop3A_267, %parallel_loop3A_263 : vector<16xf32>
        %parallel_loop3A_269 = arith.addf %parallel_loop3A_268, %parallel_loop3A_265 : vector<16xf32>
        %parallel_loop3A_270 = arith.constant 1 : i32
        %parallel_loop3A_271 = arith.index_cast %parallel_loop3A_270 : i32 to index
        %parallel_loop3A_272 = arith.index_cast %parallel_loop3A_151 : i32 to index
        %parallel_loop3A_273 = arith.constant 16 : index
        %parallel_loop3A_274 = tpu.vector_load %arg9[%parallel_loop3A_271, %parallel_loop3A_272, %parallel_loop3A_273] {strides = array<i32>} : memref<2x128x64xf32, #tpu.memory_space<vmem>>, vector<16xf32>,
        tpu.vector_store %arg9[%parallel_loop3A_271, %parallel_loop3A_272, %parallel_loop3A_273], %parallel_loop3A_269 {strides = array<i32>} : memref<2x128x64xf32, #tpu.memory_space<vmem>>, vector<16xf32>,
        %parallel_loop3A_275 = arith.constant 32 : index
        %parallel_loop3A_276 = tpu.vector_load %arg11[%parallel_loop3A_275] {strides = array<i32>} : memref<128xf32, #tpu.memory_space<vmem>>, vector<16xf32>,
        %parallel_loop3A_277 = arith.constant 96 : index
        %parallel_loop3A_278 = tpu.vector_load %arg11[%parallel_loop3A_277] {strides = array<i32>} : memref<128xf32, #tpu.memory_space<vmem>>, vector<16xf32>,
        %parallel_loop3A_279 = arith.subf %parallel_loop3A_186, %parallel_loop3A_248 : vector<16xf32>
        %parallel_loop3A_280 = arith.mulf %parallel_loop3A_279, %parallel_loop3A_247 : vector<16xf32>
        %parallel_loop3A_281 = arith.mulf %parallel_loop3A_280, %parallel_loop3A_276 : vector<16xf32>
        %parallel_loop3A_282 = arith.addf %parallel_loop3A_281, %parallel_loop3A_278 : vector<16xf32>
        %parallel_loop3A_283 = arith.constant 1 : i32
        %parallel_loop3A_284 = arith.index_cast %parallel_loop3A_283 : i32 to index
        %parallel_loop3A_285 = arith.index_cast %parallel_loop3A_151 : i32 to index
        %parallel_loop3A_286 = arith.constant 32 : index
        %parallel_loop3A_287 = tpu.vector_load %arg9[%parallel_loop3A_284, %parallel_loop3A_285, %parallel_loop3A_286] {strides = array<i32>} : memref<2x128x64xf32, #tpu.memory_space<vmem>>, vector<16xf32>,
        tpu.vector_store %arg9[%parallel_loop3A_284, %parallel_loop3A_285, %parallel_loop3A_286], %parallel_loop3A_282 {strides = array<i32>} : memref<2x128x64xf32, #tpu.memory_space<vmem>>, vector<16xf32>,
        %parallel_loop3A_288 = arith.constant 48 : index
        %parallel_loop3A_289 = tpu.vector_load %arg11[%parallel_loop3A_288] {strides = array<i32>} : memref<128xf32, #tpu.memory_space<vmem>>, vector<16xf32>,
        %parallel_loop3A_290 = arith.constant 112 : index
        %parallel_loop3A_291 = tpu.vector_load %arg11[%parallel_loop3A_290] {strides = array<i32>} : memref<128xf32, #tpu.memory_space<vmem>>, vector<16xf32>,
        %parallel_loop3A_292 = arith.subf %parallel_loop3A_196, %parallel_loop3A_248 : vector<16xf32>
        %parallel_loop3A_293 = arith.mulf %parallel_loop3A_292, %parallel_loop3A_247 : vector<16xf32>
        %parallel_loop3A_294 = arith.mulf %parallel_loop3A_293, %parallel_loop3A_289 : vector<16xf32>
        %parallel_loop3A_295 = arith.addf %parallel_loop3A_294, %parallel_loop3A_291 : vector<16xf32>
        %parallel_loop3A_296 = arith.constant 1 : i32
        %parallel_loop3A_297 = arith.index_cast %parallel_loop3A_296 : i32 to index
        %parallel_loop3A_298 = arith.index_cast %parallel_loop3A_151 : i32 to index
        %parallel_loop3A_299 = arith.constant 48 : index
        %parallel_loop3A_300 = tpu.vector_load %arg9[%parallel_loop3A_297, %parallel_loop3A_298, %parallel_loop3A_299] {strides = array<i32>} : memref<2x128x64xf32, #tpu.memory_space<vmem>>, vector<16xf32>,
        tpu.vector_store %arg9[%parallel_loop3A_297, %parallel_loop3A_298, %parallel_loop3A_299], %parallel_loop3A_295 {strides = array<i32>} : memref<2x128x64xf32, #tpu.memory_space<vmem>>, vector<16xf32>,
      } {sc.loop_unroll_factor = 4 : i64, sc.parallel_access}
      %dma_start3A_130 = arith.constant 1 : i32
      %dma_start3A_131 = arith.constant 0 : i32
      %dma_start3A_132 = arith.constant 0 : i32
      %dma_start3A_133 = tpu.memref_slice %arg9[%dma_start3A_130, %dma_start3A_131, %dma_start3A_132] : memref<2x128x64xf32, #tpu.memory_space<vmem>> -> memref<1x128x64xf32, #tpu.memory_space<vmem>>
      %dma_start3A_134 = tpu.memref_squeeze %dma_start3A_133 : memref<1x128x64xf32, #tpu.memory_space<vmem>> -> memref<128x64xf32, #tpu.memory_space<vmem>>
      %dma_start3A_135 = arith.constant 0 : i32
      %dma_start3A_136 = tpu.memref_slice %arg6[%add3A_110, %dma_start3A_135] : memref<819200x64xf32, #tpu.memory_space<hbm>> -> memref<128x64xf32, #tpu.memory_space<hbm>>
      %dma_start3A_137 = arith.constant 0 : i32
      %dma_start3A_138 = tpu.memref_slice %arg6[%add3A_110, %dma_start3A_137] : memref<819200x64xf32, #tpu.memory_space<hbm>> -> memref<128x64xf32, #tpu.memory_space<hbm>>
      %dma_start3A_139 = arith.constant 0 : i32
      %dma_start3A_140 = arith.constant 0 : i32
      %dma_start3A_141 = tpu.memref_slice %arg9[%dma_start3A_130, %dma_start3A_139, %dma_start3A_140] : memref<2x128x64xf32, #tpu.memory_space<vmem>> -> memref<1x128x64xf32, #tpu.memory_space<vmem>>
      %dma_start3A_142 = tpu.memref_squeeze %dma_start3A_141 : memref<1x128x64xf32, #tpu.memory_space<vmem>> -> memref<128x64xf32, #tpu.memory_space<vmem>>
      tpu.enqueue_dma source(%dma_start3A_142 : memref<128x64xf32, #tpu.memory_space<vmem>>) target(%dma_start3A_138 : memref<128x64xf32, #tpu.memory_space<hbm>>) target_semaphore(%arg15 : memref<!tpu.dma_semaphore, #tpu.memory_space<semaphore_mem>>)
      %add3A_143 = arith.constant 2 : i32
      %add3A_144 = arith.addi %add3A_107, %add3A_143 : i32
      %lt3A_145 = arith.constant 200 : i32
      %lt3A_146 = arith.cmpi slt, %add3A_144, %lt3A_145 : i32
      %convert_element_type3A_147 = arith.extui %lt3A_146 : i1 to i32
      %cond3A_148 = arith.constant 0 : i32
      %cond3A_149 = arith.cmpi ne, %convert_element_type3A_147, %cond3A_148 : i32
      scf.if %cond3A_149 {
        %add3A_151 = arith.constant 2 : i32
        %add3A_152 = arith.addi %add3A_107, %add3A_151 : i32
        %dma_start3A_153 = arith.constant 1 : i32
        %dma_start3A_154 = arith.constant 0 : i32
        %dma_start3A_155 = arith.constant 0 : i32
        %dma_start3A_156 = tpu.memref_slice %arg8[%dma_start3A_153, %dma_start3A_154, %dma_start3A_155] : memref<2x128x128xf32, #tpu.memory_space<vmem>> -> memref<1x128x128xf32, #tpu.memory_space<vmem>>
        %dma_start3A_157 = tpu.memref_squeeze %dma_start3A_156 : memref<1x128x128xf32, #tpu.memory_space<vmem>> -> memref<128x128xf32, #tpu.memory_space<vmem>>
        %dma_start3A_158 = arith.constant 0 : i32
        %dma_start3A_159 = tpu.memref_slice %arg7[%add3A_152, %dma_start3A_158] : memref<200x128xi32, #tpu.memory_space<vmem>> -> memref<1x128xi32, #tpu.memory_space<vmem>>
        %dma_start3A_160 = tpu.memref_squeeze %dma_start3A_159 : memref<1x128xi32, #tpu.memory_space<vmem>> -> memref<128xi32, #tpu.memory_space<vmem>>
        %dma_start3A_161 = arith.constant 0 : i32
        %dma_start3A_162 = arith.constant 0 : i32
        %dma_start3A_163 = tpu.memref_slice %arg3[%dma_start3A_161, %dma_start3A_162] : memref<1000000x128xf32, #tpu.memory_space<hbm>> -> memref<1000000x128xf32, #tpu.memory_space<hbm>>
        tpu.enqueue_indirect_dma source(%dma_start3A_163 : memref<1000000x128xf32, #tpu.memory_space<hbm>>) target(%dma_start3A_157 : memref<128x128xf32, #tpu.memory_space<vmem>>) offsets(%dma_start3A_160 : memref<128xi32, #tpu.memory_space<vmem>>) semaphore(%arg13 : memref<!tpu.dma_semaphore, #tpu.memory_space<semaphore_mem>>)
      } else {
      }
      %scan3A_150 = arith.constant 0 : i32
      scf.yield %scan3A_150 : i32
    }
    %scan3A_33 = arith.constant 100 : i32
    %add3A_34 = arith.constant 25344 : i32
    %add3A_35 = arith.addi %mul3A_2, %add3A_34 : i32
    %dma_wait3A = arith.constant 0 : i32
    %dma_wait3A_36 = arith.constant 0 : i32
    %dma_wait3A_37 = arith.constant 0 : i32
    %dma_wait3A_38 = tpu.memref_slice %arg9[%dma_wait3A, %dma_wait3A_36, %dma_wait3A_37] : memref<2x128x64xf32, #tpu.memory_space<vmem>> -> memref<1x128x64xf32, #tpu.memory_space<vmem>>
    %dma_wait3A_39 = tpu.memref_squeeze %dma_wait3A_38 : memref<1x128x64xf32, #tpu.memory_space<vmem>> -> memref<128x64xf32, #tpu.memory_space<vmem>>
    %dma_wait3A_40 = arith.constant 0 : i32
    %dma_wait3A_41 = tpu.memref_slice %arg6[%add3A_35, %dma_wait3A_40] : memref<819200x64xf32, #tpu.memory_space<hbm>> -> memref<128x64xf32, #tpu.memory_space<hbm>>
    %dma_wait3A_42 = arith.constant 0 : i32
    %dma_wait3A_43 = tpu.memref_slice %arg6[%add3A_35, %dma_wait3A_42] : memref<819200x64xf32, #tpu.memory_space<hbm>> -> memref<128x64xf32, #tpu.memory_space<hbm>>
    %dma_wait3A_44 = arith.constant 0 : i32
    %dma_wait3A_45 = arith.constant 0 : i32
    %dma_wait3A_46 = tpu.memref_slice %arg9[%dma_wait3A, %dma_wait3A_44, %dma_wait3A_45] : memref<2x128x64xf32, #tpu.memory_space<vmem>> -> memref<1x128x64xf32, #tpu.memory_space<vmem>>
    %dma_wait3A_47 = tpu.memref_squeeze %dma_wait3A_46 : memref<1x128x64xf32, #tpu.memory_space<vmem>> -> memref<128x64xf32, #tpu.memory_space<vmem>>
    tpu.wait_dma2 semaphore(%arg14 : memref<!tpu.dma_semaphore, #tpu.memory_space<semaphore_mem>>) src(%dma_wait3A_47 : memref<128x64xf32, #tpu.memory_space<vmem>>) dst(%dma_wait3A_43 : memref<128x64xf32, #tpu.memory_space<hbm>>)
    %add3A_48 = arith.constant 25472 : i32
    %add3A_49 = arith.addi %mul3A_2, %add3A_48 : i32
    %dma_wait3A_50 = arith.constant 1 : i32
    %dma_wait3A_51 = arith.constant 0 : i32
    %dma_wait3A_52 = arith.constant 0 : i32
    %dma_wait3A_53 = tpu.memref_slice %arg9[%dma_wait3A_50, %dma_wait3A_51, %dma_wait3A_52] : memref<2x128x64xf32, #tpu.memory_space<vmem>> -> memref<1x128x64xf32, #tpu.memory_space<vmem>>
    %dma_wait3A_54 = tpu.memref_squeeze %dma_wait3A_53 : memref<1x128x64xf32, #tpu.memory_space<vmem>> -> memref<128x64xf32, #tpu.memory_space<vmem>>
    %dma_wait3A_55 = arith.constant 0 : i32
    %dma_wait3A_56 = tpu.memref_slice %arg6[%add3A_49, %dma_wait3A_55] : memref<819200x64xf32, #tpu.memory_space<hbm>> -> memref<128x64xf32, #tpu.memory_space<hbm>>
    %dma_wait3A_57 = arith.constant 0 : i32
    %dma_wait3A_58 = tpu.memref_slice %arg6[%add3A_49, %dma_wait3A_57] : memref<819200x64xf32, #tpu.memory_space<hbm>> -> memref<128x64xf32, #tpu.memory_space<hbm>>
    %dma_wait3A_59 = arith.constant 0 : i32
    %dma_wait3A_60 = arith.constant 0 : i32
    %dma_wait3A_61 = tpu.memref_slice %arg9[%dma_wait3A_50, %dma_wait3A_59, %dma_wait3A_60] : memref<2x128x64xf32, #tpu.memory_space<vmem>> -> memref<1x128x64xf32, #tpu.memory_space<vmem>>
    %dma_wait3A_62 = tpu.memref_squeeze %dma_wait3A_61 : memref<1x128x64xf32, #tpu.memory_space<vmem>> -> memref<128x64xf32, #tpu.memory_space<vmem>>
    tpu.wait_dma2 semaphore(%arg15 : memref<!tpu.dma_semaphore, #tpu.memory_space<semaphore_mem>>) src(%dma_wait3A_62 : memref<128x64xf32, #tpu.memory_space<vmem>>) dst(%dma_wait3A_58 : memref<128x64xf32, #tpu.memory_space<hbm>>)
    return
  }
}

#map = affine_map<(d0, d1) -> (0, 0)>
module attributes {stable_mosaic.version = 14 : i64} {
  func.func @repack(%arg0: i32, %arg1: i32, %arg2: memref<64x1000000xf32, #tpu.memory_space<hbm>>, %arg3: memref<64x128xf32, #tpu.memory_space<hbm>>, %arg4: memref<1000000x128xf32, #tpu.memory_space<hbm>>, %arg5: memref<2x64x128xf32, #tpu.memory_space<vmem>>, %arg6: memref<17536xf32, #tpu.memory_space<vmem>>, %arg7: memref<2x128x128xf32, #tpu.memory_space<vmem>>, %arg8: memref<!tpu.dma_semaphore, #tpu.memory_space<semaphore_mem>>, %arg9: memref<!tpu.dma_semaphore, #tpu.memory_space<semaphore_mem>>, %arg10: memref<!tpu.dma_semaphore, #tpu.memory_space<semaphore_mem>>, %arg11: memref<!tpu.dma_semaphore, #tpu.memory_space<semaphore_mem>>) attributes {dimension_semantics = [#tpu.dimension_semantics<core_parallel>, #tpu.dimension_semantics<subcore_parallel>], iteration_bounds = array<i64: 2, 16>, scalar_prefetch = 0 : i64, scratch_operands = 7 : i64, tpu.core_type = #tpu.core_type<sc_vector_subcore>, window_params = [{transform_indices = #map}, {transform_indices = #map}, {transform_indices = #map}]} {
    %mul3A = arith.constant 2 : i32
    %mul3A_0 = arith.muli %arg1, %mul3A : i32
    %add3A = arith.addi %mul3A_0, %arg0 : i32
    %broadcast_in_dim3A = arith.constant 0.000000e+00 : f32
    %broadcast_in_dim3A_1 = vector.broadcast %broadcast_in_dim3A : f32 to vector<16xf32>
    %iota3A = tpu.iota {dimensions = array<i32: 0>} : vector<16xi32>
    %mul3A_2 = arith.constant 137 : i32
    %mul3A_3 = vector.broadcast %mul3A_2 : i32 to vector<16xi32>
    %mul3A_4 = arith.muli %iota3A, %mul3A_3 : vector<16xi32>
    %parallel_loop3A = arith.constant 0 : i32
    %parallel_loop3A_5 = arith.constant 1024 : i32
    %parallel_loop3A_6 = arith.constant 1 : i32
    scf.for %parallel_loop3A_88 = %parallel_loop3A to %parallel_loop3A_5 step %parallel_loop3A_6  : i32 {
      %parallel_loop3A_89 = arith.constant 9 : i32
      %parallel_loop3A_90 = arith.shrui %parallel_loop3A_88, %parallel_loop3A_89 : i32
      %parallel_loop3A_91 = arith.constant 2 : i32
      %parallel_loop3A_92 = arith.shrui %parallel_loop3A_88, %parallel_loop3A_91 : i32
      %parallel_loop3A_93 = arith.constant 127 : i32
      %parallel_loop3A_94 = arith.andi %parallel_loop3A_92, %parallel_loop3A_93 : i32
      %parallel_loop3A_95 = arith.constant 3 : i32
      %parallel_loop3A_96 = arith.andi %parallel_loop3A_88, %parallel_loop3A_95 : i32
      %parallel_loop3A_97 = arith.constant 16 : i32
      %parallel_loop3A_98 = arith.muli %parallel_loop3A_96, %parallel_loop3A_97 : i32
      %parallel_loop3A_99 = arith.constant 64 : i32
      %parallel_loop3A_100 = arith.addi %parallel_loop3A_99, %parallel_loop3A_98 : i32
      %parallel_loop3A_101 = arith.index_cast %parallel_loop3A_90 : i32 to index
      %parallel_loop3A_102 = arith.index_cast %parallel_loop3A_94 : i32 to index
      %parallel_loop3A_103 = arith.index_cast %parallel_loop3A_100 : i32 to index
      %parallel_loop3A_104 = tpu.vector_load %arg7[%parallel_loop3A_101, %parallel_loop3A_102, %parallel_loop3A_103] {strides = array<i32>} : memref<2x128x128xf32, #tpu.memory_space<vmem>>, vector<16xf32>,
      tpu.vector_store %arg7[%parallel_loop3A_101, %parallel_loop3A_102, %parallel_loop3A_103], %broadcast_in_dim3A_1 {strides = array<i32>} : memref<2x128x128xf32, #tpu.memory_space<vmem>>, vector<16xf32>,
    } {sc.loop_unroll_factor = 8 : i64, sc.parallel_access}
    %mul3A_7 = arith.constant 244 : i32
    %mul3A_8 = arith.muli %add3A, %mul3A_7 : i32
    %mul3A_9 = arith.constant 128 : i32
    %mul3A_10 = arith.muli %mul3A_8, %mul3A_9 : i32
    %dma_start3A = arith.constant 0 : i32
    %dma_start3A_11 = arith.constant 0 : i32
    %dma_start3A_12 = arith.constant 0 : i32
    %dma_start3A_13 = tpu.memref_slice %arg5[%dma_start3A, %dma_start3A_11, %dma_start3A_12] : memref<2x64x128xf32, #tpu.memory_space<vmem>> -> memref<1x64x128xf32, #tpu.memory_space<vmem>>
    %dma_start3A_14 = tpu.memref_squeeze %dma_start3A_13 : memref<1x64x128xf32, #tpu.memory_space<vmem>> -> memref<64x128xf32, #tpu.memory_space<vmem>>
    %dma_start3A_15 = arith.constant 0 : i32
    %dma_start3A_16 = tpu.memref_slice %arg2[%dma_start3A_15, %mul3A_10] : memref<64x1000000xf32, #tpu.memory_space<hbm>> -> memref<64x128xf32, #tpu.memory_space<hbm>>
    %dma_start3A_17 = arith.constant 0 : i32
    %dma_start3A_18 = arith.constant 0 : i32
    %dma_start3A_19 = tpu.memref_slice %arg5[%dma_start3A, %dma_start3A_17, %dma_start3A_18] : memref<2x64x128xf32, #tpu.memory_space<vmem>> -> memref<1x64x128xf32, #tpu.memory_space<vmem>>
    %dma_start3A_20 = tpu.memref_squeeze %dma_start3A_19 : memref<1x64x128xf32, #tpu.memory_space<vmem>> -> memref<64x128xf32, #tpu.memory_space<vmem>>
    %dma_start3A_21 = arith.constant 0 : i32
    %dma_start3A_22 = tpu.memref_slice %arg2[%dma_start3A_21, %mul3A_10] : memref<64x1000000xf32, #tpu.memory_space<hbm>> -> memref<64x128xf32, #tpu.memory_space<hbm>>
    tpu.enqueue_dma source(%dma_start3A_22 : memref<64x128xf32, #tpu.memory_space<hbm>>) target(%dma_start3A_20 : memref<64x128xf32, #tpu.memory_space<vmem>>) target_semaphore(%arg8 : memref<!tpu.dma_semaphore, #tpu.memory_space<semaphore_mem>>)
    %add3A_23 = arith.constant 1 : i32
    %add3A_24 = arith.addi %mul3A_8, %add3A_23 : i32
    %mul3A_25 = arith.constant 128 : i32
    %mul3A_26 = arith.muli %add3A_24, %mul3A_25 : i32
    %dma_start3A_27 = arith.constant 1 : i32
    %dma_start3A_28 = arith.constant 0 : i32
    %dma_start3A_29 = arith.constant 0 : i32
    %dma_start3A_30 = tpu.memref_slice %arg5[%dma_start3A_27, %dma_start3A_28, %dma_start3A_29] : memref<2x64x128xf32, #tpu.memory_space<vmem>> -> memref<1x64x128xf32, #tpu.memory_space<vmem>>
    %dma_start3A_31 = tpu.memref_squeeze %dma_start3A_30 : memref<1x64x128xf32, #tpu.memory_space<vmem>> -> memref<64x128xf32, #tpu.memory_space<vmem>>
    %dma_start3A_32 = arith.constant 0 : i32
    %dma_start3A_33 = tpu.memref_slice %arg2[%dma_start3A_32, %mul3A_26] : memref<64x1000000xf32, #tpu.memory_space<hbm>> -> memref<64x128xf32, #tpu.memory_space<hbm>>
    %dma_start3A_34 = arith.constant 0 : i32
    %dma_start3A_35 = arith.constant 0 : i32
    %dma_start3A_36 = tpu.memref_slice %arg5[%dma_start3A_27, %dma_start3A_34, %dma_start3A_35] : memref<2x64x128xf32, #tpu.memory_space<vmem>> -> memref<1x64x128xf32, #tpu.memory_space<vmem>>
    %dma_start3A_37 = tpu.memref_squeeze %dma_start3A_36 : memref<1x64x128xf32, #tpu.memory_space<vmem>> -> memref<64x128xf32, #tpu.memory_space<vmem>>
    %dma_start3A_38 = arith.constant 0 : i32
    %dma_start3A_39 = tpu.memref_slice %arg2[%dma_start3A_38, %mul3A_26] : memref<64x1000000xf32, #tpu.memory_space<hbm>> -> memref<64x128xf32, #tpu.memory_space<hbm>>
    tpu.enqueue_dma source(%dma_start3A_39 : memref<64x128xf32, #tpu.memory_space<hbm>>) target(%dma_start3A_37 : memref<64x128xf32, #tpu.memory_space<vmem>>) target_semaphore(%arg9 : memref<!tpu.dma_semaphore, #tpu.memory_space<semaphore_mem>>)
    %scan3A = arith.constant 0 : i32
    %scan3A_40 = arith.constant 0 : i32
    %scan3A_41 = arith.constant 122 : i32
    %scan3A_42 = arith.addi %scan3A_40, %scan3A_41 : i32
    %scan3A_43 = arith.constant 1 : i32
    %scan3A_44 = scf.for %scan3A_88 = %scan3A_40 to %scan3A_42 step %scan3A_43 iter_args(%scan3A_89 = %scan3A) -> (i32)  : i32 {
      %mul3A_90 = arith.constant 2 : i32
      %mul3A_91 = arith.muli %mul3A_90, %scan3A_88 : i32
      %add3A_92 = arith.addi %mul3A_8, %mul3A_91 : i32
      %mul3A_93 = arith.constant 128 : i32
      %mul3A_94 = arith.muli %add3A_92, %mul3A_93 : i32
      %dma_wait3A_95 = arith.constant 0 : i32
      %dma_wait3A_96 = arith.constant 0 : i32
      %dma_wait3A_97 = arith.constant 0 : i32
      %dma_wait3A_98 = tpu.memref_slice %arg5[%dma_wait3A_95, %dma_wait3A_96, %dma_wait3A_97] : memref<2x64x128xf32, #tpu.memory_space<vmem>> -> memref<1x64x128xf32, #tpu.memory_space<vmem>>
      %dma_wait3A_99 = tpu.memref_squeeze %dma_wait3A_98 : memref<1x64x128xf32, #tpu.memory_space<vmem>> -> memref<64x128xf32, #tpu.memory_space<vmem>>
      %dma_wait3A_100 = arith.constant 0 : i32
      %dma_wait3A_101 = tpu.memref_slice %arg2[%dma_wait3A_100, %mul3A_94] : memref<64x1000000xf32, #tpu.memory_space<hbm>> -> memref<64x128xf32, #tpu.memory_space<hbm>>
      %dma_wait3A_102 = arith.constant 0 : i32
      %dma_wait3A_103 = arith.constant 0 : i32
      %dma_wait3A_104 = tpu.memref_slice %arg5[%dma_wait3A_95, %dma_wait3A_102, %dma_wait3A_103] : memref<2x64x128xf32, #tpu.memory_space<vmem>> -> memref<1x64x128xf32, #tpu.memory_space<vmem>>
      %dma_wait3A_105 = tpu.memref_squeeze %dma_wait3A_104 : memref<1x64x128xf32, #tpu.memory_space<vmem>> -> memref<64x128xf32, #tpu.memory_space<vmem>>
      %dma_wait3A_106 = arith.constant 0 : i32
      %dma_wait3A_107 = tpu.memref_slice %arg2[%dma_wait3A_106, %mul3A_94] : memref<64x1000000xf32, #tpu.memory_space<hbm>> -> memref<64x128xf32, #tpu.memory_space<hbm>>
      tpu.wait_dma2 semaphore(%arg8 : memref<!tpu.dma_semaphore, #tpu.memory_space<semaphore_mem>>) src(%dma_wait3A_107 : memref<64x128xf32, #tpu.memory_space<hbm>>) dst(%dma_wait3A_105 : memref<64x128xf32, #tpu.memory_space<vmem>>)
      %mul3A_108 = arith.constant 244 : i32
      %mul3A_109 = arith.muli %add3A, %mul3A_108 : i32
      %add3A_110 = arith.constant 2 : i32
      %add3A_111 = arith.addi %mul3A_109, %add3A_110 : i32
      %ge3A = arith.cmpi sge, %add3A_92, %add3A_111 : i32
      %convert_element_type3A_112 = arith.extui %ge3A : i1 to i32
      %cond3A_113 = arith.constant 0 : i32
      %cond3A_114 = arith.cmpi ne, %convert_element_type3A_112, %cond3A_113 : i32
      scf.if %cond3A_114 {
        %sub3A_206 = arith.constant 2 : i32
        %sub3A_207 = arith.subi %add3A_92, %sub3A_206 : i32
        %mul3A_208 = arith.constant 128 : i32
        %mul3A_209 = arith.muli %sub3A_207, %mul3A_208 : i32
        %dma_wait3A_210 = arith.constant 0 : i32
        %dma_wait3A_211 = arith.constant 0 : i32
        %dma_wait3A_212 = arith.constant 0 : i32
        %dma_wait3A_213 = tpu.memref_slice %arg7[%dma_wait3A_210, %dma_wait3A_211, %dma_wait3A_212] : memref<2x128x128xf32, #tpu.memory_space<vmem>> -> memref<1x128x128xf32, #tpu.memory_space<vmem>>
        %dma_wait3A_214 = tpu.memref_squeeze %dma_wait3A_213 : memref<1x128x128xf32, #tpu.memory_space<vmem>> -> memref<128x128xf32, #tpu.memory_space<vmem>>
        %dma_wait3A_215 = arith.constant 0 : i32
        %dma_wait3A_216 = tpu.memref_slice %arg4[%mul3A_209, %dma_wait3A_215] : memref<1000000x128xf32, #tpu.memory_space<hbm>> -> memref<128x128xf32, #tpu.memory_space<hbm>>
        %dma_wait3A_217 = arith.constant 0 : i32
        %dma_wait3A_218 = tpu.memref_slice %arg4[%mul3A_209, %dma_wait3A_217] : memref<1000000x128xf32, #tpu.memory_space<hbm>> -> memref<128x128xf32, #tpu.memory_space<hbm>>
        %dma_wait3A_219 = arith.constant 0 : i32
        %dma_wait3A_220 = arith.constant 0 : i32
        %dma_wait3A_221 = tpu.memref_slice %arg7[%dma_wait3A_210, %dma_wait3A_219, %dma_wait3A_220] : memref<2x128x128xf32, #tpu.memory_space<vmem>> -> memref<1x128x128xf32, #tpu.memory_space<vmem>>
        %dma_wait3A_222 = tpu.memref_squeeze %dma_wait3A_221 : memref<1x128x128xf32, #tpu.memory_space<vmem>> -> memref<128x128xf32, #tpu.memory_space<vmem>>
        tpu.wait_dma2 semaphore(%arg10 : memref<!tpu.dma_semaphore, #tpu.memory_space<semaphore_mem>>) src(%dma_wait3A_222 : memref<128x128xf32, #tpu.memory_space<vmem>>) dst(%dma_wait3A_218 : memref<128x128xf32, #tpu.memory_space<hbm>>)
      } else {
      }
      %parallel_loop3A_115 = arith.constant 0 : i32
      %parallel_loop3A_116 = arith.constant 512 : i32
      %parallel_loop3A_117 = arith.constant 1 : i32
      scf.for %parallel_loop3A_206 = %parallel_loop3A_115 to %parallel_loop3A_116 step %parallel_loop3A_117  : i32 {
        %parallel_loop3A_207 = arith.constant 3 : i32
        %parallel_loop3A_208 = arith.shrui %parallel_loop3A_206, %parallel_loop3A_207 : i32
        %parallel_loop3A_209 = arith.constant 7 : i32
        %parallel_loop3A_210 = arith.andi %parallel_loop3A_206, %parallel_loop3A_209 : i32
        %parallel_loop3A_211 = arith.constant 16 : i32
        %parallel_loop3A_212 = arith.muli %parallel_loop3A_210, %parallel_loop3A_211 : i32
        %parallel_loop3A_213 = arith.constant 0 : i32
        %parallel_loop3A_214 = arith.index_cast %parallel_loop3A_213 : i32 to index
        %parallel_loop3A_215 = arith.index_cast %parallel_loop3A_208 : i32 to index
        %parallel_loop3A_216 = arith.index_cast %parallel_loop3A_212 : i32 to index
        %parallel_loop3A_217 = tpu.vector_load %arg5[%parallel_loop3A_214, %parallel_loop3A_215, %parallel_loop3A_216] {strides = array<i32>} : memref<2x64x128xf32, #tpu.memory_space<vmem>>, vector<16xf32>,
        %parallel_loop3A_218 = arith.constant 2192 : i32
        %parallel_loop3A_219 = arith.muli %parallel_loop3A_210, %parallel_loop3A_218 : i32
        %parallel_loop3A_220 = arith.addi %parallel_loop3A_219, %parallel_loop3A_208 : i32
        %parallel_loop3A_221 = vector.broadcast %parallel_loop3A_220 : i32 to vector<16xi32>
        %parallel_loop3A_222 = arith.addi %mul3A_4, %parallel_loop3A_221 : vector<16xi32>
        tpu.vector_store_idx %arg6[%parallel_loop3A_222], %parallel_loop3A_217 : memref<17536xf32, #tpu.memory_space<vmem>>[vector<16xi32>], vector<16xf32>,
      } {sc.loop_unroll_factor = 4 : i64, sc.parallel_access}
      %parallel_loop3A_118 = arith.constant 0 : i32
      %parallel_loop3A_119 = arith.constant 512 : i32
      %parallel_loop3A_120 = arith.constant 1 : i32
      scf.for %parallel_loop3A_206 = %parallel_loop3A_118 to %parallel_loop3A_119 step %parallel_loop3A_120  : i32 {
        %parallel_loop3A_207 = arith.constant 2 : i32
        %parallel_loop3A_208 = arith.shrui %parallel_loop3A_206, %parallel_loop3A_207 : i32
        %parallel_loop3A_209 = arith.constant 3 : i32
        %parallel_loop3A_210 = arith.andi %parallel_loop3A_206, %parallel_loop3A_209 : i32
        %parallel_loop3A_211 = arith.constant 137 : i32
        %parallel_loop3A_212 = arith.muli %parallel_loop3A_208, %parallel_loop3A_211 : i32
        %parallel_loop3A_213 = arith.constant 16 : i32
        %parallel_loop3A_214 = arith.muli %parallel_loop3A_210, %parallel_loop3A_213 : i32
        %parallel_loop3A_215 = arith.addi %parallel_loop3A_212, %parallel_loop3A_214 : i32
        %parallel_loop3A_216 = arith.index_cast %parallel_loop3A_215 : i32 to index
        %parallel_loop3A_217 = tpu.vector_load %arg6[%parallel_loop3A_216] {strides = array<i32>} : memref<17536xf32, #tpu.memory_space<vmem>>, vector<16xf32>,
        %parallel_loop3A_218 = arith.constant 16 : i32
        %parallel_loop3A_219 = arith.muli %parallel_loop3A_210, %parallel_loop3A_218 : i32
        %parallel_loop3A_220 = arith.constant 0 : i32
        %parallel_loop3A_221 = arith.index_cast %parallel_loop3A_220 : i32 to index
        %parallel_loop3A_222 = arith.index_cast %parallel_loop3A_208 : i32 to index
        %parallel_loop3A_223 = arith.index_cast %parallel_loop3A_219 : i32 to index
        %parallel_loop3A_224 = tpu.vector_load %arg7[%parallel_loop3A_221, %parallel_loop3A_222, %parallel_loop3A_223] {strides = array<i32>} : memref<2x128x128xf32, #tpu.memory_space<vmem>>, vector<16xf32>,
        tpu.vector_store %arg7[%parallel_loop3A_221, %parallel_loop3A_222, %parallel_loop3A_223], %parallel_loop3A_217 {strides = array<i32>} : memref<2x128x128xf32, #tpu.memory_space<vmem>>, vector<16xf32>,
      } {sc.loop_unroll_factor = 8 : i64, sc.parallel_access}
      %mul3A_121 = arith.constant 128 : i32
      %mul3A_122 = arith.muli %add3A_92, %mul3A_121 : i32
      %dma_start3A_123 = arith.constant 0 : i32
      %dma_start3A_124 = arith.constant 0 : i32
      %dma_start3A_125 = arith.constant 0 : i32
      %dma_start3A_126 = tpu.memref_slice %arg7[%dma_start3A_123, %dma_start3A_124, %dma_start3A_125] : memref<2x128x128xf32, #tpu.memory_space<vmem>> -> memref<1x128x128xf32, #tpu.memory_space<vmem>>
      %dma_start3A_127 = tpu.memref_squeeze %dma_start3A_126 : memref<1x128x128xf32, #tpu.memory_space<vmem>> -> memref<128x128xf32, #tpu.memory_space<vmem>>
      %dma_start3A_128 = arith.constant 0 : i32
      %dma_start3A_129 = tpu.memref_slice %arg4[%mul3A_122, %dma_start3A_128] : memref<1000000x128xf32, #tpu.memory_space<hbm>> -> memref<128x128xf32, #tpu.memory_space<hbm>>
      %dma_start3A_130 = arith.constant 0 : i32
      %dma_start3A_131 = tpu.memref_slice %arg4[%mul3A_122, %dma_start3A_130] : memref<1000000x128xf32, #tpu.memory_space<hbm>> -> memref<128x128xf32, #tpu.memory_space<hbm>>
      %dma_start3A_132 = arith.constant 0 : i32
      %dma_start3A_133 = arith.constant 0 : i32
      %dma_start3A_134 = tpu.memref_slice %arg7[%dma_start3A_123, %dma_start3A_132, %dma_start3A_133] : memref<2x128x128xf32, #tpu.memory_space<vmem>> -> memref<1x128x128xf32, #tpu.memory_space<vmem>>
      %dma_start3A_135 = tpu.memref_squeeze %dma_start3A_134 : memref<1x128x128xf32, #tpu.memory_space<vmem>> -> memref<128x128xf32, #tpu.memory_space<vmem>>
      tpu.enqueue_dma source(%dma_start3A_135 : memref<128x128xf32, #tpu.memory_space<vmem>>) target(%dma_start3A_131 : memref<128x128xf32, #tpu.memory_space<hbm>>) target_semaphore(%arg10 : memref<!tpu.dma_semaphore, #tpu.memory_space<semaphore_mem>>)
      %add3A_136 = arith.constant 2 : i32
      %add3A_137 = arith.addi %add3A_92, %add3A_136 : i32
      %mul3A_138 = arith.constant 244 : i32
      %mul3A_139 = arith.muli %add3A, %mul3A_138 : i32
      %add3A_140 = arith.constant 244 : i32
      %add3A_141 = arith.addi %mul3A_139, %add3A_140 : i32
      %lt3A_142 = arith.cmpi slt, %add3A_137, %add3A_141 : i32
      %convert_element_type3A_143 = arith.extui %lt3A_142 : i1 to i32
      %cond3A_144 = arith.constant 0 : i32
      %cond3A_145 = arith.cmpi ne, %convert_element_type3A_143, %cond3A_144 : i32
      scf.if %cond3A_145 {
        %add3A_206 = arith.constant 2 : i32
        %add3A_207 = arith.addi %add3A_92, %add3A_206 : i32
        %mul3A_208 = arith.constant 128 : i32
        %mul3A_209 = arith.muli %add3A_207, %mul3A_208 : i32
        %dma_start3A_210 = arith.constant 0 : i32
        %dma_start3A_211 = arith.constant 0 : i32
        %dma_start3A_212 = arith.constant 0 : i32
        %dma_start3A_213 = tpu.memref_slice %arg5[%dma_start3A_210, %dma_start3A_211, %dma_start3A_212] : memref<2x64x128xf32, #tpu.memory_space<vmem>> -> memref<1x64x128xf32, #tpu.memory_space<vmem>>
        %dma_start3A_214 = tpu.memref_squeeze %dma_start3A_213 : memref<1x64x128xf32, #tpu.memory_space<vmem>> -> memref<64x128xf32, #tpu.memory_space<vmem>>
        %dma_start3A_215 = arith.constant 0 : i32
        %dma_start3A_216 = tpu.memref_slice %arg2[%dma_start3A_215, %mul3A_209] : memref<64x1000000xf32, #tpu.memory_space<hbm>> -> memref<64x128xf32, #tpu.memory_space<hbm>>
        %dma_start3A_217 = arith.constant 0 : i32
        %dma_start3A_218 = arith.constant 0 : i32
        %dma_start3A_219 = tpu.memref_slice %arg5[%dma_start3A_210, %dma_start3A_217, %dma_start3A_218] : memref<2x64x128xf32, #tpu.memory_space<vmem>> -> memref<1x64x128xf32, #tpu.memory_space<vmem>>
        %dma_start3A_220 = tpu.memref_squeeze %dma_start3A_219 : memref<1x64x128xf32, #tpu.memory_space<vmem>> -> memref<64x128xf32, #tpu.memory_space<vmem>>
        %dma_start3A_221 = arith.constant 0 : i32
        %dma_start3A_222 = tpu.memref_slice %arg2[%dma_start3A_221, %mul3A_209] : memref<64x1000000xf32, #tpu.memory_space<hbm>> -> memref<64x128xf32, #tpu.memory_space<hbm>>
        tpu.enqueue_dma source(%dma_start3A_222 : memref<64x128xf32, #tpu.memory_space<hbm>>) target(%dma_start3A_220 : memref<64x128xf32, #tpu.memory_space<vmem>>) target_semaphore(%arg8 : memref<!tpu.dma_semaphore, #tpu.memory_space<semaphore_mem>>)
      } else {
      }
      %mul3A_146 = arith.constant 2 : i32
      %mul3A_147 = arith.muli %mul3A_146, %scan3A_88 : i32
      %add3A_148 = arith.addi %mul3A_8, %mul3A_147 : i32
      %add3A_149 = arith.constant 1 : i32
      %add3A_150 = arith.addi %add3A_148, %add3A_149 : i32
      %mul3A_151 = arith.constant 128 : i32
      %mul3A_152 = arith.muli %add3A_150, %mul3A_151 : i32
      %dma_wait3A_153 = arith.constant 1 : i32
      %dma_wait3A_154 = arith.constant 0 : i32
      %dma_wait3A_155 = arith.constant 0 : i32
      %dma_wait3A_156 = tpu.memref_slice %arg5[%dma_wait3A_153, %dma_wait3A_154, %dma_wait3A_155] : memref<2x64x128xf32, #tpu.memory_space<vmem>> -> memref<1x64x128xf32, #tpu.memory_space<vmem>>
      %dma_wait3A_157 = tpu.memref_squeeze %dma_wait3A_156 : memref<1x64x128xf32, #tpu.memory_space<vmem>> -> memref<64x128xf32, #tpu.memory_space<vmem>>
      %dma_wait3A_158 = arith.constant 0 : i32
      %dma_wait3A_159 = tpu.memref_slice %arg2[%dma_wait3A_158, %mul3A_152] : memref<64x1000000xf32, #tpu.memory_space<hbm>> -> memref<64x128xf32, #tpu.memory_space<hbm>>
      %dma_wait3A_160 = arith.constant 0 : i32
      %dma_wait3A_161 = arith.constant 0 : i32
      %dma_wait3A_162 = tpu.memref_slice %arg5[%dma_wait3A_153, %dma_wait3A_160, %dma_wait3A_161] : memref<2x64x128xf32, #tpu.memory_space<vmem>> -> memref<1x64x128xf32, #tpu.memory_space<vmem>>
      %dma_wait3A_163 = tpu.memref_squeeze %dma_wait3A_162 : memref<1x64x128xf32, #tpu.memory_space<vmem>> -> memref<64x128xf32, #tpu.memory_space<vmem>>
      %dma_wait3A_164 = arith.constant 0 : i32
      %dma_wait3A_165 = tpu.memref_slice %arg2[%dma_wait3A_164, %mul3A_152] : memref<64x1000000xf32, #tpu.memory_space<hbm>> -> memref<64x128xf32, #tpu.memory_space<hbm>>
      tpu.wait_dma2 semaphore(%arg9 : memref<!tpu.dma_semaphore, #tpu.memory_space<semaphore_mem>>) src(%dma_wait3A_165 : memref<64x128xf32, #tpu.memory_space<hbm>>) dst(%dma_wait3A_163 : memref<64x128xf32, #tpu.memory_space<vmem>>)
      %mul3A_166 = arith.constant 244 : i32
      %mul3A_167 = arith.muli %add3A, %mul3A_166 : i32
      %add3A_168 = arith.constant 2 : i32
      %add3A_169 = arith.addi %mul3A_167, %add3A_168 : i32
      %ge3A_170 = arith.cmpi sge, %add3A_150, %add3A_169 : i32
      %convert_element_type3A_171 = arith.extui %ge3A_170 : i1 to i32
      %cond3A_172 = arith.constant 0 : i32
      %cond3A_173 = arith.cmpi ne, %convert_element_type3A_171, %cond3A_172 : i32
      scf.if %cond3A_173 {
        %sub3A_206 = arith.constant 2 : i32
        %sub3A_207 = arith.subi %add3A_150, %sub3A_206 : i32
        %mul3A_208 = arith.constant 128 : i32
        %mul3A_209 = arith.muli %sub3A_207, %mul3A_208 : i32
        %dma_wait3A_210 = arith.constant 1 : i32
        %dma_wait3A_211 = arith.constant 0 : i32
        %dma_wait3A_212 = arith.constant 0 : i32
        %dma_wait3A_213 = tpu.memref_slice %arg7[%dma_wait3A_210, %dma_wait3A_211, %dma_wait3A_212] : memref<2x128x128xf32, #tpu.memory_space<vmem>> -> memref<1x128x128xf32, #tpu.memory_space<vmem>>
        %dma_wait3A_214 = tpu.memref_squeeze %dma_wait3A_213 : memref<1x128x128xf32, #tpu.memory_space<vmem>> -> memref<128x128xf32, #tpu.memory_space<vmem>>
        %dma_wait3A_215 = arith.constant 0 : i32
        %dma_wait3A_216 = tpu.memref_slice %arg4[%mul3A_209, %dma_wait3A_215] : memref<1000000x128xf32, #tpu.memory_space<hbm>> -> memref<128x128xf32, #tpu.memory_space<hbm>>
        %dma_wait3A_217 = arith.constant 0 : i32
        %dma_wait3A_218 = tpu.memref_slice %arg4[%mul3A_209, %dma_wait3A_217] : memref<1000000x128xf32, #tpu.memory_space<hbm>> -> memref<128x128xf32, #tpu.memory_space<hbm>>
        %dma_wait3A_219 = arith.constant 0 : i32
        %dma_wait3A_220 = arith.constant 0 : i32
        %dma_wait3A_221 = tpu.memref_slice %arg7[%dma_wait3A_210, %dma_wait3A_219, %dma_wait3A_220] : memref<2x128x128xf32, #tpu.memory_space<vmem>> -> memref<1x128x128xf32, #tpu.memory_space<vmem>>
        %dma_wait3A_222 = tpu.memref_squeeze %dma_wait3A_221 : memref<1x128x128xf32, #tpu.memory_space<vmem>> -> memref<128x128xf32, #tpu.memory_space<vmem>>
        tpu.wait_dma2 semaphore(%arg11 : memref<!tpu.dma_semaphore, #tpu.memory_space<semaphore_mem>>) src(%dma_wait3A_222 : memref<128x128xf32, #tpu.memory_space<vmem>>) dst(%dma_wait3A_218 : memref<128x128xf32, #tpu.memory_space<hbm>>)
      } else {
      }
      %parallel_loop3A_174 = arith.constant 0 : i32
      %parallel_loop3A_175 = arith.constant 512 : i32
      %parallel_loop3A_176 = arith.constant 1 : i32
      scf.for %parallel_loop3A_206 = %parallel_loop3A_174 to %parallel_loop3A_175 step %parallel_loop3A_176  : i32 {
        %parallel_loop3A_207 = arith.constant 3 : i32
        %parallel_loop3A_208 = arith.shrui %parallel_loop3A_206, %parallel_loop3A_207 : i32
        %parallel_loop3A_209 = arith.constant 7 : i32
        %parallel_loop3A_210 = arith.andi %parallel_loop3A_206, %parallel_loop3A_209 : i32
        %parallel_loop3A_211 = arith.constant 16 : i32
        %parallel_loop3A_212 = arith.muli %parallel_loop3A_210, %parallel_loop3A_211 : i32
        %parallel_loop3A_213 = arith.constant 1 : i32
        %parallel_loop3A_214 = arith.index_cast %parallel_loop3A_213 : i32 to index
        %parallel_loop3A_215 = arith.index_cast %parallel_loop3A_208 : i32 to index
        %parallel_loop3A_216 = arith.index_cast %parallel_loop3A_212 : i32 to index
        %parallel_loop3A_217 = tpu.vector_load %arg5[%parallel_loop3A_214, %parallel_loop3A_215, %parallel_loop3A_216] {strides = array<i32>} : memref<2x64x128xf32, #tpu.memory_space<vmem>>, vector<16xf32>,
        %parallel_loop3A_218 = arith.constant 2192 : i32
        %parallel_loop3A_219 = arith.muli %parallel_loop3A_210, %parallel_loop3A_218 : i32
        %parallel_loop3A_220 = arith.addi %parallel_loop3A_219, %parallel_loop3A_208 : i32
        %parallel_loop3A_221 = vector.broadcast %parallel_loop3A_220 : i32 to vector<16xi32>
        %parallel_loop3A_222 = arith.addi %mul3A_4, %parallel_loop3A_221 : vector<16xi32>
        tpu.vector_store_idx %arg6[%parallel_loop3A_222], %parallel_loop3A_217 : memref<17536xf32, #tpu.memory_space<vmem>>[vector<16xi32>], vector<16xf32>,
      } {sc.loop_unroll_factor = 4 : i64, sc.parallel_access}
      %parallel_loop3A_177 = arith.constant 0 : i32
      %parallel_loop3A_178 = arith.constant 512 : i32
      %parallel_loop3A_179 = arith.constant 1 : i32
      scf.for %parallel_loop3A_206 = %parallel_loop3A_177 to %parallel_loop3A_178 step %parallel_loop3A_179  : i32 {
        %parallel_loop3A_207 = arith.constant 2 : i32
        %parallel_loop3A_208 = arith.shrui %parallel_loop3A_206, %parallel_loop3A_207 : i32
        %parallel_loop3A_209 = arith.constant 3 : i32
        %parallel_loop3A_210 = arith.andi %parallel_loop3A_206, %parallel_loop3A_209 : i32
        %parallel_loop3A_211 = arith.constant 137 : i32
        %parallel_loop3A_212 = arith.muli %parallel_loop3A_208, %parallel_loop3A_211 : i32
        %parallel_loop3A_213 = arith.constant 16 : i32
        %parallel_loop3A_214 = arith.muli %parallel_loop3A_210, %parallel_loop3A_213 : i32
        %parallel_loop3A_215 = arith.addi %parallel_loop3A_212, %parallel_loop3A_214 : i32
        %parallel_loop3A_216 = arith.index_cast %parallel_loop3A_215 : i32 to index
        %parallel_loop3A_217 = tpu.vector_load %arg6[%parallel_loop3A_216] {strides = array<i32>} : memref<17536xf32, #tpu.memory_space<vmem>>, vector<16xf32>,
        %parallel_loop3A_218 = arith.constant 16 : i32
        %parallel_loop3A_219 = arith.muli %parallel_loop3A_210, %parallel_loop3A_218 : i32
        %parallel_loop3A_220 = arith.constant 1 : i32
        %parallel_loop3A_221 = arith.index_cast %parallel_loop3A_220 : i32 to index
        %parallel_loop3A_222 = arith.index_cast %parallel_loop3A_208 : i32 to index
        %parallel_loop3A_223 = arith.index_cast %parallel_loop3A_219 : i32 to index
        %parallel_loop3A_224 = tpu.vector_load %arg7[%parallel_loop3A_221, %parallel_loop3A_222, %parallel_loop3A_223] {strides = array<i32>} : memref<2x128x128xf32, #tpu.memory_space<vmem>>, vector<16xf32>,
        tpu.vector_store %arg7[%parallel_loop3A_221, %parallel_loop3A_222, %parallel_loop3A_223], %parallel_loop3A_217 {strides = array<i32>} : memref<2x128x128xf32, #tpu.memory_space<vmem>>, vector<16xf32>,
      } {sc.loop_unroll_factor = 8 : i64, sc.parallel_access}
      %mul3A_180 = arith.constant 128 : i32
      %mul3A_181 = arith.muli %add3A_150, %mul3A_180 : i32
      %dma_start3A_182 = arith.constant 1 : i32
      %dma_start3A_183 = arith.constant 0 : i32
      %dma_start3A_184 = arith.constant 0 : i32
      %dma_start3A_185 = tpu.memref_slice %arg7[%dma_start3A_182, %dma_start3A_183, %dma_start3A_184] : memref<2x128x128xf32, #tpu.memory_space<vmem>> -> memref<1x128x128xf32, #tpu.memory_space<vmem>>
      %dma_start3A_186 = tpu.memref_squeeze %dma_start3A_185 : memref<1x128x128xf32, #tpu.memory_space<vmem>> -> memref<128x128xf32, #tpu.memory_space<vmem>>
      %dma_start3A_187 = arith.constant 0 : i32
      %dma_start3A_188 = tpu.memref_slice %arg4[%mul3A_181, %dma_start3A_187] : memref<1000000x128xf32, #tpu.memory_space<hbm>> -> memref<128x128xf32, #tpu.memory_space<hbm>>
      %dma_start3A_189 = arith.constant 0 : i32
      %dma_start3A_190 = tpu.memref_slice %arg4[%mul3A_181, %dma_start3A_189] : memref<1000000x128xf32, #tpu.memory_space<hbm>> -> memref<128x128xf32, #tpu.memory_space<hbm>>
      %dma_start3A_191 = arith.constant 0 : i32
      %dma_start3A_192 = arith.constant 0 : i32
      %dma_start3A_193 = tpu.memref_slice %arg7[%dma_start3A_182, %dma_start3A_191, %dma_start3A_192] : memref<2x128x128xf32, #tpu.memory_space<vmem>> -> memref<1x128x128xf32, #tpu.memory_space<vmem>>
      %dma_start3A_194 = tpu.memref_squeeze %dma_start3A_193 : memref<1x128x128xf32, #tpu.memory_space<vmem>> -> memref<128x128xf32, #tpu.memory_space<vmem>>
      tpu.enqueue_dma source(%dma_start3A_194 : memref<128x128xf32, #tpu.memory_space<vmem>>) target(%dma_start3A_190 : memref<128x128xf32, #tpu.memory_space<hbm>>) target_semaphore(%arg11 : memref<!tpu.dma_semaphore, #tpu.memory_space<semaphore_mem>>)
      %add3A_195 = arith.constant 2 : i32
      %add3A_196 = arith.addi %add3A_150, %add3A_195 : i32
      %mul3A_197 = arith.constant 244 : i32
      %mul3A_198 = arith.muli %add3A, %mul3A_197 : i32
      %add3A_199 = arith.constant 244 : i32
      %add3A_200 = arith.addi %mul3A_198, %add3A_199 : i32
      %lt3A_201 = arith.cmpi slt, %add3A_196, %add3A_200 : i32
      %convert_element_type3A_202 = arith.extui %lt3A_201 : i1 to i32
      %cond3A_203 = arith.constant 0 : i32
      %cond3A_204 = arith.cmpi ne, %convert_element_type3A_202, %cond3A_203 : i32
      scf.if %cond3A_204 {
        %add3A_206 = arith.constant 2 : i32
        %add3A_207 = arith.addi %add3A_150, %add3A_206 : i32
        %mul3A_208 = arith.constant 128 : i32
        %mul3A_209 = arith.muli %add3A_207, %mul3A_208 : i32
        %dma_start3A_210 = arith.constant 1 : i32
        %dma_start3A_211 = arith.constant 0 : i32
        %dma_start3A_212 = arith.constant 0 : i32
        %dma_start3A_213 = tpu.memref_slice %arg5[%dma_start3A_210, %dma_start3A_211, %dma_start3A_212] : memref<2x64x128xf32, #tpu.memory_space<vmem>> -> memref<1x64x128xf32, #tpu.memory_space<vmem>>
        %dma_start3A_214 = tpu.memref_squeeze %dma_start3A_213 : memref<1x64x128xf32, #tpu.memory_space<vmem>> -> memref<64x128xf32, #tpu.memory_space<vmem>>
        %dma_start3A_215 = arith.constant 0 : i32
        %dma_start3A_216 = tpu.memref_slice %arg2[%dma_start3A_215, %mul3A_209] : memref<64x1000000xf32, #tpu.memory_space<hbm>> -> memref<64x128xf32, #tpu.memory_space<hbm>>
        %dma_start3A_217 = arith.constant 0 : i32
        %dma_start3A_218 = arith.constant 0 : i32
        %dma_start3A_219 = tpu.memref_slice %arg5[%dma_start3A_210, %dma_start3A_217, %dma_start3A_218] : memref<2x64x128xf32, #tpu.memory_space<vmem>> -> memref<1x64x128xf32, #tpu.memory_space<vmem>>
        %dma_start3A_220 = tpu.memref_squeeze %dma_start3A_219 : memref<1x64x128xf32, #tpu.memory_space<vmem>> -> memref<64x128xf32, #tpu.memory_space<vmem>>
        %dma_start3A_221 = arith.constant 0 : i32
        %dma_start3A_222 = tpu.memref_slice %arg2[%dma_start3A_221, %mul3A_209] : memref<64x1000000xf32, #tpu.memory_space<hbm>> -> memref<64x128xf32, #tpu.memory_space<hbm>>
        tpu.enqueue_dma source(%dma_start3A_222 : memref<64x128xf32, #tpu.memory_space<hbm>>) target(%dma_start3A_220 : memref<64x128xf32, #tpu.memory_space<vmem>>) target_semaphore(%arg9 : memref<!tpu.dma_semaphore, #tpu.memory_space<semaphore_mem>>)
      } else {
      }
      %scan3A_205 = arith.constant 0 : i32
      scf.yield %scan3A_205 : i32
    }
    %scan3A_45 = arith.constant 122 : i32
    %add3A_46 = arith.constant 244 : i32
    %add3A_47 = arith.addi %mul3A_8, %add3A_46 : i32
    %sub3A = arith.constant 2 : i32
    %sub3A_48 = arith.subi %add3A_47, %sub3A : i32
    %mul3A_49 = arith.constant 128 : i32
    %mul3A_50 = arith.muli %sub3A_48, %mul3A_49 : i32
    %dma_wait3A = arith.constant 0 : i32
    %dma_wait3A_51 = arith.constant 0 : i32
    %dma_wait3A_52 = arith.constant 0 : i32
    %dma_wait3A_53 = tpu.memref_slice %arg7[%dma_wait3A, %dma_wait3A_51, %dma_wait3A_52] : memref<2x128x128xf32, #tpu.memory_space<vmem>> -> memref<1x128x128xf32, #tpu.memory_space<vmem>>
    %dma_wait3A_54 = tpu.memref_squeeze %dma_wait3A_53 : memref<1x128x128xf32, #tpu.memory_space<vmem>> -> memref<128x128xf32, #tpu.memory_space<vmem>>
    %dma_wait3A_55 = arith.constant 0 : i32
    %dma_wait3A_56 = tpu.memref_slice %arg4[%mul3A_50, %dma_wait3A_55] : memref<1000000x128xf32, #tpu.memory_space<hbm>> -> memref<128x128xf32, #tpu.memory_space<hbm>>
    %dma_wait3A_57 = arith.constant 0 : i32
    %dma_wait3A_58 = tpu.memref_slice %arg4[%mul3A_50, %dma_wait3A_57] : memref<1000000x128xf32, #tpu.memory_space<hbm>> -> memref<128x128xf32, #tpu.memory_space<hbm>>
    %dma_wait3A_59 = arith.constant 0 : i32
    %dma_wait3A_60 = arith.constant 0 : i32
    %dma_wait3A_61 = tpu.memref_slice %arg7[%dma_wait3A, %dma_wait3A_59, %dma_wait3A_60] : memref<2x128x128xf32, #tpu.memory_space<vmem>> -> memref<1x128x128xf32, #tpu.memory_space<vmem>>
    %dma_wait3A_62 = tpu.memref_squeeze %dma_wait3A_61 : memref<1x128x128xf32, #tpu.memory_space<vmem>> -> memref<128x128xf32, #tpu.memory_space<vmem>>
    tpu.wait_dma2 semaphore(%arg10 : memref<!tpu.dma_semaphore, #tpu.memory_space<semaphore_mem>>) src(%dma_wait3A_62 : memref<128x128xf32, #tpu.memory_space<vmem>>) dst(%dma_wait3A_58 : memref<128x128xf32, #tpu.memory_space<hbm>>)
    %add3A_63 = arith.constant 244 : i32
    %add3A_64 = arith.addi %mul3A_8, %add3A_63 : i32
    %sub3A_65 = arith.constant 1 : i32
    %sub3A_66 = arith.subi %add3A_64, %sub3A_65 : i32
    %mul3A_67 = arith.constant 128 : i32
    %mul3A_68 = arith.muli %sub3A_66, %mul3A_67 : i32
    %dma_wait3A_69 = arith.constant 1 : i32
    %dma_wait3A_70 = arith.constant 0 : i32
    %dma_wait3A_71 = arith.constant 0 : i32
    %dma_wait3A_72 = tpu.memref_slice %arg7[%dma_wait3A_69, %dma_wait3A_70, %dma_wait3A_71] : memref<2x128x128xf32, #tpu.memory_space<vmem>> -> memref<1x128x128xf32, #tpu.memory_space<vmem>>
    %dma_wait3A_73 = tpu.memref_squeeze %dma_wait3A_72 : memref<1x128x128xf32, #tpu.memory_space<vmem>> -> memref<128x128xf32, #tpu.memory_space<vmem>>
    %dma_wait3A_74 = arith.constant 0 : i32
    %dma_wait3A_75 = tpu.memref_slice %arg4[%mul3A_68, %dma_wait3A_74] : memref<1000000x128xf32, #tpu.memory_space<hbm>> -> memref<128x128xf32, #tpu.memory_space<hbm>>
    %dma_wait3A_76 = arith.constant 0 : i32
    %dma_wait3A_77 = tpu.memref_slice %arg4[%mul3A_68, %dma_wait3A_76] : memref<1000000x128xf32, #tpu.memory_space<hbm>> -> memref<128x128xf32, #tpu.memory_space<hbm>>
    %dma_wait3A_78 = arith.constant 0 : i32
    %dma_wait3A_79 = arith.constant 0 : i32
    %dma_wait3A_80 = tpu.memref_slice %arg7[%dma_wait3A_69, %dma_wait3A_78, %dma_wait3A_79] : memref<2x128x128xf32, #tpu.memory_space<vmem>> -> memref<1x128x128xf32, #tpu.memory_space<vmem>>
    %dma_wait3A_81 = tpu.memref_squeeze %dma_wait3A_80 : memref<1x128x128xf32, #tpu.memory_space<vmem>> -> memref<128x128xf32, #tpu.memory_space<vmem>>
    tpu.wait_dma2 semaphore(%arg11 : memref<!tpu.dma_semaphore, #tpu.memory_space<semaphore_mem>>) src(%dma_wait3A_81 : memref<128x128xf32, #tpu.memory_space<vmem>>) dst(%dma_wait3A_77 : memref<128x128xf32, #tpu.memory_space<hbm>>)
    %lt3A = arith.constant 4 : i32
    %lt3A_82 = arith.cmpi slt, %add3A, %lt3A : i32
    %convert_element_type3A = arith.extui %lt3A_82 : i1 to i32
    %cond3A = arith.constant 0 : i32
    %cond3A_83 = arith.cmpi ne, %convert_element_type3A, %cond3A : i32
    scf.if %cond3A_83 {
      %add3A_88 = arith.constant 7808 : i32
      %add3A_89 = arith.addi %add3A_88, %add3A : i32
      %mul3A_90 = arith.constant 128 : i32
      %mul3A_91 = arith.muli %add3A_89, %mul3A_90 : i32
      %run_scoped3A = arith.constant 0 : i32
      "tpu.region"() ({
        %run_scoped3A_101 = tpu.sem_alloc : memref<!tpu.dma_semaphore, #tpu.memory_space<semaphore_mem>>
        %dma_start3A_102 = arith.constant 0 : i32
        %dma_start3A_103 = arith.constant 0 : i32
        %dma_start3A_104 = tpu.memref_slice %arg5[%run_scoped3A, %dma_start3A_102, %dma_start3A_103] : memref<2x64x128xf32, #tpu.memory_space<vmem>> -> memref<1x64x128xf32, #tpu.memory_space<vmem>>
        %dma_start3A_105 = tpu.memref_squeeze %dma_start3A_104 : memref<1x64x128xf32, #tpu.memory_space<vmem>> -> memref<64x128xf32, #tpu.memory_space<vmem>>
        %dma_start3A_106 = arith.constant 0 : i32
        %dma_start3A_107 = tpu.memref_slice %arg2[%dma_start3A_106, %mul3A_91] : memref<64x1000000xf32, #tpu.memory_space<hbm>> -> memref<64x128xf32, #tpu.memory_space<hbm>>
        %dma_start3A_108 = arith.constant 0 : i32
        %dma_start3A_109 = arith.constant 0 : i32
        %dma_start3A_110 = tpu.memref_slice %arg5[%run_scoped3A, %dma_start3A_108, %dma_start3A_109] : memref<2x64x128xf32, #tpu.memory_space<vmem>> -> memref<1x64x128xf32, #tpu.memory_space<vmem>>
        %dma_start3A_111 = tpu.memref_squeeze %dma_start3A_110 : memref<1x64x128xf32, #tpu.memory_space<vmem>> -> memref<64x128xf32, #tpu.memory_space<vmem>>
        %dma_start3A_112 = arith.constant 0 : i32
        %dma_start3A_113 = tpu.memref_slice %arg2[%dma_start3A_112, %mul3A_91] : memref<64x1000000xf32, #tpu.memory_space<hbm>> -> memref<64x128xf32, #tpu.memory_space<hbm>>
        tpu.enqueue_dma source(%dma_start3A_113 : memref<64x128xf32, #tpu.memory_space<hbm>>) target(%dma_start3A_111 : memref<64x128xf32, #tpu.memory_space<vmem>>) target_semaphore(%run_scoped3A_101 : memref<!tpu.dma_semaphore, #tpu.memory_space<semaphore_mem>>)
        %dma_wait3A_114 = arith.constant 0 : i32
        %dma_wait3A_115 = arith.constant 0 : i32
        %dma_wait3A_116 = tpu.memref_slice %arg5[%run_scoped3A, %dma_wait3A_114, %dma_wait3A_115] : memref<2x64x128xf32, #tpu.memory_space<vmem>> -> memref<1x64x128xf32, #tpu.memory_space<vmem>>
        %dma_wait3A_117 = tpu.memref_squeeze %dma_wait3A_116 : memref<1x64x128xf32, #tpu.memory_space<vmem>> -> memref<64x128xf32, #tpu.memory_space<vmem>>
        %dma_wait3A_118 = arith.constant 0 : i32
        %dma_wait3A_119 = tpu.memref_slice %arg2[%dma_wait3A_118, %mul3A_91] : memref<64x1000000xf32, #tpu.memory_space<hbm>> -> memref<64x128xf32, #tpu.memory_space<hbm>>
        %dma_wait3A_120 = arith.constant 0 : i32
        %dma_wait3A_121 = arith.constant 0 : i32
        %dma_wait3A_122 = tpu.memref_slice %arg5[%run_scoped3A, %dma_wait3A_120, %dma_wait3A_121] : memref<2x64x128xf32, #tpu.memory_space<vmem>> -> memref<1x64x128xf32, #tpu.memory_space<vmem>>
        %dma_wait3A_123 = tpu.memref_squeeze %dma_wait3A_122 : memref<1x64x128xf32, #tpu.memory_space<vmem>> -> memref<64x128xf32, #tpu.memory_space<vmem>>
        %dma_wait3A_124 = arith.constant 0 : i32
        %dma_wait3A_125 = tpu.memref_slice %arg2[%dma_wait3A_124, %mul3A_91] : memref<64x1000000xf32, #tpu.memory_space<hbm>> -> memref<64x128xf32, #tpu.memory_space<hbm>>
        tpu.wait_dma2 semaphore(%run_scoped3A_101 : memref<!tpu.dma_semaphore, #tpu.memory_space<semaphore_mem>>) src(%dma_wait3A_125 : memref<64x128xf32, #tpu.memory_space<hbm>>) dst(%dma_wait3A_123 : memref<64x128xf32, #tpu.memory_space<vmem>>)
        tpu.yield
      }) : () -> ()
      %parallel_loop3A_92 = arith.constant 0 : i32
      %parallel_loop3A_93 = arith.constant 512 : i32
      %parallel_loop3A_94 = arith.constant 1 : i32
      scf.for %parallel_loop3A_101 = %parallel_loop3A_92 to %parallel_loop3A_93 step %parallel_loop3A_94  : i32 {
        %parallel_loop3A_102 = arith.constant 3 : i32
        %parallel_loop3A_103 = arith.shrui %parallel_loop3A_101, %parallel_loop3A_102 : i32
        %parallel_loop3A_104 = arith.constant 7 : i32
        %parallel_loop3A_105 = arith.andi %parallel_loop3A_101, %parallel_loop3A_104 : i32
        %parallel_loop3A_106 = arith.constant 16 : i32
        %parallel_loop3A_107 = arith.muli %parallel_loop3A_105, %parallel_loop3A_106 : i32
        %parallel_loop3A_108 = arith.constant 0 : i32
        %parallel_loop3A_109 = arith.index_cast %parallel_loop3A_108 : i32 to index
        %parallel_loop3A_110 = arith.index_cast %parallel_loop3A_103 : i32 to index
        %parallel_loop3A_111 = arith.index_cast %parallel_loop3A_107 : i32 to index
        %parallel_loop3A_112 = tpu.vector_load %arg5[%parallel_loop3A_109, %parallel_loop3A_110, %parallel_loop3A_111] {strides = array<i32>} : memref<2x64x128xf32, #tpu.memory_space<vmem>>, vector<16xf32>,
        %parallel_loop3A_113 = arith.constant 2192 : i32
        %parallel_loop3A_114 = arith.muli %parallel_loop3A_105, %parallel_loop3A_113 : i32
        %parallel_loop3A_115 = arith.addi %parallel_loop3A_114, %parallel_loop3A_103 : i32
        %parallel_loop3A_116 = vector.broadcast %parallel_loop3A_115 : i32 to vector<16xi32>
        %parallel_loop3A_117 = arith.addi %mul3A_4, %parallel_loop3A_116 : vector<16xi32>
        tpu.vector_store_idx %arg6[%parallel_loop3A_117], %parallel_loop3A_112 : memref<17536xf32, #tpu.memory_space<vmem>>[vector<16xi32>], vector<16xf32>,
      } {sc.loop_unroll_factor = 4 : i64, sc.parallel_access}
      %parallel_loop3A_95 = arith.constant 0 : i32
      %parallel_loop3A_96 = arith.constant 512 : i32
      %parallel_loop3A_97 = arith.constant 1 : i32
      scf.for %parallel_loop3A_101 = %parallel_loop3A_95 to %parallel_loop3A_96 step %parallel_loop3A_97  : i32 {
        %parallel_loop3A_102 = arith.constant 2 : i32
        %parallel_loop3A_103 = arith.shrui %parallel_loop3A_101, %parallel_loop3A_102 : i32
        %parallel_loop3A_104 = arith.constant 3 : i32
        %parallel_loop3A_105 = arith.andi %parallel_loop3A_101, %parallel_loop3A_104 : i32
        %parallel_loop3A_106 = arith.constant 137 : i32
        %parallel_loop3A_107 = arith.muli %parallel_loop3A_103, %parallel_loop3A_106 : i32
        %parallel_loop3A_108 = arith.constant 16 : i32
        %parallel_loop3A_109 = arith.muli %parallel_loop3A_105, %parallel_loop3A_108 : i32
        %parallel_loop3A_110 = arith.addi %parallel_loop3A_107, %parallel_loop3A_109 : i32
        %parallel_loop3A_111 = arith.index_cast %parallel_loop3A_110 : i32 to index
        %parallel_loop3A_112 = tpu.vector_load %arg6[%parallel_loop3A_111] {strides = array<i32>} : memref<17536xf32, #tpu.memory_space<vmem>>, vector<16xf32>,
        %parallel_loop3A_113 = arith.constant 16 : i32
        %parallel_loop3A_114 = arith.muli %parallel_loop3A_105, %parallel_loop3A_113 : i32
        %parallel_loop3A_115 = arith.constant 0 : i32
        %parallel_loop3A_116 = arith.index_cast %parallel_loop3A_115 : i32 to index
        %parallel_loop3A_117 = arith.index_cast %parallel_loop3A_103 : i32 to index
        %parallel_loop3A_118 = arith.index_cast %parallel_loop3A_114 : i32 to index
        %parallel_loop3A_119 = tpu.vector_load %arg7[%parallel_loop3A_116, %parallel_loop3A_117, %parallel_loop3A_118] {strides = array<i32>} : memref<2x128x128xf32, #tpu.memory_space<vmem>>, vector<16xf32>,
        tpu.vector_store %arg7[%parallel_loop3A_116, %parallel_loop3A_117, %parallel_loop3A_118], %parallel_loop3A_112 {strides = array<i32>} : memref<2x128x128xf32, #tpu.memory_space<vmem>>, vector<16xf32>,
      } {sc.loop_unroll_factor = 8 : i64, sc.parallel_access}
      %mul3A_98 = arith.constant 128 : i32
      %mul3A_99 = arith.muli %add3A_89, %mul3A_98 : i32
      %run_scoped3A_100 = arith.constant 0 : i32
      "tpu.region"() ({
        %run_scoped3A_101 = tpu.sem_alloc : memref<!tpu.dma_semaphore, #tpu.memory_space<semaphore_mem>>
        %dma_start3A_102 = arith.constant 0 : i32
        %dma_start3A_103 = arith.constant 0 : i32
        %dma_start3A_104 = tpu.memref_slice %arg7[%run_scoped3A_100, %dma_start3A_102, %dma_start3A_103] : memref<2x128x128xf32, #tpu.memory_space<vmem>> -> memref<1x128x128xf32, #tpu.memory_space<vmem>>
        %dma_start3A_105 = tpu.memref_squeeze %dma_start3A_104 : memref<1x128x128xf32, #tpu.memory_space<vmem>> -> memref<128x128xf32, #tpu.memory_space<vmem>>
        %dma_start3A_106 = arith.constant 0 : i32
        %dma_start3A_107 = tpu.memref_slice %arg4[%mul3A_99, %dma_start3A_106] : memref<1000000x128xf32, #tpu.memory_space<hbm>> -> memref<128x128xf32, #tpu.memory_space<hbm>>
        %dma_start3A_108 = arith.constant 0 : i32
        %dma_start3A_109 = tpu.memref_slice %arg4[%mul3A_99, %dma_start3A_108] : memref<1000000x128xf32, #tpu.memory_space<hbm>> -> memref<128x128xf32, #tpu.memory_space<hbm>>
        %dma_start3A_110 = arith.constant 0 : i32
        %dma_start3A_111 = arith.constant 0 : i32
        %dma_start3A_112 = tpu.memref_slice %arg7[%run_scoped3A_100, %dma_start3A_110, %dma_start3A_111] : memref<2x128x128xf32, #tpu.memory_space<vmem>> -> memref<1x128x128xf32, #tpu.memory_space<vmem>>
        %dma_start3A_113 = tpu.memref_squeeze %dma_start3A_112 : memref<1x128x128xf32, #tpu.memory_space<vmem>> -> memref<128x128xf32, #tpu.memory_space<vmem>>
        tpu.enqueue_dma source(%dma_start3A_113 : memref<128x128xf32, #tpu.memory_space<vmem>>) target(%dma_start3A_109 : memref<128x128xf32, #tpu.memory_space<hbm>>) target_semaphore(%run_scoped3A_101 : memref<!tpu.dma_semaphore, #tpu.memory_space<semaphore_mem>>)
        %dma_wait3A_114 = arith.constant 0 : i32
        %dma_wait3A_115 = arith.constant 0 : i32
        %dma_wait3A_116 = tpu.memref_slice %arg7[%run_scoped3A_100, %dma_wait3A_114, %dma_wait3A_115] : memref<2x128x128xf32, #tpu.memory_space<vmem>> -> memref<1x128x128xf32, #tpu.memory_space<vmem>>
        %dma_wait3A_117 = tpu.memref_squeeze %dma_wait3A_116 : memref<1x128x128xf32, #tpu.memory_space<vmem>> -> memref<128x128xf32, #tpu.memory_space<vmem>>
        %dma_wait3A_118 = arith.constant 0 : i32
        %dma_wait3A_119 = tpu.memref_slice %arg4[%mul3A_99, %dma_wait3A_118] : memref<1000000x128xf32, #tpu.memory_space<hbm>> -> memref<128x128xf32, #tpu.memory_space<hbm>>
        %dma_wait3A_120 = arith.constant 0 : i32
        %dma_wait3A_121 = tpu.memref_slice %arg4[%mul3A_99, %dma_wait3A_120] : memref<1000000x128xf32, #tpu.memory_space<hbm>> -> memref<128x128xf32, #tpu.memory_space<hbm>>
        %dma_wait3A_122 = arith.constant 0 : i32
        %dma_wait3A_123 = arith.constant 0 : i32
        %dma_wait3A_124 = tpu.memref_slice %arg7[%run_scoped3A_100, %dma_wait3A_122, %dma_wait3A_123] : memref<2x128x128xf32, #tpu.memory_space<vmem>> -> memref<1x128x128xf32, #tpu.memory_space<vmem>>
        %dma_wait3A_125 = tpu.memref_squeeze %dma_wait3A_124 : memref<1x128x128xf32, #tpu.memory_space<vmem>> -> memref<128x128xf32, #tpu.memory_space<vmem>>
        tpu.wait_dma2 semaphore(%run_scoped3A_101 : memref<!tpu.dma_semaphore, #tpu.memory_space<semaphore_mem>>) src(%dma_wait3A_125 : memref<128x128xf32, #tpu.memory_space<vmem>>) dst(%dma_wait3A_121 : memref<128x128xf32, #tpu.memory_space<hbm>>)
        tpu.yield
      }) : () -> ()
    } else {
    }
    %eq3A = arith.constant 4 : i32
    %eq3A_84 = arith.cmpi eq, %add3A, %eq3A : i32
    %convert_element_type3A_85 = arith.extui %eq3A_84 : i1 to i32
    %cond3A_86 = arith.constant 0 : i32
    %cond3A_87 = arith.cmpi ne, %convert_element_type3A_85, %cond3A_86 : i32
    scf.if %cond3A_87 {
      %run_scoped3A = arith.constant 1 : i32
      "tpu.region"() ({
        %run_scoped3A_89 = tpu.sem_alloc : memref<!tpu.dma_semaphore, #tpu.memory_space<semaphore_mem>>
        %dma_start3A_90 = arith.constant 0 : i32
        %dma_start3A_91 = arith.constant 0 : i32
        %dma_start3A_92 = tpu.memref_slice %arg7[%run_scoped3A, %dma_start3A_90, %dma_start3A_91] : memref<2x128x128xf32, #tpu.memory_space<vmem>> -> memref<1x128x128xf32, #tpu.memory_space<vmem>>
        %dma_start3A_93 = tpu.memref_squeeze %dma_start3A_92 : memref<1x128x128xf32, #tpu.memory_space<vmem>> -> memref<128x128xf32, #tpu.memory_space<vmem>>
        %dma_start3A_94 = arith.constant 0 : i32
        %dma_start3A_95 = arith.constant 0 : i32
        %dma_start3A_96 = tpu.memref_slice %dma_start3A_93[%dma_start3A_94, %dma_start3A_95] : memref<128x128xf32, #tpu.memory_space<vmem>> -> memref<64x128xf32, #tpu.memory_space<vmem>>
        %dma_start3A_97 = arith.constant 0 : i32
        %dma_start3A_98 = arith.constant 0 : i32
        %dma_start3A_99 = tpu.memref_slice %arg7[%run_scoped3A, %dma_start3A_97, %dma_start3A_98] : memref<2x128x128xf32, #tpu.memory_space<vmem>> -> memref<1x128x128xf32, #tpu.memory_space<vmem>>
        %dma_start3A_100 = tpu.memref_squeeze %dma_start3A_99 : memref<1x128x128xf32, #tpu.memory_space<vmem>> -> memref<128x128xf32, #tpu.memory_space<vmem>>
        %dma_start3A_101 = arith.constant 0 : i32
        %dma_start3A_102 = arith.constant 0 : i32
        %dma_start3A_103 = tpu.memref_slice %dma_start3A_100[%dma_start3A_101, %dma_start3A_102] : memref<128x128xf32, #tpu.memory_space<vmem>> -> memref<64x128xf32, #tpu.memory_space<vmem>>
        tpu.enqueue_dma source(%arg3 : memref<64x128xf32, #tpu.memory_space<hbm>>) target(%dma_start3A_103 : memref<64x128xf32, #tpu.memory_space<vmem>>) target_semaphore(%run_scoped3A_89 : memref<!tpu.dma_semaphore, #tpu.memory_space<semaphore_mem>>)
        %dma_wait3A_104 = arith.constant 0 : i32
        %dma_wait3A_105 = arith.constant 0 : i32
        %dma_wait3A_106 = tpu.memref_slice %arg7[%run_scoped3A, %dma_wait3A_104, %dma_wait3A_105] : memref<2x128x128xf32, #tpu.memory_space<vmem>> -> memref<1x128x128xf32, #tpu.memory_space<vmem>>
        %dma_wait3A_107 = tpu.memref_squeeze %dma_wait3A_106 : memref<1x128x128xf32, #tpu.memory_space<vmem>> -> memref<128x128xf32, #tpu.memory_space<vmem>>
        %dma_wait3A_108 = arith.constant 0 : i32
        %dma_wait3A_109 = arith.constant 0 : i32
        %dma_wait3A_110 = tpu.memref_slice %dma_wait3A_107[%dma_wait3A_108, %dma_wait3A_109] : memref<128x128xf32, #tpu.memory_space<vmem>> -> memref<64x128xf32, #tpu.memory_space<vmem>>
        %dma_wait3A_111 = arith.constant 0 : i32
        %dma_wait3A_112 = arith.constant 0 : i32
        %dma_wait3A_113 = tpu.memref_slice %arg7[%run_scoped3A, %dma_wait3A_111, %dma_wait3A_112] : memref<2x128x128xf32, #tpu.memory_space<vmem>> -> memref<1x128x128xf32, #tpu.memory_space<vmem>>
        %dma_wait3A_114 = tpu.memref_squeeze %dma_wait3A_113 : memref<1x128x128xf32, #tpu.memory_space<vmem>> -> memref<128x128xf32, #tpu.memory_space<vmem>>
        %dma_wait3A_115 = arith.constant 0 : i32
        %dma_wait3A_116 = arith.constant 0 : i32
        %dma_wait3A_117 = tpu.memref_slice %dma_wait3A_114[%dma_wait3A_115, %dma_wait3A_116] : memref<128x128xf32, #tpu.memory_space<vmem>> -> memref<64x128xf32, #tpu.memory_space<vmem>>
        tpu.wait_dma2 semaphore(%run_scoped3A_89 : memref<!tpu.dma_semaphore, #tpu.memory_space<semaphore_mem>>) src(%arg3 : memref<64x128xf32, #tpu.memory_space<hbm>>) dst(%dma_wait3A_117 : memref<64x128xf32, #tpu.memory_space<vmem>>)
        tpu.yield
      }) : () -> ()
      %run_scoped3A_88 = arith.constant 1 : i32
      "tpu.region"() ({
        %run_scoped3A_89 = tpu.sem_alloc : memref<!tpu.dma_semaphore, #tpu.memory_space<semaphore_mem>>
        %dma_start3A_90 = arith.constant 0 : i32
        %dma_start3A_91 = arith.constant 0 : i32
        %dma_start3A_92 = tpu.memref_slice %arg7[%run_scoped3A_88, %dma_start3A_90, %dma_start3A_91] : memref<2x128x128xf32, #tpu.memory_space<vmem>> -> memref<1x128x128xf32, #tpu.memory_space<vmem>>
        %dma_start3A_93 = tpu.memref_squeeze %dma_start3A_92 : memref<1x128x128xf32, #tpu.memory_space<vmem>> -> memref<128x128xf32, #tpu.memory_space<vmem>>
        %dma_start3A_94 = arith.constant 0 : i32
        %dma_start3A_95 = arith.constant 0 : i32
        %dma_start3A_96 = tpu.memref_slice %dma_start3A_93[%dma_start3A_94, %dma_start3A_95] : memref<128x128xf32, #tpu.memory_space<vmem>> -> memref<64x128xf32, #tpu.memory_space<vmem>>
        %dma_start3A_97 = arith.constant 999936 : i32
        %dma_start3A_98 = arith.constant 0 : i32
        %dma_start3A_99 = tpu.memref_slice %arg4[%dma_start3A_97, %dma_start3A_98] : memref<1000000x128xf32, #tpu.memory_space<hbm>> -> memref<64x128xf32, #tpu.memory_space<hbm>>
        %dma_start3A_100 = arith.constant 999936 : i32
        %dma_start3A_101 = arith.constant 0 : i32
        %dma_start3A_102 = tpu.memref_slice %arg4[%dma_start3A_100, %dma_start3A_101] : memref<1000000x128xf32, #tpu.memory_space<hbm>> -> memref<64x128xf32, #tpu.memory_space<hbm>>
        %dma_start3A_103 = arith.constant 0 : i32
        %dma_start3A_104 = arith.constant 0 : i32
        %dma_start3A_105 = tpu.memref_slice %arg7[%run_scoped3A_88, %dma_start3A_103, %dma_start3A_104] : memref<2x128x128xf32, #tpu.memory_space<vmem>> -> memref<1x128x128xf32, #tpu.memory_space<vmem>>
        %dma_start3A_106 = tpu.memref_squeeze %dma_start3A_105 : memref<1x128x128xf32, #tpu.memory_space<vmem>> -> memref<128x128xf32, #tpu.memory_space<vmem>>
        %dma_start3A_107 = arith.constant 0 : i32
        %dma_start3A_108 = arith.constant 0 : i32
        %dma_start3A_109 = tpu.memref_slice %dma_start3A_106[%dma_start3A_107, %dma_start3A_108] : memref<128x128xf32, #tpu.memory_space<vmem>> -> memref<64x128xf32, #tpu.memory_space<vmem>>
        tpu.enqueue_dma source(%dma_start3A_109 : memref<64x128xf32, #tpu.memory_space<vmem>>) target(%dma_start3A_102 : memref<64x128xf32, #tpu.memory_space<hbm>>) target_semaphore(%run_scoped3A_89 : memref<!tpu.dma_semaphore, #tpu.memory_space<semaphore_mem>>)
        %dma_wait3A_110 = arith.constant 0 : i32
        %dma_wait3A_111 = arith.constant 0 : i32
        %dma_wait3A_112 = tpu.memref_slice %arg7[%run_scoped3A_88, %dma_wait3A_110, %dma_wait3A_111] : memref<2x128x128xf32, #tpu.memory_space<vmem>> -> memref<1x128x128xf32, #tpu.memory_space<vmem>>
        %dma_wait3A_113 = tpu.memref_squeeze %dma_wait3A_112 : memref<1x128x128xf32, #tpu.memory_space<vmem>> -> memref<128x128xf32, #tpu.memory_space<vmem>>
        %dma_wait3A_114 = arith.constant 0 : i32
        %dma_wait3A_115 = arith.constant 0 : i32
        %dma_wait3A_116 = tpu.memref_slice %dma_wait3A_113[%dma_wait3A_114, %dma_wait3A_115] : memref<128x128xf32, #tpu.memory_space<vmem>> -> memref<64x128xf32, #tpu.memory_space<vmem>>
        %dma_wait3A_117 = arith.constant 999936 : i32
        %dma_wait3A_118 = arith.constant 0 : i32
        %dma_wait3A_119 = tpu.memref_slice %arg4[%dma_wait3A_117, %dma_wait3A_118] : memref<1000000x128xf32, #tpu.memory_space<hbm>> -> memref<64x128xf32, #tpu.memory_space<hbm>>
        %dma_wait3A_120 = arith.constant 999936 : i32
        %dma_wait3A_121 = arith.constant 0 : i32
        %dma_wait3A_122 = tpu.memref_slice %arg4[%dma_wait3A_120, %dma_wait3A_121] : memref<1000000x128xf32, #tpu.memory_space<hbm>> -> memref<64x128xf32, #tpu.memory_space<hbm>>
        %dma_wait3A_123 = arith.constant 0 : i32
        %dma_wait3A_124 = arith.constant 0 : i32
        %dma_wait3A_125 = tpu.memref_slice %arg7[%run_scoped3A_88, %dma_wait3A_123, %dma_wait3A_124] : memref<2x128x128xf32, #tpu.memory_space<vmem>> -> memref<1x128x128xf32, #tpu.memory_space<vmem>>
        %dma_wait3A_126 = tpu.memref_squeeze %dma_wait3A_125 : memref<1x128x128xf32, #tpu.memory_space<vmem>> -> memref<128x128xf32, #tpu.memory_space<vmem>>
        %dma_wait3A_127 = arith.constant 0 : i32
        %dma_wait3A_128 = arith.constant 0 : i32
        %dma_wait3A_129 = tpu.memref_slice %dma_wait3A_126[%dma_wait3A_127, %dma_wait3A_128] : memref<128x128xf32, #tpu.memory_space<vmem>> -> memref<64x128xf32, #tpu.memory_space<vmem>>
        tpu.wait_dma2 semaphore(%run_scoped3A_89 : memref<!tpu.dma_semaphore, #tpu.memory_space<semaphore_mem>>) src(%dma_wait3A_129 : memref<64x128xf32, #tpu.memory_space<vmem>>) dst(%dma_wait3A_122 : memref<64x128xf32, #tpu.memory_space<hbm>>)
        tpu.yield
      }) : () -> ()
    } else {
    }
    return
  }
}

</mosaic_0001>

<sc_bundles>
// kernel: _run.4.cloned.1.call-start
scs
__scs_entry_jumppad:
0x0: {  	(pc) =	sbr.rel $0x88, $3  }
0x1: {  	(tag) =	ssettag $0x0;
	lr =	simm.s32 $0x1  }
0x2: {  	[smem:$0x3F9C] =	sst lr;
	_ =	strace $0xD0000000  }
0x3: {  	_ = 	snop  }
0x4: {  	_ = 	snop  }
0x5: {  	_ = 	snop  }
0x6: {  	_ = 	snop  }
0x7: {  	_ = 	snop  }
__scs_overlays_trampoline_lowered:
0x8: {  	[smem:$0x3FAB] =	sst s0  }
0x9: {  	[smem:$0x3FAC] =	sst s1  }
0xa: {  	[smem:$0x3FAD] =	sst s2  }
0xb: {  	[smem:$0x3FAE] =	sst s3  }
0xc: {  	[smem:$0x3FAF] =	sst s4  }
0xd: {  	[smem:$0x3FB0] =	sst s5  }
0xe: {  	[smem:$0x3FB1] =	sst s6  }
0xf: {  	[smem:$0x3FB2] =	sst s7  }
0x10: {  	[smem:$0x3FB3] =	sst s8  }
0x11: {  	[smem:$0x3FB4] =	sst s9;
	s0 =	simm.s32 @!p0 $0x0  }
0x12: {  	s1 =	sld [smem:$0x3F9A];
	s0 =	simm.s32 @p0 $0x1  }
0x13: {  	[smem:$0x3FB5] =	sst s0;
	s0 =	simm.s32 @!p1 $0x0  }
0x14: {  	s2 =	sld [smem:$0x3F99];
	s0 =	simm.s32 @p1 $0x1  }
0x15: {  	[smem:$0x3FB6] =	sst s0;
	s0 =	simm.s32 @!p2 $0x0  }
0x16: {  	s3 =	sld [smem:$0x3FDB];
	s0 =	simm.s32 @p2 $0x1  }
0x17: {  	s4 =	simm.s32 $0x1BF5;
	[smem:$0x3FB8] =	sst s0  }
0x18: {  	s0 =	sld [smem:$0x3F9B];
	_ =	swait.ge [sflag:s4], $0x0  }
0x19: {  	s7 =	sld [smem:$0x3F9C]  }
0x1a: {  	s8 =	sadd.s32 $0xFFFFE003, lr  }
0x1b: {  	s9 =	sadd.s32 $0xFFFFFEF7, lr;
	s5 =	simm.s32 $0xFFFFFFFF;
	p2 =	slt.u32 s8, $0xFFFFF086  }
0x1c: {  	p1 =	slt.u32 s9, $0xF7A;
	s5 =	simm.s32 @!p2 $0x0  }
0x1d: {  	s5 =	simm.s32 @p1 $0x1;
	p0 =	seq.s32 s7, s2  }
0x1e: {  	s7 =	smul.u32 @!p0 $0xF7A, s2;
	p2 =	seq.s32 @!p0 s5, $0x0  }
0x1f: {  	s9 =	smul.u32 $0xF7A, s1;
	s8 =	simm.s32 @!p0 $0x1BF5;
	p2 =	por !p2, p0  }
0x20: {  	[sflag:s8] =	ssyncset.s32 @!p0 $0xFFFFF086;
	s6 =	sadd.s32 @!p0 s3, s7;
	s7 =	simm.s32 @!p0 $0x108  }
0x21: {  	s3 =	sadd.s32 s3, s9;
	s6 =	sadd.s32 @!p0 $0x88, s6;
	s7 =	simm.s32 @p2 $0x1082  }
0x22: {  	[simem:s7], [sflag:s8] =	dma.local @!p0 [hbm:s6], $0xF7A  }
0x23: {  	s9 =	sor.u32 $0xD0000000, s2;
	s6 =	simm.s32 $0x108;
	_ =	swait.ge @!p0 [sflag:s8], $0x0  }
0x24: {  	s3 =	sadd.s32 $0x88, s3;
	s6 =	simm.s32 @!p1 $0x1082;
	[sflag:s4] =	ssyncset.s32 $0xFFFFF086  }
0x25: {  	[simem:s6], [sflag:s4] =	dma.local [hbm:s3], $0xF7A  }
0x26: {  	[smem:$0x3F9C] =	sst s1;
	(tag) =	ssettag s2;
	_ =	strace s9  }
0x27: {  	s1 =	sld [smem:$0x3FAC]  }
0x28: {  	s2 =	sld [smem:$0x3FAD]  }
0x29: {  	s4 =	sld [smem:$0x3FAF]  }
0x2a: {  	p0 =	seq.s32 s5, $0x0;
	s5 =	sld [smem:$0x3FB0]  }
0x2b: {  	s6 =	sld [smem:$0x3FB1]  }
0x2c: {  	s7 =	sld [smem:$0x3FB2]  }
0x2d: {  	s3 =	simm.s32 $0x108;
	s8 =	sld [smem:$0x3FB3]  }
0x2e: {  	s3 =	simm.s32 @!p0 $0x1082;
	s9 =	sld [smem:$0x3FB4]  }
0x2f: {  	lr =	sadd.s32 s0, s3;
	s0 =	sld [smem:$0x3FAB]  }
0x30: {  	s3 =	sld [smem:$0x3FAE]  }
0x31: {  	[smem:$0x3FB7] =	sst s10  }
0x32: {  	s10 =	sld [smem:$0x3FB5];
	_ =	sdelay $0x3  }
0x33: {  	p0 =	seq.s32 s10, $0x1;
	s10 =	sld [smem:$0x3FB7];
	_ =	sdelay $0x3  }
0x34: {  	[smem:$0x3FB7] =	sst s10  }
0x35: {  	s10 =	sld [smem:$0x3FB6];
	_ =	sdelay $0x3  }
0x36: {  	p1 =	seq.s32 s10, $0x1;
	s10 =	sld [smem:$0x3FB7];
	_ =	sdelay $0x3  }
0x37: {  	[smem:$0x3FB7] =	sst s10  }
0x38: {  	s10 =	sld [smem:$0x3FB8]  }
0x39: {  	_ = 	snop;
	(pc) =	sbr.ind lr, $3  }
0x3a: {  	_ = 	snop  }
0x3b: {  	_ = 	snop  }
0x3c: {  	p2 =	seq.s32 s10, $0x1;
	s10 =	sld [smem:$0x3FB7]  }
0x3d: {  	_ =	shalt  }
0x3e: {  	_ =	shalt  }
0x3f: {  	_ =	shalt  }
0x40: {  	_ =	shalt  }
0x41: {  	_ =	shalt  }
0x42: {  	_ =	shalt  }
0x43: {  	_ =	shalt  }
0x44: {  	_ =	shalt  }
0x45: {  	_ =	shalt  }
0x46: {  	_ =	shalt  }
0x47: {  	_ =	shalt  }
0x48: {  	_ =	shalt  }
0x49: {  	_ =	shalt  }
0x4a: {  	_ =	shalt  }
0x4b: {  	_ =	shalt  }
0x4c: {  	_ =	shalt  }
0x4d: {  	_ =	shalt  }
0x4e: {  	_ =	shalt  }
0x4f: {  	_ =	shalt  }
0x50: {  	_ =	shalt  }
0x51: {  	_ =	shalt  }
0x52: {  	_ =	shalt  }
0x53: {  	_ =	shalt  }
0x54: {  	_ =	shalt  }
0x55: {  	_ =	shalt  }
0x56: {  	_ =	shalt  }
0x57: {  	_ =	shalt  }
0x58: {  	_ =	shalt  }
0x59: {  	_ =	shalt  }
0x5a: {  	_ =	shalt  }
0x5b: {  	_ =	shalt  }
0x5c: {  	_ =	shalt  }
0x5d: {  	_ =	shalt  }
0x5e: {  	_ =	shalt  }
0x5f: {  	_ =	shalt  }
0x60: {  	_ =	shalt  }
0x61: {  	_ =	shalt  }
0x62: {  	_ =	shalt  }
0x63: {  	_ =	shalt  }
0x64: {  	_ =	shalt  }
0x65: {  	_ =	shalt  }
0x66: {  	_ =	shalt  }
0x67: {  	_ =	shalt  }
0x68: {  	_ =	shalt  }
0x69: {  	_ =	shalt  }
0x6a: {  	_ =	shalt  }
0x6b: {  	_ =	shalt  }
0x6c: {  	_ =	shalt  }
0x6d: {  	_ =	shalt  }
0x6e: {  	_ =	shalt  }
0x6f: {  	_ =	shalt  }
0x70: {  	_ =	shalt  }
0x71: {  	_ =	shalt  }
0x72: {  	_ =	shalt  }
0x73: {  	_ =	shalt  }
0x74: {  	_ =	shalt  }
0x75: {  	_ =	shalt  }
0x76: {  	_ =	shalt  }
0x77: {  	_ =	shalt  }
0x78: {  	_ =	shalt  }
0x79: {  	_ =	shalt  }
0x7a: {  	_ =	shalt  }
0x7b: {  	_ =	shalt  }
0x7c: {  	_ =	shalt  }
0x7d: {  	_ =	shalt  }
0x7e: {  	_ =	shalt  }
0x7f: {  	_ =	shalt  }
0x80: {  	_ =	shalt  }
0x81: {  	_ =	shalt  }
0x82: {  	_ =	shalt  }
0x83: {  	_ =	shalt  }
0x84: {  	_ =	shalt  }
0x85: {  	_ =	shalt  }
0x86: {  	_ =	shalt  }
0x87: {  	_ =	shalt  }
.Lfunc_end0:
.L_simem_size_0:
called_computation_lowered:
.L_overlay_start_0:
0x88: {  	s2 =	sld [smem:$0x3FD9]  }
0x89: {  	s3 =	sld [smem:$0x3FFE];
	_ =	sdelay $0x1  }
0x8a: {  	s1 =	srdreg.scid  }
0x8b: {  	s0 =	sand.u32 $0x1, s1  }
0x8c: {  	s17 =	sshll.u32 s0, $0xA;
	s2 =	sadd.s32 s3, s2  }
0x8d: {  	s2 =	sadd.s32 s2, s17  }
0x8e: {  	[smem:$0x3FC3] =	sst s2  }
0x8f: {  	_ = 	snop  }
0x90: {  	s2 =	sld [smem:$0x3FC8]  }
0x91: {  	s18 =	sld [smem:$0x3FC7];
	(tm) =	ssettm $0x1  }
0x92: {  	s4 =	sld [smem:$0x3FFB];
	_ =	sdelay $0x3  }
0x93: {  	_ =	strace s4  }
0x94: {  	s4 =	sld [smem:$0x3FFC];
	_ =	sdelay $0x3  }
0x95: {  	_ =	strace s4  }
0x96: {  	s4 =	sld [smem:$0x3FFD];
	_ =	sdelay $0x3  }
0x97: {  	_ =	strace s4  }
0x98: {  	_ =	strace $0x8FFFFFFF  }
0x99: {  	s19 =	sld [smem:$0x3FDB];
	_ =	sdelay $0x1  }
0x9a: {  	s5 =	simm.s32 $_scs_section_size  }
0x9b: {  	s6 =	simm.s32 $_size__tile_overlayer_lowered;
	s7 =	simm.s32 $_tile_overlayer_lowered  }
0x9c: {  	s22 =	simm.s32 $0x1BFF;
	s21 =	sshll.u32 s7, $0x1;
	s4 =	sadd.s32 s5, s19  }
0x9d: {  	s8 =	simm.s32 $0x0;
	s20 =	sshll.u32 s6, $0x1;
	s6 =	sadd.s32 s21, s4  }
0x9e: {  	[timem:s8], [sflag:s22] =	dma.local [hbm:s6], s20  }
0x9f: {  	_ =	swait.ge [sflag:s22], s20  }
0xa0: {  	s5 =	ssub.s32 $0x0, s20;
	[sflag:s22] =	ssyncset.done $0x0  }
0xa1: {  	[sflag:s22] =	ssyncadd.s32 s5;
	_ =	sdelay $0x1  }
0xa2: {  	s23 =	simm.s32 $0x1B8B  }
0xa3: {  	_ =	swait.ge [sflag:s23], $0x1  }
0xa4: {  	[sflag:s23] =	ssyncset.done $0x0  }
0xa5: {  	s25 =	simm.s32 $0x1B8E;
	s24 =	sld [smem:$0x3FFE];
	[sflag:s23] =	ssyncadd.s32 $0xFFFFFFFF  }
0xa6: {  	s26 =	simm.s32 $execute0_lowered;
	[smem:$0x3FD2] =	sst s25  }
0xa7: {  	s6 =	sshll.u32 s26, $0x1;
	_ =	strace $0x80000046;
	[dreg:$0x1] =	wrdreg $0xFFFFFFFF  }
0xa8: {  	s28 =	simm.s32 $_size_execute0_lowered;
	s4 =	sadd.s32 s4, s6;
	[dreg:$0x0] =	wrdreg $0x0  }
0xa9: {  	s6 =	sshll.u32 s28, $0x1;
	[dreg:$0x2] =	wrdreg s4  }
0xaa: {  	[dreg:$0x3] =	wrdreg s6  }
0xab: {  	[dreg:$0x4] =	wrdreg $0xC0  }
0xac: {  	_ =	task [dreg:s8], $0x5FFFF  }
0xad: {  	[dreg:$0x1] =	wrdreg $0xFFFFFFFF  }
0xae: {  	[dreg:$0x0] =	wrdreg $0x60  }
0xaf: {  	[dreg:$0x2] =	wrdreg s2  }
0xb0: {  	[dreg:$0x3] =	wrdreg s18  }
0xb1: {  	[dreg:$0x4] =	wrdreg s24  }
0xb2: {  	[dreg:$0x5] =	wrdreg $0x9  }
0xb3: {  	_ =	task.clear_ibuf [dreg:s8], $0x6FFFF;
	_ =	strace $0x90000046  }
0xb4: {  	s29 =	simm.s32 $0x9;
	_ =	strace $0x80000048  }
0xb5: {  	_ =	swait.ge [sflag:s29], $0x1  }
0xb6: {  	[sflag:s29] =	ssyncadd.s32 $0xFFFFFFFF  }
0xb7: {  	_ =	strace $0x90000048  }
0xb8: {  	_ =	sfence  }
0xb9: {  	s30 =	sld [smem:$0x0];
	_ =	sdelay $0x2  }
0xba: {  	s31 =	sshll.u32 s1, $0xD;
	s1 =	sshrl.u32 s1, $0x2  }
0xbb: {  	s3 =	sand.u32 $0x4000, s31;
	s1 =	sadd.s32 s1, s30  }
0xbc: {  	s0 =	sor.u32 s3, s0;
	s1 =	sshll.u32 s1, $0x11  }
0xbd: {  	s0 =	sor.u32 s1, s0  }
0xbe: {  	s0 =	sadd.s32 $0x8F2B, s0  }
0xbf: {  	[sflag:s0] =	ssyncadd.remote.s32 $0x1  }
0xc0: {  	_ =	sfence.sel $0xFFFF  }
0xc1: {  	[dreg:$0x0] =	wrdreg $0xFFFFFFFF;
	(pc) =	sbr.abs _section_cstart, $3  }
0xc2: {  	[dreg:$0x1] =	wrdreg $0xFFFFFFFF  }
0xc3: {  	_ =	task.clear_ibuf [dreg:s8], $0x2FFFF;
	_ =	strace $0x9FFFFFFF  }
0xc4: {  	(tm) =	ssettm $0x7FFFFFFF  }
0xc5: {  	_ =	shalt  }
tec
execute0_lowered:
.L_overlay_start_1:
0x0: {  	(tag) =	ssettag $0x1  }
0x1: {  	s1 =	rddreg [dreg:$0x0];
	s0 =	srdreg.scid  }
0x2: {  	s13 =	stileid.u32;
	s2 =	rddreg [dreg:$0x2]  }
0x3: {  	s4 =	simm.s32 $0x0;
	s16 =	simm.s32 $0x7A1400;
	s18 =	simm.s32 $0x1  }
0x4: {  	s19 =	simm.s32 $0x4000;
	s20 =	simm.s32 $0x8480;
	s21 =	simm.s32 $0x2  }
0x5: {  	s22 =	simm.s32 $0xC480;
	s23 =	simm.s32 $0x3;
	s24 =	simm.s32 $0x4  }
0x6: {  	s25 =	simm.s32 $0x5;
	s26 =	simm.s32 $0x0;
	s0 =	sand.u32 $0x1, s0  }
0x7: {  	s3 =	sshll.u32 s13, $0x1;
	[smem:$0x7FF] =	sst s4;
	s5 =	sadd.s32 $0x800, s2  }
0x8: {  	s10 =	sadd.s32 $0x1000, s2;
	s2 =	sadd.s32 $0xF42800, s2;
	s3 =	sor.u32 s0, s3  }
0x9: {  	s0 =	ssub.s32 $0x2, s0;
	_ =	strace $0x80000047;
	s7 =	smul.u32 $0x7A00, s3  }
0xa: {  	[dreg:$0x8] =	wrdreg s2;
	s8 =	sshrl.u32 s0, $0x1;
	s9 =	sshll.u32 s3, $0x7  }
0xb: {  	s0 =	ssub.s32 s0, s8;
	s11 =	sor.u32 $0xF4000, s9;
	s7 =	sadd.s32 s1, s7  }
.Ltmp0:
0xc: {  	s30 =	sadd.s32 s1, s11;
	[dreg:$0x4] =	wrdreg s7;
	(pc) =	sbr.rel .LBB2_1-.Ltmp0, $4  }
0xd: {  	s6 =	smul.u32 $0xF4, s3;
	s0 =	smax.u32 s0, $0x1;
	[dreg:$0x6] =	wrdreg s30  }
0xe: {  	s12 =	sshll.u32 s11, $0x4;
	s7 =	sadd.s32 $0x80, s7;
	[dreg:$0x9] =	wrdreg s0  }
0xf: {  	v1 =	vlaneseq.u32;
	p0 =	sgt.u32 s13, $0x1;
	s31 =	sadd.s32 s5, s12;
	[dreg:$0x5] =	wrdreg s7  }
0x10: {  	v0 =	vimm.f32 $0.0e+00;
	v1 =	vmul.u32 $0x89, v1;
	p1 =	sne.s32 s3, $0x4;
	s9 =	sadd.s32 $0xF4, s6;
	[dreg:$0x7] =	wrdreg s31  }
.LBB2_19:
0x11: {  	s0 =	simm.s32 @!p1 $0x0;
	s2 =	simm.s32 @!p1 $0xC480;
	s3 =	rddreg [dreg:$0x1]  }
0x12: {  	[tilespmem:s2], [sflag:$0x5] =	stream.linear.gather @!p1 [hbm4b:s3+s0], $0x2000, $0x38;
	[tilespmem:$0x10480] =	vst v63  }
0x13: {  	s3 =	simm.s32 @!p1 $0x5  }
0x14: {  	_ =	swait.ge @!p1 [sflag:s3], $0x2000  }
0x15: {  	[sflag:s3] =	ssyncset.done @!p1 $0x0  }
0x16: {  	s7 =	rddreg [dreg:$0x8];
	[sflag:s3] =	ssyncadd.s32 @!p1 $0xFFFFE000  }
0x17: {  	[hbm4b:s7+s0] =	stream.linear.scatter @!p1 [tilespmem:s2], [sflag:$0x5], $0x2000, $0x38;
	[tilespmem:$0x10480] =	vst v63  }
0x18: {  	_ =	swait.ge @!p1 [sflag:s3], $0x2000  }
0x19: {  	s26 =	sadd.s32 $0x1, s26;
	s31 =	rddreg [dreg:$0x9]  }
0x1a: {  	p2 =	sne.s32 s26, s31  }
.Ltmp1:
0x1b: {  	_ = 	snop;
	(pc) =	sbr.rel @!p2 .LBB2_20-.Ltmp1, $3  }
0x1c: {  	_ =	sdelay $0x1  }
0x1d: {  	[sflag:s3] =	ssyncset.done @!p1 $0x0  }
0x1e: {  	[sflag:s3] =	ssyncadd.s32 @!p1 $0xFFFFE000  }
.LBB2_1:
0x1f: {  	s0 =	sand.u32 $0x7F00, s4  }
0x20: {  	[tilespmem:s0+$0x8570] =	vst v0  }
0x21: {  	[tilespmem:s0+$0x84C0] =	vst v0  }
0x22: {  	[tilespmem:s0+$0x84D0] =	vst v0  }
0x23: {  	[tilespmem:s0+$0x84E0] =	vst v0  }
0x24: {  	[tilespmem:s0+$0x84F0] =	vst v0  }
0x25: {  	[tilespmem:s0+$0x8540] =	vst v0  }
0x26: {  	s2 =	simm.s32 $0x0;
	s3 =	simm.s32 $0x100;
	[tilespmem:s0+$0x8550] =	vst v0  }
.LBB2_2:
0x27: {  	s2 =	sadd.s32 $0x8, s2;
	[tilespmem:s0+$0x8560] =	vst v0;
	s0 =	sand.u32 $0x7F00, s3  }
0x28: {  	[tilespmem:s0+$0x8570] =	vst v0;
	p2 =	slt.u32 s2, $0x3F8  }
0x29: {  	[tilespmem:s0+$0x84C0] =	vst v0  }
.Ltmp2:
0x2a: {  	[tilespmem:s0+$0x84D0] =	vst v0;
	(pc) =	sbr.rel @p2 .LBB2_2-.Ltmp2, $4  }
0x2b: {  	[tilespmem:s0+$0x84E0] =	vst v0  }
0x2c: {  	[tilespmem:s0+$0x84F0] =	vst v0  }
0x2d: {  	[tilespmem:s0+$0x8540] =	vst v0  }
0x2e: {  	s3 =	sadd.s32 $0x100, s3;
	[tilespmem:s0+$0x8550] =	vst v0  }
0x2f: {  	[tilespmem:s0+$0x8560] =	vst v0  }
0x30: {  	s28 =	simm.s32 $0x0;
	s2 =	simm.s32 $0x400;
	s0 =	rddreg [dreg:$0x4]  }
0x31: {  	[tilespmem:s28], [sflag:$0x1] =	stream.strided.gather [hbm4b:s0+s2], $0x2000, s16, s2, $0x38;
	[tilespmem:$0x10480] =	vst v63  }
0x32: {  	s3 =	simm.s32 $0x2000;
	s31 =	rddreg [dreg:$0x5]  }
0x33: {  	[tilespmem:s3], [sflag:$0x2] =	stream.strided.gather [hbm4b:s31+s2], $0x2000, s16, s2, $0x38;
	[tilespmem:$0x10480] =	vst v63  }
.LBB2_4:
0x34: {  	_ =	swait.ge [sflag:s18], $0x2000  }
0x35: {  	p2 =	seq.s32 s28, $0x0;
	s30 =	simm.s32 $0x0;
	s2 =	sshll.u32 s28, $0x1  }
0x36: {  	s12 =	simm.s32 $0x0;
	[sflag:s18] =	ssyncset.done $0x0;
	s0 =	simm.s32 @!p2 $0x3  }
0x37: {  	s11 =	sand.u32 $0x4, s30;
	s29 =	sadd.s32 s6, s2;
	s12 =	sand.u32 $0x3FFFFF80, s12  }
0x38: {  	[sflag:s18] =	ssyncadd.s32 $0xFFFFE000;
	s7 =	sor.u32 $0x1, s11;
	s14 =	sor.u32 $0x3, s11  }
0x39: {  	s3 =	sor.u32 $0x2, s11;
	_ =	swait.ge @!p2 [sflag:s0], $0x4000;
	s17 =	smul.u32 $0x890, s14  }
0x3a: {  	s31 =	sshll.u32 s14, $0x4;
	s8 =	sshll.u32 s7, $0x4;
	[sflag:s0] =	ssyncset.done @!p2 $0x0  }
0x3b: {  	s13 =	sshll.u32 s3, $0x4;
	s31 =	sor.u32 s31, s12;
	[sflag:s0] =	ssyncadd.s32 @!p2 $0xFFFFC000  }
0x3c: {  	s2 =	smul.u32 $0x890, s7;
	s8 =	sor.u32 s8, s12;
	s17 =	sadd.s32 $0x0, s17;
	v5 =	vld [tilespmem:s31+$0x0]  }
0x3d: {  	s3 =	smul.u32 $0x890, s3;
	s13 =	sor.u32 s13, s12;
	s31 =	sshll.u32 s11, $0x4;
	v3 =	vld [tilespmem:s8+$0x0];
	v6 =	vadd.s32 s17, v1  }
0x3e: {  	s0 =	simm.s32 $0x0;
	v2 =	vld [tilespmem:s13+$0x0];
	s11 =	smul.u32 $0x890, s11;
	s15 =	sor.u32 s31, s12  }
0x3f: {  	s31 =	simm.s32 $0x8500;
	s12 =	sadd.s32 $0x0, s2;
	s2 =	simm.s32 $0x4089;
	v4 =	vld [tilespmem:s15+$0x0]  }
.LBB2_5:
0x40: {  	s30 =	sadd.s32 $0x4, s30  }
0x41: {  	v7 =	vadd.s32 s12, v1;
	s3 =	sadd.s32 s0, s3;
	s8 =	sand.u32 $0x4, s30  }
0x42: {  	p3 =	slt.u32 s30, $0x1FC;
	s0 =	sadd.s32 s0, s11;
	v8 =	vadd.s32 s3, v1;
	[tilespmem:v6+s19+$0x0] =	vst.idx.msk $0xffff, v5;
	s13 =	sshll.u32 s30, $0x4  }
0x43: {  	s3 =	sor.u32 $0x1, s8;
	s11 =	sor.u32 $0x2, s8;
	s12 =	sor.u32 $0x3, s8;
	v9 =	vadd.s32 s0, v1  }
0x44: {  	s0 =	sshrl.u32 s30, $0x3;
	s17 =	sshll.u32 s3, $0x4;
	s14 =	smul.u32 $0x890, s12  }
0x45: {  	s13 =	sand.u32 $0x3FFFFF80, s13;
	s12 =	sshll.u32 s12, $0x4;
	s7 =	sshll.u32 s11, $0x4  }
.Ltmp3:
0x46: {  	s12 =	sor.u32 s12, s13;
	s14 =	sadd.s32 s0, s14;
	[tilespmem:v7+s19+$0x0] =	vst.idx.msk $0xffff, v3;
	(pc) =	sbr.rel @p3 .LBB2_5-.Ltmp3, $4  }
0x47: {  	s15 =	sshll.u32 s8, $0x4;
	s17 =	sor.u32 s17, s13;
	s7 =	sor.u32 s7, s13;
	v5 =	vld [tilespmem:s12+$0x0];
	v6 =	vadd.s32 s14, v1;
	[tilespmem:v8+s19+$0x0] =	vst.idx.msk $0xffff, v2  }
0x48: {  	s12 =	sor.u32 s15, s13;
	s13 =	smul.u32 $0x890, s3;
	v3 =	vld [tilespmem:s17+$0x0];
	[tilespmem:v9+s19+$0x0] =	vst.idx.msk $0xffff, v4  }
0x49: {  	s3 =	smul.u32 $0x890, s11;
	v2 =	vld [tilespmem:s7+$0x0]  }
0x4a: {  	s11 =	smul.u32 $0x890, s8;
	v4 =	vld [tilespmem:s12+$0x0];
	s12 =	sadd.s32 s0, s13  }
0x4b: {  	v7 =	vadd.s32 s12, v1;
	s3 =	sadd.s32 s0, s3  }
0x4c: {  	s30 =	sadd.s32 s0, s11;
	v8 =	vadd.s32 s3, v1  }
0x4d: {  	v9 =	vadd.s32 s30, v1;
	_ =	sdelay $0x1  }
0x4e: {  	[tilespmem:v6+s19+$0x0] =	vst.idx.msk $0xffff, v5  }
0x4f: {  	[tilespmem:v7+s19+$0x0] =	vst.idx.msk $0xffff, v3  }
0x50: {  	[tilespmem:v8+s19+$0x0] =	vst.idx.msk $0xffff, v2  }
0x51: {  	[tilespmem:v9+s19+$0x0] =	vst.idx.msk $0xffff, v4  }
0x52: {  	v5 =	vld [tilespmem:s2+$0x30]  }
0x53: {  	v6 =	vld [tilespmem:s2+$0xFFFFFF87]  }
0x54: {  	v7 =	vld [tilespmem:s2+$0xFFFFFF97]  }
0x55: {  	v3 =	vld [tilespmem:s2+$0xFFFFFFA7]  }
0x56: {  	v2 =	vld [tilespmem:s2+$0x0]  }
0x57: {  	v4 =	vld [tilespmem:s2+$0x10];
	[tilespmem:s31+$0x30] =	vst v5  }
0x58: {  	[tilespmem:s31+$0xFFFFFF90] =	vst v6;
	v6 =	vld [tilespmem:s2+$0x20]  }
0x59: {  	s0 =	simm.s32 $0x0;
	v5 =	vld [tilespmem:s2+$0xFFFFFF77];
	[tilespmem:s31+$0xFFFFFFA0] =	vst v7;
	s2 =	simm.s32 $0x419B  }
.LBB2_7:
0x5a: {  	v7 =	vld [tilespmem:s2+$0x30];
	s0 =	sadd.s32 $0x8, s0;
	[tilespmem:s31+$0xFFFFFFB0] =	vst v3  }
0x5b: {  	v8 =	vld [tilespmem:s2+$0xFFFFFF87];
	p3 =	slt.u32 s0, $0x1F8;
	[tilespmem:s31+$0x0] =	vst v2  }
0x5c: {  	v9 =	vld [tilespmem:s2+$0xFFFFFF97];
	[tilespmem:s31+$0x10] =	vst v4  }
.Ltmp4:
0x5d: {  	v3 =	vld [tilespmem:s2+$0xFFFFFFA7];
	[tilespmem:s31+$0x20] =	vst v6;
	(pc) =	sbr.rel @p3 .LBB2_7-.Ltmp4, $4  }
0x5e: {  	v2 =	vld [tilespmem:s2+$0x0];
	[tilespmem:s31+$0xFFFFFF80] =	vst v5;
	s31 =	sadd.s32 $0x100, s31  }
0x5f: {  	v4 =	vld [tilespmem:s2+$0x10];
	[tilespmem:s31+$0x30] =	vst v7  }
0x60: {  	[tilespmem:s31+$0xFFFFFF90] =	vst v8;
	v6 =	vld [tilespmem:s2+$0x20]  }
0x61: {  	v5 =	vld [tilespmem:s2+$0xFFFFFF77];
	[tilespmem:s31+$0xFFFFFFA0] =	vst v9;
	s2 =	sadd.s32 $0x112, s2  }
0x62: {  	[tilespmem:s31+$0xFFFFFFB0] =	vst v3  }
0x63: {  	[tilespmem:s31+$0x0] =	vst v2  }
0x64: {  	[tilespmem:s31+$0x10] =	vst v4  }
0x65: {  	s30 =	sshll.u32 s29, $0xB;
	[tilespmem:s31+$0x20] =	vst v6  }
0x66: {  	s0 =	sadd.s32 s5, s30;
	[tilespmem:s31+$0xFFFFFF80] =	vst v5  }
0x67: {  	[hbm4b:s0+s4] =	stream.linear.scatter [tilespmem:s20], [sflag:$0x3], $0x4000, $0x38;
	[tilespmem:$0x10480] =	vst v63  }
0x68: {  	s0 =	sadd.s32 $0x2, s29  }
0x69: {  	p3 =	sge.u32 s0, s9  }
0x6a: {  	s0 =	sshll.u32 @!p3 s0, $0x7  }
0x6b: {  	s2 =	simm.s32 @!p3 $0x400;
	s0 =	sand.u32 @!p3 $0x1FFFFF00, s0  }
0x6c: {  	s3 =	simm.s32 @!p3 $0x7A1400;
	s7 =	simm.s32 @!p3 $0x0;
	s0 =	sadd.s32 @!p3 s1, s0  }
0x6d: {  	[tilespmem:s7], [sflag:$0x1] =	stream.strided.gather @!p3 [hbm4b:s0+s2], $0x2000, s3, s2, $0x38;
	[tilespmem:$0x10480] =	vst v63  }
0x6e: {  	_ =	swait.ge [sflag:s21], $0x2000  }
0x6f: {  	s14 =	simm.s32 $0x0;
	s31 =	simm.s32 $0x0;
	[sflag:s21] =	ssyncset.done $0x0  }
0x70: {  	s0 =	simm.s32 @!p2 $0x4;
	s2 =	sand.u32 $0x4, s31;
	[sflag:s21] =	ssyncadd.s32 $0xFFFFE000  }
0x71: {  	s3 =	sand.u32 $0x3FFFFF80, s14;
	s15 =	sor.u32 $0x3, s2;
	_ =	swait.ge @!p2 [sflag:s0], $0x4000  }
0x72: {  	s17 =	sor.u32 $0x1, s2;
	s3 =	sadd.s32 $0x2000, s3;
	[sflag:s0] =	ssyncset.done @!p2 $0x0  }
0x73: {  	s8 =	sshll.u32 s15, $0x4;
	[sflag:s0] =	ssyncadd.s32 @!p2 $0xFFFFC000;
	s0 =	smul.u32 $0x890, s15  }
0x74: {  	s11 =	sor.u32 $0x2, s2;
	s12 =	sshll.u32 s17, $0x4;
	s8 =	sor.u32 s8, s3  }
0x75: {  	s13 =	sshll.u32 s2, $0x4;
	s12 =	sor.u32 s12, s3;
	v4 =	vld [tilespmem:s8+$0x0];
	s15 =	sadd.s32 $0x0, s0  }
0x76: {  	s14 =	sshll.u32 s11, $0x4;
	s13 =	sor.u32 s13, s3;
	s7 =	smul.u32 $0x890, s17;
	v3 =	vld [tilespmem:s12+$0x0];
	v6 =	vadd.s32 s15, v1  }
0x77: {  	s17 =	smul.u32 $0x890, s11;
	s3 =	sor.u32 s14, s3;
	v2 =	vld [tilespmem:s13+$0x0]  }
0x78: {  	s11 =	smul.u32 $0x890, s2;
	s12 =	sadd.s32 $0x0, s7;
	v5 =	vld [tilespmem:s3+$0x0];
	s0 =	simm.s32 $0x0  }
.LBB2_9:
0x79: {  	s31 =	sadd.s32 $0x4, s31  }
0x7a: {  	v7 =	vadd.s32 s12, v1;
	s2 =	sadd.s32 s0, s17;
	s7 =	sand.u32 $0x4, s31  }
0x7b: {  	p2 =	slt.u32 s31, $0x1FC;
	s0 =	sadd.s32 s0, s11;
	v8 =	vadd.s32 s2, v1;
	[tilespmem:v6+s19+$0x0] =	vst.idx.msk $0xffff, v4;
	s2 =	sshll.u32 s31, $0x4  }
0x7c: {  	s3 =	sor.u32 $0x1, s7;
	s8 =	sor.u32 $0x3, s7;
	v9 =	vadd.s32 s0, v1;
	s2 =	sand.u32 $0x3FFFFF80, s2  }
0x7d: {  	s11 =	sor.u32 $0x2, s7;
	s0 =	sshrl.u32 s31, $0x3;
	s12 =	smul.u32 $0x890, s8  }
0x7e: {  	s2 =	sadd.s32 $0x2000, s2;
	s8 =	sshll.u32 s8, $0x4;
	s13 =	sshll.u32 s3, $0x4  }
.Ltmp5:
0x7f: {  	s8 =	sor.u32 s8, s2;
	s12 =	sadd.s32 s0, s12;
	[tilespmem:v7+s19+$0x0] =	vst.idx.msk $0xffff, v3;
	(pc) =	sbr.rel @p2 .LBB2_9-.Ltmp5, $4  }
0x80: {  	s14 =	sshll.u32 s7, $0x4;
	s15 =	sshll.u32 s11, $0x4;
	s13 =	sor.u32 s13, s2;
	v4 =	vld [tilespmem:s8+$0x0];
	v6 =	vadd.s32 s12, v1;
	[tilespmem:v8+s19+$0x0] =	vst.idx.msk $0xffff, v5  }
0x81: {  	s8 =	sor.u32 s14, s2;
	s12 =	smul.u32 $0x890, s3;
	s2 =	sor.u32 s15, s2;
	v3 =	vld [tilespmem:s13+$0x0];
	[tilespmem:v9+s19+$0x0] =	vst.idx.msk $0xffff, v2  }
0x82: {  	s17 =	smul.u32 $0x890, s11;
	s3 =	simm.s32 $0x4089;
	v2 =	vld [tilespmem:s8+$0x0]  }
0x83: {  	s11 =	smul.u32 $0x890, s7;
	s12 =	sadd.s32 s0, s12;
	v5 =	vld [tilespmem:s2+$0x0];
	s2 =	simm.s32 $0xC480  }
0x84: {  	v7 =	vadd.s32 s12, v1;
	s7 =	sadd.s32 s0, s17  }
0x85: {  	s17 =	sadd.s32 s0, s11;
	v8 =	vadd.s32 s7, v1  }
0x86: {  	v9 =	vadd.s32 s17, v1;
	_ =	sdelay $0x1  }
0x87: {  	[tilespmem:v6+s19+$0x0] =	vst.idx.msk $0xffff, v4  }
0x88: {  	[tilespmem:v7+s19+$0x0] =	vst.idx.msk $0xffff, v3  }
0x89: {  	[tilespmem:v8+s19+$0x0] =	vst.idx.msk $0xffff, v5  }
0x8a: {  	[tilespmem:v9+s19+$0x0] =	vst.idx.msk $0xffff, v2  }
0x8b: {  	v5 =	vld [tilespmem:s3+$0x30]  }
0x8c: {  	v6 =	vld [tilespmem:s3+$0xFFFFFF87]  }
0x8d: {  	v7 =	vld [tilespmem:s3+$0xFFFFFF97]  }
0x8e: {  	v3 =	vld [tilespmem:s3+$0xFFFFFFA7]  }
0x8f: {  	v2 =	vld [tilespmem:s3+$0x0]  }
0x90: {  	v4 =	vld [tilespmem:s3+$0x10];
	[tilespmem:s2+$0xB0] =	vst v5  }
0x91: {  	[tilespmem:s2+$0x10] =	vst v6;
	v5 =	vld [tilespmem:s3+$0x20]  }
0x92: {  	s31 =	simm.s32 $0x419B;
	s0 =	simm.s32 $0x0;
	v6 =	vld [tilespmem:s3+$0xFFFFFF77];
	[tilespmem:s2+$0x20] =	vst v7  }
.LBB2_11:
0x93: {  	v7 =	vld [tilespmem:s31+$0x30];
	s0 =	sadd.s32 $0x8, s0;
	[tilespmem:s2+$0x30] =	vst v3  }
0x94: {  	v8 =	vld [tilespmem:s31+$0xFFFFFF87];
	p2 =	slt.u32 s0, $0x1F8;
	[tilespmem:s2+$0x80] =	vst v2  }
0x95: {  	v9 =	vld [tilespmem:s31+$0xFFFFFF97];
	[tilespmem:s2+$0x90] =	vst v4  }
.Ltmp6:
0x96: {  	v3 =	vld [tilespmem:s31+$0xFFFFFFA7];
	[tilespmem:s2+$0xA0] =	vst v5;
	(pc) =	sbr.rel @p2 .LBB2_11-.Ltmp6, $4  }
0x97: {  	v2 =	vld [tilespmem:s31+$0x0];
	[tilespmem:s2+$0x0] =	vst v6;
	s2 =	sadd.s32 $0x100, s2  }
0x98: {  	v4 =	vld [tilespmem:s31+$0x10];
	[tilespmem:s2+$0xB0] =	vst v7  }
0x99: {  	[tilespmem:s2+$0x10] =	vst v8;
	v5 =	vld [tilespmem:s31+$0x20]  }
0x9a: {  	v6 =	vld [tilespmem:s31+$0xFFFFFF77];
	[tilespmem:s2+$0x20] =	vst v9;
	s31 =	sadd.s32 $0x112, s31  }
0x9b: {  	[tilespmem:s2+$0x30] =	vst v3  }
0x9c: {  	[tilespmem:s2+$0x80] =	vst v2  }
0x9d: {  	[tilespmem:s2+$0x90] =	vst v4  }
0x9e: {  	[tilespmem:s2+$0xA0] =	vst v5  }
0x9f: {  	s0 =	sadd.s32 s30, s10;
	[tilespmem:s2+$0x0] =	vst v6  }
0xa0: {  	[hbm4b:s0+s4] =	stream.linear.scatter [tilespmem:s22], [sflag:$0x4], $0x4000, $0x38;
	[tilespmem:$0x10480] =	vst v63  }
0xa1: {  	s0 =	sadd.s32 $0x3, s29  }
0xa2: {  	p2 =	sge.u32 s0, s9  }
0xa3: {  	s0 =	sshll.u32 @!p2 s0, $0x7  }
0xa4: {  	s28 =	sadd.s32 $0x1, s28;
	s2 =	simm.s32 @!p2 $0x400;
	s0 =	sand.u32 @!p2 $0x1FFFFF80, s0  }
0xa5: {  	s3 =	simm.s32 @!p2 $0x7A1400;
	s7 =	simm.s32 @!p2 $0x2000;
	s0 =	sadd.s32 @!p2 s1, s0  }
0xa6: {  	[tilespmem:s7], [sflag:$0x2] =	stream.strided.gather @!p2 [hbm4b:s0+s2], $0x2000, s3, s2, $0x38;
	[tilespmem:$0x10480] =	vst v63  }
0xa7: {  	p2 =	sne.s32 s28, $0x7A  }
.Ltmp7:
0xa8: {  	_ = 	snop;
	(pc) =	sbr.rel @p2 .LBB2_4-.Ltmp7, $1  }
0xa9: {  	_ =	sdelay $0x3  }
0xaa: {  	_ =	swait.ge [sflag:s23], $0x4000  }
.Ltmp8:
0xab: {  	[sflag:s23] =	ssyncset.done $0x0;
	(pc) =	sbr.rel @p0 .LBB2_19-.Ltmp8, $4  }
0xac: {  	[sflag:s23] =	ssyncadd.s32 $0xFFFFC000  }
0xad: {  	_ =	swait.ge [sflag:s24], $0x4000  }
0xae: {  	[sflag:s24] =	ssyncset.done $0x0  }
0xaf: {  	[sflag:s24] =	ssyncadd.s32 $0xFFFFC000  }
0xb0: {  	s0 =	rddreg [dreg:$0x6]  }
0xb1: {  	s2 =	simm.s32 $0x400;
	s28 =	simm.s32 $0x0;
	s3 =	simm.s32 $0x0  }
0xb2: {  	[tilespmem:s4], [sflag:$0x5] =	stream.strided.gather [hbm4b:s0+s2], $0x2000, s16, s2, $0x38;
	[tilespmem:$0x10480] =	vst v63  }
0xb3: {  	s15 =	sand.u32 $0x4, s28;
	s3 =	sand.u32 $0x3FFFFF80, s3;
	_ =	swait.ge [sflag:s25], $0x2000  }
0xb4: {  	s29 =	sor.u32 $0x3, s15;
	s7 =	sor.u32 $0x1, s15;
	s11 =	sor.u32 $0x2, s15  }
0xb5: {  	[sflag:s25] =	ssyncset.done $0x0;
	s8 =	sshll.u32 s29, $0x4;
	s0 =	smul.u32 $0x890, s29  }
0xb6: {  	s12 =	sshll.u32 s7, $0x4;
	[sflag:s25] =	ssyncadd.s32 $0xFFFFE000;
	s8 =	sor.u32 s8, s3  }
0xb7: {  	s13 =	sshll.u32 s11, $0x4;
	s12 =	sor.u32 s12, s3;
	v5 =	vld [tilespmem:s8+$0x0];
	s31 =	sadd.s32 $0x0, s0  }
0xb8: {  	s30 =	sshll.u32 s15, $0x4;
	s7 =	smul.u32 $0x890, s7;
	s13 =	sor.u32 s13, s3;
	v2 =	vld [tilespmem:s12+$0x0];
	v6 =	vadd.s32 s31, v1  }
0xb9: {  	s17 =	smul.u32 $0x890, s11;
	s3 =	sor.u32 s30, s3;
	v3 =	vld [tilespmem:s13+$0x0]  }
0xba: {  	s11 =	smul.u32 $0x890, s15;
	s0 =	simm.s32 $0x0;
	v4 =	vld [tilespmem:s3+$0x0];
	s12 =	sadd.s32 $0x0, s7  }
.LBB2_15:
0xbb: {  	s28 =	sadd.s32 $0x4, s28  }
0xbc: {  	v7 =	vadd.s32 s12, v1;
	s2 =	sadd.s32 s0, s17;
	s3 =	sand.u32 $0x4, s28  }
0xbd: {  	p2 =	slt.u32 s28, $0x1FC;
	s0 =	sadd.s32 s0, s11;
	v8 =	vadd.s32 s2, v1;
	[tilespmem:v6+s19+$0x0] =	vst.idx.msk $0xffff, v5;
	s11 =	sshll.u32 s28, $0x4  }
0xbe: {  	s2 =	sor.u32 $0x1, s3;
	s7 =	sor.u32 $0x2, s3;
	s8 =	sor.u32 $0x3, s3;
	v9 =	vadd.s32 s0, v1  }
0xbf: {  	s0 =	sshrl.u32 s28, $0x3;
	s12 =	sshll.u32 s2, $0x4;
	s13 =	smul.u32 $0x890, s8  }
0xc0: {  	s11 =	sand.u32 $0x3FFFFF80, s11;
	s8 =	sshll.u32 s8, $0x4;
	s14 =	sshll.u32 s7, $0x4  }
.Ltmp9:
0xc1: {  	s8 =	sor.u32 s8, s11;
	s13 =	sadd.s32 s0, s13;
	[tilespmem:v7+s19+$0x0] =	vst.idx.msk $0xffff, v2;
	(pc) =	sbr.rel @p2 .LBB2_15-.Ltmp9, $4  }
0xc2: {  	s15 =	sshll.u32 s3, $0x4;
	s12 =	sor.u32 s12, s11;
	s14 =	sor.u32 s14, s11;
	v5 =	vld [tilespmem:s8+$0x0];
	v6 =	vadd.s32 s13, v1;
	[tilespmem:v8+s19+$0x0] =	vst.idx.msk $0xffff, v3  }
0xc3: {  	s8 =	sor.u32 s15, s11;
	v2 =	vld [tilespmem:s12+$0x0];
	s12 =	smul.u32 $0x890, s2;
	[tilespmem:v9+s19+$0x0] =	vst.idx.msk $0xffff, v4  }
0xc4: {  	s17 =	smul.u32 $0x890, s7;
	s2 =	simm.s32 $0x8500;
	v3 =	vld [tilespmem:s14+$0x0]  }
0xc5: {  	s11 =	smul.u32 $0x890, s3;
	s3 =	simm.s32 $0x4089;
	v4 =	vld [tilespmem:s8+$0x0];
	s12 =	sadd.s32 s0, s12  }
0xc6: {  	v7 =	vadd.s32 s12, v1;
	s7 =	sadd.s32 s0, s17  }
0xc7: {  	s31 =	sadd.s32 s0, s11;
	v8 =	vadd.s32 s7, v1  }
0xc8: {  	v9 =	vadd.s32 s31, v1;
	_ =	sdelay $0x1  }
0xc9: {  	[tilespmem:v6+s19+$0x0] =	vst.idx.msk $0xffff, v5  }
0xca: {  	[tilespmem:v7+s19+$0x0] =	vst.idx.msk $0xffff, v2  }
0xcb: {  	[tilespmem:v8+s19+$0x0] =	vst.idx.msk $0xffff, v3  }
0xcc: {  	[tilespmem:v9+s19+$0x0] =	vst.idx.msk $0xffff, v4  }
0xcd: {  	v5 =	vld [tilespmem:s3+$0x30]  }
0xce: {  	v6 =	vld [tilespmem:s3+$0xFFFFFF87]  }
0xcf: {  	v7 =	vld [tilespmem:s3+$0xFFFFFF97]  }
0xd0: {  	v3 =	vld [tilespmem:s3+$0xFFFFFFA7]  }
0xd1: {  	v2 =	vld [tilespmem:s3+$0x0]  }
0xd2: {  	v4 =	vld [tilespmem:s3+$0x10];
	[tilespmem:s2+$0x30] =	vst v5  }
0xd3: {  	[tilespmem:s2+$0xFFFFFF90] =	vst v6;
	v5 =	vld [tilespmem:s3+$0x20]  }
0xd4: {  	s28 =	simm.s32 $0x419B;
	s0 =	simm.s32 $0x0;
	v6 =	vld [tilespmem:s3+$0xFFFFFF77];
	[tilespmem:s2+$0xFFFFFFA0] =	vst v7  }
.LBB2_17:
0xd5: {  	v7 =	vld [tilespmem:s28+$0x30];
	s0 =	sadd.s32 $0x8, s0;
	[tilespmem:s2+$0xFFFFFFB0] =	vst v3  }
0xd6: {  	v8 =	vld [tilespmem:s28+$0xFFFFFF87];
	p2 =	slt.u32 s0, $0x1F8;
	[tilespmem:s2+$0x0] =	vst v2  }
0xd7: {  	v9 =	vld [tilespmem:s28+$0xFFFFFF97];
	[tilespmem:s2+$0x10] =	vst v4  }
.Ltmp10:
0xd8: {  	v3 =	vld [tilespmem:s28+$0xFFFFFFA7];
	[tilespmem:s2+$0x20] =	vst v5;
	(pc) =	sbr.rel @p2 .LBB2_17-.Ltmp10, $4  }
0xd9: {  	v2 =	vld [tilespmem:s28+$0x0];
	[tilespmem:s2+$0xFFFFFF80] =	vst v6;
	s2 =	sadd.s32 $0x100, s2  }
0xda: {  	v4 =	vld [tilespmem:s28+$0x10];
	[tilespmem:s2+$0x30] =	vst v7  }
0xdb: {  	[tilespmem:s2+$0xFFFFFF90] =	vst v8;
	v5 =	vld [tilespmem:s28+$0x20]  }
0xdc: {  	v6 =	vld [tilespmem:s28+$0xFFFFFF77];
	[tilespmem:s2+$0xFFFFFFA0] =	vst v9;
	s28 =	sadd.s32 $0x112, s28  }
0xdd: {  	[tilespmem:s2+$0xFFFFFFB0] =	vst v3  }
0xde: {  	[tilespmem:s2+$0x0] =	vst v2  }
0xdf: {  	[tilespmem:s2+$0x10] =	vst v4  }
0xe0: {  	[tilespmem:s2+$0x20] =	vst v5  }
0xe1: {  	[tilespmem:s2+$0xFFFFFF80] =	vst v6  }
.Ltmp11:
0xe2: {  	s0 =	rddreg [dreg:$0x7];
	(pc) =	sbr.rel .LBB2_19-.Ltmp11, $4  }
0xe3: {  	[hbm4b:s0+s4] =	stream.linear.scatter [tilespmem:s20], [sflag:$0x5], $0x4000, $0x38;
	[tilespmem:$0x10480] =	vst v63  }
0xe4: {  	_ =	swait.ge [sflag:s25], $0x4000  }
0xe5: {  	[sflag:s25] =	ssyncset.done $0x0  }
0xe6: {  	[sflag:s25] =	ssyncadd.s32 $0xFFFFC000  }
.LBB2_20:
0xe7: {  	_ =	sfence.sel $0x180000  }
0xe8: {  	[bflag:$0x0] =	sbarrier.arrive $0xFFFF  }
0xe9: {  	_ =	strace $0x90000047  }
0xea: {  	s0 =	stileid.u32;
	[bflag:$0x2] =	sbarrier.arrive $0xFFFF  }
0xeb: {  	p0 =	sne.s32 s0, $0x0;
	s0 =	rddreg [dreg:$0x3]  }
0xec: {  	s0 =	sadd.s32 @!p0 $0x100000, s0  }
0xed: {  	[sflag:s0] =	ssyncadd.tile.s32 @!p0 $0x1;
	_ =	shalt  }
.Lfunc_end2:
_tile_overlayer_lowered:
.L_overlay_start_2:
0xee: {  	(tag) =	ssettag $0x2  }
0xef: {  	s0 =	rddreg [dreg:$0x0];
	s2 =	stileid.u32  }
0xf0: {  	s1 =	rddreg [dreg:$0x1];
	p0 =	sne.s32 s2, $0x0  }
0xf1: {  	s3 =	rddreg [dreg:$0x2];
	[bflag:$0x3] =	sbarrier.arrive $0xFFFF;
	s2 =	simm.s32 @!p0 $0x1C05  }
0xf2: {  	[timem:s3], [sflag:s2] =	dma.local @!p0 [hbm:s0], s1  }
0xf3: {  	s0 =	simm.s32 @!p0 $0x5  }
0xf4: {  	_ =	swait.ge @!p0 [sflag:s0], s1  }
0xf5: {  	s1 =	ssub.s32 @!p0 $0x0, s1;
	[sflag:s0] =	ssyncset.done @!p0 $0x0  }
0xf6: {  	[sflag:s0] =	ssyncadd.s32 @!p0 s1  }
0xf7: {  	[bflag:$0x3] =	sbarrier.arrive $0xFFFF  }
0xf8: {  	_ =	shalt  }

// kernel: _run.7.cloned.1.call-start
scs
__scs_entry_jumppad:
0x0: {  	(pc) =	sbr.rel $0x88, $3  }
0x1: {  	(tag) =	ssettag $0x0;
	lr =	simm.s32 $0x1  }
0x2: {  	[smem:$0x3F9C] =	sst lr;
	_ =	strace $0xD0000000  }
0x3: {  	_ = 	snop  }
0x4: {  	_ = 	snop  }
0x5: {  	_ = 	snop  }
0x6: {  	_ = 	snop  }
0x7: {  	_ = 	snop  }
__scs_overlays_trampoline_lowered:
0x8: {  	[smem:$0x3FAB] =	sst s0  }
0x9: {  	[smem:$0x3FAC] =	sst s1  }
0xa: {  	[smem:$0x3FAD] =	sst s2  }
0xb: {  	[smem:$0x3FAE] =	sst s3  }
0xc: {  	[smem:$0x3FAF] =	sst s4  }
0xd: {  	[smem:$0x3FB0] =	sst s5  }
0xe: {  	[smem:$0x3FB1] =	sst s6  }
0xf: {  	[smem:$0x3FB2] =	sst s7  }
0x10: {  	[smem:$0x3FB3] =	sst s8  }
0x11: {  	[smem:$0x3FB4] =	sst s9;
	s0 =	simm.s32 @!p0 $0x0  }
0x12: {  	s1 =	sld [smem:$0x3F9A];
	s0 =	simm.s32 @p0 $0x1  }
0x13: {  	[smem:$0x3FB5] =	sst s0;
	s0 =	simm.s32 @!p1 $0x0  }
0x14: {  	s2 =	sld [smem:$0x3F99];
	s0 =	simm.s32 @p1 $0x1  }
0x15: {  	[smem:$0x3FB6] =	sst s0;
	s0 =	simm.s32 @!p2 $0x0  }
0x16: {  	s3 =	sld [smem:$0x3FDB];
	s0 =	simm.s32 @p2 $0x1  }
0x17: {  	s4 =	simm.s32 $0x1BF5;
	[smem:$0x3FB8] =	sst s0  }
0x18: {  	s0 =	sld [smem:$0x3F9B];
	_ =	swait.ge [sflag:s4], $0x0  }
0x19: {  	s7 =	sld [smem:$0x3F9C]  }
0x1a: {  	s8 =	sadd.s32 $0xFFFFE003, lr  }
0x1b: {  	s9 =	sadd.s32 $0xFFFFFEF7, lr;
	s5 =	simm.s32 $0xFFFFFFFF;
	p2 =	slt.u32 s8, $0xFFFFF086  }
0x1c: {  	p1 =	slt.u32 s9, $0xF7A;
	s5 =	simm.s32 @!p2 $0x0  }
0x1d: {  	s5 =	simm.s32 @p1 $0x1;
	p0 =	seq.s32 s7, s2  }
0x1e: {  	s7 =	smul.u32 @!p0 $0xF7A, s2;
	p2 =	seq.s32 @!p0 s5, $0x0  }
0x1f: {  	s9 =	smul.u32 $0xF7A, s1;
	s8 =	simm.s32 @!p0 $0x1BF5;
	p2 =	por !p2, p0  }
0x20: {  	[sflag:s8] =	ssyncset.s32 @!p0 $0xFFFFF086;
	s6 =	sadd.s32 @!p0 s3, s7;
	s7 =	simm.s32 @!p0 $0x108  }
0x21: {  	s3 =	sadd.s32 s3, s9;
	s6 =	sadd.s32 @!p0 $0x88, s6;
	s7 =	simm.s32 @p2 $0x1082  }
0x22: {  	[simem:s7], [sflag:s8] =	dma.local @!p0 [hbm:s6], $0xF7A  }
0x23: {  	s9 =	sor.u32 $0xD0000000, s2;
	s6 =	simm.s32 $0x108;
	_ =	swait.ge @!p0 [sflag:s8], $0x0  }
0x24: {  	s3 =	sadd.s32 $0x88, s3;
	s6 =	simm.s32 @!p1 $0x1082;
	[sflag:s4] =	ssyncset.s32 $0xFFFFF086  }
0x25: {  	[simem:s6], [sflag:s4] =	dma.local [hbm:s3], $0xF7A  }
0x26: {  	[smem:$0x3F9C] =	sst s1;
	(tag) =	ssettag s2;
	_ =	strace s9  }
0x27: {  	s1 =	sld [smem:$0x3FAC]  }
0x28: {  	s2 =	sld [smem:$0x3FAD]  }
0x29: {  	s4 =	sld [smem:$0x3FAF]  }
0x2a: {  	p0 =	seq.s32 s5, $0x0;
	s5 =	sld [smem:$0x3FB0]  }
0x2b: {  	s6 =	sld [smem:$0x3FB1]  }
0x2c: {  	s7 =	sld [smem:$0x3FB2]  }
0x2d: {  	s3 =	simm.s32 $0x108;
	s8 =	sld [smem:$0x3FB3]  }
0x2e: {  	s3 =	simm.s32 @!p0 $0x1082;
	s9 =	sld [smem:$0x3FB4]  }
0x2f: {  	lr =	sadd.s32 s0, s3;
	s0 =	sld [smem:$0x3FAB]  }
0x30: {  	s3 =	sld [smem:$0x3FAE]  }
0x31: {  	[smem:$0x3FB7] =	sst s10  }
0x32: {  	s10 =	sld [smem:$0x3FB5];
	_ =	sdelay $0x3  }
0x33: {  	p0 =	seq.s32 s10, $0x1;
	s10 =	sld [smem:$0x3FB7];
	_ =	sdelay $0x3  }
0x34: {  	[smem:$0x3FB7] =	sst s10  }
0x35: {  	s10 =	sld [smem:$0x3FB6];
	_ =	sdelay $0x3  }
0x36: {  	p1 =	seq.s32 s10, $0x1;
	s10 =	sld [smem:$0x3FB7];
	_ =	sdelay $0x3  }
0x37: {  	[smem:$0x3FB7] =	sst s10  }
0x38: {  	s10 =	sld [smem:$0x3FB8]  }
0x39: {  	_ = 	snop;
	(pc) =	sbr.ind lr, $3  }
0x3a: {  	_ = 	snop  }
0x3b: {  	_ = 	snop  }
0x3c: {  	p2 =	seq.s32 s10, $0x1;
	s10 =	sld [smem:$0x3FB7]  }
0x3d: {  	_ =	shalt  }
0x3e: {  	_ =	shalt  }
0x3f: {  	_ =	shalt  }
0x40: {  	_ =	shalt  }
0x41: {  	_ =	shalt  }
0x42: {  	_ =	shalt  }
0x43: {  	_ =	shalt  }
0x44: {  	_ =	shalt  }
0x45: {  	_ =	shalt  }
0x46: {  	_ =	shalt  }
0x47: {  	_ =	shalt  }
0x48: {  	_ =	shalt  }
0x49: {  	_ =	shalt  }
0x4a: {  	_ =	shalt  }
0x4b: {  	_ =	shalt  }
0x4c: {  	_ =	shalt  }
0x4d: {  	_ =	shalt  }
0x4e: {  	_ =	shalt  }
0x4f: {  	_ =	shalt  }
0x50: {  	_ =	shalt  }
0x51: {  	_ =	shalt  }
0x52: {  	_ =	shalt  }
0x53: {  	_ =	shalt  }
0x54: {  	_ =	shalt  }
0x55: {  	_ =	shalt  }
0x56: {  	_ =	shalt  }
0x57: {  	_ =	shalt  }
0x58: {  	_ =	shalt  }
0x59: {  	_ =	shalt  }
0x5a: {  	_ =	shalt  }
0x5b: {  	_ =	shalt  }
0x5c: {  	_ =	shalt  }
0x5d: {  	_ =	shalt  }
0x5e: {  	_ =	shalt  }
0x5f: {  	_ =	shalt  }
0x60: {  	_ =	shalt  }
0x61: {  	_ =	shalt  }
0x62: {  	_ =	shalt  }
0x63: {  	_ =	shalt  }
0x64: {  	_ =	shalt  }
0x65: {  	_ =	shalt  }
0x66: {  	_ =	shalt  }
0x67: {  	_ =	shalt  }
0x68: {  	_ =	shalt  }
0x69: {  	_ =	shalt  }
0x6a: {  	_ =	shalt  }
0x6b: {  	_ =	shalt  }
0x6c: {  	_ =	shalt  }
0x6d: {  	_ =	shalt  }
0x6e: {  	_ =	shalt  }
0x6f: {  	_ =	shalt  }
0x70: {  	_ =	shalt  }
0x71: {  	_ =	shalt  }
0x72: {  	_ =	shalt  }
0x73: {  	_ =	shalt  }
0x74: {  	_ =	shalt  }
0x75: {  	_ =	shalt  }
0x76: {  	_ =	shalt  }
0x77: {  	_ =	shalt  }
0x78: {  	_ =	shalt  }
0x79: {  	_ =	shalt  }
0x7a: {  	_ =	shalt  }
0x7b: {  	_ =	shalt  }
0x7c: {  	_ =	shalt  }
0x7d: {  	_ =	shalt  }
0x7e: {  	_ =	shalt  }
0x7f: {  	_ =	shalt  }
0x80: {  	_ =	shalt  }
0x81: {  	_ =	shalt  }
0x82: {  	_ =	shalt  }
0x83: {  	_ =	shalt  }
0x84: {  	_ =	shalt  }
0x85: {  	_ =	shalt  }
0x86: {  	_ =	shalt  }
0x87: {  	_ =	shalt  }
.Lfunc_end0:
.L_simem_size_0:
called_computation.1_lowered:
.L_overlay_start_0:
0x88: {  	s2 =	sld [smem:$0x3FD9]  }
0x89: {  	s3 =	sld [smem:$0x3FFE];
	_ =	sdelay $0x1  }
0x8a: {  	s1 =	srdreg.scid  }
0x8b: {  	s0 =	sand.u32 $0x1, s1  }
0x8c: {  	s17 =	sshll.u32 s0, $0xA;
	s2 =	sadd.s32 s3, s2  }
0x8d: {  	s2 =	sadd.s32 s2, s17  }
0x8e: {  	[smem:$0x3FC3] =	sst s2  }
0x8f: {  	_ = 	snop  }
0x90: {  	s2 =	sld [smem:$0x3FC9]  }
0x91: {  	s18 =	sld [smem:$0x3FC6]  }
0x92: {  	s4 =	sld [smem:$0x3FC5];
	(tm) =	ssettm $0x1  }
0x93: {  	s5 =	sld [smem:$0x3FFB];
	_ =	sdelay $0x3  }
0x94: {  	_ =	strace s5  }
0x95: {  	s5 =	sld [smem:$0x3FFC];
	_ =	sdelay $0x3  }
0x96: {  	_ =	strace s5  }
0x97: {  	s5 =	sld [smem:$0x3FFD];
	_ =	sdelay $0x3  }
0x98: {  	_ =	strace s5  }
0x99: {  	_ =	strace $0x8FFFFFFF  }
0x9a: {  	s19 =	sld [smem:$0x3FDB];
	_ =	sdelay $0x1  }
0x9b: {  	s6 =	simm.s32 $_scs_section_size  }
0x9c: {  	s7 =	simm.s32 $_size__tile_overlayer_lowered;
	s8 =	simm.s32 $_tile_overlayer_lowered  }
0x9d: {  	s22 =	simm.s32 $0x1BFF;
	s21 =	sshll.u32 s8, $0x1;
	s5 =	sadd.s32 s6, s19  }
0x9e: {  	s9 =	simm.s32 $0x0;
	s20 =	sshll.u32 s7, $0x1;
	s7 =	sadd.s32 s21, s5  }
0x9f: {  	[timem:s9], [sflag:s22] =	dma.local [hbm:s7], s20  }
0xa0: {  	_ =	swait.ge [sflag:s22], s20  }
0xa1: {  	s6 =	ssub.s32 $0x0, s20;
	[sflag:s22] =	ssyncset.done $0x0  }
0xa2: {  	[sflag:s22] =	ssyncadd.s32 s6;
	_ =	sdelay $0x1  }
0xa3: {  	s23 =	simm.s32 $0x1B8B  }
0xa4: {  	_ =	swait.ge [sflag:s23], $0x1  }
0xa5: {  	[sflag:s23] =	ssyncset.done $0x0  }
0xa6: {  	s25 =	simm.s32 $0x1B8E;
	s24 =	sld [smem:$0x3FFE];
	[sflag:s23] =	ssyncadd.s32 $0xFFFFFFFF  }
0xa7: {  	s26 =	simm.s32 $execute0_lowered;
	[smem:$0x3FD2] =	sst s25  }
0xa8: {  	s7 =	sshll.u32 s26, $0x1;
	_ =	strace $0x80000049;
	[dreg:$0x1] =	wrdreg $0xFFFFFFFF  }
0xa9: {  	s28 =	simm.s32 $_size_execute0_lowered;
	s5 =	sadd.s32 s5, s7;
	[dreg:$0x0] =	wrdreg $0x0  }
0xaa: {  	s7 =	sshll.u32 s28, $0x1;
	[dreg:$0x2] =	wrdreg s5  }
0xab: {  	[dreg:$0x3] =	wrdreg s7  }
0xac: {  	[dreg:$0x4] =	wrdreg $0xC0  }
0xad: {  	_ =	task [dreg:s9], $0x5FFFF  }
0xae: {  	[dreg:$0x1] =	wrdreg $0xFFFFFFFF  }
0xaf: {  	[dreg:$0x0] =	wrdreg $0x60  }
0xb0: {  	[dreg:$0x2] =	wrdreg s2  }
0xb1: {  	[dreg:$0x3] =	wrdreg s24  }
0xb2: {  	[dreg:$0x4] =	wrdreg s18  }
0xb3: {  	[dreg:$0x5] =	wrdreg s4  }
0xb4: {  	[dreg:$0x6] =	wrdreg $0x9  }
0xb5: {  	_ =	task.clear_ibuf [dreg:s9], $0x7FFFF;
	_ =	strace $0x90000049  }
0xb6: {  	s29 =	simm.s32 $0x9;
	_ =	strace $0x8000004B  }
0xb7: {  	_ =	swait.ge [sflag:s29], $0x1  }
0xb8: {  	[sflag:s29] =	ssyncadd.s32 $0xFFFFFFFF  }
0xb9: {  	_ =	strace $0x9000004B  }
0xba: {  	_ =	sfence  }
0xbb: {  	s30 =	sld [smem:$0x0];
	_ =	sdelay $0x2  }
0xbc: {  	s31 =	sshll.u32 s1, $0xD;
	s1 =	sshrl.u32 s1, $0x2  }
0xbd: {  	s3 =	sand.u32 $0x4000, s31;
	s1 =	sadd.s32 s1, s30  }
0xbe: {  	s0 =	sor.u32 s3, s0;
	s1 =	sshll.u32 s1, $0x11  }
0xbf: {  	s0 =	sor.u32 s1, s0  }
0xc0: {  	s0 =	sadd.s32 $0x8F2B, s0  }
0xc1: {  	[sflag:s0] =	ssyncadd.remote.s32 $0x1  }
0xc2: {  	_ =	sfence.sel $0xFFFF  }
0xc3: {  	[dreg:$0x0] =	wrdreg $0xFFFFFFFF;
	(pc) =	sbr.abs _section_cstart, $3  }
0xc4: {  	[dreg:$0x1] =	wrdreg $0xFFFFFFFF  }
0xc5: {  	_ =	task.clear_ibuf [dreg:s9], $0x2FFFF;
	_ =	strace $0x9FFFFFFF  }
0xc6: {  	(tm) =	ssettm $0x7FFFFFFF  }
0xc7: {  	_ =	shalt  }
tec
execute0_lowered:
.L_overlay_start_1:
0x0: {  	(tag) =	ssettag $0x1  }
0x1: {  	s0 =	srdreg.scid;
	s1 =	rddreg [dreg:$0x0]  }
0x2: {  	s6 =	stileid.u32;
	s3 =	rddreg [dreg:$0x1];
	s5 =	simm.s32 $0x0  }
0x3: {  	s0 =	sand.u32 $0x1, s0;
	s2 =	sshll.u32 s6, $0x1;
	s23 =	smul.u32 $0xC800, s6  }
0x4: {  	[smem:$0x7FF] =	sst s5;
	s6 =	smul.u32 $0xC80000, s6;
	s9 =	sadd.s32 $0x800, s3  }
0x5: {  	s3 =	sadd.s32 $0xF42C00, s3;
	s2 =	sor.u32 s0, s2;
	s4 =	smul.u32 $0x6400, s0  }
0x6: {  	s24 =	ssub.s32 $0x2, s0;
	_ =	strace $0x8000004A;
	s0 =	smul.u32 $0x640000, s0  }
0x7: {  	[dreg:$0x6] =	wrdreg s9;
	s8 =	smul.u32 $0x6400, s2;
	s7 =	sshrl.u32 s24, $0x1  }
0x8: {  	[dreg:$0x7] =	wrdreg s3;
	s25 =	ssub.s32 s24, s7  }
0x9: {  	s2 =	sadd.s32 s4, s23;
	s0 =	sadd.s32 s0, s6;
	[dreg:$0x5] =	wrdreg s8  }
0xa: {  	s26 =	sshrl.u32 s8, $0x3;
	s3 =	smax.u32 s25, $0x1;
	[dreg:$0x8] =	wrdreg s2  }
0xb: {  	s28 =	sshll.u32 s2, $0x6;
	s31 =	sor.u32 $0x80, s2;
	[dreg:$0xa] =	wrdreg s3  }
.Ltmp0:
0xc: {  	s1 =	sadd.s32 s1, s26;
	[dreg:$0xe] =	wrdreg s31;
	(pc) =	sbr.rel .LBB2_1-.Ltmp0, $4  }
0xd: {  	s0 =	sshrl.u32 s0, $0x2;
	s29 =	sor.u32 $0xC0, s28;
	[dreg:$0x9] =	wrdreg s1  }
0xe: {  	s0 =	sadd.s32 $0x16400, s0;
	[dreg:$0xb] =	wrdreg s29  }
0xf: {  	s30 =	sor.u32 $0x40, s28;
	[dreg:$0xc] =	wrdreg s0  }
0x10: {  	s2 =	simm.s32 $0x0;
	[dreg:$0xd] =	wrdreg s30  }
.LBB2_8:
0x11: {  	s0 =	simm.s32 $0x3  }
0x12: {  	_ =	swait.ge [sflag:s0], $0x4000  }
0x13: {  	[sflag:s0] =	ssyncset.done $0x0  }
0x14: {  	s1 =	simm.s32 $0x4;
	[sflag:s0] =	ssyncadd.s32 $0xFFFFC000  }
0x15: {  	_ =	swait.ge [sflag:s1], $0x4000  }
0x16: {  	s2 =	rddreg [dreg:$0xf]  }
0x17: {  	s31 =	rddreg [dreg:$0xa];
	s2 =	sadd.s32 $0x1, s2  }
0x18: {  	p0 =	sne.s32 s2, s31  }
.Ltmp1:
0x19: {  	_ = 	snop;
	(pc) =	sbr.rel @!p0 .LBB2_9-.Ltmp1, $3  }
0x1a: {  	_ =	sdelay $0x1  }
0x1b: {  	[sflag:s1] =	ssyncset.done $0x0  }
0x1c: {  	[sflag:s1] =	ssyncadd.s32 $0xFFFFC000  }
.LBB2_1:
0x1d: {  	[dreg:$0xf] =	wrdreg s2  }
0x1e: {  	s1 =	simm.s32 $0x0;
	s0 =	rddreg [dreg:$0x9];
	s22 =	simm.s32 $0x5  }
0x1f: {  	[tilespmem:s1], [sflag:$0x5] =	stream.linear.gather [hbm4b:s0+s1], $0x6400, $0x38;
	[tilespmem:$0x19680] =	vst v63  }
0x20: {  	_ =	swait.ge [sflag:s22], $0x6400  }
0x21: {  	[sflag:s22] =	ssyncset.done $0x0  }
0x22: {  	[sflag:s22] =	ssyncadd.s32 $0xFFFF9C00  }
0x23: {  	s3 =	simm.s32 $0x16400;
	s23 =	rddreg [dreg:$0x2]  }
0x24: {  	[tilespmem:s3], [sflag:$0x5] =	stream.linear.gather [hbm4b:s23+s1], $0x3200, $0x38;
	[tilespmem:$0x19680] =	vst v63  }
0x25: {  	_ =	swait.ge [sflag:s22], $0x3200  }
0x26: {  	[sflag:s22] =	ssyncset.done $0x0  }
0x27: {  	[sflag:s22] =	ssyncadd.s32 $0xFFFFCE00  }
0x28: {  	s25 =	simm.s32 $0x19600;
	s24 =	rddreg [dreg:$0x3]  }
0x29: {  	[tilespmem:s25], [sflag:$0x5] =	stream.linear.gather [hbm4b:s24+s1], $0x80, $0x38;
	[tilespmem:$0x19680] =	vst v63  }
0x2a: {  	_ =	swait.ge [sflag:s22], $0x80  }
0x2b: {  	s26 =	rddreg [dreg:$0x6]  }
0x2c: {  	s31 =	rddreg [dreg:$0xe]  }
0x2d: {  	s11 =	rddreg [dreg:$0xd]  }
0x2e: {  	s5 =	rddreg [dreg:$0xc]  }
0x2f: {  	s28 =	simm.s32 $0x80;
	[sflag:s22] =	ssyncset.done $0x0;
	s6 =	rddreg [dreg:$0x8]  }
0x30: {  	s29 =	simm.s32 $0x6400;
	s8 =	rddreg [dreg:$0xb];
	[sflag:s22] =	ssyncadd.s32 $0xFFFFFF80  }
0x31: {  	[tilespmem:s29], [sflag:$0x1] =	stream.indirect.gather [hbm4b:s26+s28], $0x80, s1, s28, $0xb8;
	[tilespmem:$0x19680] =	vst v63  }
0x32: {  	s30 =	simm.s32 $0xA400;
	[dreg:$0x10] =	wrdreg s31;
	s1 =	simm.s32 $0x0  }
0x33: {  	[tilespmem:s30], [sflag:$0x2] =	stream.indirect.gather [hbm4b:s26+s28], $0x80, s28, s28, $0xb8;
	[tilespmem:$0x19680] =	vst v63  }
.LBB2_2:
0x34: {  	[dreg:$0x15] =	wrdreg s1;
	s0 =	simm.s32 $0x1  }
0x35: {  	_ =	swait.ge [sflag:s0], $0x4000  }
0x36: {  	p0 =	seq.s32 s1, $0x0;
	[sflag:s0] =	ssyncset.done $0x0  }
0x37: {  	[sflag:s0] =	ssyncadd.s32 $0xFFFFC000;
	s0 =	simm.s32 @!p0 $0x3  }
0x38: {  	s15 =	smulhi.u32 $0x51EB851F, s6;
	_ =	swait.ge @!p0 [sflag:s0], $0x4000  }
0x39: {  	[sflag:s0] =	ssyncset.done @!p0 $0x0  }
0x3a: {  	s16 =	simm.s32 $0x6500;
	s1 =	sshrl.u32 s15, $0x6;
	[sflag:s0] =	ssyncadd.s32 @!p0 $0xFFFFC000  }
0x3b: {  	s2 =	smul.u32 $0xFFFF3800, s1;
	v0 =	vld [tilespmem:s16+$0x80]  }
0x3c: {  	s1 =	smul.u32 $0x3200, s1;
	v1 =	vld [tilespmem:s16+$0x90]  }
0x3d: {  	s2 =	sshra.s32 s2, $0x2;
	v2 =	vld [tilespmem:s16+$0xA0]  }
0x3e: {  	s3 =	ssub.s32 s8, s1;
	s2 =	sadd.s32 s2, s5;
	v3 =	vld [tilespmem:s16+$0xB0]  }
0x3f: {  	s4 =	sor.u32 $0x50, s3;
	v4 =	vld [tilespmem:s2+$0xC0]  }
0x40: {  	s17 =	sor.u32 $0x60, s3;
	v5 =	vld [tilespmem:s4+$0x16400]  }
0x41: {  	s3 =	sor.u32 $0x70, s3;
	v6 =	vld [tilespmem:s17+$0x16400]  }
0x42: {  	v7 =	vld [tilespmem:s3+$0x16400];
	_ =	sdelay $0x3  }
0x43: {  	v29 =	vadd.f32 v4, v0;
	v27 =	vadd.f32 v5, v1  }
0x44: {  	v59 =	vld [tilespmem:s2+$0x0];
	v23 =	vadd.f32 v6, v2;
	v56 =	vadd.f32 v7, v3  }
0x45: {  	v8 =	vld [tilespmem:s2+$0x10];
	v54 =	vmul.f32 v29, v29;
	v55 =	vmul.f32 v27, v27  }
0x46: {  	v62 =	vld [tilespmem:s2+$0x20];
	v57 =	vmul.f32 v23, v23;
	v58 =	vmul.f32 v56, v56  }
0x47: {  	s1 =	ssub.s32 s11, s1;
	v32 =	vld [tilespmem:s2+$0x30];
	v60 =	vadd.f32 v27, v29;
	v7 =	vadd.f32 v56, v23  }
0x48: {  	s1 =	sand.u32 $0x3F00, s1;
	v33 =	vld [tilespmem:s2+$0x40];
	v1 =	vadd.f32 v55, v54;
	v61 =	vadd.f32 v58, v57  }
0x49: {  	v34 =	vld [tilespmem:s1+$0x16450];
	v63 =	vadd.f32 v7, v60  }
0x4a: {  	v35 =	vld [tilespmem:s1+$0x16460];
	v1 =	vadd.f32 v61, v1  }
0x4b: {  	v36 =	vld [tilespmem:s1+$0x16470];
	(xrf2) =	vadd.scan.msk.f32 $0xffff, v63  }
0x4c: {  	v9 =	vld [tilespmem:s2+$0x80];
	(xrf2) =	vadd.scan.msk.f32 $0xffff, v1  }
0x4d: {  	v10 =	vld [tilespmem:s2+$0x90]  }
0x4e: {  	v14 =	vld [tilespmem:s2+$0xA0]  }
0x4f: {  	v18 =	vld [tilespmem:s2+$0xB0]  }
0x50: {  	v11 =	vld [tilespmem:s16+$0xFFFFFF00]  }
0x51: {  	v12 =	vld [tilespmem:s16+$0xFFFFFF10]  }
0x52: {  	v13 =	vld [tilespmem:s16+$0xFFFFFF20]  }
0x53: {  	v16 =	vld [tilespmem:s16+$0xFFFFFF30]  }
0x54: {  	v17 =	vld [tilespmem:s16+$0xFFFFFF80]  }
0x55: {  	v19 =	vld [tilespmem:s16+$0xFFFFFF90];
	v15, _, _ =	vpop (xrf2)  }
0x56: {  	v22 =	vld [tilespmem:s16+$0xFFFFFFA0];
	v21 =	vadd.f32 v59, v11;
	(v2sf) =	vpush v15, $0xF;
	v15, _, _ =	vpop (xrf2)  }
0x57: {  	v37 =	vld [tilespmem:s16+$0xFFFFFFB0];
	v59 =	vadd.f32 v62, v13;
	(v2sf) =	vpush v15, $0xF  }
0x58: {  	v38 =	vld [tilespmem:s16+$0x0];
	v15 =	vadd.f32 v8, v12;
	v12 =	vadd.f32 v32, v16  }
0x59: {  	v24 =	vld [tilespmem:s16+$0x20];
	v20 =	vadd.f32 v33, v17  }
0x5a: {  	v41 =	vld [tilespmem:s16+$0x30];
	v39 =	vadd.f32 v15, v21;
	v40 =	vadd.f32 v12, v59  }
0x5b: {  	v11 =	vadd.f32 v34, v19;
	v17 =	vadd.f32 v35, v22;
	v8 =	vld [tilespmem:s16+$0x10]  }
0x5c: {  	v13 =	vadd.f32 v36, v37;
	v2 =	vadd.f32 v40, v39  }
0x5d: {  	v22 =	vadd.f32 v9, v38  }
0x5e: {  	v4 =	vadd.f32 v11, v20;
	v43 =	vadd.f32 v13, v17;
	(xrf2) =	vadd.scan.msk.f32 $0xffff, v2  }
0x5f: {  	v45 =	vadd.f32 v14, v24;
	v47 =	vadd.f32 v18, v41  }
0x60: {  	v48 =	vadd.f32 v43, v4;
	v8 =	vadd.f32 v10, v8;
	_ =	sdelay $0x1  }
0x61: {  	v14 =	vadd.f32 v47, v45;
	v10 =	vadd.f32 v8, v22;
	(xrf2) =	vadd.scan.msk.f32 $0xffff, v48;
	_ =	sdelay $0x1  }
0x62: {  	v10 =	vadd.f32 v14, v10;
	_ =	sdelay $0x1  }
0x63: {  	v42 =	vmul.f32 v21, v21;
	v44 =	vmul.f32 v15, v15;
	(xrf2) =	vadd.scan.msk.f32 $0xffff, v10  }
0x64: {  	v46 =	vmul.f32 v59, v59;
	v49 =	vmul.f32 v12, v12  }
0x65: {  	v50 =	vmul.f32 v20, v20;
	v3 =	vadd.f32 v44, v42;
	s18 =	spop (v2sf);
	v57, _, _ =	vpop (xrf2)  }
0x66: {  	v51 =	vmul.f32 v11, v11;
	v2 =	vadd.f32 v49, v46;
	s19 =	spop (v2sf);
	(v2sf) =	vpush v57, $0xF  }
0x67: {  	s7 =	sadd.s32 $0x4, s6;
	v52 =	vmul.f32 v17, v17;
	v53 =	vmul.f32 v13, v13;
	[tilespmem:$0x1FD90] =	vst v45  }
0x68: {  	s21 =	smulhi.u32 $0x51EB851F, s7;
	v18 =	vmul.f32 v22, v22;
	[tilespmem:$0x1FDA0] =	vst v47;
	v2 =	vadd.f32 v2, v3  }
0x69: {  	v4 =	vadd.f32 v51, v50;
	v54 =	vmul.f32 v47, v47;
	v1 =	vadd.f32 v53, v52;
	[tilespmem:$0x1FD80] =	vst v8;
	s0 =	smul.f32 $1.562500000e-02, s18;
	v60, _, _ =	vpop (xrf2)  }
0x6a: {  	s9 =	simm.s32 $0x6700;
	[dreg:$0x13] =	wrdreg s6;
	v19 =	vmul.f32 v8, v8;
	v14 =	vmul.f32 v45, v45;
	(xrf2) =	vadd.scan.msk.f32 $0xffff, v2;
	s1 =	smul.f32 $1.562500000e-02, s19;
	(v2sf) =	vpush v60, $0xF  }
0x6b: {  	v1 =	vadd.f32 v1, v4;
	v61 =	vld [tilespmem:s9+$0x80];
	s20 =	smul.f32 s0, s0  }
0x6c: {  	s3 =	sshrl.u32 s21, $0x6;
	v62 =	vld [tilespmem:s9+$0x90];
	[dreg:$0x14] =	wrdreg s8;
	v55 =	vadd.f32 v19, v18;
	v5 =	vadd.f32 v54, v14  }
0x6d: {  	s22 =	smul.u32 $0xFFFF3800, s3;
	(xrf2) =	vadd.scan.msk.f32 $0xffff, v1;
	s1 =	ssub.f32 s1, s20;
	v41, _, _ =	vpop (xrf2)  }
0x6e: {  	s17 =	sadd.s32 $0x100, s5;
	[dreg:$0x12] =	wrdreg s5;
	v58 =	vadd.f32 v5, v55;
	(v2sf) =	vpush v41, $0xF  }
0x6f: {  	s3 =	smul.u32 $0x3200, s3;
	s4 =	sshra.s32 s22, $0x2;
	s2 =	sadd.f32 $9.999999740e-06, s1  }
0x70: {  	s25 =	sadd.s32 s4, s17;
	s8 =	sadd.s32 $0x100, s8;
	v63 =	vld [tilespmem:s9+$0xA0];
	(xrf2) =	vadd.scan.msk.f32 $0xffff, v58  }
0x71: {  	s24 =	ssub.s32 s8, s3;
	v40 =	vld [tilespmem:s9+$0xB0];
	s1 =	smul.f32 $5.000000000e-01, s2;
	s2 =	sshrl.u32 s2, $0x1  }
0x72: {  	v42 =	vld [tilespmem:s25+$0xC0];
	s10 =	sor.u32 $0x50, s24;
	s23 =	ssub.s32 $0x5F3759DF, s2  }
0x73: {  	s29 =	sor.u32 $0x60, s24;
	v43 =	vld [tilespmem:s10+$0x16400];
	s26 =	smul.f32 s23, s1  }
0x74: {  	s6 =	sor.u32 $0x70, s24;
	v14 =	vld [tilespmem:s29+$0x16400];
	v10, _, _ =	vpop (xrf2)  }
0x75: {  	(v2sf) =	vpush v10, $0xF;
	v10 =	vld [tilespmem:s6+$0x16400];
	s4 =	smul.f32 s23, s26;
	s12 =	spop (v2sf)  }
0x76: {  	s14 =	smul.f32 $1.562500000e-02, s12  }
0x77: {  	v18, _, _ =	vpop (xrf2);
	s4 =	ssub.f32 $1.500000000e+00, s4  }
0x78: {  	(v2sf) =	vpush v18, $0xF;
	[dreg:$0x1b] =	wrdreg s14  }
0x79: {  	v35 =	vadd.f32 v42, v61;
	v38 =	vadd.f32 v43, v62;
	s30 =	smul.f32 s23, s4;
	s16 =	spop (v2sf);
	v44 =	vld [tilespmem:s25+$0x0]  }
0x7a: {  	v24 =	vadd.f32 v14, v63;
	v18, _, _ =	vpop (xrf2);
	v19 =	vadd.f32 v10, v40;
	s18 =	smul.f32 $1.562500000e-02, s16;
	v46 =	vld [tilespmem:s25+$0x10];
	[dreg:$0x11] =	wrdreg s11  }
0x7b: {  	(v2sf) =	vpush v18, $0xF;
	s4 =	sadd.s32 $0x100, s11;
	s13 =	smul.f32 s30, s1;
	v10 =	vld [tilespmem:s25+$0x20]  }
0x7c: {  	v14 =	vadd.f32 v38, v35;
	v18 =	vadd.f32 v19, v24;
	s3 =	ssub.s32 s4, s3;
	v25 =	vld [tilespmem:s25+$0x30];
	[dreg:$0x1c] =	wrdreg s18  }
0x7d: {  	s3 =	sand.u32 $0x3F00, s3;
	s10 =	smul.f32 s13, s30;
	s13 =	spop (v2sf);
	v50 =	vld [tilespmem:s25+$0x40]  }
0x7e: {  	v2 =	vmul.f32 v35, v35;
	v45 =	vmul.f32 v38, v38;
	v51 =	vadd.f32 v18, v14;
	v14 =	vld [tilespmem:s3+$0x16450];
	s20 =	smul.f32 $1.562500000e-02, s13  }
0x7f: {  	v47 =	vmul.f32 v24, v24;
	v48 =	vmul.f32 v19, v19;
	v18 =	vld [tilespmem:s3+$0x16460]  }
0x80: {  	v52 =	vld [tilespmem:s3+$0x16470];
	[dreg:$0x1d] =	wrdreg s20  }
0x81: {  	v2 =	vadd.f32 v45, v2;
	v49 =	vadd.f32 v48, v47;
	v53 =	vld [tilespmem:s25+$0x80]  }
0x82: {  	(xrf2) =	vadd.scan.msk.f32 $0xffff, v51;
	s15 =	smul.f32 s14, s14;
	s12 =	ssub.f32 $1.500000000e+00, s10;
	v30 =	vld [tilespmem:s25+$0x90]  }
0x83: {  	v2 =	vadd.f32 v49, v2;
	s19 =	smul.f32 s18, s18;
	v32 =	vld [tilespmem:s25+$0xA0]  }
0x84: {  	s12 =	smul.f32 s12, s30;
	s21 =	spop (v2sf);
	v33 =	vld [tilespmem:s25+$0xB0]  }
0x85: {  	(xrf2) =	vadd.scan.msk.f32 $0xffff, v2;
	s3 =	smul.f32 $1.562500000e-02, s21;
	v54 =	vld [tilespmem:s9+$0xFFFFFF00]  }
0x86: {  	s1 =	smul.f32 s12, s1;
	v26 =	vld [tilespmem:s9+$0xFFFFFF10]  }
0x87: {  	s23 =	spop (v2sf);
	s13 =	smul.f32 s20, s20;
	v28 =	vld [tilespmem:s9+$0xFFFFFF20]  }
0x88: {  	s22 =	ssub.f32 s3, s15;
	s3 =	smul.f32 $1.562500000e-02, s23;
	v34 =	vld [tilespmem:s9+$0xFFFFFF30]  }
0x89: {  	v36 =	vld [tilespmem:s9+$0xFFFFFF80];
	s1 =	smul.f32 s1, s12  }
0x8a: {  	v37 =	vld [tilespmem:s9+$0xFFFFFF90];
	s24 =	spop (v2sf);
	s2 =	sadd.f32 $9.999999740e-06, s22  }
0x8b: {  	v39 =	vld [tilespmem:s9+$0xFFFFFFA0];
	s11 =	smul.f32 $1.562500000e-02, s24;
	s3 =	ssub.f32 s3, s19  }
0x8c: {  	v40 =	vld [tilespmem:s9+$0xFFFFFFB0];
	s1 =	ssub.f32 $1.500000000e+00, s1;
	v31, _, _ =	vpop (xrf2)  }
0x8d: {  	v41 =	vld [tilespmem:s9+$0x0];
	s15 =	sshrl.u32 s2, $0x1;
	s6 =	smul.f32 $5.000000000e-01, s2;
	s25 =	ssub.f32 s11, s13;
	(v2sf) =	vpush v31, $0xF  }
0x8e: {  	v55 =	vld [tilespmem:s9+$0x10];
	s3 =	sadd.f32 $9.999999740e-06, s3;
	s14 =	smul.f32 s1, s12;
	s18 =	ssub.s32 $0x5F3759DF, s15;
	v9 =	vadd.f32 v44, v54;
	v28 =	vadd.f32 v10, v28  }
0x8f: {  	v57 =	vld [tilespmem:s9+$0x20];
	v31, _, _ =	vpop (xrf2);
	v8 =	vadd.f32 v50, v36;
	v58 =	vadd.f32 v14, v37;
	s26 =	smul.f32 s18, s6  }
0x90: {  	s19 =	sadd.s32 $0x4, s7;
	v61 =	vadd.f32 v18, v39;
	s2 =	sadd.f32 $9.999999740e-06, s25;
	(v2sf) =	vpush v31, $0xF;
	s11 =	smul.f32 $5.000000000e-01, s3  }
0x91: {  	v14 =	vld [tilespmem:s9+$0x30];
	s29 =	sshrl.u32 s3, $0x1;
	v31 =	vadd.f32 v46, v26;
	v26 =	vadd.f32 v25, v34;
	s3 =	smulhi.u32 $0x51EB851F, s19  }
0x92: {  	v63 =	vadd.f32 v52, v40;
	v10 =	vadd.f32 v53, v41;
	s20 =	ssub.s32 $0x5F3759DF, s29;
	[tilespmem:$0x1FDB0] =	vst v8;
	s10 =	smul.f32 $5.000000000e-01, s2  }
0x93: {  	s12 =	simm.s32 $0x6900;
	[tilespmem:$0x1FDD0] =	vst v58;
	s1 =	smul.f32 s20, s11;
	v25 =	vadd.f32 v31, v9;
	v34 =	vadd.f32 v26, v28  }
0x94: {  	v50 =	vadd.f32 v30, v55;
	v52 =	vadd.f32 v32, v57;
	s30 =	sshrl.u32 s2, $0x1;
	s5 =	smul.f32 s18, s26;
	s9 =	sshrl.u32 s3, $0x6;
	v48 =	vld [tilespmem:s12+$0x80]  }
0x95: {  	v60 =	vmul.f32 v9, v9;
	v62 =	vmul.f32 v31, v31;
	v30 =	vld [tilespmem:s12+$0x90];
	[dreg:$0x18] =	wrdreg s17;
	s2 =	ssub.s32 $0x5F3759DF, s30;
	s23 =	smul.u32 $0xFFFF3800, s9;
	v25 =	vadd.f32 v34, v25  }
0x96: {  	v37 =	vadd.f32 v58, v8;
	v54 =	vld [tilespmem:s12+$0xA0];
	[tilespmem:$0x1FDE0] =	vst v61;
	s21 =	smul.f32 s2, s10;
	v53 =	vadd.f32 v33, v14  }
0x97: {  	s16 =	sadd.s32 $0x100, s8;
	[tilespmem:$0x1FDF0] =	vst v63;
	s22 =	smul.f32 s20, s1;
	v55 =	vadd.f32 v62, v60;
	(xrf2) =	vadd.scan.msk.f32 $0xffff, v25;
	v25 =	vadd.f32 v63, v61  }
0x98: {  	s7 =	sadd.s32 $0x100, s17;
	v49 =	vmul.f32 v28, v28;
	s15 =	smul.u32 $0x3200, s9;
	s24 =	ssub.f32 $1.500000000e+00, s5;
	v57 =	vld [tilespmem:s12+$0xB0];
	[tilespmem:$0x1FDC0] =	vst v10;
	v60 =	vadd.f32 v50, v10;
	v42 =	vadd.f32 v53, v52  }
0x99: {  	v58 =	vmul.f32 v58, v58;
	v51 =	vmul.f32 v26, v26;
	[tilespmem:$0x1FE00] =	vst v50;
	s23 =	sshra.s32 s23, $0x2;
	s21 =	smul.f32 s2, s21;
	s26 =	ssub.f32 $1.500000000e+00, s22;
	v25 =	vadd.f32 v25, v37  }
0x9a: {  	v44 =	vmul.f32 v61, v61;
	v45 =	vmul.f32 v10, v10;
	[tilespmem:$0x1FE10] =	vst v52;
	s25 =	ssub.s32 s16, s15;
	s13 =	sadd.s32 s23, s7;
	s9 =	smul.f32 s18, s24;
	v39 =	vadd.f32 v42, v60  }
0x9b: {  	v46 =	vmul.f32 v50, v50;
	v40 =	vadd.f32 v51, v49;
	[tilespmem:$0x1FE20] =	vst v53;
	s29 =	sor.u32 $0x50, s25;
	s1 =	smul.f32 s20, s26;
	s21 =	ssub.f32 $1.500000000e+00, s21;
	(xrf2) =	vadd.scan.msk.f32 $0xffff, v25  }
0x9c: {  	v47 =	vmul.f32 v52, v52;
	v14 =	vmul.f32 v8, v8;
	s30 =	sor.u32 $0x60, s25;
	s5 =	sor.u32 $0x70, s25;
	v43 =	vld [tilespmem:s13+$0xC0];
	s25 =	smul.f32 s9, s6;
	(xrf2) =	vadd.scan.msk.f32 $0xffff, v39  }
0x9d: {  	v62 =	vmul.f32 v63, v63;
	v5 =	vmul.f32 v53, v53;
	v61 =	vld [tilespmem:s29+$0x16400];
	v25 =	vadd.f32 v40, v55;
	s20 =	smul.f32 s2, s21  }
0x9e: {  	v7 =	vadd.f32 v46, v45;
	v14 =	vadd.f32 v58, v14;
	v3 =	vld [tilespmem:s5+$0x16400];
	s26 =	smul.f32 s1, s11  }
0x9f: {  	v6 =	vadd.f32 v62, v44;
	v63 =	vld [tilespmem:s30+$0x16400];
	v36 =	vadd.f32 v5, v47;
	s2 =	smul.f32 s25, s9;
	(xrf2) =	vadd.scan.msk.f32 $0xffff, v25;
	s3 =	spop (v2sf)  }
0xa0: {  	s8 =	smul.f32 $1.562500000e-02, s3;
	s17 =	spop (v2sf)  }
0xa1: {  	v40 =	vadd.f32 v6, v14;
	v49 =	vadd.f32 v36, v7;
	s23 =	smul.f32 $1.562500000e-02, s17  }
0xa2: {  	v48 =	vadd.f32 v43, v48;
	v47 =	vadd.f32 v61, v30;
	s24 =	smul.f32 s8, s8;
	v30, _, _ =	vpop (xrf2)  }
0xa3: {  	v45 =	vadd.f32 v3, v57;
	s22 =	smul.f32 s26, s1;
	s2 =	ssub.f32 $1.500000000e+00, s2;
	(v2sf) =	vpush v30, $0xF  }
0xa4: {  	v25 =	vadd.f32 v63, v54;
	(xrf2) =	vadd.scan.msk.f32 $0xffff, v40;
	v50 =	vmul.f32 v48, v48;
	s21 =	ssub.f32 s23, s24  }
0xa5: {  	s29 =	smul.f32 s20, s10;
	v51 =	vmul.f32 v47, v47;
	v52 =	vmul.f32 v45, v45;
	s22 =	ssub.f32 $1.500000000e+00, s22;
	(xrf2) =	vadd.scan.msk.f32 $0xffff, v49;
	v55, _, _ =	vpop (xrf2)  }
0xa6: {  	v53 =	vadd.f32 v47, v48;
	s2 =	smul.f32 s2, s9;
	v30 =	vmul.f32 v25, v25;
	s21 =	sadd.f32 $9.999999740e-06, s21;
	(v2sf) =	vpush v55, $0xF;
	v57, _, _ =	vpop (xrf2)  }
0xa7: {  	v54 =	vadd.f32 v45, v25;
	s22 =	smul.f32 s22, s1;
	(v2sf) =	vpush v57, $0xF  }
0xa8: {  	v32 =	vadd.f32 v51, v50;
	v30 =	vadd.f32 v52, v30;
	s24 =	sshrl.u32 s21, $0x1;
	s21 =	smul.f32 $5.000000000e-01, s21  }
0xa9: {  	v4 =	vadd.f32 v54, v53;
	s6 =	smul.f32 s2, s6;
	v58, _, _ =	vpop (xrf2);
	s24 =	ssub.s32 $0x5F3759DF, s24  }
0xaa: {  	v30 =	vadd.f32 v30, v32;
	(v2sf) =	vpush v58, $0xF;
	s25 =	smul.f32 s24, s21  }
0xab: {  	s23 =	smul.f32 s29, s20;
	(xrf2) =	vadd.scan.msk.f32 $0xffff, v4  }
0xac: {  	(xrf2) =	vadd.scan.msk.f32 $0xffff, v30;
	s25 =	smul.f32 s24, s25  }
0xad: {  	s11 =	smul.f32 s22, s11  }
0xae: {  	v33 =	vld [tilespmem:s13+$0x20];
	s6 =	smul.f32 s6, s2;
	v60, _, _ =	vpop (xrf2);
	s1 =	ssub.f32 $1.500000000e+00, s25  }
0xaf: {  	v34 =	vld [tilespmem:s13+$0x30];
	s30 =	ssub.f32 $1.500000000e+00, s23;
	s11 =	smul.f32 s11, s22;
	(v2sf) =	vpush v60, $0xF;
	v61, _, _ =	vpop (xrf2)  }
0xb0: {  	v46 =	vld [tilespmem:s13+$0x80];
	(v2sf) =	vpush v61, $0xF;
	s18 =	smul.f32 s24, s1  }
0xb1: {  	v39 =	vld [tilespmem:$0x19640];
	s9 =	smul.f32 s30, s20  }
0xb2: {  	v49 =	vld [tilespmem:$0x19600];
	s3 =	smul.f32 s18, s21;
	s5 =	spop (v2sf)  }
0xb3: {  	v51 =	vld [tilespmem:s13+$0x90];
	s23 =	smul.f32 $1.562500000e-02, s5  }
0xb4: {  	v4 =	vld [tilespmem:s13+$0x0];
	s24 =	sadd.s32 $0x100, s4;
	s20 =	smul.f32 s3, s18  }
0xb5: {  	v32 =	vld [tilespmem:s13+$0x40];
	v62, _, _ =	vpop (xrf2);
	s4 =	ssub.s32 s24, s15;
	s17 =	smul.f32 s23, s23;
	s29 =	spop (v2sf)  }
0xb6: {  	v30 =	vld [tilespmem:s13+$0x10];
	(v2sf) =	vpush v62, $0xF;
	s4 =	sand.u32 $0x3F00, s4;
	v63, _, _ =	vpop (xrf2);
	s20 =	ssub.f32 $1.500000000e+00, s20;
	s1 =	spop (v2sf)  }
0xb7: {  	v36 =	vld [tilespmem:s4+$0x16450];
	(v2sf) =	vpush v63, $0xF;
	s1 =	smul.f32 $1.562500000e-02, s1  }
0xb8: {  	v41 =	vld [tilespmem:s4+$0x16460];
	s15 =	smul.f32 s20, s18  }
0xb9: {  	v42 =	vld [tilespmem:s4+$0x16470];
	s5 =	spop (v2sf);
	[dreg:$0x1e] =	wrdreg s1  }
0xba: {  	s25 =	smul.f32 $1.562500000e-02, s5;
	v52 =	vld [tilespmem:s13+$0xA0]  }
0xbb: {  	s6 =	ssub.f32 $1.500000000e+00, s6;
	s30 =	smul.f32 s15, s21;
	v53 =	vld [tilespmem:s13+$0xB0]  }
0xbc: {  	s11 =	ssub.f32 $1.500000000e+00, s11;
	s21 =	smul.f32 $1.562500000e-02, s29;
	v0 =	vld [tilespmem:s12+$0xFFFFFF00]  }
0xbd: {  	s18 =	ssub.f32 s25, s17;
	v1 =	vld [tilespmem:s12+$0xFFFFFF10];
	s13 =	smul.f32 s6, s2  }
0xbe: {  	s17 =	spop (v2sf);
	v2 =	vld [tilespmem:s12+$0xFFFFFF20];
	s3 =	smul.f32 s30, s15  }
0xbf: {  	v50 =	vmov s0;
	v54 =	vld [tilespmem:s12+$0xFFFFFF30];
	s26 =	smul.f32 s21, s21;
	s20 =	spop (v2sf)  }
0xc0: {  	v29 =	vsub.f32 v29, v50;
	v55 =	vld [tilespmem:s12+$0xFFFFFF80];
	s25 =	sadd.f32 $9.999999740e-06, s18;
	s5 =	smul.f32 $1.562500000e-02, s20  }
0xc1: {  	v57 =	vld [tilespmem:s12+$0xFFFFFF90];
	s20 =	smul.f32 s11, s22;
	s4 =	ssub.f32 $1.500000000e+00, s3  }
0xc2: {  	v29 =	vmul.f32 s14, v29;
	v58 =	vld [tilespmem:s12+$0xFFFFFFA0];
	s18 =	smul.f32 $5.000000000e-01, s25  }
0xc3: {  	v60 =	vld [tilespmem:s12+$0xFFFFFFB0];
	s30 =	sshrl.u32 s25, $0x1;
	s15 =	smul.f32 s4, s15  }
0xc4: {  	v29 =	vmul.f32 v29, v49;
	v62 =	vld [tilespmem:s12+$0x0];
	s4 =	smul.f32 $1.562500000e-02, s17;
	s3 =	ssub.s32 $0x5F3759DF, s30  }
0xc5: {  	v43 =	vadd.f32 v4, v0;
	v4 =	vld [tilespmem:s12+$0x10];
	s22 =	spop (v2sf);
	s17 =	smul.f32 s3, s18  }
0xc6: {  	v29 =	vadd.f32 v29, v39;
	v16 =	vadd.f32 v33, v2;
	v33 =	vld [tilespmem:s12+$0x20];
	s6 =	smul.f32 $1.562500000e-02, s22;
	s29 =	spop (v2sf)  }
0xc7: {  	v61 =	vsub.f32 v27, v50;
	v40 =	vadd.f32 v34, v54;
	v54 =	vld [tilespmem:s12+$0x30];
	s12 =	simm.s32 $0xE500;
	s26 =	ssub.f32 s4, s26;
	s0 =	smul.f32 $1.562500000e-02, s29  }
0xc8: {  	v37 =	vadd.f32 v30, v1;
	v32 =	vadd.f32 v32, v55;
	[tilespmem:s12+$0x80] =	vst v29;
	s4 =	smul.f32 s6, s6  }
0xc9: {  	v44 =	vadd.f32 v36, v57;
	v41 =	vadd.f32 v41, v58;
	v55 =	vld [tilespmem:$0x19610];
	s2 =	sadd.f32 $9.999999740e-06, s26  }
0xca: {  	v18 =	vadd.f32 v42, v60;
	v36 =	vadd.f32 v46, v62;
	s26 =	smul.f32 s3, s17;
	s25 =	ssub.f32 s0, s4  }
0xcb: {  	v0 =	vmul.f32 s14, v61;
	v29 =	vadd.f32 v37, v43;
	v30 =	vadd.f32 v40, v16;
	v42 =	vld [tilespmem:$0x19650];
	s28 =	sshrl.u32 s2, $0x1;
	s22 =	smul.f32 $5.000000000e-01, s2;
	s4 =	sadd.s32 $0x4, s19  }
0xcc: {  	v58 =	vadd.f32 v44, v32;
	v1 =	vmul.f32 v43, v43;
	v2 =	vmul.f32 v37, v37;
	s28 =	ssub.s32 $0x5F3759DF, s28;
	s29 =	smulhi.u32 $0x51EB851F, s4  }
0xcd: {  	v63 =	vadd.f32 v18, v41;
	v29 =	vadd.f32 v30, v29;
	s11 =	smul.f32 s28, s22;
	s25 =	sadd.f32 $9.999999740e-06, s25  }
0xce: {  	v62 =	vadd.f32 v2, v1;
	v30 =	vadd.f32 v51, v4;
	v0 =	vmul.f32 v0, v55;
	s17 =	sshrl.u32 s29, $0x6;
	s29 =	smul.f32 s1, s1  }
0xcf: {  	v7 =	vmul.f32 v40, v40;
	v34 =	vadd.f32 v52, v33;
	v33 =	vadd.f32 v53, v54;
	s30 =	smul.f32 s28, s11;
	s31 =	sshrl.u32 s25, $0x1  }
0xd0: {  	v6 =	vadd.f32 v63, v58;
	v4 =	vmul.f32 v16, v16;
	v42 =	vadd.f32 v0, v42;
	s19 =	ssub.s32 $0x5F3759DF, s31;
	s31 =	smul.u32 $0x3200, s17  }
0xd1: {  	v52 =	vld [tilespmem:$0x19600];
	v1 =	vadd.f32 v30, v36;
	v2 =	vadd.f32 v33, v34;
	s11 =	smul.f32 $5.000000000e-01, s25;
	s25 =	sadd.s32 $0x100, s16  }
0xd2: {  	v51 =	vld [tilespmem:$0x19640];
	s26 =	ssub.f32 $1.500000000e+00, s26;
	(xrf2) =	vadd.scan.msk.f32 $0xffff, v29;
	v4 =	vadd.f32 v7, v4;
	[tilespmem:s12+$0x90] =	vst v42;
	s0 =	ssub.s32 s25, s31  }
0xd3: {  	(xrf2) =	vadd.scan.msk.f32 $0xffff, v6;
	v29 =	vadd.f32 v2, v1;
	s5 =	ssub.f32 s5, s29;
	s16 =	smul.f32 s19, s11;
	v42 =	vld [tilespmem:$0x19620];
	s1 =	sor.u32 $0x50, s0  }
0xd4: {  	v46 =	vmul.f32 v41, v41;
	v4 =	vadd.f32 v4, v62;
	s2 =	ssub.f32 $1.500000000e+00, s30;
	s30 =	smul.f32 s3, s26;
	s26 =	sor.u32 $0x60, s0;
	v57 =	vld [tilespmem:s1+$0x16400]  }
0xd5: {  	v53 =	vmul.f32 v18, v18;
	v55 =	vmul.f32 v36, v36;
	(xrf2) =	vadd.scan.msk.f32 $0xffff, v29;
	s3 =	smul.f32 s9, s10;
	s0 =	sor.u32 $0x70, s0;
	v58 =	vld [tilespmem:s26+$0x16400]  }
0xd6: {  	v54 =	vmov s8;
	v29 =	vmul.f32 v44, v44;
	(xrf2) =	vadd.scan.msk.f32 $0xffff, v4;
	v4 =	vmul.f32 v32, v32;
	s5 =	sadd.f32 $9.999999740e-06, s5;
	s16 =	smul.f32 s19, s16;
	v60 =	vld [tilespmem:s0+$0x16400];
	s26 =	simm.s32 $0x6B00  }
0xd7: {  	v35 =	vsub.f32 v35, v54;
	v61 =	vmul.f32 v30, v30;
	v63 =	vmul.f32 v34, v34;
	s29 =	smul.f32 s28, s2;
	v62 =	vld [tilespmem:s26+$0x80]  }
0xd8: {  	v0 =	vmul.f32 v33, v33;
	v4 =	vadd.f32 v29, v4;
	v29 =	vadd.f32 v53, v46;
	s10 =	sshrl.u32 s5, $0x1;
	s8 =	smul.f32 $5.000000000e-01, s5;
	s2 =	ssub.f32 $1.500000000e+00, s16;
	v2 =	vld [tilespmem:s26+$0x90]  }
0xd9: {  	s16 =	smul.u32 $0xFFFF3800, s17;
	v1 =	vld [tilespmem:s26+$0xA0];
	[dreg:$0x19] =	wrdreg s7;
	s7 =	sadd.s32 $0x100, s7  }
0xda: {  	v35 =	vmul.f32 s15, v35;
	v0 =	vadd.f32 v0, v63;
	v46 =	vadd.f32 v61, v55;
	s0 =	smul.f32 s3, s9;
	s1 =	ssub.s32 $0x5F3759DF, s10;
	[dreg:$0x16] =	wrdreg s7  }
0xdb: {  	s28 =	sadd.s32 $0x100, s24;
	s17 =	smul.f32 s1, s8;
	s3 =	sshra.s32 s16, $0x2;
	v61 =	vld [tilespmem:s26+$0xB0]  }
0xdc: {  	v53 =	vmul.f32 v35, v52;
	v4 =	vadd.f32 v29, v4;
	v0 =	vadd.f32 v0, v46;
	s2 =	smul.f32 s19, s2;
	s19 =	ssub.s32 s28, s31;
	v29, _, _ =	vpop (xrf2);
	v6 =	vld [tilespmem:$0x19660];
	s3 =	sadd.s32 s3, s7  }
0xdd: {  	v46 =	vsub.f32 v23, v50;
	s10 =	sand.u32 $0x3F00, s19;
	(v2sf) =	vpush v29, $0xF;
	v29, _, _ =	vpop (xrf2);
	v63 =	vld [tilespmem:s3+$0xC0]  }
0xde: {  	s5 =	smul.f32 s1, s17;
	v35 =	vld [tilespmem:s10+$0x16450];
	(v2sf) =	vpush v29, $0xF;
	v29 =	vadd.f32 v53, v51  }
0xdf: {  	s24 =	smul.f32 s30, s18;
	s7 =	ssub.f32 $1.500000000e+00, s0;
	s0 =	simm.s32 $0xE700;
	v55 =	vld [tilespmem:s10+$0x16460];
	v7, _, _ =	vpop (xrf2);
	(xrf2) =	vadd.scan.msk.f32 $0xffff, v4;
	v10 =	vadd.f32 v57, v2  }
0xe0: {  	v53 =	vld [tilespmem:s10+$0x16470];
	s5 =	ssub.f32 $1.500000000e+00, s5;
	v3 =	vadd.f32 v58, v1;
	[tilespmem:s0+$0x80] =	vst v29;
	(xrf2) =	vadd.scan.msk.f32 $0xffff, v0;
	v0 =	vmul.f32 s14, v46  }
0xe1: {  	s17 =	smul.f32 s24, s30;
	v5 =	vld [tilespmem:$0x19610];
	[tilespmem:$0x1FEE0] =	vst v10;
	v2 =	vadd.f32 v60, v61  }
0xe2: {  	(v2sf) =	vpush v7, $0xF;
	s24 =	smul.f32 s1, s5;
	s5 =	rddreg [dreg:$0x1b];
	v7 =	vld [tilespmem:$0x19650];
	[tilespmem:$0x1FF30] =	vst v3;
	v4 =	vmul.f32 v0, v42  }
0xe3: {  	s16 =	ssub.f32 $1.500000000e+00, s17;
	v1 =	vmov s5;
	v46 =	vadd.f32 v63, v62;
	[tilespmem:$0x1FF90] =	vst v2;
	v63 =	vsub.f32 v38, v54  }
0xe4: {  	s10 =	rddreg [dreg:$0x1c];
	v57 =	vadd.f32 v2, v3;
	v62 =	vmul.f32 v10, v10;
	v38 =	vmul.f32 v3, v3;
	v8 =	vld [tilespmem:s3+$0x0]  }
0xe5: {  	v0 =	vmul.f32 v2, v2;
	v2 =	vmov s10;
	v58 =	vld [tilespmem:s3+$0x10];
	v42 =	vadd.f32 v10, v46  }
0xe6: {  	s30 =	smul.f32 s16, s30;
	s16 =	rddreg [dreg:$0x1d];
	v21 =	vsub.f32 v21, v1;
	v61 =	vld [tilespmem:s3+$0x20];
	v4 =	vadd.f32 v4, v6;
	v60 =	vmul.f32 v46, v46  }
0xe7: {  	v3 =	vmov s16;
	v0 =	vadd.f32 v0, v38;
	v38 =	vld [tilespmem:s3+$0x90];
	v42 =	vadd.f32 v57, v42  }
0xe8: {  	[tilespmem:s12+$0xA0] =	vst v4;
	v4 =	vsub.f32 v22, v3;
	v22 =	vld [tilespmem:s3+$0xA0];
	v60 =	vadd.f32 v62, v60;
	v57 =	vmul.f32 s15, v63  }
0xe9: {  	s9 =	smul.f32 s7, s9;
	v63 =	vld [tilespmem:s3+$0x30];
	(xrf2) =	vadd.scan.msk.f32 $0xffff, v42;
	v42 =	vsub.f32 v20, v2  }
0xea: {  	v23, _, _ =	vpop (xrf2);
	v62 =	vld [tilespmem:s3+$0x40];
	v5 =	vmul.f32 v57, v5;
	v0 =	vadd.f32 v0, v60;
	v20 =	vmul.f32 s13, v21  }
0xeb: {  	s19 =	smul.f32 s2, s11;
	(v2sf) =	vpush v23, $0xF;
	v4 =	vmul.f32 s9, v4;
	v57 =	vld [tilespmem:s3+$0x80]  }
0xec: {  	v21, _, _ =	vpop (xrf2);
	v60 =	vld [tilespmem:s3+$0xB0];
	v5 =	vadd.f32 v5, v7;
	(xrf2) =	vadd.scan.msk.f32 $0xffff, v0;
	v0 =	vmul.f32 s20, v42;
	v6 =	vmul.f32 v20, v49  }
0xed: {  	s19 =	smul.f32 s19, s2;
	(v2sf) =	vpush v21, $0xF;
	v4 =	vmul.f32 v4, v49;
	v7 =	vld [tilespmem:$0x19630];
	v42, _, _ =	vpop (xrf2)  }
0xee: {  	[tilespmem:s0+$0x90] =	vst v5;
	v0 =	vmul.f32 v0, v49;
	(v2sf) =	vpush v42, $0xF;
	v42 =	vadd.f32 v6, v39;
	v6 =	vld [tilespmem:$0x19670]  }
0xef: {  	s17 =	ssub.f32 $1.500000000e+00, s19;
	s19 =	smul.f32 s29, s22;
	v4 =	vadd.f32 v4, v39;
	v49 =	vld [tilespmem:$0x19620]  }
0xf0: {  	s7 =	smul.f32 s24, s8;
	v5 =	vld [tilespmem:$0x19660];
	v0 =	vadd.f32 v0, v39;
	[tilespmem:s12+$0xFFFFFF00] =	vst v42  }
0xf1: {  	s18 =	smul.f32 s30, s18;
	v10 =	vsub.f32 v56, v50;
	[tilespmem:s12+$0x0] =	vst v4;
	v39 =	vsub.f32 v17, v2;
	v21 =	vld [tilespmem:$0x19610]  }
0xf2: {  	s31 =	smul.f32 s17, s2;
	v50 =	vsub.f32 v13, v2;
	[tilespmem:s12+$0xFFFFFF80] =	vst v0;
	v0 =	vsub.f32 v15, v1;
	v15 =	vld [tilespmem:$0x19650]  }
0xf3: {  	s1 =	smul.f32 s19, s29;
	v4 =	vld [tilespmem:$0x19610];
	[tilespmem:$0x1FE50] =	vst v39  }
0xf4: {  	s10 =	smul.f32 s18, s30;
	v56 =	vsub.f32 v12, v1;
	v12 =	vld [tilespmem:$0x19610];
	[tilespmem:$0x1FEF0] =	vst v50  }
0xf5: {  	s17 =	smul.f32 s31, s11;
	v14 =	vld [tilespmem:$0x19600]  }
0xf6: {  	s2 =	smul.f32 s7, s24;
	s1 =	ssub.f32 $1.500000000e+00, s1  }
0xf7: {  	s10 =	ssub.f32 $1.500000000e+00, s10;
	s5 =	smul.f32 s17, s31;
	v20 =	vmov s6  }
0xf8: {  	s19 =	ssub.f32 $1.500000000e+00, s2;
	s2 =	smul.f32 s1, s29;
	v13 =	vsub.f32 v48, v20;
	v48 =	vld [tilespmem:$0x1FD90]  }
0xf9: {  	v10 =	vmul.f32 s14, v10;
	s18 =	smul.f32 s10, s30  }
0xfa: {  	s7 =	ssub.f32 $1.500000000e+00, s5;
	s5 =	smul.f32 s19, s24;
	v39 =	vld [tilespmem:$0x1FD80];
	[tilespmem:$0x1FF80] =	vst v14  }
0xfb: {  	s17 =	smul.f32 s2, s22;
	v7 =	vmul.f32 v10, v7;
	v10 =	vld [tilespmem:$0x19640]  }
0xfc: {  	s3 =	smul.f32 s7, s31;
	s11 =	spop (v2sf);
	v50 =	vld [tilespmem:$0x1FDA0]  }
0xfd: {  	s16 =	spop (v2sf);
	s29 =	smul.f32 $1.562500000e-02, s11;
	v42 =	vsub.f32 v59, v1;
	v1 =	vsub.f32 v48, v3  }
0xfe: {  	v11 =	vsub.f32 v11, v2;
	s30 =	smul.f32 s17, s2;
	s19 =	spop (v2sf);
	v59 =	vsub.f32 v24, v54;
	v17, _, _ =	vpop (xrf2)  }
0xff: {  	s24 =	smul.f32 s29, s29;
	s22 =	spop (v2sf);
	v7 =	vadd.f32 v7, v6;
	(v2sf) =	vpush v17, $0xF;
	v24, _, _ =	vpop (xrf2);
	v17 =	vld [tilespmem:$0x19650];
	[tilespmem:$0x1FE70] =	vst v1  }
0x100: {  	v13 =	vmul.f32 s3, v13;
	s1 =	smul.f32 $1.562500000e-02, s22;
	v2 =	vmul.f32 s15, v59;
	(v2sf) =	vpush v24, $0xF;
	[tilespmem:$0x1FFA0] =	vst v10  }
0x101: {  	s6 =	ssub.f32 $1.500000000e+00, s30;
	v24 =	vsub.f32 v39, v3;
	v50 =	vsub.f32 v50, v3;
	v3 =	vmov s23;
	v59 =	vld [tilespmem:$0x19650];
	[tilespmem:$0x1FF40] =	vst v7  }
0x102: {  	s30 =	smul.f32 $1.562500000e-02, s19;
	s7 =	ssub.f32 s1, s24;
	v39 =	vsub.f32 v28, v3;
	v6 =	vld [tilespmem:s26+$0xFFFFFF00]  }
0x103: {  	s22 =	smul.f32 s6, s2;
	v13 =	vmul.f32 v13, v14;
	v7 =	vmul.f32 v2, v49;
	v49 =	vld [tilespmem:s26+$0xFFFFFF10]  }
0x104: {  	s1 =	smul.f32 s5, s8;
	s14 =	sadd.f32 $9.999999740e-06, s7;
	v48 =	vsub.f32 v31, v3;
	v31 =	vld [tilespmem:s26+$0xFFFFFF20];
	[tilespmem:$0x1FF10] =	vst v39;
	v39 =	vsub.f32 v26, v3  }
0x105: {  	s8 =	smul.f32 $1.562500000e-02, s16;
	v0 =	vmul.f32 s13, v0;
	v13 =	vadd.f32 v13, v10  }
0x106: {  	s10 =	simm.s32 $0xE900;
	s11 =	sshrl.u32 s14, $0x1;
	s6 =	smul.f32 $5.000000000e-01, s14;
	v28 =	vld [tilespmem:s26+$0xFFFFFF30];
	[tilespmem:$0x1FF20] =	vst v39  }
0x107: {  	s4 =	sadd.s32 $0x4, s4;
	s1 =	smul.f32 s1, s5;
	s14 =	ssub.s32 $0x5F3759DF, s11;
	v9 =	vsub.f32 v9, v3;
	v3 =	vmul.f32 v0, v21;
	v21 =	vld [tilespmem:s26+$0xFFFFFF80];
	[tilespmem:s10+$0x80] =	vst v13  }
0x108: {  	v11 =	vmul.f32 s20, v11;
	v24 =	vmul.f32 s9, v24;
	s11 =	smul.f32 s14, s6;
	v13 =	vld [tilespmem:s26+$0xFFFFFF90];
	[dreg:$0x1a] =	wrdreg s4  }
0x109: {  	s24 =	smov.u32 s20;
	s20 =	smulhi.u32 $0x51EB851F, s4;
	s1 =	ssub.f32 $1.500000000e+00, s1;
	v15 =	vadd.f32 v3, v15;
	v3 =	vld [tilespmem:$0x19610]  }
0x10a: {  	v4 =	vmul.f32 v11, v4;
	v1 =	vsub.f32 v47, v20;
	s11 =	smul.f32 s14, s11;
	v39 =	vmul.f32 v24, v12;
	v24 =	vld [tilespmem:s26+$0xFFFFFFA0]  }
0x10b: {  	s16 =	spop (v2sf);
	s5 =	smul.f32 s1, s5;
	v2 =	vsub.f32 v19, v54;
	v14 =	vadd.f32 v8, v6;
	v6 =	vld [tilespmem:$0x19650]  }
0x10c: {  	s2 =	smul.f32 $1.562500000e-02, s16;
	s23 =	ssub.f32 $1.500000000e+00, s11;
	s11 =	sshrl.u32 s20, $0x6;
	v54 =	vadd.f32 v4, v17;
	v29 =	vadd.f32 v58, v49;
	v49 =	vld [tilespmem:s26+$0x20]  }
0x10d: {  	s1 =	sadd.s32 $0x100, s28;
	s16 =	smul.u32 $0x3200, s11;
	v4 =	vmul.f32 s3, v1;
	v5 =	vadd.f32 v7, v5;
	v59 =	vadd.f32 v39, v59;
	v8 =	vld [tilespmem:s26+$0xFFFFFFB0]  }
0x10e: {  	s17 =	spop (v2sf);
	s31 =	smul.f32 s14, s23;
	s14 =	sadd.s32 $0x100, s25;
	v17 =	vadd.f32 v61, v31;
	v0 =	vld [tilespmem:s26+$0x30];
	v39 =	vadd.f32 v63, v28;
	v31 =	vmul.f32 v14, v14  }
0x10f: {  	s17 =	smul.f32 $1.562500000e-02, s17;
	s20 =	ssub.s32 s14, s16;
	s16 =	ssub.s32 s1, s16;
	v28 =	vld [tilespmem:s26+$0x10];
	v58 =	vmul.f32 v29, v29;
	v19 =	vadd.f32 v62, v21;
	v13 =	vadd.f32 v35, v13  }
0x110: {  	s16 =	sand.u32 $0x3F00, s16;
	s4 =	smul.f32 s30, s30;
	v1 =	vmul.f32 v17, v17;
	v21 =	vld [tilespmem:s26+$0x0];
	v35 =	vadd.f32 v29, v14;
	v26 =	vadd.f32 v39, v17  }
0x111: {  	s7 =	sor.u32 $0x70, s20;
	v47 =	vadd.f32 v58, v31;
	v3 =	vmul.f32 v4, v3;
	v61 =	vadd.f32 v22, v49;
	v49 =	vld [tilespmem:s16+$0x16470]  }
0x112: {  	s19 =	smul.f32 s8, s8;
	v23 =	vld [tilespmem:s7+$0x16400];
	s17 =	ssub.f32 s17, s4;
	s4 =	sor.u32 $0x60, s20;
	v24 =	vadd.f32 v55, v24;
	v63 =	vadd.f32 v26, v35;
	v26 =	vmul.f32 v39, v39  }
0x113: {  	s25 =	sor.u32 $0x50, s20;
	v27 =	vld [tilespmem:s4+$0x16400];
	v58 =	vadd.f32 v53, v8;
	v62 =	vadd.f32 v60, v0  }
0x114: {  	s2 =	ssub.f32 s2, s19;
	s19 =	spop (v2sf);
	v35 =	vld [tilespmem:s25+$0x16400];
	v6 =	vadd.f32 v3, v6;
	v8 =	vadd.f32 v26, v1  }
0x115: {  	s23 =	smul.f32 $1.562500000e-02, s19;
	[tilespmem:s0+$0xA0] =	vst v5;
	s26 =	spop (v2sf);
	v53 =	vadd.f32 v58, v24;
	v26 =	vld [tilespmem:s16+$0x16460];
	v31 =	vadd.f32 v57, v21  }
0x116: {  	s19 =	smul.f32 $1.562500000e-02, s26;
	v57 =	vadd.f32 v38, v28;
	v38 =	vadd.f32 v13, v19;
	v28 =	vld [tilespmem:s16+$0x16450];
	[tilespmem:$0x1FF00] =	vst v49  }
0x117: {  	s26 =	smul.f32 s23, s23;
	[tilespmem:s10+$0x90] =	vst v6  }
0x118: {  	s20 =	sadd.f32 $9.999999740e-06, s17;
	v5 =	vmul.f32 v19, v19;
	v60 =	vadd.f32 v62, v61;
	v6 =	vadd.f32 v53, v38;
	v53 =	vld [tilespmem:$0x19620]  }
0x119: {  	v22 =	vmul.f32 v13, v13;
	s17 =	ssub.f32 s19, s26;
	v55 =	vadd.f32 v57, v31;
	[tilespmem:s12+$0xFFFFFF10] =	vst v15;
	v15 =	vsub.f32 v25, v20  }
0x11a: {  	s26 =	rddreg [dreg:$0x1e];
	[tilespmem:s12+$0xFFFFFF90] =	vst v54;
	v54 =	vld [tilespmem:$0x19660]  }
0x11b: {  	s2 =	sadd.f32 $9.999999740e-06, s2;
	v5 =	vadd.f32 v22, v5;
	v22 =	vadd.f32 v60, v55;
	v55 =	vmul.f32 s3, v15  }
0x11c: {  	(xrf2) =	vadd.scan.msk.f32 $0xffff, v63;
	v49 =	vmul.f32 v58, v58;
	v38 =	vmul.f32 v24, v24  }
0x11d: {  	s25 =	smul.f32 $5.000000000e-01, s2;
	s2 =	sshrl.u32 s2, $0x1;
	v8 =	vadd.f32 v8, v47;
	(xrf2) =	vadd.scan.msk.f32 $0xffff, v6;
	v6 =	vmul.f32 v55, v53  }
0x11e: {  	s4 =	sshrl.u32 s20, $0x1;
	s7 =	smul.f32 $5.000000000e-01, s20;
	s2 =	ssub.s32 $0x5F3759DF, s2;
	v47 =	vmul.f32 v61, v61;
	[tilespmem:s12+$0x10] =	vst v59;
	v38 =	vadd.f32 v49, v38;
	v49 =	vmul.f32 v62, v62  }
0x11f: {  	s20 =	smul.f32 s2, s25;
	s16 =	ssub.s32 $0x5F3759DF, s4;
	v60 =	vld [tilespmem:$0x1FDB0];
	v6 =	vadd.f32 v6, v54  }
0x120: {  	v21 =	vmov s21;
	s21 =	smul.f32 s16, s7;
	v49 =	vadd.f32 v49, v47;
	v47 =	vld [tilespmem:$0x1FDC0]  }
0x121: {  	s17 =	sadd.f32 $9.999999740e-06, s17;
	s19 =	smul.f32 s2, s20;
	v54 =	vld [tilespmem:$0x1FDD0];
	[tilespmem:s10+$0xA0] =	vst v6  }
0x122: {  	s20 =	smul.f32 s16, s21;
	v55 =	vld [tilespmem:$0x1FDE0]  }
0x123: {  	s4 =	sshrl.u32 s17, $0x1;
	v25 =	vld [tilespmem:$0x19630];
	s21 =	smul.f32 $5.000000000e-01, s17  }
0x124: {  	v9 =	vmul.f32 s18, v9;
	s17 =	ssub.s32 $0x5F3759DF, s4;
	s4 =	smul.f32 s31, s6;
	v15 =	vld [tilespmem:$0x19670]  }
0x125: {  	v63 =	vmul.f32 v31, v31;
	v0 =	vmul.f32 v57, v57;
	v3 =	vld [tilespmem:$0x19620];
	s28 =	smul.f32 s17, s21  }
0x126: {  	v9 =	vmul.f32 v9, v52;
	s4 =	smul.f32 s4, s31;
	v11 =	vld [tilespmem:$0x19620]  }
0x127: {  	v0 =	vadd.f32 v0, v63;
	s20 =	ssub.f32 $1.500000000e+00, s20;
	v7 =	vld [tilespmem:$0x19660];
	v4 =	vsub.f32 v55, v21  }
0x128: {  	v59 =	vadd.f32 v9, v51;
	v1 =	vmov s26;
	(xrf2) =	vadd.scan.msk.f32 $0xffff, v22;
	v22 =	vld [tilespmem:$0x19620];
	s26 =	smul.f32 s17, s28;
	s4 =	ssub.f32 $1.500000000e+00, s4;
	v63 =	vsub.f32 v60, v21  }
0x129: {  	s28 =	smul.f32 s16, s20;
	v60 =	vld [tilespmem:$0x19660];
	[tilespmem:$0x1FF50] =	vst v4  }
0x12a: {  	s20 =	smul.f32 s4, s31;
	v53 =	vmul.f32 s22, v63;
	s31 =	rddreg [dreg:$0x15];
	v63 =	vld [tilespmem:$0x1FDF0];
	[tilespmem:s0+$0xFFFFFF00] =	vst v59  }
0x12b: {  	v5 =	vadd.f32 v38, v5;
	v38 =	vsub.f32 v54, v21;
	v54 =	vld [tilespmem:$0x1FE10]  }
0x12c: {  	(xrf2) =	vadd.scan.msk.f32 $0xffff, v8;
	v8 =	vsub.f32 v47, v1  }
0x12d: {  	v55 =	vld [tilespmem:$0x1FE20]  }
0x12e: {  	v0 =	vadd.f32 v49, v0;
	v8 =	vmul.f32 s5, v8;
	v10 =	vld [tilespmem:$0x19660]  }
0x12f: {  	(xrf2) =	vadd.scan.msk.f32 $0xffff, v5;
	v9 =	vmul.f32 v53, v52;
	v53 =	vsub.f32 v63, v21;
	v21 =	vld [tilespmem:$0x19630]  }
0x130: {  	v2 =	vmul.f32 s15, v2;
	v47, _, _ =	vpop (xrf2);
	(xrf2) =	vadd.scan.msk.f32 $0xffff, v0;
	v8 =	vmul.f32 v8, v52;
	v52 =	vld [tilespmem:$0x1FE00];
	v0 =	vsub.f32 v54, v1  }
0x131: {  	s19 =	ssub.f32 $1.500000000e+00, s19;
	v6 =	vld [tilespmem:$0x19670]  }
0x132: {  	v2 =	vmul.f32 v2, v25;
	v25 =	vld [tilespmem:$0x19610];
	[tilespmem:$0x1FF60] =	vst v0;
	v0 =	vsub.f32 v55, v1  }
0x133: {  	s2 =	smul.f32 s2, s19;
	s19 =	ssub.f32 $1.500000000e+00, s26;
	v49 =	vadd.f32 v9, v51  }
0x134: {  	(v2sf) =	vpush v47, $0xF;
	v8 =	vadd.f32 v8, v51;
	v63 =	vmov s29;
	[tilespmem:$0x1FF70] =	vst v0  }
0x135: {  	s16 =	smul.f32 s17, s19;
	v51 =	vsub.f32 v37, v63;
	v9 =	vsub.f32 v52, v1;
	[tilespmem:s0+$0xFFFFFF80] =	vst v49;
	v12 =	vld [tilespmem:$0x19650]  }
0x136: {  	v52 =	vsub.f32 v16, v63;
	v55 =	vadd.f32 v2, v15;
	[tilespmem:s0+$0x0] =	vst v8;
	v15 =	vld [tilespmem:$0x19610]  }
0x137: {  	s26 =	smul.f32 s16, s21;
	v4 =	vsub.f32 v40, v63;
	v40 =	vsub.f32 v45, v20;
	v59, _, _ =	vpop (xrf2);
	v5 =	vld [tilespmem:$0x19610];
	[tilespmem:$0x1FFB0] =	vst v51  }
0x138: {  	s11 =	smul.u32 $0xFFFF3800, s11;
	(v2sf) =	vpush v59, $0xF;
	v47, _, _ =	vpop (xrf2);
	v59 =	vsub.f32 v43, v63;
	v54 =	vmov s8;
	[tilespmem:$0x1FFD0] =	vst v52  }
0x139: {  	s15 =	smul.f32 s26, s16;
	s26 =	simm.s32 $0x6D00;
	(v2sf) =	vpush v47, $0xF;
	v49 =	vmul.f32 s13, v42;
	v8, _, _ =	vpop (xrf2);
	v42 =	vsub.f32 v44, v54;
	v37 =	vld [tilespmem:$0x19650];
	[tilespmem:$0x1FE30] =	vst v4  }
0x13a: {  	v44 =	vsub.f32 v41, v54;
	(v2sf) =	vpush v8, $0xF;
	s29 =	rddreg [dreg:$0x16];
	v8 =	vld [tilespmem:s26+$0x80]  }
0x13b: {  	s17 =	sshra.s32 s11, $0x2;
	s19 =	ssub.f32 $1.500000000e+00, s15;
	v63 =	vsub.f32 v32, v54;
	v45 =	vsub.f32 v18, v54;
	s15 =	sadd.s32 $0x100, s29;
	v20 =	vmul.f32 v49, v22;
	v32 =	vld [tilespmem:s26+$0x90];
	[tilespmem:$0x1FFC0] =	vst v42  }
0x13c: {  	v49 =	vld [tilespmem:$0x1FE50];
	s8 =	sadd.s32 s17, s15;
	[tilespmem:$0x1FFE0] =	vst v44  }
0x13d: {  	v1 =	vmul.f32 s3, v40;
	v22 =	vmov s30;
	v16 =	vld [tilespmem:s8+$0xC0];
	[tilespmem:$0x1FE40] =	vst v45;
	v20 =	vadd.f32 v20, v60  }
0x13e: {  	s16 =	smul.f32 s19, s16;
	v4 =	vsub.f32 v34, v22;
	v40 =	vld [tilespmem:s26+$0xA0]  }
0x13f: {  	s4 =	smul.f32 s2, s25;
	v21 =	vmul.f32 v1, v21;
	v47, _, _ =	vpop (xrf2);
	v34 =	vsub.f32 v33, v22;
	v52 =	vld [tilespmem:s26+$0xB0];
	[tilespmem:s12+$0xFFFFFF20] =	vst v20  }
0x140: {  	v56 =	vmul.f32 s13, v56;
	s21 =	smul.f32 s16, s21;
	(v2sf) =	vpush v47, $0xF;
	[tilespmem:$0x1FFF0] =	vst v4;
	v43 =	vld [tilespmem:$0x1FE70]  }
0x141: {  	s13 =	smul.f32 s4, s2;
	v41 =	vmov s23;
	v47 =	vadd.f32 v21, v6;
	v60 =	vsub.f32 v30, v22;
	v30, _, _ =	vpop (xrf2);
	v20 =	vld [tilespmem:$0x19650];
	[tilespmem:$0x1FE60] =	vst v34  }
0x142: {  	s4 =	smul.f32 s28, s7;
	v21 =	vmul.f32 s18, v48;
	v45 =	vmul.f32 s22, v38;
	(v2sf) =	vpush v30, $0xF;
	v30 =	vld [tilespmem:$0x19630]  }
0x143: {  	v0 =	vsub.f32 v46, v41;
	s30 =	smul.f32 s21, s16;
	v6 =	vld [tilespmem:$0x19670]  }
0x144: {  	s19 =	ssub.f32 $1.500000000e+00, s13;
	s17 =	smul.f32 s4, s28;
	v54 =	vsub.f32 v36, v22;
	v2 =	vmul.f32 v21, v25;
	v21 =	vmul.f32 v45, v15;
	v34 =	vld [tilespmem:s8+$0x0]  }
0x145: {  	s4 =	smul.f32 s20, s6;
	v22 =	vadd.f32 v16, v8;
	v16 =	vadd.f32 v35, v32;
	v25 =	vld [tilespmem:s8+$0x20];
	v44 =	vmul.f32 s9, v43  }
0x146: {  	s11 =	smul.f32 s19, s2;
	v51 =	vmul.f32 s24, v49;
	v32 =	vld [tilespmem:s8+$0x30];
	v48 =	vadd.f32 v27, v40;
	v49 =	vadd.f32 v23, v52  }
0x147: {  	s19 =	spop (v2sf);
	s13 =	smul.f32 s4, s20;
	v15 =	vmul.f32 s5, v9;
	v36 =	vld [tilespmem:s8+$0x40];
	v9 =	vadd.f32 v16, v22;
	v11 =	vmul.f32 v44, v11  }
0x148: {  	s29 =	ssub.f32 $1.500000000e+00, s17;
	s2 =	smul.f32 $1.562500000e-02, s19;
	v23 =	vld [tilespmem:s8+$0x10];
	v27 =	vadd.f32 v49, v48;
	[tilespmem:$0x1FE80] =	vst v48;
	v45 =	vmul.f32 v49, v49;
	v44 =	vmul.f32 v48, v48  }
0x149: {  	s17 =	ssub.f32 $1.500000000e+00, s30;
	s21 =	smul.f32 s11, s25;
	[tilespmem:$0x1FE90] =	vst v49;
	v52 =	vadd.f32 v11, v10;
	v10 =	vmul.f32 v22, v22;
	v11 =	vmul.f32 v16, v16  }
0x14a: {  	s6 =	smul.f32 s29, s28;
	s13 =	ssub.f32 $1.500000000e+00, s13;
	v46 =	vadd.f32 v21, v37;
	v42 =	vmul.f32 v51, v3;
	v27 =	vadd.f32 v27, v9;
	v9 =	vld [tilespmem:$0x19600]  }
0x14b: {  	s3 =	smul.f32 s17, s16;
	v4 =	vmov s2;
	v35 =	vld [tilespmem:s8+$0x90];
	v38 =	vadd.f32 v45, v44;
	v11 =	vadd.f32 v11, v10  }
0x14c: {  	s25 =	spop (v2sf);
	v5 =	vmul.f32 v15, v5;
	s28 =	smul.f32 s13, s20;
	v40 =	vsub.f32 v17, v4;
	v33 =	vadd.f32 v42, v7;
	v10 =	vld [tilespmem:$0x19640]  }
0x14d: {  	s13 =	smul.f32 $1.562500000e-02, s25;
	v37 =	vld [tilespmem:s26+$0xFFFFFF00];
	v44 =	vadd.f32 v2, v12;
	v2 =	vadd.f32 v38, v11;
	v11 =	vmul.f32 s3, v0  }
0x14e: {  	s29 =	spop (v2sf);
	v43 =	vsub.f32 v39, v4;
	v48 =	vld [tilespmem:s8+$0x80];
	v1 =	vmul.f32 v56, v30;
	v56 =	vadd.f32 v5, v20  }
0x14f: {  	s2 =	smul.f32 s2, s2;
	v30 =	vld [tilespmem:s8+$0xA0];
	s30 =	spop (v2sf);
	(xrf2) =	vadd.scan.msk.f32 $0xffff, v27;
	v27 =	vmov s13;
	[tilespmem:$0x1FEA0] =	vst v40;
	v42 =	vmul.f32 v11, v9  }
0x150: {  	v12 =	vsub.f32 v29, v4;
	s19 =	smul.f32 $1.562500000e-02, s30;
	v45 =	vsub.f32 v24, v27;
	v29 =	vld [tilespmem:s26+$0xFFFFFF10];
	[tilespmem:$0x1FEB0] =	vst v43  }
0x151: {  	s4 =	smul.f32 s13, s13;
	v20 =	vsub.f32 v19, v27;
	v19 =	vld [tilespmem:s26+$0xFFFFFF20];
	v5 =	vadd.f32 v42, v10  }
0x152: {  	s13 =	simm.s32 $0xEB00;
	s2 =	ssub.f32 s19, s2;
	s19 =	smul.f32 $1.562500000e-02, s29;
	v39 =	vld [tilespmem:s26+$0xFFFFFF30];
	[tilespmem:$0x1FEC0] =	vst v45  }
0x153: {  	[tilespmem:s13+$0x80] =	vst v5  }
0x154: {  	v51 =	vadd.f32 v1, v6;
	v17 =	vmov s19;
	v6 =	vld [tilespmem:$0x1FEE0]  }
0x155: {  	(xrf2) =	vadd.scan.msk.f32 $0xffff, v2;
	v5 =	vsub.f32 v61, v17  }
0x156: {  	v21 =	vsub.f32 v14, v4;
	v14 =	vsub.f32 v58, v27;
	v49 =	vld [tilespmem:s26+$0xFFFFFF80]  }
0x157: {  	v4 =	vld [tilespmem:s26+$0xFFFFFF90];
	v11 =	vsub.f32 v13, v27;
	v24 =	vsub.f32 v31, v17;
	[tilespmem:$0x1FED0] =	vst v5  }
0x158: {  	v13 =	vsub.f32 v57, v17;
	v27 =	vadd.f32 v23, v29;
	v58 =	vld [tilespmem:$0x19610]  }
0x159: {  	v17 =	vsub.f32 v62, v17;
	v62 =	vld [tilespmem:$0x1FEF0];
	v29 =	vsub.f32 v6, v41  }
0x15a: {  	v7 =	vld [tilespmem:$0x19650]  }
0x15b: {  	v31 =	vadd.f32 v34, v37;
	v23 =	vld [tilespmem:s26+$0xFFFFFFA0];
	v29 =	vmul.f32 s3, v29  }
0x15c: {  	v25 =	vadd.f32 v25, v19;
	v19 =	vadd.f32 v32, v39  }
0x15d: {  	v43, _, _ =	vpop (xrf2);
	v28 =	vadd.f32 v28, v4;
	v37 =	vadd.f32 v27, v31;
	v45 =	vld [tilespmem:s26+$0xFFFFFFB0];
	[tilespmem:s12+$0xFFFFFFA0] =	vst v33;
	v29 =	vmul.f32 v29, v58  }
0x15e: {  	s16 =	smul.f32 s21, s11;
	(v2sf) =	vpush v43, $0xF;
	v5 =	vadd.f32 v19, v25;
	v42 =	vld [tilespmem:$0x1FF00]  }
0x15f: {  	v40 =	vmul.f32 s24, v62;
	v4, _, _ =	vpop (xrf2);
	v62 =	vld [tilespmem:s26+$0x10];
	v6 =	vmul.f32 v27, v27;
	v29 =	vadd.f32 v29, v7  }
0x160: {  	s23 =	ssub.f32 $1.500000000e+00, s16;
	s21 =	spop (v2sf);
	(v2sf) =	vpush v4, $0xF;
	v4 =	vld [tilespmem:$0x1FF10];
	v26 =	vadd.f32 v26, v23;
	v23 =	vmul.f32 v31, v31  }
0x161: {  	s17 =	smul.f32 $1.562500000e-02, s21;
	v58 =	vadd.f32 v5, v37;
	v5 =	vld [tilespmem:$0x1FF20];
	[tilespmem:s13+$0x90] =	vst v29  }
0x162: {  	s20 =	smul.f32 s23, s11;
	v43 =	vadd.f32 v6, v23;
	v6 =	vld [tilespmem:$0x1FF30]  }
0x163: {  	s29 =	spop (v2sf);
	s17 =	ssub.f32 s17, s4  }
0x164: {  	s25 =	smul.f32 s19, s19;
	s2 =	sadd.f32 $9.999999740e-06, s2  }
0x165: {  	s30 =	smul.f32 $1.562500000e-02, s29;
	v32 =	vadd.f32 v36, v49;
	v15 =	vmul.f32 v19, v19;
	v49 =	vld [tilespmem:s26+$0x0];
	v7 =	vmul.f32 v25, v25  }
0x166: {  	s21 =	sadd.f32 $9.999999740e-06, s17;
	s23 =	smul.f32 $5.000000000e-01, s2;
	v23 =	vadd.f32 v42, v45;
	v33 =	vadd.f32 v35, v62;
	v35 =	vld [tilespmem:$0x19620]  }
0x167: {  	s4 =	ssub.f32 s30, s25;
	s19 =	sshrl.u32 s2, $0x1;
	s2 =	smul.f32 s6, s7;
	v57 =	vld [tilespmem:s26+$0x20];
	v42 =	vadd.f32 v15, v7;
	v15 =	vsub.f32 v6, v41  }
0x168: {  	s7 =	ssub.s32 $0x5F3759DF, s19;
	s30 =	smul.f32 $5.000000000e-01, s21;
	s16 =	sshrl.u32 s21, $0x1;
	v61 =	vld [tilespmem:$0x19630];
	[tilespmem:s0+$0xFFFFFF10] =	vst v44  }
0x169: {  	s11 =	sadd.f32 $9.999999740e-06, s4;
	s25 =	smul.f32 s7, s23;
	s4 =	ssub.s32 $0x5F3759DF, s16;
	v18 =	vld [tilespmem:s8+$0xB0];
	[tilespmem:s0+$0xFFFFFF90] =	vst v46;
	v15 =	vmul.f32 s3, v15  }
0x16a: {  	s21 =	smul.f32 s4, s30;
	v45 =	vld [tilespmem:s26+$0x30];
	[tilespmem:s0+$0x10] =	vst v56  }
0x16b: {  	s19 =	smul.f32 s7, s25;
	v36 =	vmul.f32 s18, v5;
	v5 =	vmul.f32 v15, v35;
	v35 =	vld [tilespmem:$0x1FF40]  }
0x16c: {  	s2 =	smul.f32 s2, s6;
	v30 =	vadd.f32 v30, v57;
	v57 =	vld [tilespmem:$0x19660]  }
0x16d: {  	s25 =	smul.f32 s4, s21;
	s16 =	ssub.f32 $1.500000000e+00, s19;
	v34 =	vadd.f32 v48, v49;
	v49 =	vmul.f32 v40, v61;
	v61 =	vld [tilespmem:$0x19620]  }
0x16e: {  	s29 =	smul.f32 $5.000000000e-01, s11;
	s11 =	sshrl.u32 s11, $0x1;
	v0 =	vmul.f32 v32, v32;
	v1 =	vmul.f32 v28, v28;
	v62 =	vld [tilespmem:$0x19620]  }
0x16f: {  	s11 =	ssub.s32 $0x5F3759DF, s11;
	s8 =	ssub.f32 $1.500000000e+00, s25;
	s7 =	smul.f32 s7, s16;
	v37 =	vmul.f32 s9, v50;
	v2 =	vadd.f32 v23, v26;
	v7 =	vadd.f32 v28, v32;
	v46 =	vld [tilespmem:$0x19620]  }
0x170: {  	s24 =	smul.f32 s11, s29;
	v3 =	vmul.f32 v23, v23;
	v29 =	vadd.f32 v18, v45;
	v44 =	vadd.f32 v1, v0;
	v48 =	vld [tilespmem:$0x19660];
	[tilespmem:s12+$0xB0] =	vst v35  }
0x171: {  	s4 =	smul.f32 s4, s8;
	v18 =	vmul.f32 v26, v26;
	v40 =	vadd.f32 v2, v7;
	v0 =	vadd.f32 v5, v57;
	v1 =	vld [tilespmem:$0x1FF50];
	[tilespmem:s0+$0xB0] =	vst v55  }
0x172: {  	s17 =	smul.f32 s11, s24;
	v50 =	vmul.f32 s18, v4;
	v7 =	vadd.f32 v29, v30;
	v6 =	vadd.f32 v33, v34;
	v57 =	vld [tilespmem:$0x1FF60];
	[tilespmem:s10+$0xB0] =	vst v47  }
0x173: {  	s19 =	smul.f32 s7, s23;
	v4 =	vmul.f32 v33, v33;
	v39 =	vadd.f32 v3, v18;
	v18 =	vmul.f32 v34, v34;
	v5 =	vld [tilespmem:$0x1FF70];
	[tilespmem:s13+$0xA0] =	vst v0  }
0x174: {  	s21 =	smul.f32 s4, s30;
	s9 =	ssub.f32 $1.500000000e+00, s17;
	v38 =	vmul.f32 v30, v30;
	v56 =	vadd.f32 v7, v6;
	v15 =	vmul.f32 v29, v29;
	v7 =	vld [tilespmem:$0x1FF80];
	[tilespmem:s12+$0x20] =	vst v52  }
0x175: {  	s24 =	smul.f32 s19, s7;
	(xrf2) =	vadd.scan.msk.f32 $0xffff, v58;
	s18 =	ssub.f32 $1.500000000e+00, s2;
	v58 =	vadd.f32 v4, v18;
	v18 =	vmul.f32 s22, v53;
	v53 =	vld [tilespmem:$0x19660];
	[tilespmem:s12+$0xFFFFFF30] =	vst v51  }
0x176: {  	s2 =	smul.f32 s11, s9;
	v35 =	vadd.f32 v15, v38;
	v38 =	vld [tilespmem:$0x1FFA0]  }
0x177: {  	s18 =	smul.f32 s18, s6;
	v4 =	vmul.f32 s28, v59;
	v55 =	vld [tilespmem:$0x19670]  }
0x178: {  	s8 =	ssub.f32 $1.500000000e+00, s24;
	s25 =	smul.f32 s2, s29;
	v6 =	vmul.f32 s20, v63;
	v47 =	vld [tilespmem:$0x19660]  }
0x179: {  	s6 =	smul.f32 s21, s4;
	v39 =	vadd.f32 v39, v44;
	v44 =	vld [tilespmem:$0x19630];
	v63 =	vmul.f32 v4, v7  }
0x17a: {  	s11 =	spop (v2sf);
	s21 =	smul.f32 s8, s7;
	v51 =	vld [tilespmem:$0x19670];
	v15 =	vmul.f32 s5, v5;
	v5 =	vmul.f32 v6, v7  }
0x17b: {  	s7 =	smul.f32 $1.562500000e-02, s11;
	(xrf2) =	vadd.scan.msk.f32 $0xffff, v40;
	v4 =	vmul.f32 s18, v54;
	v6 =	vld [tilespmem:$0x1FF90];
	v0 =	vadd.f32 v63, v38  }
0x17c: {  	s9 =	smul.f32 s25, s2;
	v63 =	vld [tilespmem:$0x1FFB0];
	v5 =	vadd.f32 v5, v38  }
0x17d: {  	v42 =	vadd.f32 v42, v43;
	s19 =	smul.f32 s7, s7;
	s16 =	spop (v2sf);
	v43 =	vmul.f32 v4, v7;
	v4 =	vld [tilespmem:$0x1FFC0];
	[tilespmem:s10+$0xFFFFFF00] =	vst v0  }
0x17e: {  	s6 =	ssub.f32 $1.500000000e+00, s6;
	s17 =	smul.f32 $1.562500000e-02, s16;
	v54 =	vld [tilespmem:$0x1FFD0];
	[tilespmem:s10+$0xFFFFFF80] =	vst v5  }
0x17f: {  	s9 =	ssub.f32 $1.500000000e+00, s9;
	v0 =	vld [tilespmem:$0x1FFE0]  }
0x180: {  	s11 =	smul.f32 s21, s23;
	v50 =	vmul.f32 v50, v61;
	s24 =	ssub.f32 s17, s19;
	v45 =	vmul.f32 s22, v1;
	v7 =	vsub.f32 v6, v41;
	v61 =	vld [tilespmem:$0x1FFF0]  }
0x181: {  	v59 =	vadd.f32 v35, v58;
	v52 =	vmul.f32 s18, v60;
	v58 =	vld [tilespmem:$0x19630];
	s22 =	smul.f32 s9, s2;
	v40 =	vmul.f32 s5, v57;
	v57, _, _ =	vpop (xrf2)  }
0x182: {  	(xrf2) =	vadd.scan.msk.f32 $0xffff, v56;
	v56 =	vld [tilespmem:$0x19670];
	s2 =	sadd.f32 $9.999999740e-06, s24;
	s5 =	smul.f32 s6, s4;
	(v2sf) =	vpush v57, $0xF;
	v45 =	vmul.f32 v45, v62;
	v6 =	vmul.f32 s3, v7  }
0x183: {  	s23 =	simm.s32 $0x10;
	(xrf2) =	vadd.scan.msk.f32 $0xffff, v42;
	s9 =	sshll.u32 s31, $0x8;
	s25 =	rddreg [dreg:$0x5];
	v41 =	vmul.f32 s28, v63;
	v57 =	vmul.f32 s20, v4;
	v7 =	vadd.f32 v43, v38;
	v43 =	vld [tilespmem:$0x19650]  }
0x184: {  	v55 =	vadd.f32 v49, v55;
	s4 =	sshll.u32 s31, $0xA;
	s6 =	smul.f32 s5, s30;
	s30 =	rddreg [dreg:$0x1a];
	v49 =	vmul.f32 v6, v44;
	v44 =	vld [tilespmem:$0x19610];
	v35 =	vmul.f32 s28, v54  }
0x185: {  	(xrf2) =	vadd.scan.msk.f32 $0xffff, v39;
	v60, _, _ =	vpop (xrf2);
	s25 =	sadd.s32 s25, s9;
	s24 =	sadd.s32 $0x4, s30;
	s3 =	smul.f32 s22, s29;
	[tilespmem:s10+$0x0] =	vst v7;
	v54 =	vld [tilespmem:$0x19610];
	v42 =	vmul.f32 s20, v0;
	v39 =	vmul.f32 s18, v61  }
.LBB2_3:
0x186: {  	(v2sf) =	vpush v60, $0xF;
	v60 =	vld [tilespmem:$0x19610]  }
0x187: {  	v50 =	vadd.f32 v50, v53;
	v1 =	vld [tilespmem:$0x1FEB0]  }
0x188: {  	v53 =	vld [tilespmem:$0x1FE40]  }
0x189: {  	(xrf2) =	vadd.scan.msk.f32 $0xffff, v59;
	v59 =	vld [tilespmem:$0x1FE60];
	[tilespmem:s0+$0xFFFFFF20] =	vst v50  }
0x18a: {  	s16 =	smulhi.u32 $0x51EB851F, s24;
	[tilespmem:s12+$0xFFFFFFB0] =	vst v55;
	v55 =	vld [tilespmem:$0x19630]  }
0x18b: {  	s17 =	sshrl.u32 s2, $0x1;
	s8 =	smul.f32 $5.000000000e-01, s2;
	v38 =	vadd.f32 v49, v51;
	v49 =	vld [tilespmem:$0x1FE30]  }
0x18c: {  	v7, _, _ =	vpop (xrf2);
	s11 =	smul.f32 s11, s21;
	s2 =	ssub.s32 $0x5F3759DF, s17;
	v63 =	vld [tilespmem:$0x19670]  }
0x18d: {  	v5 =	vmov v17;
	s26 =	sadd.s32 $0x200, s26;
	s16 =	sshrl.u32 s16, $0x6;
	(v2sf) =	vpush v7, $0xF;
	s17 =	smul.f32 s2, s8;
	v41 =	vmul.f32 v41, v54;
	v54 =	vld [tilespmem:$0x19650];
	v17, _, _ =	vpop (xrf2);
	[tilespmem:s13+$0xB0] =	vst v38  }
0x18e: {  	v45 =	vadd.f32 v45, v48;
	s19 =	smul.u32 $0x3200, s16;
	v40 =	vmul.f32 v40, v46;
	(v2sf) =	vpush v17, $0xF;
	v17 =	vld [tilespmem:s26+$0x90]  }
0x18f: {  	v61 =	vmovc v14;
	s1 =	sadd.s32 $0x100, s1;
	s14 =	sadd.s32 $0x100, s14;
	v58 =	vmul.f32 v37, v58;
	v48 =	vmul.f32 s20, v53;
	s20 =	smul.f32 s2, s17;
	v14 =	vadd.f32 v41, v43;
	v41 =	vld [tilespmem:s26+$0xA0]  }
0x190: {  	s16 =	smul.u32 $0xFFFF3800, s16;
	v6 =	vmul.f32 v52, v60;
	s29 =	ssub.s32 s1, s19;
	s19 =	ssub.s32 s14, s19;
	v46 =	vmul.f32 s28, v49;
	v49 =	vld [tilespmem:$0x19650]  }
0x191: {  	v47 =	vadd.f32 v40, v47;
	s30 =	ssub.f32 $1.500000000e+00, s20;
	s20 =	sor.u32 $0x50, s19;
	[tilespmem:s0+$0xFFFFFFA0] =	vst v45;
	v45 =	vld [tilespmem:s26+$0x80]  }
0x192: {  	s15 =	sadd.s32 $0x100, s15;
	v37 =	vmovc v15;
	s16 =	sshra.s32 s16, $0x2;
	v15 =	vmul.f32 s18, v59;
	s18 =	ssub.f32 $1.500000000e+00, s11;
	v52 =	vadd.f32 v58, v56;
	v40 =	vmovc v39;
	v39 =	vadd.f32 v6, v54;
	v54 =	vld [tilespmem:s20+$0x16400]  }
0x193: {  	s11 =	sadd.s32 s16, s15;
	[tilespmem:s0+$0x20] =	vst v47;
	s16 =	smul.f32 s2, s30;
	s30 =	sor.u32 $0x60, s19;
	v50 =	vld [tilespmem:$0x19630]  }
0x194: {  	v62 =	vmul.f32 v57, v44;
	[tilespmem:s12+$0x30] =	vst v52;
	v53, _, _ =	vpop (xrf2);
	s19 =	sor.u32 $0x70, s19;
	v52 =	vld [tilespmem:s30+$0x16400]  }
0x195: {  	v51 =	vmov v1;
	[tilespmem:s10+$0xFFFFFF10] =	vst v14;
	v7 =	vmul.f32 v36, v55;
	(v2sf) =	vpush v53, $0xF;
	v53 =	vld [tilespmem:s19+$0x16400]  }
0x196: {  	s2 =	sand.u32 $0x3F00, s29;
	s29 =	spop (v2sf);
	v36 =	vmov v46;
	[tilespmem:s10+$0x10] =	vst v39;
	v46 =	vld [tilespmem:s11+$0xC0];
	s28 =	smul.f32 s16, s8;
	v14 =	vadd.f32 v62, v49  }
0x197: {  	[tilespmem:$0x1FE30] =	vst v51;
	v7 =	vadd.f32 v7, v63;
	s17 =	smul.f32 $1.562500000e-02, s29;
	v60 =	vld [tilespmem:s11+$0xA0]  }
0x198: {  	s12 =	smov.u32 s0;
	v51, _, _ =	vpop (xrf2);
	s29 =	smul.f32 s28, s16;
	[tilespmem:s10+$0xFFFFFF90] =	vst v14;
	v14 =	vld [tilespmem:s26+$0xB0]  }
0x199: {  	(v2sf) =	vpush v51, $0xF;
	[tilespmem:s12+$0xFFFFFF30] =	vst v7;
	v55 =	vmov s17;
	v3 =	vld [tilespmem:s11+$0xB0]  }
0x19a: {  	[tilespmem:$0x1FE40] =	vst v61;
	v61 =	vld [tilespmem:s11+$0x0];
	v63 =	vsub.f32 v31, v55;
	s30 =	ssub.f32 $1.500000000e+00, s29  }
0x19b: {  	v0 =	vmov v42;
	[tilespmem:$0x1FE60] =	vst v5;
	s3 =	smul.f32 s3, s22;
	v38 =	vld [tilespmem:s11+$0x20];
	v42 =	vsub.f32 v25, v55;
	v5 =	vsub.f32 v19, v55  }
0x19c: {  	v19 =	vld [tilespmem:s11+$0x30];
	v56 =	vadd.f32 v54, v17;
	s20 =	spop (v2sf);
	v47 =	vadd.f32 v52, v41;
	s16 =	smul.f32 s30, s16  }
0x19d: {  	v62 =	vld [tilespmem:s11+$0x10];
	s19 =	smul.f32 $1.562500000e-02, s20;
	v25 =	vadd.f32 v46, v45;
	v43 =	vadd.f32 v53, v14  }
0x19e: {  	v58 =	vsub.f32 v27, v55;
	v54 =	vld [tilespmem:$0x19600];
	v39 =	vmul.f32 v18, v50;
	v6 =	vmul.f32 v56, v56;
	s8 =	smul.f32 s16, s8  }
0x19f: {  	s28 =	smul.f32 s17, s17;
	v50 =	vld [tilespmem:$0x19640];
	v41 =	vmul.f32 v47, v47;
	v17 =	vadd.f32 v56, v25;
	v27 =	vadd.f32 v43, v47  }
0x1a0: {  	s29 =	spop (v2sf);
	v2 =	vld [tilespmem:s2+$0x16450];
	v31 =	vmul.f32 v25, v25;
	v14 =	vmov s19;
	s30 =	smul.f32 s8, s16;
	v7 =	vmul.f32 v43, v43  }
0x1a1: {  	v59 =	vld [tilespmem:s2+$0x16460];
	s20 =	smul.f32 s19, s19;
	s19 =	spop (v2sf);
	v45 =	vsub.f32 v28, v14;
	v17 =	vadd.f32 v27, v17  }
0x1a2: {  	v18 =	vmov v48;
	v48 =	vld [tilespmem:s2+$0x16470];
	s8 =	smul.f32 $1.562500000e-02, s19;
	s2 =	ssub.f32 $1.500000000e+00, s30;
	v27 =	vadd.f32 v6, v31;
	v28 =	vadd.f32 v7, v41  }
0x1a3: {  	v51 =	vmov s7;
	v46 =	vld [tilespmem:s11+$0x90];
	s17 =	smul.f32 $1.562500000e-02, s29  }
0x1a4: {  	v1 =	vld [tilespmem:s11+$0x40];
	s29 =	ssub.f32 s8, s28;
	s8 =	smul.f32 s2, s16;
	(xrf2) =	vadd.scan.msk.f32 $0xffff, v17;
	v17 =	vadd.f32 v28, v27;
	v27 =	vsub.f32 v22, v51  }
0x1a5: {  	v53 =	vld [tilespmem:s11+$0x80];
	v44 =	vsub.f32 v26, v14;
	v26 =	vmov s17;
	s17 =	smul.f32 s17, s17  }
0x1a6: {  	v52 =	vsub.f32 v32, v14;
	v14 =	vsub.f32 v23, v14;
	s19 =	smul.f32 s6, s5;
	s30 =	spop (v2sf);
	v22 =	vmovc v25;
	v25 =	vld [tilespmem:s26+$0xFFFFFF00];
	v23 =	vmul.f32 s8, v27  }
0x1a7: {  	v57 =	vsub.f32 v34, v26;
	v55 =	vsub.f32 v33, v26;
	s7 =	smul.f32 $1.562500000e-02, s30;
	v28 =	vld [tilespmem:s26+$0xFFFFFF20];
	(xrf2) =	vadd.scan.msk.f32 $0xffff, v17  }
0x1a8: {  	v49 =	vsub.f32 v30, v26;
	s16 =	sadd.f32 $9.999999740e-06, s29;
	s11 =	spop (v2sf);
	v17 =	vsub.f32 v29, v26;
	v26 =	vld [tilespmem:s26+$0xFFFFFF10];
	v23 =	vmul.f32 v23, v54  }
0x1a9: {  	s0 =	smov.u32 s10;
	v33 =	vld [tilespmem:s26+$0xFFFFFF90];
	s30 =	ssub.f32 s7, s20;
	s7 =	smul.f32 $1.562500000e-02, s11  }
0x1aa: {  	s10 =	smov.u32 s13;
	s13 =	sadd.s32 $0x200, s13;
	v30 =	vld [tilespmem:s26+$0xFFFFFF80];
	s11 =	ssub.f32 $1.500000000e+00, s19;
	v4 =	vadd.f32 v23, v50  }
0x1ab: {  	s29 =	sshrl.u32 s16, $0x1;
	s6 =	smul.f32 $5.000000000e-01, s16;
	v29 =	vld [tilespmem:s26+$0xFFFFFF30];
	s7 =	ssub.f32 s7, s17  }
0x1ac: {  	s28 =	smul.f32 s18, s21;
	s2 =	ssub.s32 $0x5F3759DF, s29;
	s19 =	sadd.f32 $9.999999740e-06, s30;
	v31 =	vadd.f32 v61, v25;
	[tilespmem:s13+$0x80] =	vst v4  }
0x1ad: {  	s16 =	smul.f32 s2, s6;
	v25 =	vadd.f32 v38, v28;
	v27 =	vadd.f32 v62, v26;
	v26 =	vld [tilespmem:$0x19610]  }
0x1ae: {  	v8 =	vld [tilespmem:$0x1FE80];
	s20 =	sadd.f32 $9.999999740e-06, s7;
	s29 =	smul.f32 $5.000000000e-01, s19;
	v38 =	vsub.f32 v16, v51;
	v28 =	vadd.f32 v2, v33  }
0x1af: {  	v41 =	vmul.f32 s28, v12;
	v32 =	vadd.f32 v1, v30;
	s21 =	sshrl.u32 s19, $0x1;
	s7 =	ssub.f32 $1.500000000e+00, s3;
	v61 =	vmul.f32 s28, v21;
	v21 =	vmovc v63;
	s16 =	smul.f32 s2, s16;
	v63 =	vld [tilespmem:$0x19650]  }
0x1b0: {  	v34 =	vld [tilespmem:s26+$0xFFFFFFA0];
	s17 =	ssub.s32 $0x5F3759DF, s21;
	s30 =	sshrl.u32 s20, $0x1;
	s3 =	smul.f32 $5.000000000e-01, s20;
	v19 =	vadd.f32 v19, v29;
	v30 =	vmul.f32 s8, v38;
	v6 =	vmul.f32 v28, v28;
	v23, _, _ =	vpop (xrf2)  }
0x1b1: {  	v2 =	vld [tilespmem:s26+$0x0];
	s20 =	smul.f32 s17, s29;
	s18 =	ssub.s32 $0x5F3759DF, s30;
	v4 =	vmul.f32 v32, v32;
	v29 =	vadd.f32 v27, v31;
	(v2sf) =	vpush v23, $0xF;
	v23, _, _ =	vpop (xrf2)  }
0x1b2: {  	[tilespmem:$0x1FD70] =	vst v0;
	v1 =	vld [tilespmem:s26+$0xFFFFFFB0];
	s21 =	smul.f32 s18, s3;
	(v2sf) =	vpush v23, $0xF;
	v23 =	vadd.f32 v19, v25;
	v30 =	vmul.f32 v30, v26  }
0x1b3: {  	[tilespmem:$0x1FEB0] =	vst v5;
	v0 =	vmul.f32 v31, v31;
	v38 =	vld [tilespmem:s26+$0x10];
	s16 =	ssub.f32 $1.500000000e+00, s16;
	v62 =	vmul.f32 v27, v27;
	s19 =	smul.f32 s17, s20;
	v4 =	vadd.f32 v6, v4  }
0x1b4: {  	v5 =	vld [tilespmem:s26+$0x20];
	v12 =	vmovc v58;
	v58 =	vmul.f32 v25, v25;
	s20 =	smul.f32 s11, s5;
	v29 =	vadd.f32 v23, v29;
	v30 =	vadd.f32 v30, v63  }
0x1b5: {  	v7 =	vld [tilespmem:s26+$0x30];
	v33 =	vmul.f32 v19, v19;
	s5 =	smul.f32 s2, s16;
	v0 =	vadd.f32 v62, v0;
	v26 =	vadd.f32 v59, v34  }
0x1b6: {  	s30 =	smul.f32 s18, s21;
	v59 =	vadd.f32 v28, v32;
	v34 =	vadd.f32 v53, v2;
	(xrf2) =	vadd.scan.msk.f32 $0xffff, v29;
	[tilespmem:s13+$0x90] =	vst v30  }
0x1b7: {  	v16 =	vmov v56;
	s19 =	ssub.f32 $1.500000000e+00, s19;
	v23 =	vadd.f32 v48, v1;
	v63 =	vadd.f32 v33, v58;
	v56 =	vld [tilespmem:$0x19620]  }
0x1b8: {  	s16 =	smul.f32 s5, s6;
	s21 =	ssub.f32 $1.500000000e+00, s30;
	v33 =	vadd.f32 v46, v38;
	v38 =	vsub.f32 v8, v51  }
0x1b9: {  	s2 =	smul.f32 s17, s19;
	v1 =	vmul.f32 v26, v26;
	v48 =	vadd.f32 v23, v26;
	v30 =	vadd.f32 v60, v5;
	v60 =	vld [tilespmem:$0x19660]  }
0x1ba: {  	v62 =	vld [tilespmem:$0x19620];
	s11 =	smul.f32 s18, s21;
	v58 =	vmul.f32 v23, v23;
	v29 =	vadd.f32 v3, v7;
	v38 =	vmul.f32 s8, v38  }
0x1bb: {  	s16 =	smul.f32 s16, s5;
	v2 =	vld [tilespmem:$0x19620];
	v8 =	vmovc v47;
	v5 =	vmul.f32 v34, v34;
	v3 =	vadd.f32 v33, v34;
	v7 =	vmul.f32 v33, v33  }
0x1bc: {  	v53 =	vld [tilespmem:$0x19660];
	[tilespmem:$0x1FE80] =	vst v8;
	s18 =	smul.f32 s11, s3;
	v47 =	vadd.f32 v48, v59;
	v8 =	vmul.f32 v29, v29;
	v38 =	vmul.f32 v38, v56  }
0x1bd: {  	s17 =	smul.f32 s2, s29;
	v46 =	vld [tilespmem:$0x19620];
	v1 =	vadd.f32 v58, v1;
	v59 =	vmul.f32 v30, v30;
	v6 =	vadd.f32 v29, v30  }
0x1be: {  	s30 =	smul.f32 s18, s11;
	v58 =	vld [tilespmem:$0x19630];
	v5 =	vadd.f32 v7, v5;
	v7 =	vadd.f32 v38, v60;
	v38 =	vmul.f32 v61, v9  }
0x1bf: {  	v0 =	vadd.f32 v63, v0;
	s18 =	smul.f32 s7, s22;
	(xrf2) =	vadd.scan.msk.f32 $0xffff, v47;
	v47 =	vld [tilespmem:$0x19660];
	v3 =	vadd.f32 v6, v3  }
0x1c0: {  	s17 =	smul.f32 s17, s2;
	v6 =	vadd.f32 v8, v59;
	v56 =	vld [tilespmem:$0x19670];
	s19 =	spop (v2sf);
	v61, _, _ =	vpop (xrf2);
	v63 =	vadd.f32 v38, v10  }
0x1c1: {  	s16 =	ssub.f32 $1.500000000e+00, s16;
	v8 =	vmul.f32 s20, v20;
	v20 =	vmovc v52;
	v52 =	vmul.f32 s18, v24;
	s22 =	spop (v2sf);
	(v2sf) =	vpush v61, $0xF;
	v61 =	vld [tilespmem:$0x1FE90]  }
0x1c2: {  	s17 =	ssub.f32 $1.500000000e+00, s17;
	[tilespmem:s10+$0xFFFFFF00] =	vst v63;
	v63 =	vld [tilespmem:$0x1FEA0]  }
0x1c3: {  	s21 =	smul.f32 s16, s5;
	(xrf2) =	vadd.scan.msk.f32 $0xffff, v3;
	v3 =	vmul.f32 v52, v9;
	v52 =	vmul.f32 s18, v13;
	v13 =	vmov v55;
	v55 =	vld [tilespmem:$0x1FEC0]  }
0x1c4: {  	s5 =	smul.f32 s17, s2;
	v60 =	vld [tilespmem:$0x19670];
	[tilespmem:s13+$0xA0] =	vst v7  }
0x1c5: {  	v3 =	vadd.f32 v3, v10;
	s7 =	smul.f32 $1.562500000e-02, s19;
	v7 =	vld [tilespmem:$0x19630]  }
0x1c6: {  	s23 =	sadd.s32 $0x4, s23;
	v1 =	vadd.f32 v1, v4;
	(xrf2) =	vadd.scan.msk.f32 $0xffff, v0;
	s2 =	smul.f32 $1.562500000e-02, s22;
	v0 =	vsub.f32 v61, v51;
	v61 =	vld [tilespmem:$0x1FED0]  }
0x1c7: {  	p1 =	slt.u32 s23, $0x7C;
	s16 =	ssub.f32 $1.500000000e+00, s30;
	v38 =	vmul.f32 v8, v9;
	v9 =	vmovc v54;
	v54 =	vmov v43;
	[tilespmem:s10+$0x0] =	vst v3;
	s30 =	smul.f32 s7, s7;
	v4 =	vmul.f32 s28, v63;
	v63 =	vld [tilespmem:$0x1FD70]  }
.Ltmp2:
0x1c8: {  	v48 =	vld [tilespmem:$0x19660];
	v24 =	vmovc v57;
	v57 =	vmul.f32 s20, v11;
	v11 =	vmovc v45;
	v8 =	vmov v42;
	[tilespmem:$0x1FE90] =	vst v54;
	v42 =	vmul.f32 s20, v55;
	(pc) =	sbr.rel @p1 .LBB2_3-.Ltmp2, $4  }
0x1c9: {  	s22 =	smul.f32 s16, s11;
	v45 =	vadd.f32 v38, v10;
	[tilespmem:$0x1FEA0] =	vst v8;
	v54 =	vld [tilespmem:$0x19610];
	v55 =	vadd.f32 v39, v60;
	v60 =	vmovc v44;
	v0 =	vmul.f32 s8, v0  }
0x1ca: {  	v59 =	vadd.f32 v6, v5;
	(xrf2) =	vadd.scan.msk.f32 $0xffff, v1;
	s11 =	smul.f32 s21, s6;
	s2 =	ssub.f32 s2, s30;
	v43 =	vld [tilespmem:$0x19650];
	[tilespmem:$0x1FEC0] =	vst v60  }
0x1cb: {  	s6 =	smul.f32 s5, s29;
	v10 =	vmovc v50;
	v50 =	vmul.f32 v35, v62;
	v62 =	vmov v49;
	[tilespmem:s10+$0xFFFFFF80] =	vst v45;
	v51 =	vld [tilespmem:$0x19670];
	v49 =	vmul.f32 v0, v7  }
0x1cc: {  	s24 =	sadd.s32 $0x4, s24;
	s3 =	smul.f32 s22, s3;
	[tilespmem:$0x1FED0] =	vst v62;
	s2 =	sadd.f32 $9.999999740e-06, s2;
	v44 =	vld [tilespmem:$0x19610];
	v60, _, _ =	vpop (xrf2);
	v35 =	vmov v4;
	v39 =	vmul.f32 s18, v61;
	v45 =	vmul.f32 v63, v2  }
0x1cd: {  	_ = 	snop  }
0x1ce: {  	s1 =	sshrl.u32 s2, $0x1;
	s23 =	smul.f32 $5.000000000e-01, s2  }
0x1cf: {  	s1 =	ssub.s32 $0x5F3759DF, s1  }
0x1d0: {  	(xrf2) =	vadd.scan.msk.f32 $0xffff, v59;
	s8 =	smul.f32 s1, s23;
	_ =	sdelay $0x1  }
0x1d1: {  	s8 =	smul.f32 s1, s8  }
0x1d2: {  	(v2sf) =	vpush v60, $0xF;
	v0, _, _ =	vpop (xrf2)  }
0x1d3: {  	(v2sf) =	vpush v0, $0xF;
	v62, _, _ =	vpop (xrf2);
	s8 =	ssub.f32 $1.500000000e+00, s8  }
0x1d4: {  	(v2sf) =	vpush v62, $0xF  }
0x1d5: {  	s1 =	smul.f32 s1, s8;
	_ =	sdelay $0x1  }
0x1d6: {  	v63, _, _ =	vpop (xrf2);
	s8 =	smul.f32 s1, s23  }
0x1d7: {  	(v2sf) =	vpush v63, $0xF  }
0x1d8: {  	v38, _, _ =	vpop (xrf2);
	s8 =	smul.f32 s8, s1  }
0x1d9: {  	s11 =	smul.f32 s11, s21;
	(v2sf) =	vpush v38, $0xF  }
0x1da: {  	s6 =	smul.f32 s6, s5;
	s8 =	ssub.f32 $1.500000000e+00, s8  }
0x1db: {  	s3 =	smul.f32 s3, s22  }
0x1dc: {  	s14 =	spop (v2sf);
	s1 =	smul.f32 s8, s1  }
0x1dd: {  	s15 =	smul.f32 $1.562500000e-02, s14  }
0x1de: {  	s2 =	smul.f32 s1, s23  }
0x1df: {  	s16 =	smul.f32 s15, s15  }
0x1e0: {  	s24 =	spop (v2sf);
	s2 =	smul.f32 s2, s1  }
0x1e1: {  	s14 =	smul.f32 $1.562500000e-02, s24;
	s26 =	spop (v2sf)  }
0x1e2: {  	v3 =	vmul.f32 v37, v58;
	s17 =	spop (v2sf);
	s2 =	ssub.f32 $1.500000000e+00, s2  }
0x1e3: {  	v37 =	vmov s7;
	v59 =	vld [tilespmem:$0x19600];
	s3 =	ssub.f32 $1.500000000e+00, s3;
	s17 =	smul.f32 $1.562500000e-02, s17  }
0x1e4: {  	v5 =	vsub.f32 v22, v37;
	v3 =	vadd.f32 v3, v56;
	s24 =	ssub.f32 $1.500000000e+00, s11;
	s7 =	smul.f32 s2, s1  }
0x1e5: {  	v22 =	vld [tilespmem:$0x19640];
	s8 =	smul.f32 $1.562500000e-02, s26;
	s16 =	ssub.f32 s17, s16  }
0x1e6: {  	[tilespmem:s12+$0x30] =	vst v3;
	v3 =	vadd.f32 v45, v48;
	s19 =	smul.f32 s14, s14;
	s29 =	spop (v2sf);
	v5 =	vmul.f32 s7, v5  }
0x1e7: {  	s30 =	sadd.f32 $9.999999740e-06, s16;
	s1 =	smul.f32 $1.562500000e-02, s29  }
0x1e8: {  	v1 =	vld [tilespmem:$0x19610];
	v53 =	vadd.f32 v50, v53;
	[tilespmem:s0+$0xFFFFFFA0] =	vst v3;
	s17 =	smul.f32 s8, s8;
	s23 =	spop (v2sf);
	v3 =	vmul.f32 v5, v59  }
0x1e9: {  	v2 =	vld [tilespmem:$0x19650];
	v7 =	vadd.f32 v49, v51;
	s26 =	sshrl.u32 s30, $0x1;
	s11 =	smul.f32 $5.000000000e-01, s30;
	s1 =	ssub.f32 s1, s19  }
0x1ea: {  	[tilespmem:s0+$0xFFFFFF20] =	vst v53;
	s16 =	smul.f32 $1.562500000e-02, s23;
	s19 =	ssub.s32 $0x5F3759DF, s26;
	v3 =	vadd.f32 v3, v22  }
0x1eb: {  	[tilespmem:s13+$0xB0] =	vst v7;
	s3 =	smul.f32 s3, s22;
	v38 =	vld [tilespmem:$0x19650];
	s23 =	sadd.f32 $9.999999740e-06, s1;
	s1 =	sadd.s32 $0x200, s13  }
0x1ec: {  	v4 =	vld [tilespmem:$0x19630];
	v7 =	vmul.f32 v57, v44;
	s30 =	smul.f32 s19, s11;
	s16 =	ssub.f32 s16, s17;
	[tilespmem:s1+$0x80] =	vst v3  }
0x1ed: {  	s29 =	ssub.f32 $1.500000000e+00, s6;
	s6 =	smul.f32 s24, s21;
	v62 =	vld [tilespmem:$0x19610]  }
0x1ee: {  	v60 =	vld [tilespmem:$0x19670];
	v1 =	vmul.f32 v52, v1;
	v44 =	vsub.f32 v16, v37;
	v2 =	vadd.f32 v7, v2;
	s17 =	smul.f32 s19, s30;
	s16 =	sadd.f32 $9.999999740e-06, s16  }
0x1ef: {  	v6 =	vmul.f32 v40, v46;
	[tilespmem:s12+$0xFFFFFFB0] =	vst v55;
	s12 =	smul.f32 $5.000000000e-01, s23;
	s24 =	sshrl.u32 s23, $0x1;
	v3 =	vld [tilespmem:$0x19650]  }
0x1f0: {  	v8 =	vmul.f32 v41, v54;
	[tilespmem:s10+$0xFFFFFF90] =	vst v2;
	v1 =	vadd.f32 v1, v38;
	v2 =	vmul.f32 s7, v44;
	s21 =	ssub.s32 $0x5F3759DF, s24;
	s2 =	smul.f32 $5.000000000e-01, s16;
	s16 =	sshrl.u32 s16, $0x1  }
0x1f1: {  	v6 =	vadd.f32 v6, v47;
	v4 =	vmul.f32 v36, v4;
	s26 =	smul.f32 s21, s12;
	s16 =	ssub.s32 $0x5F3759DF, s16  }
0x1f2: {  	v8 =	vadd.f32 v8, v43;
	[tilespmem:s10+$0x10] =	vst v1;
	s24 =	smul.f32 s16, s2;
	v1 =	vmul.f32 v2, v62  }
0x1f3: {  	[tilespmem:s0+$0x20] =	vst v6;
	v61 =	vadd.f32 v4, v60;
	s23 =	smul.f32 s21, s26  }
0x1f4: {  	[tilespmem:s10+$0xFFFFFF10] =	vst v8;
	s5 =	smul.f32 s29, s5;
	s17 =	ssub.f32 $1.500000000e+00, s17;
	v1 =	vadd.f32 v1, v3  }
0x1f5: {  	[tilespmem:s0+$0xFFFFFF30] =	vst v61;
	s24 =	smul.f32 s16, s24;
	s29 =	ssub.f32 $1.500000000e+00, s23  }
0x1f6: {  	s17 =	smul.f32 s19, s17;
	[tilespmem:s1+$0x90] =	vst v1  }
0x1f7: {  	s30 =	ssub.f32 $1.500000000e+00, s24;
	s19 =	smul.f32 s21, s29;
	v16 =	vld [tilespmem:$0x1FE80]  }
0x1f8: {  	s24 =	smul.f32 s17, s11  }
0x1f9: {  	v45 =	vld [tilespmem:$0x19620];
	s16 =	smul.f32 s16, s30  }
0x1fa: {  	v7 =	vld [tilespmem:$0x19660];
	v5 =	vmul.f32 s6, v21;
	s26 =	smul.f32 s19, s12  }
0x1fb: {  	v24 =	vmul.f32 s3, v24;
	v8 =	vmul.f32 s5, v20;
	s21 =	smul.f32 s24, s17;
	v3 =	vld [tilespmem:$0x19620]  }
0x1fc: {  	v63 =	vld [tilespmem:$0x19630];
	v5 =	vmul.f32 v5, v9;
	s22 =	smul.f32 s26, s19;
	v48 =	vsub.f32 v16, v37  }
0x1fd: {  	v49 =	vmul.f32 v8, v9;
	v9 =	vmul.f32 v24, v9;
	s21 =	ssub.f32 $1.500000000e+00, s21;
	v6 =	vld [tilespmem:$0x19660]  }
0x1fe: {  	v46 =	vld [tilespmem:$0x19620];
	v5 =	vadd.f32 v5, v10;
	s23 =	smul.f32 s16, s2;
	s22 =	ssub.f32 $1.500000000e+00, s22;
	v24 =	vmul.f32 s7, v48  }
0x1ff: {  	v4 =	vld [tilespmem:$0x19620];
	v9 =	vadd.f32 v9, v10;
	s17 =	smul.f32 s21, s17  }
0x200: {  	v47 =	vld [tilespmem:$0x19660];
	[tilespmem:s13+$0xFFFFFF00] =	vst v5;
	v5 =	vadd.f32 v49, v10;
	s19 =	smul.f32 s22, s19;
	v3 =	vmul.f32 v24, v3  }
0x201: {  	[tilespmem:s13+$0x0] =	vst v9;
	v10 =	vld [tilespmem:$0x19610];
	s11 =	smul.f32 s17, s11  }
0x202: {  	v2 =	vmul.f32 v35, v45;
	[tilespmem:s13+$0xFFFFFF80] =	vst v5;
	s12 =	smul.f32 s19, s12;
	v3 =	vadd.f32 v3, v6;
	v6 =	vld [tilespmem:$0x19610]  }
0x203: {  	v5 =	vld [tilespmem:$0x19610];
	s11 =	smul.f32 s11, s17  }
0x204: {  	v2 =	vadd.f32 v2, v7;
	s23 =	smul.f32 s23, s16;
	v7 =	vld [tilespmem:$0x19650]  }
0x205: {  	v13 =	vmul.f32 s3, v13;
	v21 =	vld [tilespmem:$0x19660];
	v9 =	vmul.f32 s6, v12;
	s11 =	ssub.f32 $1.500000000e+00, s11;
	s12 =	smul.f32 s12, s19  }
0x206: {  	s29 =	ssub.f32 $1.500000000e+00, s23;
	v24 =	vld [tilespmem:$0x19650];
	[tilespmem:s1+$0xA0] =	vst v3;
	v3 =	vmul.f32 s5, v11;
	v11 =	vmov s15  }
0x207: {  	v12 =	vld [tilespmem:$0x19650];
	v9 =	vmul.f32 v9, v10;
	s12 =	ssub.f32 $1.500000000e+00, s12;
	s11 =	smul.f32 s11, s17;
	v10 =	vsub.f32 v31, v11;
	v6 =	vmul.f32 v13, v6  }
0x208: {  	v20 =	vld [tilespmem:$0x19670];
	v1 =	vmul.f32 v42, v46;
	s16 =	smul.f32 s29, s16;
	v51 =	vmul.f32 v3, v5;
	v3 =	vmov s14  }
0x209: {  	v8 =	vld [tilespmem:$0x19670];
	[tilespmem:s10+$0xFFFFFF20] =	vst v2;
	s30 =	smul.f32 s12, s19;
	v13 =	vsub.f32 v32, v3;
	v6 =	vadd.f32 v6, v7;
	v7 =	vmul.f32 s11, v10  }
0x20a: {  	v1 =	vadd.f32 v1, v21;
	v21 =	vld [tilespmem:$0x19670];
	s2 =	smul.f32 s16, s2  }
0x20b: {  	v16 =	vld [tilespmem:$0x19630];
	v9 =	vadd.f32 v9, v24;
	v10 =	vmul.f32 s30, v13;
	v7 =	vmul.f32 v7, v59  }
0x20c: {  	[tilespmem:s10+$0xFFFFFFA0] =	vst v1;
	s2 =	smul.f32 s2, s16;
	v50 =	vld [tilespmem:$0x19630];
	v52 =	vadd.f32 v51, v12  }
0x20d: {  	v31 =	vld [tilespmem:$0x19670];
	[tilespmem:s13+$0xFFFFFF10] =	vst v9;
	v10 =	vmul.f32 v10, v59;
	v7 =	vadd.f32 v7, v22  }
0x20e: {  	s2 =	ssub.f32 $1.500000000e+00, s2;
	v5 =	vld [tilespmem:$0x19630];
	[tilespmem:s13+$0xFFFFFF90] =	vst v52  }
0x20f: {  	v53 =	vmov s8;
	v12 =	vld [tilespmem:$0x19630];
	[tilespmem:s1+$0xFFFFFF00] =	vst v7;
	v7 =	vadd.f32 v10, v22  }
0x210: {  	s2 =	smul.f32 s2, s16;
	v9 =	vsub.f32 v34, v53;
	v54 =	vld [tilespmem:$0x19620];
	[tilespmem:s13+$0x10] =	vst v6  }
0x211: {  	v24 =	vld [tilespmem:$0x19660];
	[tilespmem:s1+$0xFFFFFF80] =	vst v7  }
0x212: {  	v9 =	vmul.f32 s2, v9;
	v7 =	vsub.f32 v27, v11;
	v27 =	vld [tilespmem:$0x1FEA0]  }
0x213: {  	v6 =	vld [tilespmem:$0x19620]  }
0x214: {  	v4 =	vmul.f32 v39, v4;
	v55 =	vld [tilespmem:$0x19660];
	v0 =	vmul.f32 v9, v59  }
0x215: {  	v10 =	vld [tilespmem:$0x19610]  }
0x216: {  	v4 =	vadd.f32 v4, v47;
	v0 =	vadd.f32 v0, v22;
	v22 =	vld [tilespmem:$0x19650]  }
0x217: {  	v56 =	vld [tilespmem:$0x19610];
	v27 =	vmul.f32 s6, v27  }
0x218: {  	v57 =	vsub.f32 v28, v3;
	v13 =	vld [tilespmem:$0x19620];
	[tilespmem:s10+$0x20] =	vst v4;
	v4 =	vmul.f32 s11, v7  }
0x219: {  	v7 =	vld [tilespmem:$0x19650];
	v1 =	vmul.f32 v27, v54  }
0x21a: {  	v9 =	vld [tilespmem:$0x19660];
	[tilespmem:s1+$0x0] =	vst v0;
	v0 =	vmul.f32 s30, v57;
	v4 =	vmul.f32 v4, v10  }
0x21b: {  	v28 =	vld [tilespmem:$0x19610];
	v1 =	vadd.f32 v1, v24  }
0x21c: {  	v58 =	vld [tilespmem:$0x19630];
	v0 =	vmul.f32 v0, v56;
	v60 =	vadd.f32 v4, v22;
	v27 =	vsub.f32 v33, v53  }
0x21d: {  	v10 =	vld [tilespmem:$0x19650];
	[tilespmem:s13+$0xFFFFFF20] =	vst v1  }
0x21e: {  	v0 =	vadd.f32 v0, v7;
	v27 =	vmul.f32 s2, v27;
	v7 =	vld [tilespmem:$0x1FEC0];
	[tilespmem:s1+$0xFFFFFF10] =	vst v60  }
0x21f: {  	v1 =	vld [tilespmem:$0x1FE30]  }
0x220: {  	v22 =	vmul.f32 v27, v28;
	v28 =	vld [tilespmem:$0x1FED0];
	[tilespmem:s1+$0xFFFFFF90] =	vst v0  }
0x221: {  	v62 =	vld [tilespmem:$0x1FE90]  }
0x222: {  	v59 =	vld [tilespmem:$0x19670]  }
0x223: {  	v24 =	vld [tilespmem:$0x19670]  }
0x224: {  	v10 =	vadd.f32 v22, v10;
	v61 =	vld [tilespmem:$0x19620];
	v7 =	vmul.f32 s5, v7  }
0x225: {  	v25 =	vsub.f32 v25, v11;
	v22 =	vld [tilespmem:$0x1FE40];
	v28 =	vmul.f32 s3, v28  }
0x226: {  	[tilespmem:s1+$0x10] =	vst v10;
	v10 =	vld [tilespmem:$0x19660];
	v6 =	vmul.f32 v7, v6;
	v36 =	vsub.f32 v62, v37  }
0x227: {  	v25 =	vmul.f32 s11, v25;
	v4 =	vld [tilespmem:$0x19630];
	v13 =	vmul.f32 v28, v13  }
0x228: {  	v18 =	vmul.f32 v18, v63;
	v28 =	vld [tilespmem:$0x19620];
	v6 =	vadd.f32 v6, v55;
	v63 =	vmul.f32 s7, v36  }
0x229: {  	v30 =	vsub.f32 v30, v53;
	v0 =	vmul.f32 v25, v61;
	v7 =	vld [tilespmem:$0x19620];
	v9 =	vadd.f32 v13, v9  }
0x22a: {  	v18 =	vadd.f32 v18, v20;
	[tilespmem:s13+$0xFFFFFFA0] =	vst v6;
	v6 =	vld [tilespmem:$0x19660];
	v20 =	vmul.f32 v63, v50  }
0x22b: {  	v26 =	vsub.f32 v26, v3;
	v25 =	vmul.f32 s2, v30;
	v0 =	vadd.f32 v0, v10;
	v13 =	vld [tilespmem:$0x19660];
	[tilespmem:s13+$0x20] =	vst v9  }
0x22c: {  	v10 =	vsub.f32 v19, v11;
	v9 =	vld [tilespmem:$0x1FE60];
	[tilespmem:s0+$0xFFFFFFB0] =	vst v18;
	v11 =	vadd.f32 v20, v31  }
0x22d: {  	v26 =	vmul.f32 s30, v26;
	v27 =	vld [tilespmem:$0x19670];
	v19 =	vmul.f32 v25, v28;
	[tilespmem:s1+$0xFFFFFF20] =	vst v0  }
0x22e: {  	v30 =	vld [tilespmem:$0x19630];
	[tilespmem:s1+$0xB0] =	vst v11  }
0x22f: {  	v7 =	vmul.f32 v26, v7;
	v38 =	vadd.f32 v19, v6;
	v6 =	vld [tilespmem:$0x1FEB0]  }
0x230: {  	v15 =	vmul.f32 v15, v16;
	v1 =	vmul.f32 s28, v1;
	v36 =	vld [tilespmem:$0x19630]  }
0x231: {  	v39 =	vmul.f32 s3, v17;
	v18 =	vld [tilespmem:$0x19670];
	v7 =	vadd.f32 v7, v13  }
0x232: {  	v8 =	vadd.f32 v15, v8;
	v22 =	vmul.f32 s20, v22;
	v1 =	vmul.f32 v1, v5;
	v5 =	vld [tilespmem:$0x19630]  }
0x233: {  	v40 =	vmul.f32 s11, v10;
	v16 =	vld [tilespmem:$0x19670];
	[tilespmem:s1+$0xFFFFFFA0] =	vst v7;
	v7 =	vmul.f32 s5, v14  }
0x234: {  	v1 =	vadd.f32 v1, v21;
	v11 =	vmul.f32 v22, v12;
	v12 =	vld [tilespmem:$0x19670];
	[tilespmem:s0+$0x30] =	vst v8;
	v6 =	vmul.f32 s6, v6  }
0x235: {  	v3 =	vsub.f32 v23, v3;
	v9 =	vmul.f32 s18, v9;
	v13 =	vld [tilespmem:$0x19630];
	[tilespmem:s1+$0x20] =	vst v38;
	v7 =	vmul.f32 v7, v30  }
0x236: {  	[tilespmem:s10+$0xFFFFFF30] =	vst v1;
	v8 =	vadd.f32 v11, v24;
	v2 =	vmul.f32 v39, v36;
	v4 =	vmul.f32 v6, v4;
	v6 =	vld [tilespmem:$0x19630]  }
0x237: {  	v37 =	vsub.f32 v29, v53;
	v1 =	vmul.f32 v40, v5;
	v7 =	vadd.f32 v7, v18;
	v10 =	vld [tilespmem:$0x19670]  }
0x238: {  	v3 =	vmul.f32 s30, v3;
	v9 =	vmul.f32 v9, v58;
	v2 =	vadd.f32 v2, v16;
	[tilespmem:s10+$0xFFFFFFB0] =	vst v8;
	v8 =	vld [tilespmem:$0x19670]  }
0x239: {  	v0 =	vmul.f32 s2, v37;
	v1 =	vadd.f32 v1, v12;
	[tilespmem:s13+$0xFFFFFFB0] =	vst v7  }
0x23a: {  	v9 =	vadd.f32 v9, v59;
	v3 =	vmul.f32 v3, v13;
	[tilespmem:s13+$0x30] =	vst v2  }
0x23b: {  	[tilespmem:s1+$0xFFFFFF30] =	vst v1;
	v4 =	vadd.f32 v4, v27;
	v0 =	vmul.f32 v0, v6  }
0x23c: {  	[tilespmem:s10+$0x30] =	vst v9;
	v41 =	vadd.f32 v3, v10  }
0x23d: {  	[tilespmem:s13+$0xFFFFFF30] =	vst v4;
	v0 =	vadd.f32 v0, v8  }
0x23e: {  	[tilespmem:s1+$0xFFFFFFB0] =	vst v41  }
0x23f: {  	p1 =	seq.s32 s31, $0x63;
	[tilespmem:s1+$0x30] =	vst v0  }
0x240: {  	s8 =	simm.s32 $0xE400;
	s6 =	sshll.u32 s25, $0x4;
	s1 =	rddreg [dreg:$0x7]  }
0x241: {  	s7 =	simm.s32 $0x0;
	s2 =	simm.s32 @!p1 $0x6400;
	s0 =	sadd.s32 s1, s6  }
0x242: {  	[hbm4b:s0+s7] =	stream.linear.scatter [tilespmem:s8], [sflag:$0x3], $0x4000, $0x38;
	[tilespmem:$0x19680] =	vst v63  }
0x243: {  	s10 =	simm.s32 $0x2;
	[dreg:$0x17] =	wrdreg s4;
	s0 =	sshrl.u32 @!p1 s4, $0x2  }
0x244: {  	s3 =	rddreg [dreg:$0x6];
	s1 =	simm.s32 @!p1 $0x80;
	s0 =	sadd.s32 @!p1 $0x100, s0  }
0x245: {  	[tilespmem:s2], [sflag:$0x1] =	stream.indirect.gather @!p1 [hbm4b:s3+s1], $0x80, s0, s1, $0xb8;
	[tilespmem:$0x19680] =	vst v63  }
0x246: {  	_ =	swait.ge [sflag:s10], $0x4000  }
0x247: {  	[sflag:s10] =	ssyncset.done $0x0  }
0x248: {  	s0 =	simm.s32 @!p0 $0x4;
	[sflag:s10] =	ssyncadd.s32 $0xFFFFC000  }
0x249: {  	_ =	swait.ge @!p0 [sflag:s0], $0x4000  }
0x24a: {  	s11 =	rddreg [dreg:$0x10]  }
0x24b: {  	s12 =	smulhi.u32 $0x51EB851F, s11  }
0x24c: {  	[sflag:s0] =	ssyncset.done @!p0 $0x0  }
0x24d: {  	s10 =	simm.s32 $0x0;
	[sflag:s0] =	ssyncadd.s32 @!p0 $0xFFFFC000;
	s13 =	sshrl.u32 s12, $0x6  }
0x24e: {  	v42 =	vld [tilespmem:s10+$0xA580];
	s0 =	smul.u32 $0xFFFF3800, s13  }
0x24f: {  	v43 =	vld [tilespmem:s10+$0xA590]  }
0x250: {  	s14 =	rddreg [dreg:$0x12];
	v44 =	vld [tilespmem:s10+$0xA5A0];
	s0 =	sshra.s32 s0, $0x2  }
0x251: {  	v3 =	vld [tilespmem:s10+$0xA5B0];
	s0 =	sadd.s32 s0, s14  }
0x252: {  	v4 =	vld [tilespmem:s0+$0x20C0]  }
0x253: {  	v5 =	vld [tilespmem:s0+$0x20D0]  }
0x254: {  	v7 =	vld [tilespmem:s0+$0x20F0]  }
0x255: {  	v6 =	vld [tilespmem:s0+$0x20E0];
	_ =	sdelay $0x2  }
0x256: {  	v0 =	vadd.f32 v4, v42  }
0x257: {  	v31 =	vadd.f32 v5, v43;
	v3 =	vadd.f32 v7, v3  }
0x258: {  	v22 =	vadd.f32 v6, v44  }
0x259: {  	[tilespmem:$0x1FAD0] =	vst v3;
	v45 =	vmul.f32 v0, v0;
	v46 =	vmul.f32 v31, v31  }
0x25a: {  	v4 =	vmul.f32 v22, v22;
	v5 =	vmul.f32 v3, v3;
	v48 =	vld [tilespmem:s0+$0x2020]  }
0x25b: {  	v6 =	vadd.f32 v31, v0;
	v7 =	vadd.f32 v3, v22;
	v49 =	vld [tilespmem:s0+$0x2040]  }
0x25c: {  	v10 =	vld [tilespmem:s0+$0x2060];
	v1 =	vadd.f32 v46, v45;
	v47 =	vadd.f32 v5, v4  }
0x25d: {  	v12 =	vld [tilespmem:s0+$0x2070];
	v5 =	vadd.f32 v7, v6  }
0x25e: {  	v16 =	vld [tilespmem:s0+$0x2080];
	v1 =	vadd.f32 v47, v1  }
0x25f: {  	v17 =	vld [tilespmem:s0+$0x2090];
	(xrf2) =	vadd.scan.msk.f32 $0xffff, v5  }
0x260: {  	v18 =	vld [tilespmem:s0+$0x20A0];
	(xrf2) =	vadd.scan.msk.f32 $0xffff, v1  }
0x261: {  	v8 =	vld [tilespmem:s10+$0xA400]  }
0x262: {  	v11 =	vld [tilespmem:s10+$0xA410]  }
0x263: {  	v13 =	vld [tilespmem:s10+$0xA420]  }
0x264: {  	v14 =	vld [tilespmem:s10+$0xA480]  }
0x265: {  	v15 =	vld [tilespmem:s10+$0xA490]  }
0x266: {  	v20 =	vld [tilespmem:s10+$0xA4A0]  }
0x267: {  	v21 =	vld [tilespmem:s10+$0xA4B0]  }
0x268: {  	v23 =	vld [tilespmem:s10+$0xA500]  }
0x269: {  	v7 =	vld [tilespmem:s0+$0x2050];
	v9, _, _ =	vpop (xrf2)  }
0x26a: {  	v4 =	vld [tilespmem:s0+$0x2000];
	(v2sf) =	vpush v9, $0xF;
	v9, _, _ =	vpop (xrf2)  }
0x26b: {  	v6 =	vld [tilespmem:s0+$0x2010];
	(v2sf) =	vpush v9, $0xF  }
0x26c: {  	v5 =	vld [tilespmem:s0+$0x2030]  }
0x26d: {  	v9 =	vld [tilespmem:s10+$0xA430]  }
0x26e: {  	v19 =	vld [tilespmem:s0+$0x20B0];
	v3 =	vadd.f32 v7, v15  }
0x26f: {  	v50 =	vld [tilespmem:s10+$0xA520];
	v13 =	vadd.f32 v48, v13;
	v30 =	vadd.f32 v49, v14  }
0x270: {  	v63 =	vadd.f32 v10, v20;
	v25 =	vadd.f32 v4, v8;
	v4 =	vld [tilespmem:s10+$0xA510];
	[tilespmem:$0x1FAE0] =	vst v3  }
0x271: {  	v16 =	vadd.f32 v16, v23;
	v11 =	vadd.f32 v6, v11;
	v51 =	vld [tilespmem:s10+$0xA530]  }
0x272: {  	v15 =	vadd.f32 v12, v21;
	v9 =	vadd.f32 v5, v9  }
0x273: {  	v6 =	vadd.f32 v11, v25;
	v20 =	vadd.f32 v3, v30  }
0x274: {  	v53 =	vadd.f32 v15, v63;
	v7 =	vadd.f32 v9, v13  }
0x275: {  	s19 =	sadd.s32 $0x4, s11;
	v26 =	vmul.f32 v13, v13;
	v10 =	vadd.f32 v17, v4;
	v17 =	vadd.f32 v18, v50  }
0x276: {  	s20 =	smulhi.u32 $0x51EB851F, s19;
	v24 =	vmul.f32 v11, v11;
	v8 =	vadd.f32 v19, v51;
	v6 =	vadd.f32 v7, v6  }
0x277: {  	v52 =	vmul.f32 v3, v3;
	v2 =	vadd.f32 v53, v20;
	v5 =	vmul.f32 v25, v25  }
0x278: {  	s1 =	sshrl.u32 s20, $0x6;
	v18 =	vadd.f32 v10, v16;
	v19 =	vadd.f32 v8, v17;
	v7 =	vmul.f32 v9, v9;
	(xrf2) =	vadd.scan.msk.f32 $0xffff, v6  }
0x279: {  	s1 =	smul.u32 $0xFFFF3800, s1;
	v21 =	vmul.f32 v15, v15;
	v4 =	vmul.f32 v30, v30;
	v5 =	vadd.f32 v24, v5;
	(xrf2) =	vadd.scan.msk.f32 $0xffff, v2;
	s15 =	spop (v2sf)  }
0x27a: {  	v18 =	vadd.f32 v19, v18;
	v6 =	vmul.f32 v63, v63;
	v7 =	vadd.f32 v7, v26;
	s16 =	smul.f32 $1.562500000e-02, s15;
	s17 =	spop (v2sf)  }
0x27b: {  	v1 =	vadd.f32 v52, v4;
	v24 =	vmul.f32 v8, v8;
	s0 =	smul.f32 $1.562500000e-02, s17  }
0x27c: {  	v19 =	vmul.f32 v17, v17;
	v54 =	vadd.f32 v7, v5;
	v4 =	vadd.f32 v21, v6;
	(xrf2) =	vadd.scan.msk.f32 $0xffff, v18;
	s18 =	smul.f32 s16, s16  }
0x27d: {  	s24 =	rddreg [dreg:$0x18];
	s1 =	sshra.s32 s1, $0x2;
	v20 =	vmul.f32 v16, v16;
	v23 =	vmul.f32 v10, v10;
	[tilespmem:$0x1FAF0] =	vst v10  }
0x27e: {  	s25 =	sadd.s32 s1, s24;
	[tilespmem:$0x1FB00] =	vst v8;
	v6 =	vadd.f32 v24, v19;
	(xrf2) =	vadd.scan.msk.f32 $0xffff, v54;
	v1 =	vadd.f32 v4, v1;
	s0 =	ssub.f32 s0, s18  }
0x27f: {  	v5 =	vadd.f32 v23, v20;
	v7 =	vld [tilespmem:s25+$0x20D0]  }
0x280: {  	v18 =	vld [tilespmem:s25+$0x20E0];
	(xrf2) =	vadd.scan.msk.f32 $0xffff, v1;
	s21 =	sadd.f32 $9.999999740e-06, s0  }
0x281: {  	v21 =	vld [tilespmem:s25+$0x20F0];
	v4 =	vadd.f32 v6, v5;
	s0 =	simm.s32 $0x200  }
0x282: {  	v55 =	vld [tilespmem:s0+$0xA580];
	v6, _, _ =	vpop (xrf2);
	s22 =	sshrl.u32 s21, $0x1;
	s2 =	smul.f32 $5.000000000e-01, s21  }
0x283: {  	(xrf2) =	vadd.scan.msk.f32 $0xffff, v4;
	v5 =	vld [tilespmem:s0+$0xA590];
	(v2sf) =	vpush v6, $0xF;
	v19, _, _ =	vpop (xrf2);
	s6 =	ssub.s32 $0x5F3759DF, s22  }
0x284: {  	v56 =	vld [tilespmem:s0+$0xA5A0];
	(v2sf) =	vpush v19, $0xF;
	s23 =	smul.f32 s6, s2  }
0x285: {  	v4 =	vld [tilespmem:s0+$0xA5B0]  }
0x286: {  	v6 =	vld [tilespmem:s25+$0x20C0];
	v19, _, _ =	vpop (xrf2);
	s26 =	smul.f32 s6, s23  }
0x287: {  	(v2sf) =	vpush v19, $0xF  }
0x288: {  	v19, _, _ =	vpop (xrf2);
	s1 =	ssub.f32 $1.500000000e+00, s26  }
0x289: {  	v59 =	vld [tilespmem:s25+$0x2030];
	(v2sf) =	vpush v19, $0xF;
	v34 =	vadd.f32 v7, v5  }
0x28a: {  	v60 =	vld [tilespmem:s25+$0x2040];
	v20 =	vadd.f32 v18, v56;
	v18 =	vadd.f32 v21, v4;
	v57, _, _ =	vpop (xrf2);
	s1 =	smul.f32 s6, s1  }
0x28b: {  	v29 =	vld [tilespmem:s25+$0x2050];
	v32 =	vadd.f32 v6, v55;
	(v2sf) =	vpush v57, $0xF  }
0x28c: {  	v61 =	vld [tilespmem:s25+$0x2060];
	v6 =	vmul.f32 v34, v34;
	v7 =	vmul.f32 v20, v20;
	s6 =	smul.f32 s1, s2  }
0x28d: {  	v37 =	vld [tilespmem:s25+$0x2080];
	v58, _, _ =	vpop (xrf2);
	v21 =	vmul.f32 v18, v18;
	v26 =	vadd.f32 v18, v20;
	v4 =	vmul.f32 v32, v32  }
0x28e: {  	v38 =	vld [tilespmem:s25+$0x20A0];
	(v2sf) =	vpush v58, $0xF;
	v24 =	vadd.f32 v34, v32;
	s6 =	smul.f32 s6, s1  }
0x28f: {  	v35 =	vld [tilespmem:$0x19600];
	v4 =	vadd.f32 v6, v4;
	v6 =	vadd.f32 v21, v7  }
0x290: {  	v33 =	vld [tilespmem:$0x19640];
	v21 =	vadd.f32 v26, v24;
	s6 =	ssub.f32 $1.500000000e+00, s6  }
0x291: {  	v23 =	vld [tilespmem:s25+$0x2010];
	v4 =	vadd.f32 v6, v4  }
0x292: {  	v62 =	vld [tilespmem:s0+$0xA420];
	(xrf2) =	vadd.scan.msk.f32 $0xffff, v21;
	s28 =	spop (v2sf);
	s6 =	smul.f32 s6, s1  }
0x293: {  	v48 =	vld [tilespmem:s0+$0xA430];
	(xrf2) =	vadd.scan.msk.f32 $0xffff, v4;
	s1 =	smul.f32 $1.562500000e-02, s28;
	s30 =	spop (v2sf)  }
0x294: {  	v49 =	vld [tilespmem:s0+$0xA480];
	s13 =	smul.f32 $1.562500000e-02, s30  }
0x295: {  	v50 =	vld [tilespmem:s0+$0xA490];
	s2 =	smul.f32 s6, s2  }
0x296: {  	v51 =	vld [tilespmem:s0+$0xA4A0];
	s31 =	spop (v2sf);
	s29 =	smul.f32 s1, s1  }
0x297: {  	v52 =	vld [tilespmem:s0+$0xA4B0];
	s3 =	smul.f32 $1.562500000e-02, s31  }
0x298: {  	v19 =	vld [tilespmem:s25+$0x2000];
	s2 =	smul.f32 s2, s6  }
0x299: {  	v5 =	vld [tilespmem:s25+$0x2020];
	s4 =	spop (v2sf);
	s11 =	smul.f32 s13, s13  }
0x29a: {  	v26 =	vld [tilespmem:s0+$0xA410];
	s15 =	spop (v2sf);
	s2 =	ssub.f32 $1.500000000e+00, s2  }
0x29b: {  	v7 =	vld [tilespmem:s25+$0x2070];
	v21 =	vmov s16;
	s16 =	smul.f32 $1.562500000e-02, s15  }
0x29c: {  	v24 =	vld [tilespmem:s0+$0xA400];
	v27, _, _ =	vpop (xrf2);
	s12 =	smul.f32 s2, s6  }
0x29d: {  	v53 =	vadd.f32 v29, v50;
	v6 =	vld [tilespmem:s25+$0x2090];
	(v2sf) =	vpush v27, $0xF;
	v27, _, _ =	vpop (xrf2);
	s6 =	smul.f32 $1.562500000e-02, s4  }
0x29e: {  	v0 =	vsub.f32 v0, v21;
	v4 =	vld [tilespmem:s25+$0x20B0];
	s17 =	spop (v2sf);
	(v2sf) =	vpush v27, $0xF;
	s8 =	ssub.f32 s16, s11  }
0x29f: {  	v61 =	vadd.f32 v61, v51;
	v28 =	vadd.f32 v23, v26;
	v23 =	vld [tilespmem:s0+$0xA500];
	s14 =	smul.f32 s3, s3;
	s2 =	ssub.f32 s6, s29  }
0x2a0: {  	v26 =	vadd.f32 v5, v62;
	v5 =	vld [tilespmem:s0+$0xA510];
	[tilespmem:$0x1FB10] =	vst v53;
	s18 =	smul.f32 $1.562500000e-02, s17;
	v0 =	vmul.f32 s12, v0;
	s6 =	sadd.s32 $0x4, s19;
	s8 =	sadd.f32 $9.999999740e-06, s8  }
0x2a1: {  	v8 =	vadd.f32 v19, v24;
	v29 =	vld [tilespmem:s0+$0xA520];
	[tilespmem:$0x1FB20] =	vst v61;
	s20 =	smulhi.u32 $0x51EB851F, s6;
	s7 =	sadd.f32 $9.999999740e-06, s2  }
0x2a2: {  	v24 =	vadd.f32 v59, v48;
	v62 =	vld [tilespmem:s0+$0xA530];
	s22 =	ssub.f32 s18, s14;
	v0 =	vmul.f32 v0, v35;
	s26 =	sshrl.u32 s8, $0x1;
	s8 =	smul.f32 $5.000000000e-01, s8  }
0x2a3: {  	v19 =	vadd.f32 v60, v49;
	v59 =	vmul.f32 v8, v8;
	v60 =	vadd.f32 v28, v8;
	s23 =	sshrl.u32 s20, $0x6;
	s19 =	sshrl.u32 s7, $0x1;
	s7 =	smul.f32 $5.000000000e-01, s7  }
0x2a4: {  	v54 =	vmul.f32 v28, v28;
	s17 =	simm.s32 $0x400;
	s29 =	ssub.s32 $0x5F3759DF, s26;
	v44 =	vadd.f32 v0, v33;
	v0 =	vadd.f32 v7, v52;
	s11 =	smul.u32 $0xFFFF3800, s23  }
0x2a5: {  	v55 =	vadd.f32 v24, v26;
	v23 =	vadd.f32 v37, v23;
	v43 =	vld [tilespmem:s17+$0xA580];
	s25 =	sadd.f32 $9.999999740e-06, s22;
	s31 =	smul.f32 s29, s8;
	s21 =	ssub.s32 $0x5F3759DF, s19  }
0x2a6: {  	v50 =	vmul.f32 v53, v53;
	s30 =	rddreg [dreg:$0x19];
	v37 =	vadd.f32 v54, v59;
	v59 =	vadd.f32 v6, v5;
	v47 =	vld [tilespmem:s17+$0xA590];
	s24 =	smul.f32 s21, s7;
	[tilespmem:$0x1FB30] =	vst v0  }
0x2a7: {  	v41 =	vmul.f32 v61, v61;
	s15 =	sshrl.u32 s25, $0x1;
	v58 =	vadd.f32 v0, v61;
	s28 =	sshra.s32 s11, $0x2;
	s11 =	smul.f32 $5.000000000e-01, s25;
	v61 =	vadd.f32 v4, v62;
	v49 =	vld [tilespmem:s17+$0xA5A0]  }
0x2a8: {  	v56 =	vmul.f32 v24, v24;
	v48 =	vmul.f32 v19, v19;
	s15 =	ssub.s32 $0x5F3759DF, s15;
	s5 =	sadd.s32 s28, s30;
	v39 =	vld [tilespmem:s17+$0xA5B0];
	[tilespmem:$0x1FB40] =	vst v59;
	s14 =	smul.f32 s21, s24  }
0x2a9: {  	v40 =	vadd.f32 v55, v60;
	v60 =	vadd.f32 v38, v29;
	v7 =	vmul.f32 v26, v26;
	v51 =	vld [tilespmem:s5+$0x20C0];
	[tilespmem:$0x1FB60] =	vst v61;
	s4 =	smul.f32 s15, s11  }
0x2aa: {  	v57 =	vadd.f32 v53, v19;
	v48 =	vadd.f32 v50, v48;
	s16 =	smul.f32 s29, s31;
	v4 =	vld [tilespmem:s5+$0x20D0];
	s14 =	ssub.f32 $1.500000000e+00, s14  }
0x2ab: {  	v29 =	vmul.f32 v23, v23;
	v45 =	vadd.f32 v56, v7;
	v52 =	vmul.f32 v0, v0;
	v42 =	vld [tilespmem:s5+$0x20E0];
	[tilespmem:$0x1FB50] =	vst v60;
	s19 =	smul.f32 s15, s4  }
0x2ac: {  	v1 =	vmul.f32 v60, v60;
	v62 =	vadd.f32 v59, v23;
	v2 =	vadd.f32 v61, v60;
	v60 =	vld [tilespmem:s5+$0x20F0];
	s20 =	spop (v2sf);
	s2 =	smul.f32 s21, s14  }
0x2ad: {  	v36 =	vmul.f32 v59, v59;
	v38 =	vadd.f32 v58, v57;
	v41 =	vadd.f32 v52, v41;
	s14 =	smul.f32 $1.562500000e-02, s20;
	s21 =	spop (v2sf)  }
0x2ae: {  	v37 =	vadd.f32 v45, v37;
	s16 =	ssub.f32 $1.500000000e+00, s16;
	v46 =	vadd.f32 v2, v62;
	s20 =	smul.f32 $1.562500000e-02, s21  }
0x2af: {  	(xrf2) =	vadd.scan.msk.f32 $0xffff, v40;
	v61 =	vmul.f32 v61, v61;
	v62 =	vadd.f32 v36, v29;
	v36 =	vadd.f32 v51, v43;
	s22 =	smul.f32 s14, s14  }
0x2b0: {  	s16 =	smul.f32 s29, s16;
	(xrf2) =	vadd.scan.msk.f32 $0xffff, v38;
	s19 =	ssub.f32 $1.500000000e+00, s19;
	v52 =	vadd.f32 v4, v47;
	v29 =	vadd.f32 v42, v49  }
0x2b1: {  	v45 =	vadd.f32 v61, v1;
	v51 =	vadd.f32 v60, v39;
	v53 =	vmul.f32 v36, v36;
	s26 =	ssub.f32 s20, s22  }
0x2b2: {  	(xrf2) =	vadd.scan.msk.f32 $0xffff, v46;
	s29 =	smul.f32 s16, s8;
	v4 =	vadd.f32 v41, v48;
	v54 =	vmul.f32 v52, v52;
	v56 =	vmul.f32 v29, v29  }
0x2b3: {  	s23 =	smul.f32 s15, s19;
	v43 =	vadd.f32 v52, v36;
	[tilespmem:$0x1FB90] =	vst v51;
	v57 =	vmul.f32 v51, v51;
	v58 =	vadd.f32 v51, v29;
	s15 =	sadd.f32 $9.999999740e-06, s26  }
0x2b4: {  	v55 =	vadd.f32 v45, v62;
	(xrf2) =	vadd.scan.msk.f32 $0xffff, v37;
	s28 =	smul.f32 s2, s7;
	v59 =	vadd.f32 v54, v53;
	[tilespmem:s10+$0x12580] =	vst v44  }
0x2b5: {  	(xrf2) =	vadd.scan.msk.f32 $0xffff, v4;
	v60 =	vadd.f32 v57, v56;
	v4 =	vadd.f32 v58, v43;
	v61 =	vld [tilespmem:$0x19610];
	s31 =	sshrl.u32 s15, $0x1;
	s4 =	smul.f32 $5.000000000e-01, s15  }
0x2b6: {  	v31 =	vsub.f32 v31, v21;
	s30 =	smul.f32 s23, s11;
	(xrf2) =	vadd.scan.msk.f32 $0xffff, v55;
	s25 =	ssub.s32 $0x5F3759DF, s31  }
0x2b7: {  	v37 =	vadd.f32 v60, v59;
	(xrf2) =	vadd.scan.msk.f32 $0xffff, v4;
	v4 =	vld [tilespmem:$0x19650];
	s22 =	smul.f32 s25, s4  }
0x2b8: {  	v31 =	vmul.f32 s12, v31;
	s24 =	smul.f32 s28, s2  }
0x2b9: {  	v62, _, _ =	vpop (xrf2);
	(xrf2) =	vadd.scan.msk.f32 $0xffff, v37;
	s22 =	smul.f32 s25, s22  }
0x2ba: {  	(v2sf) =	vpush v62, $0xF;
	s20 =	smul.f32 s29, s16;
	s15 =	ssub.f32 $1.500000000e+00, s24;
	v0, _, _ =	vpop (xrf2);
	v31 =	vmul.f32 v31, v61  }
0x2bb: {  	s21 =	smul.f32 s30, s23;
	(v2sf) =	vpush v0, $0xF;
	s28 =	ssub.f32 $1.500000000e+00, s22  }
0x2bc: {  	s26 =	ssub.f32 $1.500000000e+00, s20;
	s20 =	smul.f32 s15, s2;
	v1, _, _ =	vpop (xrf2);
	v4 =	vadd.f32 v31, v4  }
0x2bd: {  	v40 =	vld [tilespmem:s5+$0x2000];
	(v2sf) =	vpush v1, $0xF;
	s2 =	smul.f32 s25, s28  }
0x2be: {  	v41 =	vld [tilespmem:s5+$0x2010];
	s21 =	ssub.f32 $1.500000000e+00, s21;
	s15 =	smul.f32 s26, s16  }
0x2bf: {  	v44 =	vld [tilespmem:s5+$0x2040];
	v31, _, _ =	vpop (xrf2);
	s29 =	smul.f32 s2, s4  }
0x2c0: {  	v45 =	vld [tilespmem:s5+$0x2050];
	s19 =	smul.f32 s21, s23;
	[tilespmem:s10+$0x12590] =	vst v4;
	(v2sf) =	vpush v31, $0xF;
	v4, _, _ =	vpop (xrf2)  }
0x2c1: {  	v46 =	vld [tilespmem:s5+$0x2060];
	(v2sf) =	vpush v4, $0xF;
	v4, _, _ =	vpop (xrf2);
	s16 =	smul.f32 s29, s2  }
0x2c2: {  	v47 =	vld [tilespmem:s5+$0x2070];
	s7 =	smul.f32 s20, s7;
	(v2sf) =	vpush v4, $0xF;
	v4, _, _ =	vpop (xrf2)  }
0x2c3: {  	v48 =	vld [tilespmem:s5+$0x2080];
	s8 =	smul.f32 s15, s8;
	(v2sf) =	vpush v4, $0xF;
	v4, _, _ =	vpop (xrf2);
	s16 =	ssub.f32 $1.500000000e+00, s16  }
0x2c4: {  	v49 =	vld [tilespmem:s5+$0x2090];
	s11 =	smul.f32 s19, s11;
	(v2sf) =	vpush v4, $0xF  }
0x2c5: {  	v54 =	vld [tilespmem:s5+$0x20A0];
	s2 =	smul.f32 s16, s2  }
0x2c6: {  	v51 =	vld [tilespmem:$0x19600];
	s18 =	smul.f32 s7, s20  }
0x2c7: {  	v55 =	vld [tilespmem:s5+$0x20B0];
	s31 =	smul.f32 s2, s4  }
0x2c8: {  	v50 =	vld [tilespmem:$0x19640];
	s16 =	smul.f32 s8, s15  }
0x2c9: {  	v42 =	vld [tilespmem:s17+$0xA400];
	s30 =	spop (v2sf);
	s8 =	smul.f32 s31, s2  }
0x2ca: {  	v43 =	vld [tilespmem:s5+$0x2030];
	s7 =	smul.f32 $1.562500000e-02, s30;
	s24 =	spop (v2sf)  }
0x2cb: {  	v56 =	vld [tilespmem:s17+$0xA410];
	s21 =	smul.f32 $1.562500000e-02, s24;
	s8 =	ssub.f32 $1.500000000e+00, s8  }
0x2cc: {  	v53 =	vmov s14;
	v57 =	vld [tilespmem:s17+$0xA420];
	s4 =	smul.f32 s7, s7;
	s25 =	spop (v2sf)  }
0x2cd: {  	v32 =	vsub.f32 v32, v53;
	v4 =	vld [tilespmem:s5+$0x2020];
	s16 =	ssub.f32 $1.500000000e+00, s16;
	s5 =	smul.f32 s8, s2  }
0x2ce: {  	v58 =	vld [tilespmem:s17+$0xA430];
	s22 =	smul.f32 $1.562500000e-02, s25  }
0x2cf: {  	v59 =	vld [tilespmem:s17+$0xA480];
	s15 =	smul.f32 s16, s15;
	s26 =	spop (v2sf);
	v32 =	vmul.f32 s5, v32  }
0x2d0: {  	v60 =	vld [tilespmem:s17+$0xA490];
	s23 =	smul.f32 s22, s22;
	s28 =	spop (v2sf)  }
0x2d1: {  	v31 =	vld [tilespmem:$0x19620];
	s14 =	smul.f32 $1.562500000e-02, s26;
	s24 =	spop (v2sf);
	v32 =	vmul.f32 v32, v51  }
0x2d2: {  	v22 =	vsub.f32 v22, v21;
	v0 =	vld [tilespmem:s17+$0xA4B0];
	s26 =	smul.f32 s21, s21;
	s29 =	spop (v2sf)  }
0x2d3: {  	v37 =	vmov s13;
	v39 =	vld [tilespmem:$0x19660];
	s8 =	smul.f32 $1.562500000e-02, s29;
	s30 =	spop (v2sf);
	v32 =	vadd.f32 v32, v50  }
0x2d4: {  	v22 =	vmul.f32 s12, v22;
	v61 =	vld [tilespmem:s17+$0xA4A0];
	v3 =	vsub.f32 v30, v37;
	v30 =	vadd.f32 v41, v56;
	s25 =	smul.f32 $1.562500000e-02, s30  }
0x2d5: {  	v38 =	vmov s1;
	v56 =	vld [tilespmem:s17+$0xA500];
	v2 =	vadd.f32 v44, v59;
	s14 =	ssub.f32 s14, s4;
	s31 =	smul.f32 s8, s8;
	[tilespmem:s0+$0x12580] =	vst v32;
	v32 =	vadd.f32 v40, v42  }
0x2d6: {  	v22 =	vmul.f32 v22, v31;
	s2 =	smul.f32 $1.562500000e-02, s28;
	s28 =	ssub.f32 $1.500000000e+00, s18;
	v40 =	vsub.f32 v34, v53;
	v34 =	vadd.f32 v4, v57;
	v4 =	vld [tilespmem:s17+$0xA510]  }
0x2d7: {  	v25 =	vsub.f32 v25, v38;
	s29 =	smul.f32 s11, s19;
	v62 =	vld [tilespmem:$0x19610];
	s13 =	ssub.f32 s25, s31  }
0x2d8: {  	v1 =	vadd.f32 v45, v60;
	v22 =	vadd.f32 v22, v39;
	s4 =	sadd.f32 $9.999999740e-06, s14;
	s14 =	smul.f32 s28, s20;
	v39 =	vld [tilespmem:$0x19650];
	[tilespmem:$0x1FB70] =	vst v2  }
0x2d9: {  	v41 =	vadd.f32 v47, v0;
	v31 =	vadd.f32 v43, v58;
	s30 =	smul.f32 $1.562500000e-02, s24;
	v44 =	vld [tilespmem:s17+$0xA520];
	s11 =	sadd.f32 $9.999999740e-06, s13  }
0x2da: {  	v0 =	vmul.f32 v30, v30;
	v45 =	vadd.f32 v46, v61;
	v61 =	vadd.f32 v1, v2;
	s18 =	smul.f32 $5.000000000e-01, s4;
	s31 =	ssub.f32 $1.500000000e+00, s29;
	v60 =	vld [tilespmem:s17+$0xA530]  }
0x2db: {  	v57 =	vmul.f32 v32, v32;
	v58 =	vadd.f32 v30, v32;
	v59 =	vadd.f32 v31, v34;
	s13 =	sadd.s32 $0x4, s6;
	s20 =	sshrl.u32 s11, $0x1;
	s11 =	smul.f32 $5.000000000e-01, s11  }
0x2dc: {  	v48 =	vadd.f32 v48, v56;
	v3 =	vmul.f32 s15, v3;
	s1 =	sshrl.u32 s4, $0x1;
	v40 =	vmul.f32 s5, v40;
	s4 =	smulhi.u32 $0x51EB851F, s13;
	s16 =	ssub.s32 $0x5F3759DF, s20  }
0x2dd: {  	v58 =	vadd.f32 v59, v58;
	v59 =	vmul.f32 v34, v34;
	v0 =	vadd.f32 v0, v57;
	s28 =	smul.f32 s16, s11  }
0x2de: {  	s26 =	ssub.f32 s2, s26;
	s24 =	ssub.s32 $0x5F3759DF, s1;
	s1 =	smul.f32 s31, s19;
	v46 =	vadd.f32 v49, v4;
	v4 =	vmul.f32 v2, v2;
	v49 =	vmul.f32 v1, v1  }
0x2df: {  	[tilespmem:$0x1FB80] =	vst v1;
	s19 =	simm.s32 $0x600;
	v40 =	vmul.f32 v40, v62;
	v47 =	vadd.f32 v54, v44;
	v42 =	vadd.f32 v55, v60;
	s2 =	smul.f32 s16, s28;
	s28 =	sshrl.u32 s4, $0x6  }
0x2e0: {  	v57 =	vld [tilespmem:s19+$0xA5B0];
	v62 =	vmul.f32 v31, v31;
	v56 =	vadd.f32 v46, v48;
	v4 =	vadd.f32 v49, v4;
	s20 =	smul.u32 $0xFFFF3800, s28  }
0x2e1: {  	s23 =	ssub.f32 s30, s23;
	v55 =	vld [tilespmem:s19+$0xA580];
	v49 =	vmul.f32 v45, v45;
	v54 =	vmul.f32 v41, v41;
	v40 =	vadd.f32 v40, v39  }
0x2e2: {  	v25 =	vmul.f32 s14, v25;
	v60 =	vld [tilespmem:s19+$0xA590];
	v39 =	vadd.f32 v41, v45;
	v44 =	vadd.f32 v62, v59;
	s4 =	rddreg [dreg:$0x16];
	s30 =	sshra.s32 s20, $0x2  }
0x2e3: {  	s25 =	smul.f32 s24, s18;
	v59 =	vld [tilespmem:s19+$0xA5A0];
	v43 =	vadd.f32 v42, v47;
	[tilespmem:s10+$0x125A0] =	vst v22;
	v22 =	vmul.f32 v47, v47;
	v49 =	vadd.f32 v54, v49;
	s20 =	sadd.s32 s30, s4  }
0x2e4: {  	v2 =	vadd.f32 v39, v61;
	v0 =	vadd.f32 v44, v0;
	v44 =	vmul.f32 v42, v42;
	[tilespmem:s0+$0x12590] =	vst v40;
	v1 =	vld [tilespmem:s20+$0x20D0]  }
0x2e5: {  	s25 =	smul.f32 s24, s25;
	(xrf2) =	vadd.scan.msk.f32 $0xffff, v58;
	v39 =	vmov s3;
	v61 =	vmul.f32 v48, v48;
	v56 =	vadd.f32 v43, v56;
	v62 =	vld [tilespmem:$0x19620]  }
0x2e6: {  	s26 =	sadd.f32 $9.999999740e-06, s26;
	v43 =	vmul.f32 v46, v46;
	(xrf2) =	vadd.scan.msk.f32 $0xffff, v2;
	v22 =	vadd.f32 v44, v22;
	v44 =	vmul.f32 v25, v35;
	v58 =	vld [tilespmem:s20+$0x20F0]  }
0x2e7: {  	s25 =	ssub.f32 $1.500000000e+00, s25;
	v16 =	vsub.f32 v16, v39;
	v4 =	vadd.f32 v49, v4;
	v14 =	vld [tilespmem:$0x19660];
	(xrf2) =	vadd.scan.msk.f32 $0xffff, v56  }
0x2e8: {  	v3 =	vmul.f32 v3, v35;
	s29 =	sshrl.u32 s26, $0x1;
	s6 =	smul.f32 $5.000000000e-01, s26;
	v43 =	vadd.f32 v43, v61;
	v61 =	vld [tilespmem:$0x19670];
	(xrf2) =	vadd.scan.msk.f32 $0xffff, v0;
	v0 =	vadd.f32 v44, v33  }
0x2e9: {  	s24 =	smul.f32 s24, s25;
	s28 =	sadd.f32 $9.999999740e-06, s23;
	s3 =	ssub.s32 $0x5F3759DF, s29;
	v16 =	vmul.f32 s1, v16;
	v2 =	vld [tilespmem:s20+$0x20C0];
	(xrf2) =	vadd.scan.msk.f32 $0xffff, v4;
	v4 =	vadd.f32 v1, v60  }
0x2ea: {  	v3 =	vadd.f32 v3, v33;
	s2 =	ssub.f32 $1.500000000e+00, s2;
	s31 =	smul.f32 s3, s6;
	v54 =	vld [tilespmem:s20+$0x20E0];
	[tilespmem:s10+$0x12400] =	vst v0  }
0x2eb: {  	s23 =	smul.f32 $5.000000000e-01, s28;
	v16 =	vmul.f32 v16, v35;
	v35 =	vld [tilespmem:$0x19630];
	v60 =	vadd.f32 v58, v57;
	[tilespmem:$0x1FC50] =	vst v4  }
0x2ec: {  	s29 =	sshrl.u32 s28, $0x1;
	s2 =	smul.f32 s16, s2;
	[tilespmem:s10+$0x12480] =	vst v3  }
0x2ed: {  	s26 =	ssub.s32 $0x5F3759DF, s29;
	s16 =	smul.f32 s3, s31;
	v22 =	vadd.f32 v22, v43;
	v12 =	vld [tilespmem:$0x19610];
	[tilespmem:$0x1FCC0] =	vst v60  }
0x2ee: {  	s30 =	smul.f32 s26, s23;
	v10 =	vld [tilespmem:$0x19610]  }
0x2ef: {  	s31 =	smul.f32 s2, s11;
	v56, _, _ =	vpop (xrf2);
	(xrf2) =	vadd.scan.msk.f32 $0xffff, v22;
	v49 =	vadd.f32 v2, v55;
	v44 =	vadd.f32 v54, v59;
	v58 =	vld [tilespmem:$0x19650]  }
0x2f0: {  	s16 =	ssub.f32 $1.500000000e+00, s16;
	s28 =	smul.f32 s26, s30;
	(v2sf) =	vpush v56, $0xF;
	v59 =	vld [tilespmem:$0x19650]  }
0x2f1: {  	s29 =	smul.f32 s31, s2;
	v40 =	vmul.f32 v60, v60;
	v54 =	vadd.f32 v4, v49;
	v55, _, _ =	vpop (xrf2);
	v60 =	vadd.f32 v60, v44;
	v27 =	vld [tilespmem:s20+$0x2000]  }
0x2f2: {  	v33 =	vadd.f32 v16, v33;
	s3 =	smul.f32 s3, s16;
	(v2sf) =	vpush v55, $0xF;
	v55 =	vld [tilespmem:s20+$0x2010]  }
0x2f3: {  	s30 =	ssub.f32 $1.500000000e+00, s28;
	s28 =	smul.f32 s24, s18;
	v6 =	vld [tilespmem:s20+$0x2020];
	v56 =	vadd.f32 v60, v54  }
0x2f4: {  	s31 =	ssub.f32 $1.500000000e+00, s29;
	s29 =	smul.f32 s3, s6;
	v2 =	vmul.f32 v44, v44;
	[tilespmem:s10+$0x12500] =	vst v33;
	v7 =	vld [tilespmem:s20+$0x2030]  }
0x2f5: {  	s25 =	smul.f32 s26, s30;
	v3 =	vmul.f32 v49, v49;
	v43, _, _ =	vpop (xrf2);
	v33 =	vmul.f32 v4, v4;
	(xrf2) =	vadd.scan.msk.f32 $0xffff, v56;
	v56 =	vld [tilespmem:$0x1FAD0]  }
0x2f6: {  	s16 =	smul.f32 s28, s24;
	v2 =	vadd.f32 v40, v2;
	(v2sf) =	vpush v43, $0xF;
	v1, _, _ =	vpop (xrf2);
	v5 =	vld [tilespmem:s20+$0x2040]  }
0x2f7: {  	s2 =	smul.f32 s31, s2;
	v57 =	vld [tilespmem:$0x19610];
	(v2sf) =	vpush v1, $0xF;
	v43, _, _ =	vpop (xrf2);
	v3 =	vadd.f32 v33, v3  }
0x2f8: {  	s26 =	smul.f32 s29, s3;
	v60 =	vld [tilespmem:$0x19650];
	(v2sf) =	vpush v43, $0xF  }
0x2f9: {  	s11 =	smul.f32 s2, s11;
	v43 =	vld [tilespmem:$0x19600];
	v33 =	vsub.f32 v9, v38;
	v54, _, _ =	vpop (xrf2);
	v2 =	vadd.f32 v2, v3  }
0x2fa: {  	s16 =	ssub.f32 $1.500000000e+00, s16;
	(v2sf) =	vpush v54, $0xF;
	v3 =	vld [tilespmem:s20+$0x2050];
	v54 =	vmov s8;
	v40 =	vsub.f32 v56, v21  }
0x2fb: {  	s31 =	ssub.f32 $1.500000000e+00, s26;
	s11 =	smul.f32 s11, s2;
	[tilespmem:$0x1FC60] =	vst v33;
	v56 =	vsub.f32 v13, v38;
	v13 =	vsub.f32 v36, v54;
	v36 =	vld [tilespmem:$0x1FAE0]  }
0x2fc: {  	s26 =	smul.f32 s16, s24;
	v21 =	vld [tilespmem:$0x19640]  }
0x2fd: {  	s24 =	smul.f32 s31, s3;
	s31 =	ssub.f32 $1.500000000e+00, s11;
	(xrf2) =	vadd.scan.msk.f32 $0xffff, v2  }
0x2fe: {  	v9 =	vmul.f32 s12, v40;
	v40 =	vld [tilespmem:$0x1FB00]  }
0x2ff: {  	v63 =	vsub.f32 v63, v37;
	s3 =	smul.f32 s31, s2  }
0x300: {  	v9 =	vmul.f32 v9, v35;
	v0 =	vsub.f32 v36, v37;
	v37 =	vsub.f32 v15, v37  }
0x301: {  	v4 =	vld [tilespmem:s20+$0x2060];
	v13 =	vmul.f32 s3, v13;
	[tilespmem:$0x1FD10] =	vst v21  }
0x302: {  	s30 =	smul.f32 s25, s23;
	v61 =	vadd.f32 v9, v61;
	[tilespmem:$0x1FC70] =	vst v37  }
0x303: {  	v9 =	vmul.f32 v13, v43;
	v1 =	vsub.f32 v40, v39;
	v2 =	vld [tilespmem:s20+$0x2070]  }
0x304: {  	s28 =	smul.f32 s30, s25;
	v33 =	vsub.f32 v17, v39;
	v17 =	vld [tilespmem:s20+$0x2080];
	[tilespmem:$0x1FC80] =	vst v61  }
0x305: {  	v11 =	vsub.f32 v11, v38;
	v38 =	vld [tilespmem:$0x1FAF0];
	v9 =	vadd.f32 v9, v21;
	[tilespmem:$0x1FC90] =	vst v1  }
0x306: {  	v20 =	vsub.f32 v20, v53;
	s30 =	ssub.f32 $1.500000000e+00, s28;
	v35 =	vmov s7;
	v16, _, _ =	vpop (xrf2);
	v13 =	vld [tilespmem:s19+$0xA400]  }
0x307: {  	s18 =	smul.f32 s26, s18;
	s28 =	spop (v2sf);
	(v2sf) =	vpush v16, $0xF;
	v16, _, _ =	vpop (xrf2);
	v61 =	vld [tilespmem:s19+$0xA410];
	[tilespmem:s17+$0x12580] =	vst v9;
	v9 =	vsub.f32 v26, v35  }
0x308: {  	s11 =	smul.f32 s30, s25;
	(v2sf) =	vpush v16, $0xF;
	v1 =	vld [tilespmem:s19+$0xA420]  }
0x309: {  	s25 =	smul.f32 s24, s6;
	v16 =	vmul.f32 s5, v20;
	v20 =	vld [tilespmem:s19+$0xA430];
	[tilespmem:$0x1FCA0] =	vst v9;
	v9 =	vmul.f32 s14, v11;
	v11 =	vsub.f32 v24, v35  }
0x30a: {  	s16 =	smul.f32 s18, s26  }
0x30b: {  	s6 =	smul.f32 s11, s23;
	v15 =	vsub.f32 v38, v39;
	v37 =	vsub.f32 v28, v35;
	v0 =	vmul.f32 s15, v0;
	v28 =	vld [tilespmem:s19+$0xA480];
	[tilespmem:$0x1FCB0] =	vst v11  }
0x30c: {  	s2 =	smul.f32 s25, s24;
	v11 =	vmul.f32 v16, v62;
	v16 =	vld [tilespmem:$0x19610]  }
0x30d: {  	s8 =	smul.f32 $1.562500000e-02, s28;
	v8 =	vsub.f32 v8, v35;
	v15 =	vmul.f32 s1, v15;
	v10 =	vmul.f32 v0, v10;
	v24 =	vld [tilespmem:s19+$0xA490]  }
0x30e: {  	s16 =	ssub.f32 $1.500000000e+00, s16;
	s29 =	spop (v2sf);
	v0 =	vsub.f32 v18, v53;
	v9 =	vmul.f32 v9, v12;
	v12 =	vsub.f32 v52, v54;
	v18 =	vld [tilespmem:s19+$0xA4A0]  }
0x30f: {  	s30 =	smul.f32 s8, s8;
	s31 =	spop (v2sf);
	v22 =	vadd.f32 v6, v1;
	v6 =	vld [tilespmem:s19+$0xA4B0];
	v14 =	vadd.f32 v11, v14;
	v11 =	vmul.f32 v15, v57  }
0x310: {  	s23 =	smul.f32 $1.562500000e-02, s29;
	s25 =	spop (v2sf);
	v26 =	vadd.f32 v55, v61;
	v15 =	vld [tilespmem:$0x19650];
	v52 =	vadd.f32 v9, v58  }
0x311: {  	s18 =	smul.f32 $1.562500000e-02, s25;
	s28 =	spop (v2sf);
	v9 =	vmul.f32 s3, v12;
	v12 =	vld [tilespmem:s20+$0x2090];
	v57 =	vadd.f32 v11, v60;
	v11 =	vadd.f32 v27, v13  }
0x312: {  	s12 =	smul.f32 $1.562500000e-02, s28;
	v13 =	vadd.f32 v7, v20;
	v35 =	vadd.f32 v5, v28;
	v5 =	vld [tilespmem:s19+$0xA500]  }
0x313: {  	s7 =	ssub.f32 s18, s30;
	v40 =	vadd.f32 v10, v59;
	s18 =	smul.f32 s16, s26;
	v61 =	vmul.f32 v9, v16;
	v25 =	vadd.f32 v3, v24;
	v3 =	vld [tilespmem:s19+$0xA510]  }
0x314: {  	s30 =	smul.f32 s23, s23;
	v20 =	vadd.f32 v26, v11;
	v24 =	vadd.f32 v13, v22  }
0x315: {  	s26 =	smul.f32 s6, s11;
	v62 =	vld [tilespmem:s20+$0x20B0];
	v27 =	vmul.f32 v26, v26;
	v38 =	vadd.f32 v2, v6;
	v1 =	vadd.f32 v61, v15  }
0x316: {  	s12 =	ssub.f32 s12, s30;
	v6 =	vld [tilespmem:s19+$0xA530];
	v15 =	vadd.f32 v4, v18;
	v4 =	vmul.f32 v11, v11;
	v2 =	vadd.f32 v24, v20  }
0x317: {  	s30 =	ssub.f32 $1.500000000e+00, s26;
	v36 =	vld [tilespmem:s19+$0xA520];
	v20 =	vmul.f32 v13, v13;
	v24 =	vadd.f32 v17, v5;
	v17 =	vmul.f32 v22, v22  }
0x318: {  	v58 =	vmov s22;
	v7 =	vld [tilespmem:s20+$0x20A0];
	[tilespmem:s17+$0x12590] =	vst v1;
	v4 =	vadd.f32 v27, v4;
	v27 =	vadd.f32 v12, v3  }
0x319: {  	v5 =	vld [tilespmem:$0x19620];
	v12 =	vmov s21;
	s21 =	smul.f32 s30, s11;
	v17 =	vadd.f32 v20, v17;
	v20 =	vsub.f32 v23, v58  }
0x31a: {  	s2 =	ssub.f32 $1.500000000e+00, s2;
	v3 =	vsub.f32 v29, v54  }
0x31b: {  	v8 =	vmul.f32 s18, v8;
	[tilespmem:s10+$0x12490] =	vst v40;
	v29 =	vadd.f32 v62, v6;
	v6 =	vmul.f32 s21, v20  }
0x31c: {  	s20 =	smul.f32 s2, s24;
	[tilespmem:s0+$0x125A0] =	vst v14;
	v39 =	vld [tilespmem:$0x19660];
	v19 =	vsub.f32 v19, v12;
	v3 =	vmul.f32 s3, v3  }
0x31d: {  	[tilespmem:s10+$0x12410] =	vst v52;
	v14 =	vld [tilespmem:$0x19630];
	v28 =	vadd.f32 v7, v36;
	v7 =	vmul.f32 v8, v51;
	v6 =	vmul.f32 v6, v51  }
0x31e: {  	[tilespmem:s10+$0x12510] =	vst v57;
	v57 =	vld [tilespmem:$0x19660];
	v40 =	vmul.f32 v3, v5;
	v3 =	vmul.f32 s20, v19  }
0x31f: {  	v8 =	vld [tilespmem:$0x19620];
	v7 =	vadd.f32 v7, v50  }
0x320: {  	v23 =	vld [tilespmem:$0x19670];
	v6 =	vadd.f32 v6, v50;
	v3 =	vmul.f32 v3, v51  }
0x321: {  	v61 =	vmul.f32 v35, v35;
	v20 =	vld [tilespmem:$0x19620];
	[tilespmem:s0+$0x12400] =	vst v7;
	v1 =	vadd.f32 v40, v39  }
0x322: {  	v36 =	vmul.f32 s15, v63;
	v62 =	vmul.f32 v25, v25;
	v63 =	vld [tilespmem:$0x19610];
	[tilespmem:s0+$0x12500] =	vst v6;
	v3 =	vadd.f32 v3, v50  }
0x323: {  	v60 =	vadd.f32 v38, v15;
	v5 =	vld [tilespmem:$0x19620];
	[tilespmem:s17+$0x125A0] =	vst v1  }
0x324: {  	v52 =	vadd.f32 v62, v61;
	v19 =	vadd.f32 v25, v35;
	v51 =	vld [tilespmem:$0x19660];
	[tilespmem:s0+$0x12480] =	vst v3  }
0x325: {  	v39 =	vadd.f32 v27, v24;
	v40 =	vadd.f32 v29, v28;
	v61 =	vld [tilespmem:$0x1FB20]  }
0x326: {  	(xrf2) =	vadd.scan.msk.f32 $0xffff, v2;
	v2 =	vadd.f32 v60, v19;
	v19 =	vld [tilespmem:$0x19660]  }
0x327: {  	v1 =	vmul.f32 s14, v56;
	v3 =	vadd.f32 v40, v39;
	v40 =	vld [tilespmem:$0x1FB30]  }
0x328: {  	v9 =	vld [tilespmem:$0x19630]  }
0x329: {  	v10 =	vld [tilespmem:$0x19670];
	v1 =	vmul.f32 v1, v5  }
0x32a: {  	(xrf2) =	vadd.scan.msk.f32 $0xffff, v2;
	v5 =	vadd.f32 v17, v4;
	v4 =	vmul.f32 v36, v8;
	v36 =	vld [tilespmem:$0x19610];
	v2 =	vsub.f32 v61, v12  }
0x32b: {  	s25 =	smul.f32 $1.562500000e-02, s31;
	v8 =	vld [tilespmem:$0x19650]  }
0x32c: {  	s29 =	spop (v2sf);
	s7 =	sadd.f32 $9.999999740e-06, s7;
	v7 =	vmul.f32 v15, v15;
	v50 =	vmul.f32 v38, v38;
	v16 =	vld [tilespmem:$0x19610];
	[tilespmem:$0x1FCD0] =	vst v2;
	v2 =	vsub.f32 v40, v12  }
0x32d: {  	s16 =	smul.f32 $1.562500000e-02, s29;
	v1 =	vadd.f32 v1, v57  }
0x32e: {  	s6 =	smul.f32 $5.000000000e-01, s7;
	s7 =	sshrl.u32 s7, $0x1;
	v7 =	vadd.f32 v50, v7;
	(xrf2) =	vadd.scan.msk.f32 $0xffff, v3;
	v50 =	vadd.f32 v4, v51;
	v3 =	vld [tilespmem:$0x19650];
	[tilespmem:$0x1FCE0] =	vst v2  }
0x32f: {  	s29 =	ssub.s32 $0x5F3759DF, s7;
	s7 =	smul.f32 s25, s25;
	v59 =	vld [tilespmem:$0x1FB10];
	[tilespmem:s10+$0x12420] =	vst v1  }
0x330: {  	s31 =	smul.f32 s29, s6;
	[tilespmem:s10+$0x124A0] =	vst v50  }
0x331: {  	s16 =	ssub.f32 s16, s7;
	v4 =	vld [tilespmem:$0x1FB50]  }
0x332: {  	s31 =	smul.f32 s29, s31;
	s7 =	spop (v2sf)  }
0x333: {  	s7 =	smul.f32 $1.562500000e-02, s7  }
0x334: {  	s26 =	sadd.f32 $9.999999740e-06, s12;
	s11 =	spop (v2sf)  }
0x335: {  	s30 =	ssub.f32 $1.500000000e+00, s31;
	s31 =	smul.f32 s7, s7  }
0x336: {  	s16 =	sadd.f32 $9.999999740e-06, s16;
	s2 =	smul.f32 $1.562500000e-02, s11;
	v17 =	vld [tilespmem:$0x19650];
	v4 =	vsub.f32 v4, v58  }
0x337: {  	s22 =	smul.f32 $5.000000000e-01, s26;
	v61 =	vld [tilespmem:$0x19630]  }
0x338: {  	s28 =	sshrl.u32 s26, $0x1;
	s26 =	smul.f32 $5.000000000e-01, s16;
	s2 =	ssub.f32 s2, s31;
	[tilespmem:$0x1FCF0] =	vst v4;
	v4 =	vld [tilespmem:$0x1FB60]  }
0x339: {  	s12 =	ssub.s32 $0x5F3759DF, s28;
	s16 =	sshrl.u32 s16, $0x1;
	s11 =	smul.f32 s29, s30  }
0x33a: {  	s16 =	ssub.s32 $0x5F3759DF, s16;
	s29 =	smul.f32 s12, s22;
	s2 =	sadd.f32 $9.999999740e-06, s2  }
0x33b: {  	s31 =	smul.f32 s16, s26  }
0x33c: {  	s30 =	sshrl.u32 s2, $0x1;
	s28 =	smul.f32 $5.000000000e-01, s2  }
0x33d: {  	s24 =	smul.f32 s12, s29;
	s30 =	ssub.s32 $0x5F3759DF, s30;
	v56 =	vsub.f32 v4, v58;
	v4 =	vld [tilespmem:$0x1FB70]  }
0x33e: {  	s29 =	smul.f32 s30, s28  }
0x33f: {  	v53 =	vmul.f32 v24, v24;
	s31 =	smul.f32 s16, s31;
	s24 =	ssub.f32 $1.500000000e+00, s24;
	v60 =	vmul.f32 v27, v27  }
0x340: {  	v62 =	vmul.f32 v28, v28;
	s29 =	smul.f32 s30, s29  }
0x341: {  	s2 =	smul.f32 s12, s24;
	s12 =	ssub.f32 $1.500000000e+00, s31;
	s24 =	sadd.s32 $0x4, s13;
	v39 =	vmul.f32 v29, v29;
	v51 =	vadd.f32 v60, v53;
	v53 =	vmov s23  }
0x342: {  	s31 =	smulhi.u32 $0x51EB851F, s24;
	s13 =	ssub.f32 $1.500000000e+00, s29;
	v7 =	vadd.f32 v7, v52;
	v60 =	vsub.f32 v4, v53;
	v4 =	vld [tilespmem:$0x1FB80]  }
0x343: {  	s29 =	smul.f32 s16, s12;
	v6 =	vsub.f32 v59, v12;
	v12 =	vadd.f32 v39, v62;
	v52 =	vld [tilespmem:$0x1FB40]  }
0x344: {  	v0 =	vmul.f32 s5, v0;
	s12 =	simm.s32 $0x800;
	(xrf2) =	vadd.scan.msk.f32 $0xffff, v5;
	s30 =	smul.f32 s30, s13;
	s13 =	sshrl.u32 s31, $0x6;
	v5, _, _ =	vpop (xrf2);
	v62 =	vld [tilespmem:$0x19630]  }
0x345: {  	(xrf2) =	vadd.scan.msk.f32 $0xffff, v7;
	v7 =	vmov s8;
	s5 =	smul.u32 $0xFFFF3800, s13;
	(v2sf) =	vpush v5, $0xF;
	v1 =	vadd.f32 v12, v51;
	v5 =	vld [tilespmem:s12+$0xA580]  }
0x346: {  	v55 =	vsub.f32 v30, v7;
	v57 =	vsub.f32 v31, v7;
	v12 =	vld [tilespmem:s12+$0xA590]  }
0x347: {  	s13 =	sadd.s32 $0x100, s4;
	v59 =	vsub.f32 v32, v7;
	s5 =	sshra.s32 s5, $0x2;
	(xrf2) =	vadd.scan.msk.f32 $0xffff, v1;
	v1 =	vld [tilespmem:s12+$0xA5A0];
	v4 =	vsub.f32 v4, v53  }
0x348: {  	v0 =	vmul.f32 v0, v14;
	s5 =	sadd.s32 s5, s13;
	v2 =	vsub.f32 v52, v58;
	v14 =	vld [tilespmem:s12+$0xA5B0];
	v58 =	vsub.f32 v34, v7;
	v7, _, _ =	vpop (xrf2)  }
0x349: {  	(v2sf) =	vpush v7, $0xF;
	v7 =	vld [tilespmem:s5+$0x20C0];
	[tilespmem:$0x1FD20] =	vst v4;
	v4 =	vsub.f32 v45, v53;
	_ =	sdelay $0x1  }
0x34a: {  	[tilespmem:$0x1FD30] =	vst v4;
	v4 =	vld [tilespmem:$0x1FB90];
	_ =	sdelay $0x1  }
0x34b: {  	s16 =	smul.f32 s11, s6  }
0x34c: {  	s31 =	smul.f32 s2, s22;
	v51 =	vadd.f32 v0, v23;
	v0 =	vsub.f32 v41, v53  }
0x34d: {  	v30 =	vmov s25;
	s4 =	smul.f32 s30, s28  }
0x34e: {  	s8 =	smul.f32 s31, s2;
	v39 =	vmul.f32 s1, v33;
	v52 =	vsub.f32 v46, v30;
	v31, _, _ =	vpop (xrf2);
	v32 =	vld [tilespmem:s5+$0x20D0];
	[tilespmem:$0x1FD40] =	vst v0;
	v40 =	vsub.f32 v4, v54  }
0x34f: {  	s23 =	smul.f32 s4, s30;
	(v2sf) =	vpush v31, $0xF;
	v31 =	vld [tilespmem:s5+$0x20E0];
	v54 =	vsub.f32 v47, v30  }
0x350: {  	s31 =	smul.f32 s29, s26;
	v20 =	vmul.f32 v39, v20;
	v41 =	vld [tilespmem:s5+$0x20F0];
	[tilespmem:$0x1FD50] =	vst v52;
	v33 =	vmul.f32 s3, v40;
	v40 =	vsub.f32 v42, v30  }
0x351: {  	s16 =	smul.f32 s16, s11;
	s23 =	ssub.f32 $1.500000000e+00, s23;
	[tilespmem:$0x1FD60] =	vst v54  }
0x352: {  	s25 =	smul.f32 s31, s29;
	v46 =	vadd.f32 v20, v19;
	v39, _, _ =	vpop (xrf2);
	v53 =	vsub.f32 v48, v30;
	v48 =	vld [tilespmem:s5+$0x2000];
	[tilespmem:$0x1FBA0] =	vst v40  }
0x353: {  	s4 =	smul.f32 s23, s30;
	(v2sf) =	vpush v39, $0xF;
	v20 =	vadd.f32 v7, v5;
	v30, _, _ =	vpop (xrf2);
	v4 =	vld [tilespmem:s5+$0x2010]  }
0x354: {  	s16 =	ssub.f32 $1.500000000e+00, s16;
	v12 =	vadd.f32 v32, v12;
	(v2sf) =	vpush v30, $0xF;
	v30 =	vld [tilespmem:s5+$0x2020]  }
0x355: {  	s3 =	ssub.f32 $1.500000000e+00, s25;
	v1 =	vadd.f32 v31, v1;
	v41 =	vadd.f32 v41, v14;
	s25 =	smul.f32 s4, s28;
	v7, _, _ =	vpop (xrf2);
	v9 =	vmul.f32 v33, v9;
	v33 =	vld [tilespmem:s5+$0x2030]  }
0x356: {  	s8 =	ssub.f32 $1.500000000e+00, s8;
	s16 =	smul.f32 s16, s11;
	v14 =	vmul.f32 v12, v12;
	(v2sf) =	vpush v7, $0xF;
	v7 =	vmul.f32 v20, v20;
	v31 =	vld [tilespmem:s5+$0x2040]  }
0x357: {  	s23 =	smul.f32 s25, s4;
	v42 =	vmul.f32 v41, v41;
	v34 =	vld [tilespmem:s5+$0x2050];
	v45 =	vadd.f32 v9, v10;
	v9 =	vmul.f32 v1, v1  }
0x358: {  	s11 =	smul.f32 s8, s2;
	v19 =	vmul.f32 s18, v37;
	s28 =	spop (v2sf);
	v50 =	vadd.f32 v12, v20;
	v52 =	vadd.f32 v41, v1;
	v18 =	vld [tilespmem:s5+$0x2060];
	[tilespmem:$0x1FBB0] =	vst v41  }
0x359: {  	s8 =	smul.f32 s3, s29;
	[tilespmem:$0x1FBC0] =	vst v1;
	v14 =	vadd.f32 v14, v7;
	s23 =	ssub.f32 $1.500000000e+00, s23;
	v9 =	vadd.f32 v42, v9  }
0x35a: {  	v19 =	vmul.f32 v19, v63;
	v47 =	vmov s7;
	s25 =	smul.f32 $1.562500000e-02, s28;
	v54 =	vadd.f32 v52, v50;
	v7 =	vld [tilespmem:$0x19600]  }
0x35b: {  	v63 =	vld [tilespmem:s5+$0x2070];
	v1 =	vsub.f32 v49, v47;
	s3 =	smul.f32 s23, s4;
	v9 =	vadd.f32 v9, v14  }
0x35c: {  	v2 =	vmul.f32 s21, v2;
	s29 =	spop (v2sf);
	v41 =	vadd.f32 v19, v8;
	v40 =	vld [tilespmem:s5+$0x2080];
	v8 =	vmov s25;
	(xrf2) =	vadd.scan.msk.f32 $0xffff, v54  }
0x35d: {  	s7 =	smul.f32 $1.562500000e-02, s29;
	v39 =	vld [tilespmem:s5+$0x2090];
	v50 =	vsub.f32 v26, v8;
	(xrf2) =	vadd.scan.msk.f32 $0xffff, v9;
	v9 =	vmul.f32 s3, v1  }
0x35e: {  	v2 =	vmul.f32 v2, v36;
	v32 =	vld [tilespmem:$0x19640];
	v19 =	vsub.f32 v11, v8;
	v52 =	vsub.f32 v22, v8  }
0x35f: {  	s30 =	spop (v2sf);
	v36 =	vld [tilespmem:s12+$0xA400];
	v54 =	vsub.f32 v13, v8;
	[tilespmem:$0x1FBD0] =	vst v50;
	v8 =	vmul.f32 v9, v7;
	v9 =	vmov s7  }
0x360: {  	s23 =	smul.f32 $1.562500000e-02, s30;
	[tilespmem:$0x1FBE0] =	vst v52;
	v37 =	vsub.f32 v25, v9  }
0x361: {  	v22 =	vld [tilespmem:s12+$0xA410];
	[tilespmem:$0x1FBF0] =	vst v54  }
0x362: {  	v50 =	vmov s23;
	v13 =	vld [tilespmem:s12+$0xA420];
	v52 =	vsub.f32 v38, v9;
	[tilespmem:$0x1FC00] =	vst v37  }
0x363: {  	v54 =	vsub.f32 v24, v50;
	v25 =	vld [tilespmem:s12+$0xA430]  }
0x364: {  	v26 =	vsub.f32 v15, v9;
	v15 =	vadd.f32 v8, v32;
	v10 =	vld [tilespmem:s12+$0xA480];
	[tilespmem:$0x1FC10] =	vst v52  }
0x365: {  	v37 =	vsub.f32 v27, v50;
	[tilespmem:$0x1FC20] =	vst v54  }
0x366: {  	v6 =	vmul.f32 s20, v6;
	v27 =	vsub.f32 v28, v50;
	v50 =	vsub.f32 v29, v50;
	v38 =	vld [tilespmem:s12+$0xA490];
	[tilespmem:s19+$0x12580] =	vst v15  }
0x367: {  	[tilespmem:$0x1FC30] =	vst v37;
	v54 =	vld [tilespmem:$0x1FC50]  }
0x368: {  	v6 =	vmul.f32 v6, v16;
	v16 =	vld [tilespmem:s12+$0xA4A0];
	[tilespmem:$0x1FC40] =	vst v50  }
0x369: {  	v52 =	vld [tilespmem:$0x19610]  }
0x36a: {  	v24 =	vadd.f32 v4, v22;
	v22 =	vld [tilespmem:s12+$0xA4B0]  }
0x36b: {  	s22 =	smul.f32 s11, s22;
	v49 =	vadd.f32 v2, v17;
	v37 =	vld [tilespmem:s5+$0x20A0]  }
0x36c: {  	v42 =	vadd.f32 v6, v3;
	v13 =	vadd.f32 v30, v13;
	v28, _, _ =	vpop (xrf2);
	v2 =	vld [tilespmem:$0x19650]  }
0x36d: {  	s22 =	smul.f32 s22, s11;
	v29 =	vadd.f32 v48, v36;
	(v2sf) =	vpush v28, $0xF;
	v36 =	vld [tilespmem:s12+$0xA510]  }
0x36e: {  	s6 =	smul.f32 s16, s6;
	v30 =	vld [tilespmem:s12+$0xA520];
	v4 =	vadd.f32 v33, v25;
	v25 =	vsub.f32 v54, v47  }
0x36f: {  	s22 =	ssub.f32 $1.500000000e+00, s22;
	s31 =	spop (v2sf);
	v48 =	vadd.f32 v24, v29;
	v23 =	vld [tilespmem:s12+$0xA530];
	v31 =	vadd.f32 v31, v10;
	v10, _, _ =	vpop (xrf2)  }
0x370: {  	s6 =	smul.f32 s6, s16;
	s4 =	spop (v2sf);
	(v2sf) =	vpush v10, $0xF;
	v50 =	vadd.f32 v4, v13;
	v54 =	vld [tilespmem:$0x1FC60];
	v10 =	vmul.f32 s3, v25  }
0x371: {  	s11 =	smul.f32 s22, s11;
	v17 =	vsub.f32 v35, v9;
	v21 =	vmul.f32 v13, v13;
	v28 =	vadd.f32 v34, v38;
	v25 =	vld [tilespmem:s12+$0xA500]  }
0x372: {  	s2 =	smul.f32 s8, s26;
	v38 =	vld [tilespmem:s5+$0x20B0];
	v18 =	vadd.f32 v18, v16;
	v35 =	vadd.f32 v50, v48;
	v16 =	vmul.f32 v10, v52  }
0x373: {  	s29 =	ssub.f32 $1.500000000e+00, s6;
	s25 =	smul.f32 s25, s25;
	v48 =	vmul.f32 v29, v29;
	v33 =	vadd.f32 v39, v36;
	v10 =	vadd.f32 v63, v22;
	v63 =	vld [tilespmem:$0x1FC70]  }
0x374: {  	s26 =	smul.f32 $1.562500000e-02, s31;
	v30 =	vadd.f32 v37, v30;
	v52 =	vmul.f32 v24, v24;
	[tilespmem:s0+$0x12410] =	vst v41;
	v22 =	vadd.f32 v16, v2  }
0x375: {  	s16 =	smul.f32 s29, s16;
	[tilespmem:s0+$0x12490] =	vst v42;
	v16 =	vmul.f32 v4, v4;
	v1 =	vadd.f32 v10, v18;
	v2 =	vmul.f32 v28, v28  }
0x376: {  	s25 =	ssub.f32 s26, s25;
	s7 =	smul.f32 s7, s7;
	v34 =	vadd.f32 v40, v25;
	v40 =	vadd.f32 v52, v48;
	v25 =	vmul.f32 s14, v54;
	[tilespmem:s19+$0x12590] =	vst v22  }
0x377: {  	s28 =	smul.f32 $1.562500000e-02, s4;
	[tilespmem:s0+$0x12510] =	vst v49;
	v16 =	vadd.f32 v16, v21;
	v22 =	vsub.f32 v44, v47;
	v44 =	vmul.f32 v10, v10;
	v37 =	vld [tilespmem:$0x19620]  }
0x378: {  	s23 =	smul.f32 s23, s23;
	s25 =	sadd.f32 $9.999999740e-06, s25;
	v21 =	vmul.f32 s15, v63;
	v54 =	vmul.f32 v25, v61;
	v25 =	vadd.f32 v38, v23;
	v42 =	vld [tilespmem:$0x1FC80]  }
0x379: {  	s7 =	ssub.f32 s28, s7;
	s28 =	spop (v2sf);
	v23 =	vmul.f32 v31, v31;
	v38 =	vmul.f32 v18, v18;
	v52 =	vadd.f32 v33, v34  }
0x37a: {  	s26 =	smul.f32 $1.562500000e-02, s28;
	v22 =	vmul.f32 s3, v22;
	v40 =	vadd.f32 v16, v40;
	v16 =	vmul.f32 s16, v59  }
0x37b: {  	s30 =	sshrl.u32 s25, $0x1;
	s6 =	smul.f32 $5.000000000e-01, s25;
	s7 =	sadd.f32 $9.999999740e-06, s7;
	v50 =	vld [tilespmem:$0x19620];
	[tilespmem:s0+$0x125B0] =	vst v51;
	v61 =	vmul.f32 v21, v62;
	v21 =	vadd.f32 v28, v31;
	v0 =	vadd.f32 v25, v30  }
0x37c: {  	s2 =	smul.f32 s2, s8;
	s25 =	ssub.s32 $0x5F3759DF, s30;
	s23 =	ssub.f32 s26, s23;
	v63 =	vld [tilespmem:$0x19660];
	[tilespmem:s10+$0x12520] =	vst v46;
	v23 =	vadd.f32 v2, v23;
	v2 =	vmul.f32 v33, v33;
	v36 =	vmul.f32 v25, v25  }
0x37d: {  	s26 =	smul.f32 s25, s6;
	v59 =	vld [tilespmem:$0x19660];
	v22 =	vmul.f32 v22, v37;
	v37 =	vmul.f32 v30, v30;
	[tilespmem:s10+$0x125B0] =	vst v42  }
0x37e: {  	s4 =	sshrl.u32 s7, $0x1;
	s31 =	sadd.f32 $9.999999740e-06, s23;
	s23 =	smul.f32 $5.000000000e-01, s7;
	v21 =	vadd.f32 v1, v21;
	v1 =	vmul.f32 v34, v34;
	v39 =	vadd.f32 v0, v52;
	v0 =	vld [tilespmem:$0x1FC90];
	[tilespmem:s17+$0x125B0] =	vst v45  }
0x37f: {  	s7 =	ssub.s32 $0x5F3759DF, s4;
	s26 =	smul.f32 s25, s26;
	(xrf2) =	vadd.scan.msk.f32 $0xffff, v35;
	v38 =	vadd.f32 v44, v38;
	v37 =	vadd.f32 v36, v37;
	v36 =	vld [tilespmem:$0x1FCC0]  }
0x380: {  	s29 =	smul.f32 s7, s23;
	v35 =	vadd.f32 v2, v1;
	(xrf2) =	vadd.scan.msk.f32 $0xffff, v21;
	v46 =	vld [tilespmem:$0x1FCA0]  }
0x381: {  	s22 =	smul.f32 $5.000000000e-01, s31;
	s14 =	sshrl.u32 s31, $0x1;
	v51 =	vadd.f32 v38, v23;
	v38 =	vadd.f32 v22, v63;
	(xrf2) =	vadd.scan.msk.f32 $0xffff, v39;
	v39 =	vld [tilespmem:$0x1FCE0]  }
0x382: {  	s2 =	ssub.f32 $1.500000000e+00, s2;
	s31 =	smul.f32 s7, s29;
	s30 =	ssub.s32 $0x5F3759DF, s14;
	v44 =	vmul.f32 s11, v60;
	v60 =	vadd.f32 v37, v35;
	v35 =	vld [tilespmem:$0x1FCB0]  }
0x383: {  	s5 =	smul.f32 s30, s22;
	v37 =	vld [tilespmem:$0x1FCD0];
	[tilespmem:s19+$0x125A0] =	vst v38  }
0x384: {  	s26 =	ssub.f32 $1.500000000e+00, s26;
	s14 =	smul.f32 s2, s8;
	v36 =	vsub.f32 v36, v47;
	v47 =	vmul.f32 s21, v56;
	v56 =	vld [tilespmem:$0x1FD10]  }
0x385: {  	s28 =	ssub.f32 $1.500000000e+00, s31;
	s4 =	smul.f32 s30, s5;
	v62 =	vld [tilespmem:$0x19620]  }
0x386: {  	s5 =	smul.f32 s25, s26;
	v52 =	vld [tilespmem:$0x19620];
	v23 =	vmul.f32 s14, v53  }
0x387: {  	s8 =	smul.f32 s7, s28;
	v48 =	vmul.f32 v16, v43;
	v53 =	vld [tilespmem:$0x19660]  }
0x388: {  	s26 =	spop (v2sf);
	s29 =	ssub.f32 $1.500000000e+00, s4;
	v49 =	vmul.f32 v44, v43;
	v44 =	vmul.f32 v23, v43;
	v43 =	vld [tilespmem:$0x19670]  }
0x389: {  	s7 =	smul.f32 $1.562500000e-02, s26;
	v45 =	vmul.f32 s18, v46;
	v46 =	vld [tilespmem:$0x19670];
	v1 =	vadd.f32 v48, v56  }
0x38a: {  	s2 =	smul.f32 s30, s29;
	v63 =	vld [tilespmem:$0x19660];
	[tilespmem:$0x1FD00] =	vst v47;
	v49 =	vadd.f32 v49, v56  }
0x38b: {  	s30 =	smul.f32 s5, s6;
	v42 =	vld [tilespmem:$0x1FCF0];
	v2 =	vadd.f32 v44, v56;
	[tilespmem:s17+$0x12400] =	vst v1  }
0x38c: {  	s31 =	smul.f32 s8, s23;
	v38 =	vld [tilespmem:$0x19630];
	[tilespmem:s17+$0x12480] =	vst v49  }
0x38d: {  	s4 =	smul.f32 s30, s5;
	v21 =	vmul.f32 s20, v39;
	v39 =	vld [tilespmem:$0x19670];
	s30 =	rddreg [dreg:$0x5];
	[tilespmem:s17+$0x12500] =	vst v2  }
0x38e: {  	s15 =	smul.f32 s31, s8;
	v46 =	vadd.f32 v54, v46;
	v54 =	vld [tilespmem:$0x1FD20]  }
0x38f: {  	s25 =	smul.f32 s2, s22;
	v41 =	vmul.f32 s20, v37;
	v47 =	vmul.f32 s16, v55;
	v55 =	vld [tilespmem:$0x1FD30]  }
0x390: {  	s28 =	spop (v2sf);
	s29 =	smul.f32 s7, s7;
	v37 =	vmul.f32 s16, v58;
	v42 =	vmul.f32 s21, v42;
	v58 =	vld [tilespmem:$0x1FD40]  }
0x391: {  	s25 =	smul.f32 s25, s2;
	v23 =	vmul.f32 s1, v0;
	s1 =	ssub.f32 $1.500000000e+00, s4;
	v43 =	vadd.f32 v61, v43;
	v61 =	vld [tilespmem:$0x1FD50]  }
0x392: {  	s15 =	ssub.f32 $1.500000000e+00, s15;
	s20 =	smul.f32 $1.562500000e-02, s28;
	v49 =	vmul.f32 v42, v62;
	v62 =	vld [tilespmem:$0x1FD60]  }
0x393: {  	(xrf2) =	vadd.scan.msk.f32 $0xffff, v40;
	s31 =	ssub.f32 $1.500000000e+00, s25;
	v22 =	vmul.f32 s18, v35;
	v40 =	vmul.f32 s3, v36;
	s3 =	smul.f32 s1, s5;
	v48 =	vld [tilespmem:$0x19630]  }
0x394: {  	v16, _, _ =	vpop (xrf2);
	s18 =	smul.f32 s15, s8;
	v41 =	vmul.f32 v41, v50;
	s20 =	ssub.f32 s20, s29;
	v44 =	vmul.f32 v45, v52;
	v45 =	vld [tilespmem:$0x19670]  }
0x395: {  	(v2sf) =	vpush v16, $0xF;
	v35 =	vmul.f32 s16, v57;
	s16 =	smul.f32 s31, s2;
	s5 =	simm.s32 $0x2000;
	v57 =	vld [tilespmem:$0x19610];
	v56 =	vmul.f32 s11, v54  }
0x396: {  	s15 =	sadd.s32 $0x4, s24;
	s2 =	sadd.f32 $9.999999740e-06, s20;
	v50 =	vadd.f32 v41, v63;
	s1 =	sadd.s32 s9, s30;
	[tilespmem:s10+$0x12430] =	vst v46;
	v46 =	vld [tilespmem:$0x19610];
	v52 =	vmul.f32 s11, v55;
	v36 =	vmul.f32 s11, v58  }
0x397: {  	(xrf2) =	vadd.scan.msk.f32 $0xffff, v51;
	v53 =	vadd.f32 v44, v53;
	v42, _, _ =	vpop (xrf2);
	s9 =	simm.s32 $0x10;
	s1 =	sadd.s32 $0x80, s1;
	v58 =	vld [tilespmem:$0x19610];
	v55 =	vmul.f32 s14, v61;
	v51 =	vmul.f32 s14, v62;
	s11 =	smul.f32 s3, s6  }
.LBB2_5:
0x398: {  	v54 =	vld [tilespmem:$0x19650]  }
0x399: {  	v1 =	vld [tilespmem:$0x1FD00];
	[tilespmem:s0+$0x12420] =	vst v53  }
0x39a: {  	(xrf2) =	vadd.scan.msk.f32 $0xffff, v60;
	v60 =	vld [tilespmem:$0x19630];
	v2 =	vmul.f32 v40, v48  }
0x39b: {  	s8 =	smulhi.u32 $0x51EB851F, s15;
	[tilespmem:s10+$0x124B0] =	vst v43;
	v44 =	vadd.f32 v49, v59;
	v59 =	vld [tilespmem:$0x19650]  }
0x39c: {  	(v2sf) =	vpush v42, $0xF;
	v0 =	vmovc v26;
	s20 =	sshrl.u32 s2, $0x1;
	s6 =	smul.f32 $5.000000000e-01, s2;
	v26 =	vmul.f32 v47, v57;
	v47 =	vld [tilespmem:$0x19650];
	v2 =	vadd.f32 v2, v45  }
0x39d: {  	s5 =	sadd.s32 $0x800, s5;
	s26 =	ssub.s32 $0x5F3759DF, s20;
	v57 =	vld [tilespmem:$0x1FBA0];
	[tilespmem:s0+$0x124A0] =	vst v50  }
0x39e: {  	v42 =	vmov v27;
	s29 =	sshra.s32 s5, $0x2;
	s8 =	sshrl.u32 s8, $0x6;
	s20 =	smul.f32 s26, s6;
	v27, _, _ =	vpop (xrf2);
	v63 =	vld [tilespmem:$0x19630];
	[tilespmem:s19+$0x125B0] =	vst v2  }
0x39f: {  	s21 =	smul.u32 $0xFFFF3800, s8;
	(v2sf) =	vpush v27, $0xF;
	v9 =	vld [tilespmem:s29+$0xA580]  }
0x3a0: {  	v38 =	vmul.f32 v23, v38;
	s20 =	smul.f32 s26, s20;
	v26 =	vadd.f32 v26, v54;
	v54 =	vld [tilespmem:s29+$0xA590]  }
0x3a1: {  	s13 =	sadd.s32 $0x100, s13;
	[tilespmem:$0x1FAC0] =	vst v0;
	v8 =	vmul.f32 v55, v46;
	s30 =	sshra.s32 s21, $0x2;
	v55 =	vld [tilespmem:s29+$0xA5A0]  }
0x3a2: {  	v27 =	vmul.f32 v56, v58;
	v38 =	vadd.f32 v38, v39;
	s31 =	ssub.f32 $1.500000000e+00, s20;
	s20 =	sadd.s32 s30, s13;
	[tilespmem:s17+$0x12410] =	vst v26;
	v26 =	vld [tilespmem:s29+$0xA5B0]  }
0x3a3: {  	[tilespmem:s0+$0x12520] =	vst v44;
	v8 =	vadd.f32 v8, v59;
	v0 =	vmul.f32 s14, v57;
	v57 =	vld [tilespmem:s20+$0x20E0]  }
0x3a4: {  	[tilespmem:s10+$0x12530] =	vst v38;
	v27 =	vadd.f32 v27, v47;
	v59 =	vld [tilespmem:s20+$0x20F0]  }
0x3a5: {  	[tilespmem:s17+$0x12510] =	vst v8;
	v8 =	vld [tilespmem:s20+$0x20D0]  }
0x3a6: {  	s28 =	smul.f32 s18, s23;
	[tilespmem:s17+$0x12490] =	vst v27;
	v27 =	vld [tilespmem:s20+$0x20C0]  }
0x3a7: {  	s8 =	smul.f32 s16, s22  }
0x3a8: {  	s2 =	smul.f32 s28, s18;
	s4 =	spop (v2sf);
	v53, _, _ =	vpop (xrf2)  }
0x3a9: {  	s22 =	smul.f32 $1.562500000e-02, s4;
	(v2sf) =	vpush v53, $0xF  }
0x3aa: {  	v49 =	vmul.f32 v22, v60;
	v22 =	vmovc v36;
	s21 =	smul.f32 s26, s31;
	v38 =	vadd.f32 v57, v55;
	v36 =	vadd.f32 v59, v26  }
0x3ab: {  	v40 =	vmov v1;
	s26 =	smul.f32 s22, s22;
	s28 =	spop (v2sf);
	v1 =	vadd.f32 v8, v54;
	v9 =	vadd.f32 v27, v9  }
0x3ac: {  	v62 =	vld [tilespmem:$0x1FC10];
	s10 =	smov.u32 s0;
	v47 =	vmov s22;
	v50 =	vmul.f32 v21, v63;
	s22 =	smul.f32 $1.562500000e-02, s28;
	v26 =	vadd.f32 v36, v38  }
0x3ad: {  	v45 =	vmovc v32;
	s0 =	smov.u32 s17;
	s17 =	smov.u32 s19;
	s19 =	smov.u32 s12;
	v32 =	vmul.f32 v38, v38;
	v60 =	vmul.f32 v36, v36;
	v8 =	vadd.f32 v1, v9  }
0x3ae: {  	v63 =	vsub.f32 v29, v47;
	s12 =	smov.u32 s29;
	v29 =	vmul.f32 v1, v1;
	s29 =	smul.f32 s22, s22;
	v27 =	vmul.f32 v9, v9;
	s30 =	spop (v2sf)  }
0x3af: {  	v44 =	vld [tilespmem:$0x1FC40];
	v5 =	vsub.f32 v13, v47;
	v13 =	vmov s22;
	v8 =	vadd.f32 v26, v8;
	s22 =	smul.f32 $1.562500000e-02, s30  }
0x3b0: {  	s11 =	smul.f32 s11, s3;
	v23 =	vmov v35;
	v35 =	vld [tilespmem:s20+$0x2000];
	v26 =	vadd.f32 v29, v27;
	v27 =	vadd.f32 v60, v32  }
0x3b1: {  	v41 =	vmov v62;
	v56, _, _ =	vpop (xrf2);
	v62 =	vld [tilespmem:s20+$0x2020];
	s24 =	smul.f32 s21, s6;
	v54 =	vsub.f32 v28, v13;
	v28 =	vmov s22  }
0x3b2: {  	v48 =	vld [tilespmem:$0x19600];
	v58, _, _ =	vpop (xrf2);
	(xrf2) =	vadd.scan.msk.f32 $0xffff, v8;
	v8 =	vadd.f32 v27, v26;
	v27 =	vsub.f32 v30, v28  }
0x3b3: {  	s14 =	ssub.f32 $1.500000000e+00, s11;
	v61 =	vmov v0;
	v0 =	vld [tilespmem:s20+$0x2030];
	s25 =	smul.f32 s24, s21;
	v30 =	vsub.f32 v4, v47;
	v4 =	vsub.f32 v10, v13  }
0x3b4: {  	s11 =	ssub.f32 $1.500000000e+00, s2;
	(v2sf) =	vpush v56, $0xF;
	v56 =	vld [tilespmem:s20+$0x2090]  }
0x3b5: {  	s2 =	ssub.f32 $1.500000000e+00, s25;
	[tilespmem:$0x1FC10] =	vst v4;
	v4 =	vld [tilespmem:s12+$0xA400]  }
0x3b6: {  	[tilespmem:$0x1FD00] =	vst v61;
	v61 =	vld [tilespmem:s20+$0x2010]  }
0x3b7: {  	v2 =	vld [tilespmem:s20+$0x2040];
	s21 =	smul.f32 s2, s21  }
0x3b8: {  	v46 =	vmov v44;
	v3 =	vld [tilespmem:s20+$0x2050]  }
0x3b9: {  	(v2sf) =	vpush v58, $0xF;
	v58 =	vld [tilespmem:s20+$0x2070];
	s6 =	smul.f32 s21, s6  }
0x3ba: {  	v29 =	vadd.f32 v35, v4;
	v4 =	vld [tilespmem:$0x1FBD0]  }
0x3bb: {  	[tilespmem:$0x1FBA0] =	vst v46;
	v46 =	vmov v52;
	v52 =	vld [tilespmem:s20+$0x2080];
	s6 =	smul.f32 s6, s21;
	s31 =	spop (v2sf)  }
0x3bc: {  	v24 =	vsub.f32 v24, v47;
	v59 =	vld [tilespmem:s20+$0x2060];
	v39 =	vsub.f32 v34, v28;
	s24 =	smul.f32 $1.562500000e-02, s31  }
0x3bd: {  	v53 =	vsub.f32 v33, v28;
	v6 =	vsub.f32 v25, v28;
	v28 =	vld [tilespmem:s12+$0xA480];
	s31 =	smul.f32 s14, s3  }
0x3be: {  	s6 =	ssub.f32 $1.500000000e+00, s6;
	v33 =	vld [tilespmem:s12+$0xA490]  }
0x3bf: {  	v43 =	vmovc v51;
	v51 =	vmov s7;
	v55 =	vld [tilespmem:s20+$0x20A0];
	v47 =	vmul.f32 s31, v4;
	v4 =	vmov v24  }
0x3c0: {  	v26 =	vsub.f32 v18, v13;
	v18 =	vsub.f32 v20, v51;
	s6 =	smul.f32 s6, s21;
	[tilespmem:$0x1FBD0] =	vst v4;
	v4 =	vld [tilespmem:$0x1FBE0]  }
0x3c1: {  	v31 =	vsub.f32 v31, v13;
	v32 =	vld [tilespmem:$0x19640];
	(xrf2) =	vadd.scan.msk.f32 $0xffff, v8  }
0x3c2: {  	v13 =	vld [tilespmem:s12+$0xA410];
	v10 =	vmul.f32 s6, v18  }
0x3c3: {  	v20 =	vmov v31;
	v31 =	vadd.f32 v2, v28;
	v28 =	vadd.f32 v3, v33;
	v33 =	vld [tilespmem:s12+$0xA510]  }
0x3c4: {  	v18 =	vld [tilespmem:s12+$0xA420];
	v10 =	vmul.f32 v10, v48  }
0x3c5: {  	v44 =	vmov v37;
	v37 =	vmul.f32 s31, v4;
	v4 =	vld [tilespmem:$0x1FBF0]  }
0x3c6: {  	v57 =	vld [tilespmem:s20+$0x20B0];
	v10 =	vadd.f32 v10, v32  }
0x3c7: {  	s20 =	smul.f32 s11, s18;
	v25 =	vld [tilespmem:s12+$0xA430]  }
0x3c8: {  	s22 =	smul.f32 s22, s22;
	v34 =	vld [tilespmem:s12+$0xA4A0];
	v60 =	vmul.f32 s31, v19;
	[tilespmem:s19+$0x12580] =	vst v10;
	v33 =	vadd.f32 v56, v33  }
0x3c9: {  	s4 =	spop (v2sf);
	s23 =	ssub.f32 s24, s26;
	v19 =	vmovc v63;
	v63 =	vmul.f32 s20, v17;
	v17 =	vmovc v1;
	v10 =	vld [tilespmem:$0x19610];
	v24 =	vadd.f32 v61, v13;
	v13 =	vadd.f32 v62, v18  }
0x3ca: {  	s7 =	smul.f32 $1.562500000e-02, s4;
	s25 =	spop (v2sf);
	v61, _, _ =	vpop (xrf2);
	v18 =	vsub.f32 v12, v51;
	v35 =	vmul.f32 s31, v4;
	v4 =	vmov v5;
	v5 =	vld [tilespmem:s12+$0xA4B0]  }
0x3cb: {  	[tilespmem:$0x1FC40] =	vst v6;
	s21 =	smul.f32 $1.562500000e-02, s25;
	s24 =	sadd.f32 $9.999999740e-06, s23;
	v3 =	vld [tilespmem:s12+$0xA500];
	v62 =	vmul.f32 v29, v29;
	(v2sf) =	vpush v61, $0xF;
	v61, _, _ =	vpop (xrf2);
	v1 =	vmul.f32 v13, v13  }
0x3cc: {  	v8 =	vld [tilespmem:s12+$0xA530];
	s26 =	smul.f32 s8, s16;
	s29 =	ssub.f32 s7, s29;
	(v2sf) =	vpush v61, $0xF;
	v2 =	vmul.f32 s6, v18;
	[tilespmem:$0x1FBE0] =	vst v4;
	v4 =	vadd.f32 v0, v25  }
0x3cd: {  	v6 =	vmovc v30;
	s30 =	ssub.f32 s21, s22;
	s28 =	sshrl.u32 s24, $0x1;
	s8 =	smul.f32 $5.000000000e-01, s24;
	v30 =	vadd.f32 v24, v29;
	v18 =	vadd.f32 v59, v34;
	v0 =	vmul.f32 v24, v24;
	v25 =	vld [tilespmem:$0x19650]  }
0x3ce: {  	s24 =	sadd.f32 $9.999999740e-06, s29;
	s7 =	ssub.s32 $0x5F3759DF, s28;
	v59 =	vadd.f32 v28, v31;
	v2 =	vmul.f32 v2, v10;
	[tilespmem:$0x1FBF0] =	vst v6;
	v6 =	vld [tilespmem:s12+$0xA520];
	v34 =	vadd.f32 v4, v13  }
0x3cf: {  	v15 =	vld [tilespmem:$0x1FBC0];
	s22 =	sadd.f32 $9.999999740e-06, s30;
	s4 =	smul.f32 s7, s8;
	v61 =	vmul.f32 v4, v4;
	v0 =	vadd.f32 v0, v62;
	v10 =	vadd.f32 v58, v5  }
0x3d0: {  	v21 =	vmovc v9;
	s2 =	ssub.f32 $1.500000000e+00, s26;
	s25 =	sshrl.u32 s24, $0x1;
	s23 =	smul.f32 $5.000000000e-01, s24;
	v9 =	vmul.f32 v18, v18;
	v30 =	vadd.f32 v34, v30;
	v34 =	vadd.f32 v52, v3  }
0x3d1: {  	s26 =	sshrl.u32 s22, $0x1;
	s22 =	smul.f32 $5.000000000e-01, s22;
	s11 =	ssub.s32 $0x5F3759DF, s25;
	v5 =	vmul.f32 v31, v31;
	v1 =	vadd.f32 v61, v1;
	v12 =	vadd.f32 v10, v18  }
0x3d2: {  	s29 =	ssub.s32 $0x5F3759DF, s26;
	s28 =	smul.f32 s11, s23;
	v58 =	vmul.f32 v28, v28;
	v2 =	vadd.f32 v2, v25;
	v25 =	vadd.f32 v57, v8  }
0x3d3: {  	v11 =	vld [tilespmem:$0x19620];
	s3 =	smul.f32 s29, s22;
	v14 =	vmul.f32 v10, v10;
	(xrf2) =	vadd.scan.msk.f32 $0xffff, v30;
	v30 =	vadd.f32 v55, v6;
	v12 =	vadd.f32 v12, v59  }
0x3d4: {  	v16 =	vld [tilespmem:$0x19660];
	s18 =	smul.f32 s11, s28;
	v55 =	vsub.f32 v15, v51;
	v15 =	vmov v38;
	v38 =	vadd.f32 v33, v34  }
0x3d5: {  	s14 =	smul.f32 s7, s4;
	v5 =	vadd.f32 v58, v5;
	[tilespmem:s19+$0x12590] =	vst v2;
	v9 =	vadd.f32 v14, v9;
	(xrf2) =	vadd.scan.msk.f32 $0xffff, v12;
	v12 =	vld [tilespmem:$0x1FC20]  }
0x3d6: {  	s25 =	smul.f32 s29, s3;
	s18 =	ssub.f32 $1.500000000e+00, s18;
	v3 =	vld [tilespmem:$0x19620];
	[tilespmem:$0x1FBC0] =	vst v15;
	v15 =	vmul.f32 v25, v25;
	v56 =	vmul.f32 v30, v30;
	v62 =	vadd.f32 v25, v30  }
0x3d7: {  	s30 =	ssub.f32 $1.500000000e+00, s14;
	s14 =	smul.f32 s2, s16;
	v8 =	vmul.f32 v33, v33;
	v52 =	vld [tilespmem:$0x19620];
	v14 =	vmovc v39;
	v5 =	vadd.f32 v9, v5;
	v9 =	vmul.f32 v63, v7  }
0x3d8: {  	s11 =	smul.f32 s11, s18;
	v61 =	vld [tilespmem:$0x19660];
	[tilespmem:$0x1FC20] =	vst v14;
	v14 =	vadd.f32 v62, v38;
	v62 =	vadd.f32 v15, v56;
	v15 =	vmul.f32 v60, v7  }
0x3d9: {  	s31 =	smul.f32 s7, s30;
	s7 =	ssub.f32 $1.500000000e+00, s25;
	v6 =	vmul.f32 v34, v34;
	v57 =	vld [tilespmem:$0x19660];
	v55 =	vmul.f32 s6, v55  }
0x3da: {  	s18 =	smul.f32 s11, s23;
	v63 =	vadd.f32 v15, v45;
	v15 =	vadd.f32 v9, v45;
	v9 =	vld [tilespmem:$0x1FC00];
	v12 =	vmul.f32 s14, v12  }
0x3db: {  	s4 =	smul.f32 s29, s7;
	v58 =	vld [tilespmem:$0x19670]  }
0x3dc: {  	s7 =	smul.f32 s31, s8;
	v2 =	vld [tilespmem:$0x19620];
	v6 =	vadd.f32 v8, v6;
	v8 =	vmul.f32 v55, v52  }
0x3dd: {  	s21 =	smul.f32 s4, s22;
	v59 =	vld [tilespmem:$0x19660]  }
0x3de: {  	s2 =	smul.f32 s7, s31;
	s26 =	spop (v2sf);
	v60 =	vadd.f32 v62, v6;
	v8 =	vadd.f32 v8, v57;
	v57 =	vld [tilespmem:$0x1FBB0];
	v6 =	vmul.f32 v12, v7;
	v12, _, _ =	vpop (xrf2)  }
0x3df: {  	s7 =	smul.f32 s18, s11;
	s29 =	spop (v2sf);
	v56 =	vmul.f32 s20, v9;
	v9 =	vld [tilespmem:$0x1FC30];
	(v2sf) =	vpush v12, $0xF;
	v12 =	vmovc v17;
	v17 =	vmov v20  }
0x3e0: {  	s18 =	smul.f32 s21, s4;
	v20 =	vmovc v21;
	v21 =	vmovc v22;
	v22 =	vmov v23;
	v23 =	vmov v40;
	v40 =	vadd.f32 v6, v45;
	v6 =	vld [tilespmem:$0x1FAC0]  }
0x3e1: {  	s24 =	ssub.f32 $1.500000000e+00, s7;
	s7 =	smul.f32 $1.562500000e-02, s26;
	v39 =	vld [tilespmem:$0x19670];
	[tilespmem:s17+$0x12400] =	vst v63  }
0x3e2: {  	s9 =	sadd.s32 $0x4, s9;
	s28 =	ssub.f32 $1.500000000e+00, s18;
	s18 =	smul.f32 $1.562500000e-02, s29;
	(xrf2) =	vadd.scan.msk.f32 $0xffff, v14;
	v14 =	vld [tilespmem:$0x19670];
	v62 =	vmul.f32 v44, v11;
	[tilespmem:s17+$0x12480] =	vst v15  }
0x3e3: {  	p0 =	slt.u32 s9, $0x7C;
	s2 =	ssub.f32 $1.500000000e+00, s2;
	v0 =	vadd.f32 v1, v0;
	s30 =	smul.f32 s7, s7;
	v38 =	vld [tilespmem:$0x19630];
	[tilespmem:s19+$0x125A0] =	vst v8;
	v63 =	vmov v53  }
.Ltmp3:
0x3e4: {  	v3 =	vmul.f32 v46, v3;
	v7 =	vmov v48;
	v53 =	vadd.f32 v62, v61;
	v48 =	vld [tilespmem:$0x19630];
	[tilespmem:$0x1FC30] =	vst v63;
	(pc) =	sbr.rel @p0 .LBB2_5-.Ltmp3, $4  }
0x3e5: {  	s3 =	smul.f32 s2, s31;
	v45 =	vld [tilespmem:$0x19670];
	[tilespmem:s17+$0x12500] =	vst v40;
	v55 =	vmul.f32 s14, v9;
	v9 =	vsub.f32 v57, v51;
	v52 =	vmul.f32 s20, v6;
	v6 =	vmovc v54  }
0x3e6: {  	s31 =	ssub.f32 s18, s30;
	s18 =	smul.f32 s24, s11;
	(xrf2) =	vadd.scan.msk.f32 $0xffff, v0;
	v8 =	vmovc v36;
	v36 =	vmul.f32 s20, v41;
	v57 =	vld [tilespmem:$0x19610];
	[tilespmem:$0x1FC00] =	vst v6;
	v6 =	vadd.f32 v49, v58  }
0x3e7: {  	s16 =	smul.f32 s28, s4;
	[tilespmem:$0x1FBB0] =	vst v8;
	(xrf2) =	vadd.scan.msk.f32 $0xffff, v5;
	v51 =	vmul.f32 s14, v42;
	v46 =	vld [tilespmem:$0x19610];
	v40 =	vmul.f32 s6, v9  }
0x3e8: {  	s15 =	sadd.s32 $0x4, s15;
	s11 =	smul.f32 s3, s8;
	s2 =	sadd.f32 $9.999999740e-06, s31;
	v42, _, _ =	vpop (xrf2);
	v58 =	vld [tilespmem:$0x19610];
	v49 =	vmul.f32 v43, v2;
	v43 =	vadd.f32 v50, v14;
	v50 =	vadd.f32 v3, v16;
	[tilespmem:s10+$0x12430] =	vst v6  }
0x3e9: {  	_ = 	snop  }
0x3ea: {  	(xrf2) =	vadd.scan.msk.f32 $0xffff, v60;
	(v2sf) =	vpush v42, $0xF  }
0x3eb: {  	s5 =	sshrl.u32 s2, $0x1;
	s4 =	smul.f32 $5.000000000e-01, s2  }
0x3ec: {  	s5 =	ssub.s32 $0x5F3759DF, s5  }
0x3ed: {  	v0, _, _ =	vpop (xrf2);
	s6 =	smul.f32 s5, s4  }
0x3ee: {  	(v2sf) =	vpush v0, $0xF  }
0x3ef: {  	s6 =	smul.f32 s5, s6  }
0x3f0: {  	s8 =	smul.f32 s18, s23;
	v41, _, _ =	vpop (xrf2)  }
0x3f1: {  	s13 =	smul.f32 s16, s22;
	s6 =	ssub.f32 $1.500000000e+00, s6;
	(v2sf) =	vpush v41, $0xF  }
0x3f2: {  	s15 =	smul.f32 s11, s3;
	v42, _, _ =	vpop (xrf2)  }
0x3f3: {  	s5 =	smul.f32 s5, s6;
	(v2sf) =	vpush v42, $0xF  }
0x3f4: {  	s20 =	smul.f32 s8, s18;
	v44, _, _ =	vpop (xrf2)  }
0x3f5: {  	s9 =	spop (v2sf);
	s6 =	smul.f32 s5, s4;
	(v2sf) =	vpush v44, $0xF  }
0x3f6: {  	s11 =	smul.f32 $1.562500000e-02, s9  }
0x3f7: {  	s6 =	smul.f32 s6, s5  }
0x3f8: {  	s21 =	smul.f32 s11, s11  }
0x3f9: {  	s6 =	ssub.f32 $1.500000000e+00, s6;
	s24 =	spop (v2sf)  }
0x3fa: {  	s9 =	smul.f32 $1.562500000e-02, s24  }
0x3fb: {  	s5 =	smul.f32 s6, s5  }
0x3fc: {  	s28 =	smul.f32 s9, s9  }
0x3fd: {  	s25 =	spop (v2sf);
	s2 =	smul.f32 s5, s4  }
0x3fe: {  	s8 =	smul.f32 $1.562500000e-02, s25  }
0x3ff: {  	s15 =	ssub.f32 $1.500000000e+00, s15;
	s2 =	smul.f32 s2, s5  }
0x400: {  	s29 =	smul.f32 s8, s8;
	s26 =	spop (v2sf)  }
0x401: {  	s20 =	ssub.f32 $1.500000000e+00, s20;
	s6 =	smul.f32 $1.562500000e-02, s26  }
0x402: {  	s2 =	ssub.f32 $1.500000000e+00, s2;
	s30 =	spop (v2sf)  }
0x403: {  	v41 =	vmov s7;
	v42 =	vld [tilespmem:$0x19600];
	s4 =	smul.f32 $1.562500000e-02, s30;
	s21 =	ssub.f32 s6, s21  }
0x404: {  	v54 =	vsub.f32 v20, v41;
	s6 =	smul.f32 s2, s5;
	s24 =	spop (v2sf)  }
0x405: {  	v44 =	vld [tilespmem:$0x19640];
	s7 =	smul.f32 $1.562500000e-02, s24;
	s5 =	ssub.f32 s4, s28  }
0x406: {  	s3 =	smul.f32 s15, s3;
	s31 =	sadd.f32 $9.999999740e-06, s21;
	v0 =	vmul.f32 s6, v54  }
0x407: {  	v1 =	vld [tilespmem:$0x19650];
	s21 =	smul.f32 s13, s16;
	s25 =	ssub.f32 s7, s29  }
0x408: {  	v3 =	vld [tilespmem:$0x19650];
	s28 =	sadd.f32 $9.999999740e-06, s5;
	s5 =	smul.f32 s20, s18;
	s24 =	sshrl.u32 s31, $0x1;
	v0 =	vmul.f32 v0, v42  }
0x409: {  	v2 =	vld [tilespmem:$0x19650];
	s13 =	smul.f32 $5.000000000e-01, s31;
	s22 =	ssub.s32 $0x5F3759DF, s24  }
0x40a: {  	v6 =	vmul.f32 v47, v57;
	s23 =	sadd.f32 $9.999999740e-06, s25;
	s2 =	smul.f32 $5.000000000e-01, s28;
	v0 =	vadd.f32 v0, v44  }
0x40b: {  	v11 =	vmul.f32 v55, v46;
	s29 =	sshrl.u32 s28, $0x1;
	s26 =	smul.f32 s22, s13  }
0x40c: {  	v9 =	vmul.f32 v56, v58;
	v1 =	vadd.f32 v6, v1;
	s18 =	ssub.s32 $0x5F3759DF, s29;
	s15 =	smul.f32 $5.000000000e-01, s23;
	[tilespmem:s12+$0x12580] =	vst v0  }
0x40d: {  	v57 =	vadd.f32 v11, v3;
	s30 =	sshrl.u32 s23, $0x1;
	s31 =	smul.f32 s18, s2;
	v0 =	vld [tilespmem:$0x19610]  }
0x40e: {  	v2 =	vadd.f32 v9, v2;
	[tilespmem:s17+$0x12410] =	vst v1;
	v5 =	vsub.f32 v12, v41;
	s20 =	ssub.s32 $0x5F3759DF, s30;
	s7 =	smul.f32 s22, s26  }
0x40f: {  	[tilespmem:s17+$0x12510] =	vst v57;
	s21 =	ssub.f32 $1.500000000e+00, s21;
	s4 =	smul.f32 s20, s15;
	v8 =	vld [tilespmem:$0x19650]  }
0x410: {  	[tilespmem:s17+$0x12490] =	vst v2;
	v2 =	vld [tilespmem:$0x19620];
	v5 =	vmul.f32 s6, v5;
	s23 =	smul.f32 s18, s31  }
0x411: {  	[tilespmem:s0+$0x12420] =	vst v53;
	v60 =	vmul.f32 s3, v19;
	v19 =	vld [tilespmem:$0x19660];
	s25 =	ssub.f32 $1.500000000e+00, s7;
	s7 =	smul.f32 s21, s16  }
0x412: {  	[tilespmem:s0+$0x124A0] =	vst v50;
	v20 =	vld [tilespmem:$0x19630];
	s24 =	smul.f32 s20, s4;
	s23 =	ssub.f32 $1.500000000e+00, s23;
	v0 =	vmul.f32 v5, v0  }
0x413: {  	v12 =	vld [tilespmem:$0x19630];
	s25 =	smul.f32 s22, s25  }
0x414: {  	v1 =	vld [tilespmem:$0x19620];
	s26 =	ssub.f32 $1.500000000e+00, s24;
	s16 =	smul.f32 s18, s23;
	v0 =	vadd.f32 v0, v8  }
0x415: {  	v15 =	vld [tilespmem:$0x19660];
	s29 =	smul.f32 s25, s13  }
0x416: {  	v61 =	vadd.f32 v49, v59;
	s28 =	smul.f32 s20, s26;
	v8 =	vld [tilespmem:$0x19660];
	[tilespmem:s12+$0x12590] =	vst v0  }
0x417: {  	v62 =	vmul.f32 s5, v17;
	s30 =	smul.f32 s16, s2;
	v14 =	vld [tilespmem:$0x1FC20]  }
0x418: {  	v5 =	vmul.f32 v60, v7;
	s20 =	smul.f32 s29, s25;
	v0 =	vld [tilespmem:$0x19620];
	[tilespmem:s0+$0x12520] =	vst v61  }
0x419: {  	v46 =	vmul.f32 v62, v7;
	s22 =	smul.f32 s30, s16;
	v49 =	vld [tilespmem:$0x1FBC0]  }
0x41a: {  	v5 =	vadd.f32 v5, v32;
	s31 =	smul.f32 s28, s15;
	v58 =	vld [tilespmem:$0x19620]  }
0x41b: {  	v6 =	vadd.f32 v46, v32;
	v63 =	vld [tilespmem:$0x19660];
	s22 =	ssub.f32 $1.500000000e+00, s22  }
0x41c: {  	s20 =	ssub.f32 $1.500000000e+00, s20;
	s23 =	smul.f32 s31, s28;
	[tilespmem:s19+$0x12400] =	vst v5;
	v5 =	vld [tilespmem:$0x19670];
	v16 =	vmul.f32 s7, v14  }
0x41d: {  	[tilespmem:s19+$0x12480] =	vst v6;
	s16 =	smul.f32 s22, s16;
	v53 =	vld [tilespmem:$0x19610]  }
0x41e: {  	s20 =	smul.f32 s20, s25;
	v54 =	vld [tilespmem:$0x19610];
	v50 =	vsub.f32 v49, v41;
	v47 =	vmul.f32 v16, v7  }
0x41f: {  	v56 =	vld [tilespmem:$0x19650];
	s2 =	smul.f32 s16, s2  }
0x420: {  	s4 =	ssub.f32 $1.500000000e+00, s23;
	s13 =	smul.f32 s20, s13;
	v14 =	vld [tilespmem:$0x19630];
	v16 =	vmul.f32 s6, v50;
	v9 =	vadd.f32 v47, v32  }
0x421: {  	s2 =	smul.f32 s2, s16;
	v7 =	vld [tilespmem:$0x19670]  }
0x422: {  	s18 =	smul.f32 s4, s28;
	v3 =	vmul.f32 v16, v58;
	v58 =	vld [tilespmem:$0x19650];
	[tilespmem:s19+$0x12500] =	vst v9  }
0x423: {  	s13 =	smul.f32 s13, s20;
	s2 =	ssub.f32 $1.500000000e+00, s2;
	v55 =	vld [tilespmem:$0x19610]  }
0x424: {  	s15 =	smul.f32 s18, s15;
	v32 =	vmov s9;
	v6 =	vld [tilespmem:$0x1FBD0];
	v3 =	vadd.f32 v3, v63  }
0x425: {  	v2 =	vmul.f32 v37, v2;
	v50 =	vsub.f32 v31, v32;
	s25 =	smul.f32 s2, s16;
	v59 =	vld [tilespmem:$0x1FC00]  }
0x426: {  	v1 =	vmul.f32 v52, v1;
	s23 =	smul.f32 s15, s18;
	v61 =	vld [tilespmem:$0x19650];
	[tilespmem:s12+$0x125A0] =	vst v3  }
0x427: {  	v2 =	vadd.f32 v2, v8;
	s22 =	ssub.f32 $1.500000000e+00, s13;
	v8 =	vmul.f32 s25, v50;
	v3 =	vld [tilespmem:$0x1FC30]  }
0x428: {  	v1 =	vadd.f32 v1, v15;
	v17 =	vmov s11;
	s13 =	ssub.f32 $1.500000000e+00, s23;
	v16 =	vmov s8;
	v47 =	vld [tilespmem:$0x19630]  }
0x429: {  	v63 =	vsub.f32 v29, v17;
	v8 =	vmul.f32 v8, v42;
	v29 =	vld [tilespmem:$0x19670];
	[tilespmem:s17+$0x12420] =	vst v2;
	v57 =	vmul.f32 s3, v6  }
0x42a: {  	v52 =	vsub.f32 v34, v16;
	s26 =	smul.f32 s13, s18;
	[tilespmem:s17+$0x124A0] =	vst v1;
	v1 =	vld [tilespmem:$0x19630]  }
0x42b: {  	v31 =	vld [tilespmem:$0x19630];
	v8 =	vadd.f32 v8, v44;
	v60 =	vmul.f32 s5, v59;
	v62 =	vmul.f32 v57, v53  }
0x42c: {  	s24 =	smul.f32 s22, s20;
	v11 =	vmul.f32 s26, v52;
	v52 =	vld [tilespmem:$0x19670]  }
0x42d: {  	v6 =	vld [tilespmem:$0x19670];
	[tilespmem:s12+$0x12480] =	vst v8;
	v9 =	vmul.f32 v60, v54;
	v3 =	vmul.f32 s7, v3;
	v46 =	vadd.f32 v62, v56  }
0x42e: {  	v11 =	vmul.f32 v11, v42;
	v53 =	vmul.f32 s24, v63;
	v63 =	vld [tilespmem:$0x19650]  }
0x42f: {  	v9 =	vadd.f32 v9, v58;
	v58 =	vld [tilespmem:$0x19610];
	v37 =	vmul.f32 v3, v55;
	[tilespmem:s19+$0x12410] =	vst v46  }
0x430: {  	v56 =	vadd.f32 v11, v44;
	v3 =	vmul.f32 v53, v42;
	v54 =	vld [tilespmem:$0x19620]  }
0x431: {  	[tilespmem:s19+$0x12490] =	vst v9;
	v2 =	vadd.f32 v37, v61;
	v55 =	vld [tilespmem:$0x19660]  }
0x432: {  	[tilespmem:s12+$0x12500] =	vst v56;
	v3 =	vadd.f32 v3, v44;
	v37 =	vld [tilespmem:$0x19660]  }
0x433: {  	v60 =	vld [tilespmem:$0x19610];
	[tilespmem:s19+$0x12510] =	vst v2  }
0x434: {  	v50 =	vld [tilespmem:$0x19650];
	[tilespmem:s12+$0x12400] =	vst v3  }
0x435: {  	v0 =	vmul.f32 v51, v0;
	v28 =	vsub.f32 v28, v32;
	v61 =	vld [tilespmem:$0x1FBE0]  }
0x436: {  	v57 =	vld [tilespmem:$0x19610]  }
0x437: {  	v0 =	vadd.f32 v0, v19;
	v49 =	vmul.f32 s25, v28;
	v59 =	vsub.f32 v24, v17;
	v2 =	vld [tilespmem:$0x19620]  }
0x438: {  	v62 =	vld [tilespmem:$0x19650]  }
0x439: {  	v33 =	vsub.f32 v33, v16;
	v8 =	vmul.f32 s24, v59;
	v3 =	vld [tilespmem:$0x19670];
	[tilespmem:s17+$0x12520] =	vst v0;
	v0 =	vmul.f32 v49, v58  }
0x43a: {  	v15 =	vld [tilespmem:$0x19620];
	v44 =	vmul.f32 s3, v61  }
0x43b: {  	v33 =	vmul.f32 s26, v33;
	v42 =	vld [tilespmem:$0x19660];
	v0 =	vadd.f32 v0, v63;
	v8 =	vmul.f32 v8, v57  }
0x43c: {  	v51 =	vld [tilespmem:$0x19630];
	v9 =	vmul.f32 v44, v54  }
0x43d: {  	v19 =	vld [tilespmem:$0x19670];
	v24 =	vmul.f32 v33, v60;
	[tilespmem:s12+$0x12490] =	vst v0;
	v8 =	vadd.f32 v8, v62  }
0x43e: {  	v53 =	vmul.f32 v40, v48;
	[tilespmem:s10+$0x124B0] =	vst v43;
	v58 =	vld [tilespmem:$0x19620];
	v9 =	vadd.f32 v9, v55  }
0x43f: {  	v26 =	vmul.f32 s5, v26;
	v62 =	vld [tilespmem:$0x19660];
	[tilespmem:s12+$0x12410] =	vst v8;
	v55 =	vadd.f32 v24, v50  }
0x440: {  	v56 =	vmul.f32 s7, v27;
	v57 =	vld [tilespmem:$0x19620];
	[tilespmem:s19+$0x12420] =	vst v9;
	v9 =	vadd.f32 v53, v45  }
0x441: {  	v18 =	vsub.f32 v18, v32;
	v2 =	vmul.f32 v26, v2;
	v60 =	vld [tilespmem:$0x19660];
	[tilespmem:s12+$0x12510] =	vst v55  }
0x442: {  	v15 =	vmul.f32 v56, v15;
	v54 =	vld [tilespmem:$0x19630];
	[tilespmem:s19+$0x125B0] =	vst v9  }
0x443: {  	v23 =	vmul.f32 v23, v38;
	v18 =	vmul.f32 s25, v18;
	v2 =	vadd.f32 v2, v37;
	v63 =	vld [tilespmem:$0x1FBB0]  }
0x444: {  	v20 =	vmul.f32 v22, v20;
	v13 =	vsub.f32 v13, v17;
	v15 =	vadd.f32 v15, v42;
	v59 =	vld [tilespmem:$0x19620]  }
0x445: {  	v23 =	vadd.f32 v23, v39;
	v12 =	vmul.f32 v21, v12;
	v8 =	vmul.f32 v18, v58;
	v27 =	vld [tilespmem:$0x19660];
	[tilespmem:s19+$0x124A0] =	vst v2  }
0x446: {  	v13 =	vmul.f32 s24, v13;
	v7 =	vadd.f32 v20, v7;
	v61 =	vsub.f32 v30, v16;
	v38 =	vld [tilespmem:$0x19670];
	[tilespmem:s19+$0x12520] =	vst v15  }
0x447: {  	v5 =	vadd.f32 v12, v5;
	v8 =	vadd.f32 v8, v62;
	[tilespmem:s10+$0x12530] =	vst v23;
	v28 =	vld [tilespmem:$0x19630]  }
0x448: {  	v9 =	vmul.f32 s26, v61;
	v0 =	vmul.f32 v13, v57;
	v37 =	vld [tilespmem:$0x1FBA0];
	[tilespmem:s0+$0x12430] =	vst v7;
	v21 =	vsub.f32 v63, v41  }
0x449: {  	v34 =	vld [tilespmem:$0x19630];
	[tilespmem:s0+$0x124B0] =	vst v5  }
0x44a: {  	v40 =	vld [tilespmem:$0x1FD00];
	[tilespmem:s12+$0x124A0] =	vst v8;
	v9 =	vmul.f32 v9, v59;
	v0 =	vadd.f32 v0, v60;
	v30 =	vmul.f32 s6, v21  }
0x44b: {  	v48 =	vld [tilespmem:$0x19630]  }
0x44c: {  	v57 =	vld [tilespmem:$0x19670];
	v2 =	vadd.f32 v9, v27;
	[tilespmem:s12+$0x12420] =	vst v0;
	v13 =	vmul.f32 v30, v47  }
0x44d: {  	v10 =	vsub.f32 v10, v32;
	v46 =	vld [tilespmem:$0x1FBF0]  }
0x44e: {  	v1 =	vmul.f32 v35, v1;
	v18 =	vmul.f32 s14, v37;
	v45 =	vld [tilespmem:$0x19630];
	[tilespmem:s12+$0x12520] =	vst v2;
	v43 =	vadd.f32 v13, v29  }
0x44f: {  	v14 =	vmul.f32 v40, v14;
	v49 =	vld [tilespmem:$0x1FC10]  }
0x450: {  	v10 =	vmul.f32 s25, v10;
	v1 =	vadd.f32 v1, v52;
	v50 =	vmul.f32 v18, v51;
	v51 =	vld [tilespmem:$0x19630];
	[tilespmem:s12+$0x125B0] =	vst v43  }
0x451: {  	v42 =	vsub.f32 v25, v16;
	v6 =	vadd.f32 v14, v6;
	v47 =	vmul.f32 v36, v31;
	v52 =	vld [tilespmem:$0x1FC40]  }
0x452: {  	v4 =	vsub.f32 v4, v17;
	v60 =	vld [tilespmem:$0x19670];
	v13 =	vmul.f32 s3, v46  }
0x453: {  	v39 =	vld [tilespmem:$0x19670];
	v0 =	vmul.f32 s26, v42;
	v2 =	vmul.f32 v10, v48;
	v3 =	vadd.f32 v47, v3;
	[tilespmem:s0+$0x12530] =	vst v6  }
0x454: {  	v55 =	vadd.f32 v50, v19;
	v16 =	vmul.f32 s5, v49;
	v53 =	vmul.f32 v13, v54;
	v54 =	vld [tilespmem:$0x19670];
	[tilespmem:s17+$0x12430] =	vst v1  }
0x455: {  	v4 =	vmul.f32 s24, v4;
	v41 =	vld [tilespmem:$0x19670];
	v2 =	vadd.f32 v2, v57;
	v0 =	vmul.f32 v0, v51;
	[tilespmem:s17+$0x124B0] =	vst v3  }
0x456: {  	[tilespmem:s17+$0x12530] =	vst v55;
	v56 =	vmul.f32 v16, v28;
	v58 =	vadd.f32 v53, v38;
	v18 =	vmul.f32 s7, v52  }
0x457: {  	v4 =	vmul.f32 v4, v45;
	[tilespmem:s12+$0x124B0] =	vst v2;
	v0 =	vadd.f32 v0, v60  }
0x458: {  	v61 =	vadd.f32 v56, v39;
	[tilespmem:s19+$0x12430] =	vst v58;
	v59 =	vmul.f32 v18, v34  }
0x459: {  	[tilespmem:s12+$0x12530] =	vst v0;
	v63 =	vadd.f32 v4, v54  }
0x45a: {  	[tilespmem:s19+$0x124B0] =	vst v61;
	v62 =	vadd.f32 v59, v41  }
.Ltmp4:
0x45b: {  	[tilespmem:s12+$0x12430] =	vst v63;
	(pc) =	sbr.rel @p1 .LBB2_8-.Ltmp4, $4  }
0x45c: {  	[tilespmem:s19+$0x12530] =	vst v62  }
0x45d: {  	s28 =	sshll.u32 s1, $0x4;
	s29 =	rddreg [dreg:$0x7]  }
0x45e: {  	s30 =	simm.s32 $0x0;
	s31 =	simm.s32 $0x12400;
	s0 =	sadd.s32 s29, s28  }
0x45f: {  	[hbm4b:s0+s30] =	stream.linear.scatter [tilespmem:s31], [sflag:$0x4], $0x4000, $0x38;
	[tilespmem:$0x19680] =	vst v63  }
0x460: {  	s0 =	rddreg [dreg:$0x17]  }
0x461: {  	s1 =	rddreg [dreg:$0x6]  }
0x462: {  	s30 =	rddreg [dreg:$0x15]  }
0x463: {  	s8 =	rddreg [dreg:$0x14]  }
0x464: {  	s6 =	rddreg [dreg:$0x13]  }
0x465: {  	s2 =	simm.s32 $0x80;
	s3 =	simm.s32 $0xA400;
	s5 =	rddreg [dreg:$0x12]  }
.Ltmp5:
0x466: {  	s11 =	rddreg [dreg:$0x11];
	s0 =	sshrl.u32 s0, $0x2;
	(pc) =	sbr.rel .LBB2_2-.Ltmp5, $4  }
0x467: {  	s31 =	rddreg [dreg:$0x10];
	s8 =	sadd.s32 $0x4000, s8;
	s0 =	sadd.s32 $0x180, s0  }
0x468: {  	[tilespmem:s3], [sflag:$0x2] =	stream.indirect.gather [hbm4b:s1+s2], $0x80, s0, s2, $0xb8;
	[tilespmem:$0x19680] =	vst v63  }
0x469: {  	s6 =	sadd.s32 $0x100, s6;
	s5 =	sadd.s32 $0x4000, s5;
	s0 =	sadd.s32 $0x100, s31  }
0x46a: {  	s11 =	sadd.s32 $0x4000, s11;
	s1 =	sadd.s32 $0x1, s30;
	[dreg:$0x10] =	wrdreg s0  }
.LBB2_9:
0x46b: {  	_ =	sfence.sel $0x180000  }
0x46c: {  	[bflag:$0x0] =	sbarrier.arrive $0xFFFF  }
0x46d: {  	_ =	strace $0x9000004A  }
0x46e: {  	s0 =	stileid.u32;
	[bflag:$0x2] =	sbarrier.arrive $0xFFFF  }
0x46f: {  	p0 =	sne.s32 s0, $0x0;
	s0 =	rddreg [dreg:$0x4]  }
0x470: {  	s0 =	sadd.s32 @!p0 $0x100000, s0  }
0x471: {  	[sflag:s0] =	ssyncadd.tile.s32 @!p0 $0x1;
	_ =	shalt  }
.Lfunc_end2:
_tile_overlayer_lowered:
.L_overlay_start_2:
0x472: {  	(tag) =	ssettag $0x2  }
0x473: {  	s0 =	rddreg [dreg:$0x0];
	s2 =	stileid.u32  }
0x474: {  	s1 =	rddreg [dreg:$0x1];
	p0 =	sne.s32 s2, $0x0  }
0x475: {  	s3 =	rddreg [dreg:$0x2];
	[bflag:$0x3] =	sbarrier.arrive $0xFFFF;
	s2 =	simm.s32 @!p0 $0x1C05  }
0x476: {  	[timem:s3], [sflag:s2] =	dma.local @!p0 [hbm:s0], s1  }
0x477: {  	s0 =	simm.s32 @!p0 $0x5  }
0x478: {  	_ =	swait.ge @!p0 [sflag:s0], s1  }
0x479: {  	s1 =	ssub.s32 @!p0 $0x0, s1;
	[sflag:s0] =	ssyncset.done @!p0 $0x0  }
0x47a: {  	[sflag:s0] =	ssyncadd.s32 @!p0 s1  }
0x47b: {  	[bflag:$0x3] =	sbarrier.arrive $0xFFFF  }
0x47c: {  	_ =	shalt  }

</sc_bundles>
